<compile_context>
chip_gen: v7x
topology: tpu7x:2x2x1
jax: 0.10.2.dev20260603
libtpu: 0.0.44.dev20260713+nightly
codegen_flags: <defaults>
</compile_context>

<pallas_src>
import functools

import jax
import jax.numpy as jnp
from jax import lax
from jax.experimental import pallas as pl
from jax.experimental.pallas import tpu as pltpu
from jax.experimental.pallas import tpu_sc as plsc

J = 50
NI = 16384
K = 32
CB = 512
NBLK = NI // CB
NTILES = J * NBLK
NC, NS = 2, 16
NW = NC * NS
TPW = NTILES // NW
NBUF = 2


def _emb_kernel(xt_hbm, table_hbm, out5_hbm, idx_all, rows_v, tout_v,
                gsem0, gsem1, wsem0, wsem1):
    wid = lax.axis_index("s") * NC + lax.axis_index("c")
    t0 = wid * TPW
    gsems = (gsem0, gsem1)
    wsems = (wsem0, wsem1)
    pltpu.sync_copy(xt_hbm.at[pl.ds(wid * (TPW * CB), TPW * CB)], idx_all)
    lane = lax.iota(jnp.int32, 16)
    vrow = ((lane >> 3) << 5) + (lane & 7)
    zvec = lane & 0
    for b in range(NBUF):
        pltpu.async_copy(
            table_hbm.at[idx_all.at[pl.ds(b * CB, CB)]], rows_v.at[b], gsems[b]
        )

    @pl.loop(0, TPW, step=NBUF)
    def _body(g):
        for b in range(NBUF):
            n = g + b
            t = t0 + n
            j = t // NBLK
            c = t - j * NBLK
            pltpu.make_async_copy(
                table_hbm.at[idx_all.at[pl.ds(n * CB, CB)]], rows_v.at[b],
                gsems[b],
            ).wait()

            @pl.when(g > 0)
            def _():
                for r in range(4):
                    pltpu.make_async_copy(
                        tout_v.at[b, pl.ds(r * 32, 32), pl.ds(0, 128)],
                        out5_hbm.at[0, r, 0], wsems[b],
                    ).wait()

            for q in range(CB // 128):
                rq_lo = vrow + 8 * q
                rq_hi = rq_lo + 64

                @pl.loop(0, 128, unroll=8, init_carry=zvec)
                def _tr(t, tv):
                    i = q * 128 + t
                    lo = rows_v[b, i, pl.ds(0, 16)]
                    hi = rows_v[b, i, pl.ds(16, 16)]
                    plsc.store_scatter(tout_v.at[b], [rq_lo, tv], lo)
                    plsc.store_scatter(tout_v.at[b], [rq_hi, tv], hi)
                    return tv + 1

            for r in range(4):
                pltpu.async_copy(
                    tout_v.at[b, pl.ds(r * 32, 32), pl.ds(0, 128)],
                    out5_hbm.at[j, r, c], wsems[b],
                )

            @pl.when(n + NBUF < TPW)
            def _():
                pltpu.async_copy(
                    table_hbm.at[idx_all.at[pl.ds((n + NBUF) * CB, CB)]],
                    rows_v.at[b], gsems[b],
                )

    for b in range(NBUF):
        for r in range(4):
            pltpu.make_async_copy(
                tout_v.at[b, pl.ds(r * 32, 32), pl.ds(0, 128)],
                out5_hbm.at[0, r, 0], wsems[b],
            ).wait()


@jax.jit
def _lookup(xt, weight):
    mesh = plsc.VectorSubcoreMesh(core_axis_name="c", subcore_axis_name="s")
    run = functools.partial(
        pl.kernel,
        mesh=mesh,
        out_type=jax.ShapeDtypeStruct((J, 4, NBLK, 32, 128), jnp.float32),
        scratch_types=[
            pltpu.VMEM((TPW * CB,), jnp.int32),
            pltpu.VMEM((NBUF, CB, K), jnp.float32),
            pltpu.VMEM((NBUF, 128, 129), jnp.float32),
            pltpu.SemaphoreType.DMA,
            pltpu.SemaphoreType.DMA,
            pltpu.SemaphoreType.DMA,
            pltpu.SemaphoreType.DMA,
        ],
        compiler_params=pltpu.CompilerParams(
            use_tc_tiling_on_sc=False, needs_layout_passes=False
        ),
    )(_emb_kernel)
    return run(xt, weight)


def kernel(x, weight):
    xt = jnp.transpose(x).reshape(-1).astype(jnp.int32)
    out5 = _lookup(xt, weight)
    return (out5.reshape(J, 4, NBLK, 4, 8, 128)
                .transpose(2, 3, 5, 0, 1, 4)
                .reshape(NI, J, K))

# --- scband reference (transcript-rebuilt; emitter-appended) ---
"""Pipeline reference for scband-embedding-18700287607509 (READ-ONLY COPY).

The authoritative reference and input builder live on the scoring server;
editing this copy changes nothing except your own understanding.
"""

import jax, jax.numpy as jnp
import numpy as np

NUM_EMBEDDINGS = 1000000
EMBEDDING_DIM = 32

def setup_inputs(seed: int = 0) -> dict:
    key = jax.random.key(seed)
    k1, k2 = jax.random.split(key)
    x = jax.random.randint(k1, (16384, 50), 0, NUM_EMBEDDINGS, dtype=jnp.int64 if jax.config.jax_enable_x64 else jnp.int32)
    weight = jax.random.normal(k2, (NUM_EMBEDDINGS, EMBEDDING_DIM), dtype=jnp.float32)
    return {"x": x, "weight": weight}

def reference(x, weight):
    # nn.Embedding forward: simple row gather from the embedding table
    return jnp.take(weight, x, axis=0)

if __name__ == "__main__":
    import jax
    _d = setup_inputs()
    print(jax.jit(kernel)(*tuple(_d.values())))

</pallas_src>

<mosaic_0001>
#map = affine_map<(d0, d1) -> (0)>
#map1 = affine_map<(d0, d1) -> (0, 0)>
#map2 = affine_map<(d0, d1) -> (0, 0, 0, 0, 0)>
module attributes {stable_mosaic.version = 14 : i64} {
  func.func @_emb_kernel(%arg0: i32, %arg1: i32, %arg2: memref<819200xi32, #tpu.memory_space<hbm>>, %arg3: memref<1000000x32xf32, #tpu.memory_space<hbm>>, %arg4: memref<50x4x32x32x128xf32, #tpu.memory_space<hbm>>, %arg5: memref<25600xi32, #tpu.memory_space<vmem>>, %arg6: memref<2x512x32xf32, #tpu.memory_space<vmem>>, %arg7: memref<2x128x129xf32, #tpu.memory_space<vmem>>, %arg8: memref<!tpu.dma_semaphore, #tpu.memory_space<semaphore_mem>>, %arg9: memref<!tpu.dma_semaphore, #tpu.memory_space<semaphore_mem>>, %arg10: memref<!tpu.dma_semaphore, #tpu.memory_space<semaphore_mem>>, %arg11: memref<!tpu.dma_semaphore, #tpu.memory_space<semaphore_mem>>) attributes {dimension_semantics = [#tpu.dimension_semantics<core_parallel>, #tpu.dimension_semantics<subcore_parallel>], iteration_bounds = array<i64: 2, 16>, scalar_prefetch = 0 : i64, scratch_operands = 7 : i64, tpu.core_type = #tpu.core_type<sc_vector_subcore>, window_params = [{transform_indices = #map}, {transform_indices = #map1}, {transform_indices = #map2}]} {
    %mul3A = arith.constant 2 : i32
    %mul3A_0 = arith.muli %arg1, %mul3A : i32
    %add3A = arith.addi %mul3A_0, %arg0 : i32
    %mul3A_1 = arith.constant 50 : i32
    %mul3A_2 = arith.muli %add3A, %mul3A_1 : i32
    %mul3A_3 = arith.constant 25600 : i32
    %mul3A_4 = arith.muli %add3A, %mul3A_3 : i32
    "tpu.region"() ({
      %run_scoped3A = tpu.sem_alloc : memref<!tpu.dma_semaphore, #tpu.memory_space<semaphore_mem>>
      %dma_start3A_197 = tpu.memref_slice %arg2[%mul3A_4] : memref<819200xi32, #tpu.memory_space<hbm>> -> memref<25600xi32, #tpu.memory_space<hbm>>
      %dma_start3A_198 = tpu.memref_slice %arg2[%mul3A_4] : memref<819200xi32, #tpu.memory_space<hbm>> -> memref<25600xi32, #tpu.memory_space<hbm>>
      tpu.enqueue_dma source(%dma_start3A_198 : memref<25600xi32, #tpu.memory_space<hbm>>) target(%arg5 : memref<25600xi32, #tpu.memory_space<vmem>>) target_semaphore(%run_scoped3A : memref<!tpu.dma_semaphore, #tpu.memory_space<semaphore_mem>>)
      %dma_wait3A_199 = tpu.memref_slice %arg2[%mul3A_4] : memref<819200xi32, #tpu.memory_space<hbm>> -> memref<25600xi32, #tpu.memory_space<hbm>>
      %dma_wait3A_200 = tpu.memref_slice %arg2[%mul3A_4] : memref<819200xi32, #tpu.memory_space<hbm>> -> memref<25600xi32, #tpu.memory_space<hbm>>
      tpu.wait_dma2 semaphore(%run_scoped3A : memref<!tpu.dma_semaphore, #tpu.memory_space<semaphore_mem>>) src(%dma_wait3A_200 : memref<25600xi32, #tpu.memory_space<hbm>>) dst(%arg5 : memref<25600xi32, #tpu.memory_space<vmem>>)
      tpu.yield
    }) : () -> ()
    %iota3A = tpu.iota {dimensions = array<i32: 0>} : vector<16xi32>
    %shift_right_arithmetic3A = arith.constant 3 : i32
    %shift_right_arithmetic3A_5 = vector.broadcast %shift_right_arithmetic3A : i32 to vector<16xi32>
    %shift_right_arithmetic3A_6 = arith.shrsi %iota3A, %shift_right_arithmetic3A_5 : vector<16xi32>
    %shift_left3A = arith.constant 5 : i32
    %shift_left3A_7 = vector.broadcast %shift_left3A : i32 to vector<16xi32>
    %shift_left3A_8 = arith.shli %shift_right_arithmetic3A_6, %shift_left3A_7 : vector<16xi32>
    %and3A = arith.constant 7 : i32
    %and3A_9 = vector.broadcast %and3A : i32 to vector<16xi32>
    %and3A_10 = arith.andi %iota3A, %and3A_9 : vector<16xi32>
    %add3A_11 = arith.addi %shift_left3A_8, %and3A_10 : vector<16xi32>
    %and3A_12 = arith.constant 0 : i32
    %and3A_13 = vector.broadcast %and3A_12 : i32 to vector<16xi32>
    %and3A_14 = arith.andi %iota3A, %and3A_13 : vector<16xi32>
    %dma_start3A = arith.constant 0 : i32
    %dma_start3A_15 = arith.constant 0 : i32
    %dma_start3A_16 = arith.constant 0 : i32
    %dma_start3A_17 = tpu.memref_slice %arg6[%dma_start3A, %dma_start3A_15, %dma_start3A_16] : memref<2x512x32xf32, #tpu.memory_space<vmem>> -> memref<1x512x32xf32, #tpu.memory_space<vmem>>
    %dma_start3A_18 = tpu.memref_squeeze %dma_start3A_17 : memref<1x512x32xf32, #tpu.memory_space<vmem>> -> memref<512x32xf32, #tpu.memory_space<vmem>>
    %dma_start3A_19 = arith.constant 0 : i32
    %dma_start3A_20 = tpu.memref_slice %arg5[%dma_start3A_19] : memref<25600xi32, #tpu.memory_space<vmem>> -> memref<512xi32, #tpu.memory_space<vmem>>
    %dma_start3A_21 = arith.constant 0 : i32
    %dma_start3A_22 = arith.constant 0 : i32
    %dma_start3A_23 = tpu.memref_slice %arg3[%dma_start3A_21, %dma_start3A_22] : memref<1000000x32xf32, #tpu.memory_space<hbm>> -> memref<1000000x32xf32, #tpu.memory_space<hbm>>
    tpu.enqueue_indirect_dma source(%dma_start3A_23 : memref<1000000x32xf32, #tpu.memory_space<hbm>>) target(%dma_start3A_18 : memref<512x32xf32, #tpu.memory_space<vmem>>) offsets(%dma_start3A_20 : memref<512xi32, #tpu.memory_space<vmem>>) semaphore(%arg8 : memref<!tpu.dma_semaphore, #tpu.memory_space<semaphore_mem>>)
    %dma_start3A_24 = arith.constant 1 : i32
    %dma_start3A_25 = arith.constant 0 : i32
    %dma_start3A_26 = arith.constant 0 : i32
    %dma_start3A_27 = tpu.memref_slice %arg6[%dma_start3A_24, %dma_start3A_25, %dma_start3A_26] : memref<2x512x32xf32, #tpu.memory_space<vmem>> -> memref<1x512x32xf32, #tpu.memory_space<vmem>>
    %dma_start3A_28 = tpu.memref_squeeze %dma_start3A_27 : memref<1x512x32xf32, #tpu.memory_space<vmem>> -> memref<512x32xf32, #tpu.memory_space<vmem>>
    %dma_start3A_29 = arith.constant 512 : i32
    %dma_start3A_30 = tpu.memref_slice %arg5[%dma_start3A_29] : memref<25600xi32, #tpu.memory_space<vmem>> -> memref<512xi32, #tpu.memory_space<vmem>>
    %dma_start3A_31 = arith.constant 0 : i32
    %dma_start3A_32 = arith.constant 0 : i32
    %dma_start3A_33 = tpu.memref_slice %arg3[%dma_start3A_31, %dma_start3A_32] : memref<1000000x32xf32, #tpu.memory_space<hbm>> -> memref<1000000x32xf32, #tpu.memory_space<hbm>>
    tpu.enqueue_indirect_dma source(%dma_start3A_33 : memref<1000000x32xf32, #tpu.memory_space<hbm>>) target(%dma_start3A_28 : memref<512x32xf32, #tpu.memory_space<vmem>>) offsets(%dma_start3A_30 : memref<512xi32, #tpu.memory_space<vmem>>) semaphore(%arg9 : memref<!tpu.dma_semaphore, #tpu.memory_space<semaphore_mem>>)
    %scan3A = arith.constant 0 : i32
    %scan3A_34 = arith.constant 25 : i32
    %scan3A_35 = arith.addi %scan3A, %scan3A_34 : i32
    %scan3A_36 = arith.constant 1 : i32
    scf.for %scan3A_197 = %scan3A to %scan3A_35 step %scan3A_36  : i32 {
      %mul3A_198 = arith.constant 2 : i32
      %mul3A_199 = arith.muli %scan3A_197, %mul3A_198 : i32
      %add3A_200 = arith.constant 0 : i32
      %add3A_201 = arith.addi %add3A_200, %mul3A_199 : i32
      %add3A_202 = arith.constant 0 : i32
      %add3A_203 = arith.addi %add3A_201, %add3A_202 : i32
      %add3A_204 = arith.addi %mul3A_2, %add3A_203 : i32
      %jit3A = arith.constant 32 : i32
      %div3A = arith.divsi %add3A_204, %jit3A : i32
      %sign3A = arith.constant 0 : i32
      %sign3A_205 = arith.cmpi sgt, %add3A_204, %sign3A : i32
      %sign3A_206 = arith.extui %sign3A_205 : i1 to i32
      %sign3A_207 = arith.constant 0 : i32
      %sign3A_208 = arith.cmpi slt, %add3A_204, %sign3A_207 : i32
      %sign3A_209 = arith.extui %sign3A_208 : i1 to i32
      %sign3A_210 = arith.subi %sign3A_206, %sign3A_209 : i32
      %sign3A_211 = arith.constant 0 : i32
      %sign3A_212 = arith.cmpi sgt, %jit3A, %sign3A_211 : i32
      %sign3A_213 = arith.extui %sign3A_212 : i1 to i32
      %sign3A_214 = arith.constant 0 : i32
      %sign3A_215 = arith.cmpi slt, %jit3A, %sign3A_214 : i32
      %sign3A_216 = arith.extui %sign3A_215 : i1 to i32
      %sign3A_217 = arith.subi %sign3A_213, %sign3A_216 : i32
      %ne3A = arith.cmpi ne, %sign3A_210, %sign3A_217 : i32
      %rem3A = arith.remsi %add3A_204, %jit3A : i32
      %ne3A_218 = arith.constant 0 : i32
      %ne3A_219 = arith.cmpi ne, %rem3A, %ne3A_218 : i32
      %and3A_220 = arith.andi %ne3A, %ne3A_219 : i1
      %sub3A = arith.constant 1 : i32
      %sub3A_221 = arith.subi %div3A, %sub3A : i32
      %select_n3A = arith.select %and3A_220, %sub3A_221, %div3A : i32
      %mul3A_222 = arith.constant 32 : i32
      %mul3A_223 = arith.muli %select_n3A, %mul3A_222 : i32
      %sub3A_224 = arith.subi %add3A_204, %mul3A_223 : i32
      %mul3A_225 = arith.constant 512 : i32
      %mul3A_226 = arith.muli %add3A_203, %mul3A_225 : i32
      %dma_wait3A_227 = arith.constant 0 : i32
      %dma_wait3A_228 = arith.constant 0 : i32
      %dma_wait3A_229 = arith.constant 0 : i32
      %dma_wait3A_230 = tpu.memref_slice %arg6[%dma_wait3A_227, %dma_wait3A_228, %dma_wait3A_229] : memref<2x512x32xf32, #tpu.memory_space<vmem>> -> memref<1x512x32xf32, #tpu.memory_space<vmem>>
      %dma_wait3A_231 = tpu.memref_squeeze %dma_wait3A_230 : memref<1x512x32xf32, #tpu.memory_space<vmem>> -> memref<512x32xf32, #tpu.memory_space<vmem>>
      %dma_wait3A_232 = tpu.memref_slice %arg5[%mul3A_226] : memref<25600xi32, #tpu.memory_space<vmem>> -> memref<512xi32, #tpu.memory_space<vmem>>
      %dma_wait3A_233 = arith.constant 0 : i32
      %dma_wait3A_234 = arith.constant 0 : i32
      %dma_wait3A_235 = tpu.memref_slice %arg3[%dma_wait3A_233, %dma_wait3A_234] : memref<1000000x32xf32, #tpu.memory_space<hbm>> -> memref<1000000x32xf32, #tpu.memory_space<hbm>>
      tpu.wait_indirect_dma semaphore(%arg8 : memref<!tpu.dma_semaphore, #tpu.memory_space<semaphore_mem>>) src(%dma_wait3A_235 : memref<1000000x32xf32, #tpu.memory_space<hbm>>) dst(%dma_wait3A_231 : memref<512x32xf32, #tpu.memory_space<vmem>>)
      %gt3A = arith.constant 0 : i32
      %gt3A_236 = arith.cmpi sgt, %add3A_201, %gt3A : i32
      %convert_element_type3A = arith.extui %gt3A_236 : i1 to i32
      %cond3A = arith.constant 0 : i32
      %cond3A_237 = arith.cmpi ne, %convert_element_type3A, %cond3A : i32
      scf.if %cond3A_237 {
        %dma_wait3A_537 = arith.constant 0 : i32
        %dma_wait3A_538 = arith.constant 0 : i32
        %dma_wait3A_539 = arith.constant 0 : i32
        %dma_wait3A_540 = arith.constant 0 : i32
        %dma_wait3A_541 = arith.constant 0 : i32
        %dma_wait3A_542 = arith.constant 0 : i32
        %dma_wait3A_543 = tpu.memref_slice %arg7[%dma_wait3A_537, %dma_wait3A_541, %dma_wait3A_542] : memref<2x128x129xf32, #tpu.memory_space<vmem>> -> memref<1x32x128xf32, #tpu.memory_space<vmem>>
        %dma_wait3A_544 = tpu.memref_squeeze %dma_wait3A_543 : memref<1x32x128xf32, #tpu.memory_space<vmem>> -> memref<32x128xf32, #tpu.memory_space<vmem>>
        %dma_wait3A_545 = arith.constant 0 : i32
        %dma_wait3A_546 = arith.constant 0 : i32
        %dma_wait3A_547 = tpu.memref_slice %arg4[%dma_wait3A_538, %dma_wait3A_539, %dma_wait3A_540, %dma_wait3A_545, %dma_wait3A_546] : memref<50x4x32x32x128xf32, #tpu.memory_space<hbm>> -> memref<1x1x1x32x128xf32, #tpu.memory_space<hbm>>
        %dma_wait3A_548 = tpu.memref_squeeze %dma_wait3A_547 : memref<1x1x1x32x128xf32, #tpu.memory_space<hbm>> -> memref<32x128xf32, #tpu.memory_space<hbm>>
        %dma_wait3A_549 = arith.constant 0 : i32
        %dma_wait3A_550 = arith.constant 0 : i32
        %dma_wait3A_551 = tpu.memref_slice %arg4[%dma_wait3A_538, %dma_wait3A_539, %dma_wait3A_540, %dma_wait3A_549, %dma_wait3A_550] : memref<50x4x32x32x128xf32, #tpu.memory_space<hbm>> -> memref<1x1x1x32x128xf32, #tpu.memory_space<hbm>>
        %dma_wait3A_552 = tpu.memref_squeeze %dma_wait3A_551 : memref<1x1x1x32x128xf32, #tpu.memory_space<hbm>> -> memref<32x128xf32, #tpu.memory_space<hbm>>
        %dma_wait3A_553 = arith.constant 0 : i32
        %dma_wait3A_554 = arith.constant 0 : i32
        %dma_wait3A_555 = tpu.memref_slice %arg7[%dma_wait3A_537, %dma_wait3A_553, %dma_wait3A_554] : memref<2x128x129xf32, #tpu.memory_space<vmem>> -> memref<1x32x128xf32, #tpu.memory_space<vmem>>
        %dma_wait3A_556 = tpu.memref_squeeze %dma_wait3A_555 : memref<1x32x128xf32, #tpu.memory_space<vmem>> -> memref<32x128xf32, #tpu.memory_space<vmem>>
        tpu.wait_dma2 semaphore(%arg10 : memref<!tpu.dma_semaphore, #tpu.memory_space<semaphore_mem>>) src(%dma_wait3A_556 : memref<32x128xf32, #tpu.memory_space<vmem>>) dst(%dma_wait3A_552 : memref<32x128xf32, #tpu.memory_space<hbm>>)
        %dma_wait3A_557 = arith.constant 0 : i32
        %dma_wait3A_558 = arith.constant 0 : i32
        %dma_wait3A_559 = arith.constant 1 : i32
        %dma_wait3A_560 = arith.constant 0 : i32
        %dma_wait3A_561 = arith.constant 32 : i32
        %dma_wait3A_562 = arith.constant 0 : i32
        %dma_wait3A_563 = tpu.memref_slice %arg7[%dma_wait3A_557, %dma_wait3A_561, %dma_wait3A_562] : memref<2x128x129xf32, #tpu.memory_space<vmem>> -> memref<1x32x128xf32, #tpu.memory_space<vmem>>
        %dma_wait3A_564 = tpu.memref_squeeze %dma_wait3A_563 : memref<1x32x128xf32, #tpu.memory_space<vmem>> -> memref<32x128xf32, #tpu.memory_space<vmem>>
        %dma_wait3A_565 = arith.constant 0 : i32
        %dma_wait3A_566 = arith.constant 0 : i32
        %dma_wait3A_567 = tpu.memref_slice %arg4[%dma_wait3A_558, %dma_wait3A_559, %dma_wait3A_560, %dma_wait3A_565, %dma_wait3A_566] : memref<50x4x32x32x128xf32, #tpu.memory_space<hbm>> -> memref<1x1x1x32x128xf32, #tpu.memory_space<hbm>>
        %dma_wait3A_568 = tpu.memref_squeeze %dma_wait3A_567 : memref<1x1x1x32x128xf32, #tpu.memory_space<hbm>> -> memref<32x128xf32, #tpu.memory_space<hbm>>
        %dma_wait3A_569 = arith.constant 0 : i32
        %dma_wait3A_570 = arith.constant 0 : i32
        %dma_wait3A_571 = tpu.memref_slice %arg4[%dma_wait3A_558, %dma_wait3A_559, %dma_wait3A_560, %dma_wait3A_569, %dma_wait3A_570] : memref<50x4x32x32x128xf32, #tpu.memory_space<hbm>> -> memref<1x1x1x32x128xf32, #tpu.memory_space<hbm>>
        %dma_wait3A_572 = tpu.memref_squeeze %dma_wait3A_571 : memref<1x1x1x32x128xf32, #tpu.memory_space<hbm>> -> memref<32x128xf32, #tpu.memory_space<hbm>>
        %dma_wait3A_573 = arith.constant 32 : i32
        %dma_wait3A_574 = arith.constant 0 : i32
        %dma_wait3A_575 = tpu.memref_slice %arg7[%dma_wait3A_557, %dma_wait3A_573, %dma_wait3A_574] : memref<2x128x129xf32, #tpu.memory_space<vmem>> -> memref<1x32x128xf32, #tpu.memory_space<vmem>>
        %dma_wait3A_576 = tpu.memref_squeeze %dma_wait3A_575 : memref<1x32x128xf32, #tpu.memory_space<vmem>> -> memref<32x128xf32, #tpu.memory_space<vmem>>
        tpu.wait_dma2 semaphore(%arg10 : memref<!tpu.dma_semaphore, #tpu.memory_space<semaphore_mem>>) src(%dma_wait3A_576 : memref<32x128xf32, #tpu.memory_space<vmem>>) dst(%dma_wait3A_572 : memref<32x128xf32, #tpu.memory_space<hbm>>)
        %dma_wait3A_577 = arith.constant 0 : i32
        %dma_wait3A_578 = arith.constant 0 : i32
        %dma_wait3A_579 = arith.constant 2 : i32
        %dma_wait3A_580 = arith.constant 0 : i32
        %dma_wait3A_581 = arith.constant 64 : i32
        %dma_wait3A_582 = arith.constant 0 : i32
        %dma_wait3A_583 = tpu.memref_slice %arg7[%dma_wait3A_577, %dma_wait3A_581, %dma_wait3A_582] : memref<2x128x129xf32, #tpu.memory_space<vmem>> -> memref<1x32x128xf32, #tpu.memory_space<vmem>>
        %dma_wait3A_584 = tpu.memref_squeeze %dma_wait3A_583 : memref<1x32x128xf32, #tpu.memory_space<vmem>> -> memref<32x128xf32, #tpu.memory_space<vmem>>
        %dma_wait3A_585 = arith.constant 0 : i32
        %dma_wait3A_586 = arith.constant 0 : i32
        %dma_wait3A_587 = tpu.memref_slice %arg4[%dma_wait3A_578, %dma_wait3A_579, %dma_wait3A_580, %dma_wait3A_585, %dma_wait3A_586] : memref<50x4x32x32x128xf32, #tpu.memory_space<hbm>> -> memref<1x1x1x32x128xf32, #tpu.memory_space<hbm>>
        %dma_wait3A_588 = tpu.memref_squeeze %dma_wait3A_587 : memref<1x1x1x32x128xf32, #tpu.memory_space<hbm>> -> memref<32x128xf32, #tpu.memory_space<hbm>>
        %dma_wait3A_589 = arith.constant 0 : i32
        %dma_wait3A_590 = arith.constant 0 : i32
        %dma_wait3A_591 = tpu.memref_slice %arg4[%dma_wait3A_578, %dma_wait3A_579, %dma_wait3A_580, %dma_wait3A_589, %dma_wait3A_590] : memref<50x4x32x32x128xf32, #tpu.memory_space<hbm>> -> memref<1x1x1x32x128xf32, #tpu.memory_space<hbm>>
        %dma_wait3A_592 = tpu.memref_squeeze %dma_wait3A_591 : memref<1x1x1x32x128xf32, #tpu.memory_space<hbm>> -> memref<32x128xf32, #tpu.memory_space<hbm>>
        %dma_wait3A_593 = arith.constant 64 : i32
        %dma_wait3A_594 = arith.constant 0 : i32
        %dma_wait3A_595 = tpu.memref_slice %arg7[%dma_wait3A_577, %dma_wait3A_593, %dma_wait3A_594] : memref<2x128x129xf32, #tpu.memory_space<vmem>> -> memref<1x32x128xf32, #tpu.memory_space<vmem>>
        %dma_wait3A_596 = tpu.memref_squeeze %dma_wait3A_595 : memref<1x32x128xf32, #tpu.memory_space<vmem>> -> memref<32x128xf32, #tpu.memory_space<vmem>>
        tpu.wait_dma2 semaphore(%arg10 : memref<!tpu.dma_semaphore, #tpu.memory_space<semaphore_mem>>) src(%dma_wait3A_596 : memref<32x128xf32, #tpu.memory_space<vmem>>) dst(%dma_wait3A_592 : memref<32x128xf32, #tpu.memory_space<hbm>>)
        %dma_wait3A_597 = arith.constant 0 : i32
        %dma_wait3A_598 = arith.constant 0 : i32
        %dma_wait3A_599 = arith.constant 3 : i32
        %dma_wait3A_600 = arith.constant 0 : i32
        %dma_wait3A_601 = arith.constant 96 : i32
        %dma_wait3A_602 = arith.constant 0 : i32
        %dma_wait3A_603 = tpu.memref_slice %arg7[%dma_wait3A_597, %dma_wait3A_601, %dma_wait3A_602] : memref<2x128x129xf32, #tpu.memory_space<vmem>> -> memref<1x32x128xf32, #tpu.memory_space<vmem>>
        %dma_wait3A_604 = tpu.memref_squeeze %dma_wait3A_603 : memref<1x32x128xf32, #tpu.memory_space<vmem>> -> memref<32x128xf32, #tpu.memory_space<vmem>>
        %dma_wait3A_605 = arith.constant 0 : i32
        %dma_wait3A_606 = arith.constant 0 : i32
        %dma_wait3A_607 = tpu.memref_slice %arg4[%dma_wait3A_598, %dma_wait3A_599, %dma_wait3A_600, %dma_wait3A_605, %dma_wait3A_606] : memref<50x4x32x32x128xf32, #tpu.memory_space<hbm>> -> memref<1x1x1x32x128xf32, #tpu.memory_space<hbm>>
        %dma_wait3A_608 = tpu.memref_squeeze %dma_wait3A_607 : memref<1x1x1x32x128xf32, #tpu.memory_space<hbm>> -> memref<32x128xf32, #tpu.memory_space<hbm>>
        %dma_wait3A_609 = arith.constant 0 : i32
        %dma_wait3A_610 = arith.constant 0 : i32
        %dma_wait3A_611 = tpu.memref_slice %arg4[%dma_wait3A_598, %dma_wait3A_599, %dma_wait3A_600, %dma_wait3A_609, %dma_wait3A_610] : memref<50x4x32x32x128xf32, #tpu.memory_space<hbm>> -> memref<1x1x1x32x128xf32, #tpu.memory_space<hbm>>
        %dma_wait3A_612 = tpu.memref_squeeze %dma_wait3A_611 : memref<1x1x1x32x128xf32, #tpu.memory_space<hbm>> -> memref<32x128xf32, #tpu.memory_space<hbm>>
        %dma_wait3A_613 = arith.constant 96 : i32
        %dma_wait3A_614 = arith.constant 0 : i32
        %dma_wait3A_615 = tpu.memref_slice %arg7[%dma_wait3A_597, %dma_wait3A_613, %dma_wait3A_614] : memref<2x128x129xf32, #tpu.memory_space<vmem>> -> memref<1x32x128xf32, #tpu.memory_space<vmem>>
        %dma_wait3A_616 = tpu.memref_squeeze %dma_wait3A_615 : memref<1x32x128xf32, #tpu.memory_space<vmem>> -> memref<32x128xf32, #tpu.memory_space<vmem>>
        tpu.wait_dma2 semaphore(%arg10 : memref<!tpu.dma_semaphore, #tpu.memory_space<semaphore_mem>>) src(%dma_wait3A_616 : memref<32x128xf32, #tpu.memory_space<vmem>>) dst(%dma_wait3A_612 : memref<32x128xf32, #tpu.memory_space<hbm>>)
      } else {
      }
      %add3A_238 = arith.constant 0 : i32
      %add3A_239 = vector.broadcast %add3A_238 : i32 to vector<16xi32>
      %add3A_240 = arith.addi %add3A_11, %add3A_239 : vector<16xi32>
      %add3A_241 = arith.constant 64 : i32
      %add3A_242 = vector.broadcast %add3A_241 : i32 to vector<16xi32>
      %add3A_243 = arith.addi %add3A_240, %add3A_242 : vector<16xi32>
      %scan3A_244 = arith.constant 0 : i32
      %scan3A_245 = arith.constant 128 : i32
      %scan3A_246 = arith.addi %scan3A_244, %scan3A_245 : i32
      %scan3A_247 = arith.constant 8 : i32
      %scan3A_248 = scf.for %scan3A_537 = %scan3A_244 to %scan3A_246 step %scan3A_247 iter_args(%scan3A_538 = %and3A_14) -> (vector<16xi32>)  : i32 {
        %mul3A_539 = arith.constant 1 : i32
        %mul3A_540 = arith.muli %scan3A_537, %mul3A_539 : i32
        %add3A_541 = arith.constant 0 : i32
        %add3A_542 = arith.addi %add3A_541, %mul3A_540 : i32
        %add3A_543 = arith.constant 0 : i32
        %add3A_544 = arith.addi %add3A_543, %add3A_542 : i32
        %get3A = arith.constant 0 : i32
        %get3A_545 = arith.index_cast %get3A : i32 to index
        %get3A_546 = arith.index_cast %add3A_544 : i32 to index
        %get3A_547 = arith.constant 0 : index
        %get3A_548 = tpu.vector_load %arg6[%get3A_545, %get3A_546, %get3A_547] {strides = array<i32>} : memref<2x512x32xf32, #tpu.memory_space<vmem>>, vector<16xf32>,
        %get3A_549 = arith.constant 0 : i32
        %get3A_550 = arith.index_cast %get3A_549 : i32 to index
        %get3A_551 = arith.index_cast %add3A_544 : i32 to index
        %get3A_552 = arith.constant 16 : index
        %get3A_553 = tpu.vector_load %arg6[%get3A_550, %get3A_551, %get3A_552] {strides = array<i32>} : memref<2x512x32xf32, #tpu.memory_space<vmem>>, vector<16xf32>,
        %scatter3A = arith.constant 0 : i32
        %scatter3A_554 = arith.constant 0 : i32
        %scatter3A_555 = arith.constant 0 : i32
        %scatter3A_556 = tpu.memref_slice %arg7[%scatter3A, %scatter3A_554, %scatter3A_555] : memref<2x128x129xf32, #tpu.memory_space<vmem>> -> memref<1x128x129xf32, #tpu.memory_space<vmem>>
        %scatter3A_557 = tpu.memref_squeeze %scatter3A_556 : memref<1x128x129xf32, #tpu.memory_space<vmem>> -> memref<128x129xf32, #tpu.memory_space<vmem>>
        tpu.vector_store_idx %scatter3A_557[%add3A_240, %scan3A_538], %get3A_548 : memref<128x129xf32, #tpu.memory_space<vmem>>[vector<16xi32>, vector<16xi32>], vector<16xf32>,
        %scatter3A_558 = arith.constant 0 : i32
        %scatter3A_559 = arith.constant 0 : i32
        %scatter3A_560 = arith.constant 0 : i32
        %scatter3A_561 = tpu.memref_slice %arg7[%scatter3A_558, %scatter3A_559, %scatter3A_560] : memref<2x128x129xf32, #tpu.memory_space<vmem>> -> memref<1x128x129xf32, #tpu.memory_space<vmem>>
        %scatter3A_562 = tpu.memref_squeeze %scatter3A_561 : memref<1x128x129xf32, #tpu.memory_space<vmem>> -> memref<128x129xf32, #tpu.memory_space<vmem>>
        tpu.vector_store_idx %scatter3A_562[%add3A_243, %scan3A_538], %get3A_553 : memref<128x129xf32, #tpu.memory_space<vmem>>[vector<16xi32>, vector<16xi32>], vector<16xf32>,
        %add3A_563 = arith.constant 1 : i32
        %add3A_564 = vector.broadcast %add3A_563 : i32 to vector<16xi32>
        %add3A_565 = arith.addi %scan3A_538, %add3A_564 : vector<16xi32>
        %scan3A_566 = arith.constant 1 : i32
        %scan3A_567 = arith.addi %scan3A_537, %scan3A_566 : i32
        %mul3A_568 = arith.constant 1 : i32
        %mul3A_569 = arith.muli %scan3A_567, %mul3A_568 : i32
        %add3A_570 = arith.constant 0 : i32
        %add3A_571 = arith.addi %add3A_570, %mul3A_569 : i32
        %add3A_572 = arith.constant 0 : i32
        %add3A_573 = arith.addi %add3A_572, %add3A_571 : i32
        %get3A_574 = arith.constant 0 : i32
        %get3A_575 = arith.index_cast %get3A_574 : i32 to index
        %get3A_576 = arith.index_cast %add3A_573 : i32 to index
        %get3A_577 = arith.constant 0 : index
        %get3A_578 = tpu.vector_load %arg6[%get3A_575, %get3A_576, %get3A_577] {strides = array<i32>} : memref<2x512x32xf32, #tpu.memory_space<vmem>>, vector<16xf32>,
        %get3A_579 = arith.constant 0 : i32
        %get3A_580 = arith.index_cast %get3A_579 : i32 to index
        %get3A_581 = arith.index_cast %add3A_573 : i32 to index
        %get3A_582 = arith.constant 16 : index
        %get3A_583 = tpu.vector_load %arg6[%get3A_580, %get3A_581, %get3A_582] {strides = array<i32>} : memref<2x512x32xf32, #tpu.memory_space<vmem>>, vector<16xf32>,
        %scatter3A_584 = arith.constant 0 : i32
        %scatter3A_585 = arith.constant 0 : i32
        %scatter3A_586 = arith.constant 0 : i32
        %scatter3A_587 = tpu.memref_slice %arg7[%scatter3A_584, %scatter3A_585, %scatter3A_586] : memref<2x128x129xf32, #tpu.memory_space<vmem>> -> memref<1x128x129xf32, #tpu.memory_space<vmem>>
        %scatter3A_588 = tpu.memref_squeeze %scatter3A_587 : memref<1x128x129xf32, #tpu.memory_space<vmem>> -> memref<128x129xf32, #tpu.memory_space<vmem>>
        tpu.vector_store_idx %scatter3A_588[%add3A_240, %add3A_565], %get3A_578 : memref<128x129xf32, #tpu.memory_space<vmem>>[vector<16xi32>, vector<16xi32>], vector<16xf32>,
        %scatter3A_589 = arith.constant 0 : i32
        %scatter3A_590 = arith.constant 0 : i32
        %scatter3A_591 = arith.constant 0 : i32
        %scatter3A_592 = tpu.memref_slice %arg7[%scatter3A_589, %scatter3A_590, %scatter3A_591] : memref<2x128x129xf32, #tpu.memory_space<vmem>> -> memref<1x128x129xf32, #tpu.memory_space<vmem>>
        %scatter3A_593 = tpu.memref_squeeze %scatter3A_592 : memref<1x128x129xf32, #tpu.memory_space<vmem>> -> memref<128x129xf32, #tpu.memory_space<vmem>>
        tpu.vector_store_idx %scatter3A_593[%add3A_243, %add3A_565], %get3A_583 : memref<128x129xf32, #tpu.memory_space<vmem>>[vector<16xi32>, vector<16xi32>], vector<16xf32>,
        %add3A_594 = arith.constant 1 : i32
        %add3A_595 = vector.broadcast %add3A_594 : i32 to vector<16xi32>
        %add3A_596 = arith.addi %add3A_565, %add3A_595 : vector<16xi32>
        %scan3A_597 = arith.constant 2 : i32
        %scan3A_598 = arith.addi %scan3A_537, %scan3A_597 : i32
        %mul3A_599 = arith.constant 1 : i32
        %mul3A_600 = arith.muli %scan3A_598, %mul3A_599 : i32
        %add3A_601 = arith.constant 0 : i32
        %add3A_602 = arith.addi %add3A_601, %mul3A_600 : i32
        %add3A_603 = arith.constant 0 : i32
        %add3A_604 = arith.addi %add3A_603, %add3A_602 : i32
        %get3A_605 = arith.constant 0 : i32
        %get3A_606 = arith.index_cast %get3A_605 : i32 to index
        %get3A_607 = arith.index_cast %add3A_604 : i32 to index
        %get3A_608 = arith.constant 0 : index
        %get3A_609 = tpu.vector_load %arg6[%get3A_606, %get3A_607, %get3A_608] {strides = array<i32>} : memref<2x512x32xf32, #tpu.memory_space<vmem>>, vector<16xf32>,
        %get3A_610 = arith.constant 0 : i32
        %get3A_611 = arith.index_cast %get3A_610 : i32 to index
        %get3A_612 = arith.index_cast %add3A_604 : i32 to index
        %get3A_613 = arith.constant 16 : index
        %get3A_614 = tpu.vector_load %arg6[%get3A_611, %get3A_612, %get3A_613] {strides = array<i32>} : memref<2x512x32xf32, #tpu.memory_space<vmem>>, vector<16xf32>,
        %scatter3A_615 = arith.constant 0 : i32
        %scatter3A_616 = arith.constant 0 : i32
        %scatter3A_617 = arith.constant 0 : i32
        %scatter3A_618 = tpu.memref_slice %arg7[%scatter3A_615, %scatter3A_616, %scatter3A_617] : memref<2x128x129xf32, #tpu.memory_space<vmem>> -> memref<1x128x129xf32, #tpu.memory_space<vmem>>
        %scatter3A_619 = tpu.memref_squeeze %scatter3A_618 : memref<1x128x129xf32, #tpu.memory_space<vmem>> -> memref<128x129xf32, #tpu.memory_space<vmem>>
        tpu.vector_store_idx %scatter3A_619[%add3A_240, %add3A_596], %get3A_609 : memref<128x129xf32, #tpu.memory_space<vmem>>[vector<16xi32>, vector<16xi32>], vector<16xf32>,
        %scatter3A_620 = arith.constant 0 : i32
        %scatter3A_621 = arith.constant 0 : i32
        %scatter3A_622 = arith.constant 0 : i32
        %scatter3A_623 = tpu.memref_slice %arg7[%scatter3A_620, %scatter3A_621, %scatter3A_622] : memref<2x128x129xf32, #tpu.memory_space<vmem>> -> memref<1x128x129xf32, #tpu.memory_space<vmem>>
        %scatter3A_624 = tpu.memref_squeeze %scatter3A_623 : memref<1x128x129xf32, #tpu.memory_space<vmem>> -> memref<128x129xf32, #tpu.memory_space<vmem>>
        tpu.vector_store_idx %scatter3A_624[%add3A_243, %add3A_596], %get3A_614 : memref<128x129xf32, #tpu.memory_space<vmem>>[vector<16xi32>, vector<16xi32>], vector<16xf32>,
        %add3A_625 = arith.constant 1 : i32
        %add3A_626 = vector.broadcast %add3A_625 : i32 to vector<16xi32>
        %add3A_627 = arith.addi %add3A_596, %add3A_626 : vector<16xi32>
        %scan3A_628 = arith.constant 3 : i32
        %scan3A_629 = arith.addi %scan3A_537, %scan3A_628 : i32
        %mul3A_630 = arith.constant 1 : i32
        %mul3A_631 = arith.muli %scan3A_629, %mul3A_630 : i32
        %add3A_632 = arith.constant 0 : i32
        %add3A_633 = arith.addi %add3A_632, %mul3A_631 : i32
        %add3A_634 = arith.constant 0 : i32
        %add3A_635 = arith.addi %add3A_634, %add3A_633 : i32
        %get3A_636 = arith.constant 0 : i32
        %get3A_637 = arith.index_cast %get3A_636 : i32 to index
        %get3A_638 = arith.index_cast %add3A_635 : i32 to index
        %get3A_639 = arith.constant 0 : index
        %get3A_640 = tpu.vector_load %arg6[%get3A_637, %get3A_638, %get3A_639] {strides = array<i32>} : memref<2x512x32xf32, #tpu.memory_space<vmem>>, vector<16xf32>,
        %get3A_641 = arith.constant 0 : i32
        %get3A_642 = arith.index_cast %get3A_641 : i32 to index
        %get3A_643 = arith.index_cast %add3A_635 : i32 to index
        %get3A_644 = arith.constant 16 : index
        %get3A_645 = tpu.vector_load %arg6[%get3A_642, %get3A_643, %get3A_644] {strides = array<i32>} : memref<2x512x32xf32, #tpu.memory_space<vmem>>, vector<16xf32>,
        %scatter3A_646 = arith.constant 0 : i32
        %scatter3A_647 = arith.constant 0 : i32
        %scatter3A_648 = arith.constant 0 : i32
        %scatter3A_649 = tpu.memref_slice %arg7[%scatter3A_646, %scatter3A_647, %scatter3A_648] : memref<2x128x129xf32, #tpu.memory_space<vmem>> -> memref<1x128x129xf32, #tpu.memory_space<vmem>>
        %scatter3A_650 = tpu.memref_squeeze %scatter3A_649 : memref<1x128x129xf32, #tpu.memory_space<vmem>> -> memref<128x129xf32, #tpu.memory_space<vmem>>
        tpu.vector_store_idx %scatter3A_650[%add3A_240, %add3A_627], %get3A_640 : memref<128x129xf32, #tpu.memory_space<vmem>>[vector<16xi32>, vector<16xi32>], vector<16xf32>,
        %scatter3A_651 = arith.constant 0 : i32
        %scatter3A_652 = arith.constant 0 : i32
        %scatter3A_653 = arith.constant 0 : i32
        %scatter3A_654 = tpu.memref_slice %arg7[%scatter3A_651, %scatter3A_652, %scatter3A_653] : memref<2x128x129xf32, #tpu.memory_space<vmem>> -> memref<1x128x129xf32, #tpu.memory_space<vmem>>
        %scatter3A_655 = tpu.memref_squeeze %scatter3A_654 : memref<1x128x129xf32, #tpu.memory_space<vmem>> -> memref<128x129xf32, #tpu.memory_space<vmem>>
        tpu.vector_store_idx %scatter3A_655[%add3A_243, %add3A_627], %get3A_645 : memref<128x129xf32, #tpu.memory_space<vmem>>[vector<16xi32>, vector<16xi32>], vector<16xf32>,
        %add3A_656 = arith.constant 1 : i32
        %add3A_657 = vector.broadcast %add3A_656 : i32 to vector<16xi32>
        %add3A_658 = arith.addi %add3A_627, %add3A_657 : vector<16xi32>
        %scan3A_659 = arith.constant 4 : i32
        %scan3A_660 = arith.addi %scan3A_537, %scan3A_659 : i32
        %mul3A_661 = arith.constant 1 : i32
        %mul3A_662 = arith.muli %scan3A_660, %mul3A_661 : i32
        %add3A_663 = arith.constant 0 : i32
        %add3A_664 = arith.addi %add3A_663, %mul3A_662 : i32
        %add3A_665 = arith.constant 0 : i32
        %add3A_666 = arith.addi %add3A_665, %add3A_664 : i32
        %get3A_667 = arith.constant 0 : i32
        %get3A_668 = arith.index_cast %get3A_667 : i32 to index
        %get3A_669 = arith.index_cast %add3A_666 : i32 to index
        %get3A_670 = arith.constant 0 : index
        %get3A_671 = tpu.vector_load %arg6[%get3A_668, %get3A_669, %get3A_670] {strides = array<i32>} : memref<2x512x32xf32, #tpu.memory_space<vmem>>, vector<16xf32>,
        %get3A_672 = arith.constant 0 : i32
        %get3A_673 = arith.index_cast %get3A_672 : i32 to index
        %get3A_674 = arith.index_cast %add3A_666 : i32 to index
        %get3A_675 = arith.constant 16 : index
        %get3A_676 = tpu.vector_load %arg6[%get3A_673, %get3A_674, %get3A_675] {strides = array<i32>} : memref<2x512x32xf32, #tpu.memory_space<vmem>>, vector<16xf32>,
        %scatter3A_677 = arith.constant 0 : i32
        %scatter3A_678 = arith.constant 0 : i32
        %scatter3A_679 = arith.constant 0 : i32
        %scatter3A_680 = tpu.memref_slice %arg7[%scatter3A_677, %scatter3A_678, %scatter3A_679] : memref<2x128x129xf32, #tpu.memory_space<vmem>> -> memref<1x128x129xf32, #tpu.memory_space<vmem>>
        %scatter3A_681 = tpu.memref_squeeze %scatter3A_680 : memref<1x128x129xf32, #tpu.memory_space<vmem>> -> memref<128x129xf32, #tpu.memory_space<vmem>>
        tpu.vector_store_idx %scatter3A_681[%add3A_240, %add3A_658], %get3A_671 : memref<128x129xf32, #tpu.memory_space<vmem>>[vector<16xi32>, vector<16xi32>], vector<16xf32>,
        %scatter3A_682 = arith.constant 0 : i32
        %scatter3A_683 = arith.constant 0 : i32
        %scatter3A_684 = arith.constant 0 : i32
        %scatter3A_685 = tpu.memref_slice %arg7[%scatter3A_682, %scatter3A_683, %scatter3A_684] : memref<2x128x129xf32, #tpu.memory_space<vmem>> -> memref<1x128x129xf32, #tpu.memory_space<vmem>>
        %scatter3A_686 = tpu.memref_squeeze %scatter3A_685 : memref<1x128x129xf32, #tpu.memory_space<vmem>> -> memref<128x129xf32, #tpu.memory_space<vmem>>
        tpu.vector_store_idx %scatter3A_686[%add3A_243, %add3A_658], %get3A_676 : memref<128x129xf32, #tpu.memory_space<vmem>>[vector<16xi32>, vector<16xi32>], vector<16xf32>,
        %add3A_687 = arith.constant 1 : i32
        %add3A_688 = vector.broadcast %add3A_687 : i32 to vector<16xi32>
        %add3A_689 = arith.addi %add3A_658, %add3A_688 : vector<16xi32>
        %scan3A_690 = arith.constant 5 : i32
        %scan3A_691 = arith.addi %scan3A_537, %scan3A_690 : i32
        %mul3A_692 = arith.constant 1 : i32
        %mul3A_693 = arith.muli %scan3A_691, %mul3A_692 : i32
        %add3A_694 = arith.constant 0 : i32
        %add3A_695 = arith.addi %add3A_694, %mul3A_693 : i32
        %add3A_696 = arith.constant 0 : i32
        %add3A_697 = arith.addi %add3A_696, %add3A_695 : i32
        %get3A_698 = arith.constant 0 : i32
        %get3A_699 = arith.index_cast %get3A_698 : i32 to index
        %get3A_700 = arith.index_cast %add3A_697 : i32 to index
        %get3A_701 = arith.constant 0 : index
        %get3A_702 = tpu.vector_load %arg6[%get3A_699, %get3A_700, %get3A_701] {strides = array<i32>} : memref<2x512x32xf32, #tpu.memory_space<vmem>>, vector<16xf32>,
        %get3A_703 = arith.constant 0 : i32
        %get3A_704 = arith.index_cast %get3A_703 : i32 to index
        %get3A_705 = arith.index_cast %add3A_697 : i32 to index
        %get3A_706 = arith.constant 16 : index
        %get3A_707 = tpu.vector_load %arg6[%get3A_704, %get3A_705, %get3A_706] {strides = array<i32>} : memref<2x512x32xf32, #tpu.memory_space<vmem>>, vector<16xf32>,
        %scatter3A_708 = arith.constant 0 : i32
        %scatter3A_709 = arith.constant 0 : i32
        %scatter3A_710 = arith.constant 0 : i32
        %scatter3A_711 = tpu.memref_slice %arg7[%scatter3A_708, %scatter3A_709, %scatter3A_710] : memref<2x128x129xf32, #tpu.memory_space<vmem>> -> memref<1x128x129xf32, #tpu.memory_space<vmem>>
        %scatter3A_712 = tpu.memref_squeeze %scatter3A_711 : memref<1x128x129xf32, #tpu.memory_space<vmem>> -> memref<128x129xf32, #tpu.memory_space<vmem>>
        tpu.vector_store_idx %scatter3A_712[%add3A_240, %add3A_689], %get3A_702 : memref<128x129xf32, #tpu.memory_space<vmem>>[vector<16xi32>, vector<16xi32>], vector<16xf32>,
        %scatter3A_713 = arith.constant 0 : i32
        %scatter3A_714 = arith.constant 0 : i32
        %scatter3A_715 = arith.constant 0 : i32
        %scatter3A_716 = tpu.memref_slice %arg7[%scatter3A_713, %scatter3A_714, %scatter3A_715] : memref<2x128x129xf32, #tpu.memory_space<vmem>> -> memref<1x128x129xf32, #tpu.memory_space<vmem>>
        %scatter3A_717 = tpu.memref_squeeze %scatter3A_716 : memref<1x128x129xf32, #tpu.memory_space<vmem>> -> memref<128x129xf32, #tpu.memory_space<vmem>>
        tpu.vector_store_idx %scatter3A_717[%add3A_243, %add3A_689], %get3A_707 : memref<128x129xf32, #tpu.memory_space<vmem>>[vector<16xi32>, vector<16xi32>], vector<16xf32>,
        %add3A_718 = arith.constant 1 : i32
        %add3A_719 = vector.broadcast %add3A_718 : i32 to vector<16xi32>
        %add3A_720 = arith.addi %add3A_689, %add3A_719 : vector<16xi32>
        %scan3A_721 = arith.constant 6 : i32
        %scan3A_722 = arith.addi %scan3A_537, %scan3A_721 : i32
        %mul3A_723 = arith.constant 1 : i32
        %mul3A_724 = arith.muli %scan3A_722, %mul3A_723 : i32
        %add3A_725 = arith.constant 0 : i32
        %add3A_726 = arith.addi %add3A_725, %mul3A_724 : i32
        %add3A_727 = arith.constant 0 : i32
        %add3A_728 = arith.addi %add3A_727, %add3A_726 : i32
        %get3A_729 = arith.constant 0 : i32
        %get3A_730 = arith.index_cast %get3A_729 : i32 to index
        %get3A_731 = arith.index_cast %add3A_728 : i32 to index
        %get3A_732 = arith.constant 0 : index
        %get3A_733 = tpu.vector_load %arg6[%get3A_730, %get3A_731, %get3A_732] {strides = array<i32>} : memref<2x512x32xf32, #tpu.memory_space<vmem>>, vector<16xf32>,
        %get3A_734 = arith.constant 0 : i32
        %get3A_735 = arith.index_cast %get3A_734 : i32 to index
        %get3A_736 = arith.index_cast %add3A_728 : i32 to index
        %get3A_737 = arith.constant 16 : index
        %get3A_738 = tpu.vector_load %arg6[%get3A_735, %get3A_736, %get3A_737] {strides = array<i32>} : memref<2x512x32xf32, #tpu.memory_space<vmem>>, vector<16xf32>,
        %scatter3A_739 = arith.constant 0 : i32
        %scatter3A_740 = arith.constant 0 : i32
        %scatter3A_741 = arith.constant 0 : i32
        %scatter3A_742 = tpu.memref_slice %arg7[%scatter3A_739, %scatter3A_740, %scatter3A_741] : memref<2x128x129xf32, #tpu.memory_space<vmem>> -> memref<1x128x129xf32, #tpu.memory_space<vmem>>
        %scatter3A_743 = tpu.memref_squeeze %scatter3A_742 : memref<1x128x129xf32, #tpu.memory_space<vmem>> -> memref<128x129xf32, #tpu.memory_space<vmem>>
        tpu.vector_store_idx %scatter3A_743[%add3A_240, %add3A_720], %get3A_733 : memref<128x129xf32, #tpu.memory_space<vmem>>[vector<16xi32>, vector<16xi32>], vector<16xf32>,
        %scatter3A_744 = arith.constant 0 : i32
        %scatter3A_745 = arith.constant 0 : i32
        %scatter3A_746 = arith.constant 0 : i32
        %scatter3A_747 = tpu.memref_slice %arg7[%scatter3A_744, %scatter3A_745, %scatter3A_746] : memref<2x128x129xf32, #tpu.memory_space<vmem>> -> memref<1x128x129xf32, #tpu.memory_space<vmem>>
        %scatter3A_748 = tpu.memref_squeeze %scatter3A_747 : memref<1x128x129xf32, #tpu.memory_space<vmem>> -> memref<128x129xf32, #tpu.memory_space<vmem>>
        tpu.vector_store_idx %scatter3A_748[%add3A_243, %add3A_720], %get3A_738 : memref<128x129xf32, #tpu.memory_space<vmem>>[vector<16xi32>, vector<16xi32>], vector<16xf32>,
        %add3A_749 = arith.constant 1 : i32
        %add3A_750 = vector.broadcast %add3A_749 : i32 to vector<16xi32>
        %add3A_751 = arith.addi %add3A_720, %add3A_750 : vector<16xi32>
        %scan3A_752 = arith.constant 7 : i32
        %scan3A_753 = arith.addi %scan3A_537, %scan3A_752 : i32
        %mul3A_754 = arith.constant 1 : i32
        %mul3A_755 = arith.muli %scan3A_753, %mul3A_754 : i32
        %add3A_756 = arith.constant 0 : i32
        %add3A_757 = arith.addi %add3A_756, %mul3A_755 : i32
        %add3A_758 = arith.constant 0 : i32
        %add3A_759 = arith.addi %add3A_758, %add3A_757 : i32
        %get3A_760 = arith.constant 0 : i32
        %get3A_761 = arith.index_cast %get3A_760 : i32 to index
        %get3A_762 = arith.index_cast %add3A_759 : i32 to index
        %get3A_763 = arith.constant 0 : index
        %get3A_764 = tpu.vector_load %arg6[%get3A_761, %get3A_762, %get3A_763] {strides = array<i32>} : memref<2x512x32xf32, #tpu.memory_space<vmem>>, vector<16xf32>,
        %get3A_765 = arith.constant 0 : i32
        %get3A_766 = arith.index_cast %get3A_765 : i32 to index
        %get3A_767 = arith.index_cast %add3A_759 : i32 to index
        %get3A_768 = arith.constant 16 : index
        %get3A_769 = tpu.vector_load %arg6[%get3A_766, %get3A_767, %get3A_768] {strides = array<i32>} : memref<2x512x32xf32, #tpu.memory_space<vmem>>, vector<16xf32>,
        %scatter3A_770 = arith.constant 0 : i32
        %scatter3A_771 = arith.constant 0 : i32
        %scatter3A_772 = arith.constant 0 : i32
        %scatter3A_773 = tpu.memref_slice %arg7[%scatter3A_770, %scatter3A_771, %scatter3A_772] : memref<2x128x129xf32, #tpu.memory_space<vmem>> -> memref<1x128x129xf32, #tpu.memory_space<vmem>>
        %scatter3A_774 = tpu.memref_squeeze %scatter3A_773 : memref<1x128x129xf32, #tpu.memory_space<vmem>> -> memref<128x129xf32, #tpu.memory_space<vmem>>
        tpu.vector_store_idx %scatter3A_774[%add3A_240, %add3A_751], %get3A_764 : memref<128x129xf32, #tpu.memory_space<vmem>>[vector<16xi32>, vector<16xi32>], vector<16xf32>,
        %scatter3A_775 = arith.constant 0 : i32
        %scatter3A_776 = arith.constant 0 : i32
        %scatter3A_777 = arith.constant 0 : i32
        %scatter3A_778 = tpu.memref_slice %arg7[%scatter3A_775, %scatter3A_776, %scatter3A_777] : memref<2x128x129xf32, #tpu.memory_space<vmem>> -> memref<1x128x129xf32, #tpu.memory_space<vmem>>
        %scatter3A_779 = tpu.memref_squeeze %scatter3A_778 : memref<1x128x129xf32, #tpu.memory_space<vmem>> -> memref<128x129xf32, #tpu.memory_space<vmem>>
        tpu.vector_store_idx %scatter3A_779[%add3A_243, %add3A_751], %get3A_769 : memref<128x129xf32, #tpu.memory_space<vmem>>[vector<16xi32>, vector<16xi32>], vector<16xf32>,
        %add3A_780 = arith.constant 1 : i32
        %add3A_781 = vector.broadcast %add3A_780 : i32 to vector<16xi32>
        %add3A_782 = arith.addi %add3A_751, %add3A_781 : vector<16xi32>
        scf.yield %add3A_782 : vector<16xi32>
      }
      %scan3A_249 = arith.constant 128 : i32
      %add3A_250 = arith.constant 8 : i32
      %add3A_251 = vector.broadcast %add3A_250 : i32 to vector<16xi32>
      %add3A_252 = arith.addi %add3A_11, %add3A_251 : vector<16xi32>
      %add3A_253 = arith.constant 64 : i32
      %add3A_254 = vector.broadcast %add3A_253 : i32 to vector<16xi32>
      %add3A_255 = arith.addi %add3A_252, %add3A_254 : vector<16xi32>
      %scan3A_256 = arith.constant 0 : i32
      %scan3A_257 = arith.constant 128 : i32
      %scan3A_258 = arith.addi %scan3A_256, %scan3A_257 : i32
      %scan3A_259 = arith.constant 8 : i32
      %scan3A_260 = scf.for %scan3A_537 = %scan3A_256 to %scan3A_258 step %scan3A_259 iter_args(%scan3A_538 = %and3A_14) -> (vector<16xi32>)  : i32 {
        %mul3A_539 = arith.constant 1 : i32
        %mul3A_540 = arith.muli %scan3A_537, %mul3A_539 : i32
        %add3A_541 = arith.constant 0 : i32
        %add3A_542 = arith.addi %add3A_541, %mul3A_540 : i32
        %add3A_543 = arith.constant 128 : i32
        %add3A_544 = arith.addi %add3A_543, %add3A_542 : i32
        %get3A = arith.constant 0 : i32
        %get3A_545 = arith.index_cast %get3A : i32 to index
        %get3A_546 = arith.index_cast %add3A_544 : i32 to index
        %get3A_547 = arith.constant 0 : index
        %get3A_548 = tpu.vector_load %arg6[%get3A_545, %get3A_546, %get3A_547] {strides = array<i32>} : memref<2x512x32xf32, #tpu.memory_space<vmem>>, vector<16xf32>,
        %get3A_549 = arith.constant 0 : i32
        %get3A_550 = arith.index_cast %get3A_549 : i32 to index
        %get3A_551 = arith.index_cast %add3A_544 : i32 to index
        %get3A_552 = arith.constant 16 : index
        %get3A_553 = tpu.vector_load %arg6[%get3A_550, %get3A_551, %get3A_552] {strides = array<i32>} : memref<2x512x32xf32, #tpu.memory_space<vmem>>, vector<16xf32>,
        %scatter3A = arith.constant 0 : i32
        %scatter3A_554 = arith.constant 0 : i32
        %scatter3A_555 = arith.constant 0 : i32
        %scatter3A_556 = tpu.memref_slice %arg7[%scatter3A, %scatter3A_554, %scatter3A_555] : memref<2x128x129xf32, #tpu.memory_space<vmem>> -> memref<1x128x129xf32, #tpu.memory_space<vmem>>
        %scatter3A_557 = tpu.memref_squeeze %scatter3A_556 : memref<1x128x129xf32, #tpu.memory_space<vmem>> -> memref<128x129xf32, #tpu.memory_space<vmem>>
        tpu.vector_store_idx %scatter3A_557[%add3A_252, %scan3A_538], %get3A_548 : memref<128x129xf32, #tpu.memory_space<vmem>>[vector<16xi32>, vector<16xi32>], vector<16xf32>,
        %scatter3A_558 = arith.constant 0 : i32
        %scatter3A_559 = arith.constant 0 : i32
        %scatter3A_560 = arith.constant 0 : i32
        %scatter3A_561 = tpu.memref_slice %arg7[%scatter3A_558, %scatter3A_559, %scatter3A_560] : memref<2x128x129xf32, #tpu.memory_space<vmem>> -> memref<1x128x129xf32, #tpu.memory_space<vmem>>
        %scatter3A_562 = tpu.memref_squeeze %scatter3A_561 : memref<1x128x129xf32, #tpu.memory_space<vmem>> -> memref<128x129xf32, #tpu.memory_space<vmem>>
        tpu.vector_store_idx %scatter3A_562[%add3A_255, %scan3A_538], %get3A_553 : memref<128x129xf32, #tpu.memory_space<vmem>>[vector<16xi32>, vector<16xi32>], vector<16xf32>,
        %add3A_563 = arith.constant 1 : i32
        %add3A_564 = vector.broadcast %add3A_563 : i32 to vector<16xi32>
        %add3A_565 = arith.addi %scan3A_538, %add3A_564 : vector<16xi32>
        %scan3A_566 = arith.constant 1 : i32
        %scan3A_567 = arith.addi %scan3A_537, %scan3A_566 : i32
        %mul3A_568 = arith.constant 1 : i32
        %mul3A_569 = arith.muli %scan3A_567, %mul3A_568 : i32
        %add3A_570 = arith.constant 0 : i32
        %add3A_571 = arith.addi %add3A_570, %mul3A_569 : i32
        %add3A_572 = arith.constant 128 : i32
        %add3A_573 = arith.addi %add3A_572, %add3A_571 : i32
        %get3A_574 = arith.constant 0 : i32
        %get3A_575 = arith.index_cast %get3A_574 : i32 to index
        %get3A_576 = arith.index_cast %add3A_573 : i32 to index
        %get3A_577 = arith.constant 0 : index
        %get3A_578 = tpu.vector_load %arg6[%get3A_575, %get3A_576, %get3A_577] {strides = array<i32>} : memref<2x512x32xf32, #tpu.memory_space<vmem>>, vector<16xf32>,
        %get3A_579 = arith.constant 0 : i32
        %get3A_580 = arith.index_cast %get3A_579 : i32 to index
        %get3A_581 = arith.index_cast %add3A_573 : i32 to index
        %get3A_582 = arith.constant 16 : index
        %get3A_583 = tpu.vector_load %arg6[%get3A_580, %get3A_581, %get3A_582] {strides = array<i32>} : memref<2x512x32xf32, #tpu.memory_space<vmem>>, vector<16xf32>,
        %scatter3A_584 = arith.constant 0 : i32
        %scatter3A_585 = arith.constant 0 : i32
        %scatter3A_586 = arith.constant 0 : i32
        %scatter3A_587 = tpu.memref_slice %arg7[%scatter3A_584, %scatter3A_585, %scatter3A_586] : memref<2x128x129xf32, #tpu.memory_space<vmem>> -> memref<1x128x129xf32, #tpu.memory_space<vmem>>
        %scatter3A_588 = tpu.memref_squeeze %scatter3A_587 : memref<1x128x129xf32, #tpu.memory_space<vmem>> -> memref<128x129xf32, #tpu.memory_space<vmem>>
        tpu.vector_store_idx %scatter3A_588[%add3A_252, %add3A_565], %get3A_578 : memref<128x129xf32, #tpu.memory_space<vmem>>[vector<16xi32>, vector<16xi32>], vector<16xf32>,
        %scatter3A_589 = arith.constant 0 : i32
        %scatter3A_590 = arith.constant 0 : i32
        %scatter3A_591 = arith.constant 0 : i32
        %scatter3A_592 = tpu.memref_slice %arg7[%scatter3A_589, %scatter3A_590, %scatter3A_591] : memref<2x128x129xf32, #tpu.memory_space<vmem>> -> memref<1x128x129xf32, #tpu.memory_space<vmem>>
        %scatter3A_593 = tpu.memref_squeeze %scatter3A_592 : memref<1x128x129xf32, #tpu.memory_space<vmem>> -> memref<128x129xf32, #tpu.memory_space<vmem>>
        tpu.vector_store_idx %scatter3A_593[%add3A_255, %add3A_565], %get3A_583 : memref<128x129xf32, #tpu.memory_space<vmem>>[vector<16xi32>, vector<16xi32>], vector<16xf32>,
        %add3A_594 = arith.constant 1 : i32
        %add3A_595 = vector.broadcast %add3A_594 : i32 to vector<16xi32>
        %add3A_596 = arith.addi %add3A_565, %add3A_595 : vector<16xi32>
        %scan3A_597 = arith.constant 2 : i32
        %scan3A_598 = arith.addi %scan3A_537, %scan3A_597 : i32
        %mul3A_599 = arith.constant 1 : i32
        %mul3A_600 = arith.muli %scan3A_598, %mul3A_599 : i32
        %add3A_601 = arith.constant 0 : i32
        %add3A_602 = arith.addi %add3A_601, %mul3A_600 : i32
        %add3A_603 = arith.constant 128 : i32
        %add3A_604 = arith.addi %add3A_603, %add3A_602 : i32
        %get3A_605 = arith.constant 0 : i32
        %get3A_606 = arith.index_cast %get3A_605 : i32 to index
        %get3A_607 = arith.index_cast %add3A_604 : i32 to index
        %get3A_608 = arith.constant 0 : index
        %get3A_609 = tpu.vector_load %arg6[%get3A_606, %get3A_607, %get3A_608] {strides = array<i32>} : memref<2x512x32xf32, #tpu.memory_space<vmem>>, vector<16xf32>,
        %get3A_610 = arith.constant 0 : i32
        %get3A_611 = arith.index_cast %get3A_610 : i32 to index
        %get3A_612 = arith.index_cast %add3A_604 : i32 to index
        %get3A_613 = arith.constant 16 : index
        %get3A_614 = tpu.vector_load %arg6[%get3A_611, %get3A_612, %get3A_613] {strides = array<i32>} : memref<2x512x32xf32, #tpu.memory_space<vmem>>, vector<16xf32>,
        %scatter3A_615 = arith.constant 0 : i32
        %scatter3A_616 = arith.constant 0 : i32
        %scatter3A_617 = arith.constant 0 : i32
        %scatter3A_618 = tpu.memref_slice %arg7[%scatter3A_615, %scatter3A_616, %scatter3A_617] : memref<2x128x129xf32, #tpu.memory_space<vmem>> -> memref<1x128x129xf32, #tpu.memory_space<vmem>>
        %scatter3A_619 = tpu.memref_squeeze %scatter3A_618 : memref<1x128x129xf32, #tpu.memory_space<vmem>> -> memref<128x129xf32, #tpu.memory_space<vmem>>
        tpu.vector_store_idx %scatter3A_619[%add3A_252, %add3A_596], %get3A_609 : memref<128x129xf32, #tpu.memory_space<vmem>>[vector<16xi32>, vector<16xi32>], vector<16xf32>,
        %scatter3A_620 = arith.constant 0 : i32
        %scatter3A_621 = arith.constant 0 : i32
        %scatter3A_622 = arith.constant 0 : i32
        %scatter3A_623 = tpu.memref_slice %arg7[%scatter3A_620, %scatter3A_621, %scatter3A_622] : memref<2x128x129xf32, #tpu.memory_space<vmem>> -> memref<1x128x129xf32, #tpu.memory_space<vmem>>
        %scatter3A_624 = tpu.memref_squeeze %scatter3A_623 : memref<1x128x129xf32, #tpu.memory_space<vmem>> -> memref<128x129xf32, #tpu.memory_space<vmem>>
        tpu.vector_store_idx %scatter3A_624[%add3A_255, %add3A_596], %get3A_614 : memref<128x129xf32, #tpu.memory_space<vmem>>[vector<16xi32>, vector<16xi32>], vector<16xf32>,
        %add3A_625 = arith.constant 1 : i32
        %add3A_626 = vector.broadcast %add3A_625 : i32 to vector<16xi32>
        %add3A_627 = arith.addi %add3A_596, %add3A_626 : vector<16xi32>
        %scan3A_628 = arith.constant 3 : i32
        %scan3A_629 = arith.addi %scan3A_537, %scan3A_628 : i32
        %mul3A_630 = arith.constant 1 : i32
        %mul3A_631 = arith.muli %scan3A_629, %mul3A_630 : i32
        %add3A_632 = arith.constant 0 : i32
        %add3A_633 = arith.addi %add3A_632, %mul3A_631 : i32
        %add3A_634 = arith.constant 128 : i32
        %add3A_635 = arith.addi %add3A_634, %add3A_633 : i32
        %get3A_636 = arith.constant 0 : i32
        %get3A_637 = arith.index_cast %get3A_636 : i32 to index
        %get3A_638 = arith.index_cast %add3A_635 : i32 to index
        %get3A_639 = arith.constant 0 : index
        %get3A_640 = tpu.vector_load %arg6[%get3A_637, %get3A_638, %get3A_639] {strides = array<i32>} : memref<2x512x32xf32, #tpu.memory_space<vmem>>, vector<16xf32>,
        %get3A_641 = arith.constant 0 : i32
        %get3A_642 = arith.index_cast %get3A_641 : i32 to index
        %get3A_643 = arith.index_cast %add3A_635 : i32 to index
        %get3A_644 = arith.constant 16 : index
        %get3A_645 = tpu.vector_load %arg6[%get3A_642, %get3A_643, %get3A_644] {strides = array<i32>} : memref<2x512x32xf32, #tpu.memory_space<vmem>>, vector<16xf32>,
        %scatter3A_646 = arith.constant 0 : i32
        %scatter3A_647 = arith.constant 0 : i32
        %scatter3A_648 = arith.constant 0 : i32
        %scatter3A_649 = tpu.memref_slice %arg7[%scatter3A_646, %scatter3A_647, %scatter3A_648] : memref<2x128x129xf32, #tpu.memory_space<vmem>> -> memref<1x128x129xf32, #tpu.memory_space<vmem>>
        %scatter3A_650 = tpu.memref_squeeze %scatter3A_649 : memref<1x128x129xf32, #tpu.memory_space<vmem>> -> memref<128x129xf32, #tpu.memory_space<vmem>>
        tpu.vector_store_idx %scatter3A_650[%add3A_252, %add3A_627], %get3A_640 : memref<128x129xf32, #tpu.memory_space<vmem>>[vector<16xi32>, vector<16xi32>], vector<16xf32>,
        %scatter3A_651 = arith.constant 0 : i32
        %scatter3A_652 = arith.constant 0 : i32
        %scatter3A_653 = arith.constant 0 : i32
        %scatter3A_654 = tpu.memref_slice %arg7[%scatter3A_651, %scatter3A_652, %scatter3A_653] : memref<2x128x129xf32, #tpu.memory_space<vmem>> -> memref<1x128x129xf32, #tpu.memory_space<vmem>>
        %scatter3A_655 = tpu.memref_squeeze %scatter3A_654 : memref<1x128x129xf32, #tpu.memory_space<vmem>> -> memref<128x129xf32, #tpu.memory_space<vmem>>
        tpu.vector_store_idx %scatter3A_655[%add3A_255, %add3A_627], %get3A_645 : memref<128x129xf32, #tpu.memory_space<vmem>>[vector<16xi32>, vector<16xi32>], vector<16xf32>,
        %add3A_656 = arith.constant 1 : i32
        %add3A_657 = vector.broadcast %add3A_656 : i32 to vector<16xi32>
        %add3A_658 = arith.addi %add3A_627, %add3A_657 : vector<16xi32>
        %scan3A_659 = arith.constant 4 : i32
        %scan3A_660 = arith.addi %scan3A_537, %scan3A_659 : i32
        %mul3A_661 = arith.constant 1 : i32
        %mul3A_662 = arith.muli %scan3A_660, %mul3A_661 : i32
        %add3A_663 = arith.constant 0 : i32
        %add3A_664 = arith.addi %add3A_663, %mul3A_662 : i32
        %add3A_665 = arith.constant 128 : i32
        %add3A_666 = arith.addi %add3A_665, %add3A_664 : i32
        %get3A_667 = arith.constant 0 : i32
        %get3A_668 = arith.index_cast %get3A_667 : i32 to index
        %get3A_669 = arith.index_cast %add3A_666 : i32 to index
        %get3A_670 = arith.constant 0 : index
        %get3A_671 = tpu.vector_load %arg6[%get3A_668, %get3A_669, %get3A_670] {strides = array<i32>} : memref<2x512x32xf32, #tpu.memory_space<vmem>>, vector<16xf32>,
        %get3A_672 = arith.constant 0 : i32
        %get3A_673 = arith.index_cast %get3A_672 : i32 to index
        %get3A_674 = arith.index_cast %add3A_666 : i32 to index
        %get3A_675 = arith.constant 16 : index
        %get3A_676 = tpu.vector_load %arg6[%get3A_673, %get3A_674, %get3A_675] {strides = array<i32>} : memref<2x512x32xf32, #tpu.memory_space<vmem>>, vector<16xf32>,
        %scatter3A_677 = arith.constant 0 : i32
        %scatter3A_678 = arith.constant 0 : i32
        %scatter3A_679 = arith.constant 0 : i32
        %scatter3A_680 = tpu.memref_slice %arg7[%scatter3A_677, %scatter3A_678, %scatter3A_679] : memref<2x128x129xf32, #tpu.memory_space<vmem>> -> memref<1x128x129xf32, #tpu.memory_space<vmem>>
        %scatter3A_681 = tpu.memref_squeeze %scatter3A_680 : memref<1x128x129xf32, #tpu.memory_space<vmem>> -> memref<128x129xf32, #tpu.memory_space<vmem>>
        tpu.vector_store_idx %scatter3A_681[%add3A_252, %add3A_658], %get3A_671 : memref<128x129xf32, #tpu.memory_space<vmem>>[vector<16xi32>, vector<16xi32>], vector<16xf32>,
        %scatter3A_682 = arith.constant 0 : i32
        %scatter3A_683 = arith.constant 0 : i32
        %scatter3A_684 = arith.constant 0 : i32
        %scatter3A_685 = tpu.memref_slice %arg7[%scatter3A_682, %scatter3A_683, %scatter3A_684] : memref<2x128x129xf32, #tpu.memory_space<vmem>> -> memref<1x128x129xf32, #tpu.memory_space<vmem>>
        %scatter3A_686 = tpu.memref_squeeze %scatter3A_685 : memref<1x128x129xf32, #tpu.memory_space<vmem>> -> memref<128x129xf32, #tpu.memory_space<vmem>>
        tpu.vector_store_idx %scatter3A_686[%add3A_255, %add3A_658], %get3A_676 : memref<128x129xf32, #tpu.memory_space<vmem>>[vector<16xi32>, vector<16xi32>], vector<16xf32>,
        %add3A_687 = arith.constant 1 : i32
        %add3A_688 = vector.broadcast %add3A_687 : i32 to vector<16xi32>
        %add3A_689 = arith.addi %add3A_658, %add3A_688 : vector<16xi32>
        %scan3A_690 = arith.constant 5 : i32
        %scan3A_691 = arith.addi %scan3A_537, %scan3A_690 : i32
        %mul3A_692 = arith.constant 1 : i32
        %mul3A_693 = arith.muli %scan3A_691, %mul3A_692 : i32
        %add3A_694 = arith.constant 0 : i32
        %add3A_695 = arith.addi %add3A_694, %mul3A_693 : i32
        %add3A_696 = arith.constant 128 : i32
        %add3A_697 = arith.addi %add3A_696, %add3A_695 : i32
        %get3A_698 = arith.constant 0 : i32
        %get3A_699 = arith.index_cast %get3A_698 : i32 to index
        %get3A_700 = arith.index_cast %add3A_697 : i32 to index
        %get3A_701 = arith.constant 0 : index
        %get3A_702 = tpu.vector_load %arg6[%get3A_699, %get3A_700, %get3A_701] {strides = array<i32>} : memref<2x512x32xf32, #tpu.memory_space<vmem>>, vector<16xf32>,
        %get3A_703 = arith.constant 0 : i32
        %get3A_704 = arith.index_cast %get3A_703 : i32 to index
        %get3A_705 = arith.index_cast %add3A_697 : i32 to index
        %get3A_706 = arith.constant 16 : index
        %get3A_707 = tpu.vector_load %arg6[%get3A_704, %get3A_705, %get3A_706] {strides = array<i32>} : memref<2x512x32xf32, #tpu.memory_space<vmem>>, vector<16xf32>,
        %scatter3A_708 = arith.constant 0 : i32
        %scatter3A_709 = arith.constant 0 : i32
        %scatter3A_710 = arith.constant 0 : i32
        %scatter3A_711 = tpu.memref_slice %arg7[%scatter3A_708, %scatter3A_709, %scatter3A_710] : memref<2x128x129xf32, #tpu.memory_space<vmem>> -> memref<1x128x129xf32, #tpu.memory_space<vmem>>
        %scatter3A_712 = tpu.memref_squeeze %scatter3A_711 : memref<1x128x129xf32, #tpu.memory_space<vmem>> -> memref<128x129xf32, #tpu.memory_space<vmem>>
        tpu.vector_store_idx %scatter3A_712[%add3A_252, %add3A_689], %get3A_702 : memref<128x129xf32, #tpu.memory_space<vmem>>[vector<16xi32>, vector<16xi32>], vector<16xf32>,
        %scatter3A_713 = arith.constant 0 : i32
        %scatter3A_714 = arith.constant 0 : i32
        %scatter3A_715 = arith.constant 0 : i32
        %scatter3A_716 = tpu.memref_slice %arg7[%scatter3A_713, %scatter3A_714, %scatter3A_715] : memref<2x128x129xf32, #tpu.memory_space<vmem>> -> memref<1x128x129xf32, #tpu.memory_space<vmem>>
        %scatter3A_717 = tpu.memref_squeeze %scatter3A_716 : memref<1x128x129xf32, #tpu.memory_space<vmem>> -> memref<128x129xf32, #tpu.memory_space<vmem>>
        tpu.vector_store_idx %scatter3A_717[%add3A_255, %add3A_689], %get3A_707 : memref<128x129xf32, #tpu.memory_space<vmem>>[vector<16xi32>, vector<16xi32>], vector<16xf32>,
        %add3A_718 = arith.constant 1 : i32
        %add3A_719 = vector.broadcast %add3A_718 : i32 to vector<16xi32>
        %add3A_720 = arith.addi %add3A_689, %add3A_719 : vector<16xi32>
        %scan3A_721 = arith.constant 6 : i32
        %scan3A_722 = arith.addi %scan3A_537, %scan3A_721 : i32
        %mul3A_723 = arith.constant 1 : i32
        %mul3A_724 = arith.muli %scan3A_722, %mul3A_723 : i32
        %add3A_725 = arith.constant 0 : i32
        %add3A_726 = arith.addi %add3A_725, %mul3A_724 : i32
        %add3A_727 = arith.constant 128 : i32
        %add3A_728 = arith.addi %add3A_727, %add3A_726 : i32
        %get3A_729 = arith.constant 0 : i32
        %get3A_730 = arith.index_cast %get3A_729 : i32 to index
        %get3A_731 = arith.index_cast %add3A_728 : i32 to index
        %get3A_732 = arith.constant 0 : index
        %get3A_733 = tpu.vector_load %arg6[%get3A_730, %get3A_731, %get3A_732] {strides = array<i32>} : memref<2x512x32xf32, #tpu.memory_space<vmem>>, vector<16xf32>,
        %get3A_734 = arith.constant 0 : i32
        %get3A_735 = arith.index_cast %get3A_734 : i32 to index
        %get3A_736 = arith.index_cast %add3A_728 : i32 to index
        %get3A_737 = arith.constant 16 : index
        %get3A_738 = tpu.vector_load %arg6[%get3A_735, %get3A_736, %get3A_737] {strides = array<i32>} : memref<2x512x32xf32, #tpu.memory_space<vmem>>, vector<16xf32>,
        %scatter3A_739 = arith.constant 0 : i32
        %scatter3A_740 = arith.constant 0 : i32
        %scatter3A_741 = arith.constant 0 : i32
        %scatter3A_742 = tpu.memref_slice %arg7[%scatter3A_739, %scatter3A_740, %scatter3A_741] : memref<2x128x129xf32, #tpu.memory_space<vmem>> -> memref<1x128x129xf32, #tpu.memory_space<vmem>>
        %scatter3A_743 = tpu.memref_squeeze %scatter3A_742 : memref<1x128x129xf32, #tpu.memory_space<vmem>> -> memref<128x129xf32, #tpu.memory_space<vmem>>
        tpu.vector_store_idx %scatter3A_743[%add3A_252, %add3A_720], %get3A_733 : memref<128x129xf32, #tpu.memory_space<vmem>>[vector<16xi32>, vector<16xi32>], vector<16xf32>,
        %scatter3A_744 = arith.constant 0 : i32
        %scatter3A_745 = arith.constant 0 : i32
        %scatter3A_746 = arith.constant 0 : i32
        %scatter3A_747 = tpu.memref_slice %arg7[%scatter3A_744, %scatter3A_745, %scatter3A_746] : memref<2x128x129xf32, #tpu.memory_space<vmem>> -> memref<1x128x129xf32, #tpu.memory_space<vmem>>
        %scatter3A_748 = tpu.memref_squeeze %scatter3A_747 : memref<1x128x129xf32, #tpu.memory_space<vmem>> -> memref<128x129xf32, #tpu.memory_space<vmem>>
        tpu.vector_store_idx %scatter3A_748[%add3A_255, %add3A_720], %get3A_738 : memref<128x129xf32, #tpu.memory_space<vmem>>[vector<16xi32>, vector<16xi32>], vector<16xf32>,
        %add3A_749 = arith.constant 1 : i32
        %add3A_750 = vector.broadcast %add3A_749 : i32 to vector<16xi32>
        %add3A_751 = arith.addi %add3A_720, %add3A_750 : vector<16xi32>
        %scan3A_752 = arith.constant 7 : i32
        %scan3A_753 = arith.addi %scan3A_537, %scan3A_752 : i32
        %mul3A_754 = arith.constant 1 : i32
        %mul3A_755 = arith.muli %scan3A_753, %mul3A_754 : i32
        %add3A_756 = arith.constant 0 : i32
        %add3A_757 = arith.addi %add3A_756, %mul3A_755 : i32
        %add3A_758 = arith.constant 128 : i32
        %add3A_759 = arith.addi %add3A_758, %add3A_757 : i32
        %get3A_760 = arith.constant 0 : i32
        %get3A_761 = arith.index_cast %get3A_760 : i32 to index
        %get3A_762 = arith.index_cast %add3A_759 : i32 to index
        %get3A_763 = arith.constant 0 : index
        %get3A_764 = tpu.vector_load %arg6[%get3A_761, %get3A_762, %get3A_763] {strides = array<i32>} : memref<2x512x32xf32, #tpu.memory_space<vmem>>, vector<16xf32>,
        %get3A_765 = arith.constant 0 : i32
        %get3A_766 = arith.index_cast %get3A_765 : i32 to index
        %get3A_767 = arith.index_cast %add3A_759 : i32 to index
        %get3A_768 = arith.constant 16 : index
        %get3A_769 = tpu.vector_load %arg6[%get3A_766, %get3A_767, %get3A_768] {strides = array<i32>} : memref<2x512x32xf32, #tpu.memory_space<vmem>>, vector<16xf32>,
        %scatter3A_770 = arith.constant 0 : i32
        %scatter3A_771 = arith.constant 0 : i32
        %scatter3A_772 = arith.constant 0 : i32
        %scatter3A_773 = tpu.memref_slice %arg7[%scatter3A_770, %scatter3A_771, %scatter3A_772] : memref<2x128x129xf32, #tpu.memory_space<vmem>> -> memref<1x128x129xf32, #tpu.memory_space<vmem>>
        %scatter3A_774 = tpu.memref_squeeze %scatter3A_773 : memref<1x128x129xf32, #tpu.memory_space<vmem>> -> memref<128x129xf32, #tpu.memory_space<vmem>>
        tpu.vector_store_idx %scatter3A_774[%add3A_252, %add3A_751], %get3A_764 : memref<128x129xf32, #tpu.memory_space<vmem>>[vector<16xi32>, vector<16xi32>], vector<16xf32>,
        %scatter3A_775 = arith.constant 0 : i32
        %scatter3A_776 = arith.constant 0 : i32
        %scatter3A_777 = arith.constant 0 : i32
        %scatter3A_778 = tpu.memref_slice %arg7[%scatter3A_775, %scatter3A_776, %scatter3A_777] : memref<2x128x129xf32, #tpu.memory_space<vmem>> -> memref<1x128x129xf32, #tpu.memory_space<vmem>>
        %scatter3A_779 = tpu.memref_squeeze %scatter3A_778 : memref<1x128x129xf32, #tpu.memory_space<vmem>> -> memref<128x129xf32, #tpu.memory_space<vmem>>
        tpu.vector_store_idx %scatter3A_779[%add3A_255, %add3A_751], %get3A_769 : memref<128x129xf32, #tpu.memory_space<vmem>>[vector<16xi32>, vector<16xi32>], vector<16xf32>,
        %add3A_780 = arith.constant 1 : i32
        %add3A_781 = vector.broadcast %add3A_780 : i32 to vector<16xi32>
        %add3A_782 = arith.addi %add3A_751, %add3A_781 : vector<16xi32>
        scf.yield %add3A_782 : vector<16xi32>
      }
      %scan3A_261 = arith.constant 128 : i32
      %add3A_262 = arith.constant 16 : i32
      %add3A_263 = vector.broadcast %add3A_262 : i32 to vector<16xi32>
      %add3A_264 = arith.addi %add3A_11, %add3A_263 : vector<16xi32>
      %add3A_265 = arith.constant 64 : i32
      %add3A_266 = vector.broadcast %add3A_265 : i32 to vector<16xi32>
      %add3A_267 = arith.addi %add3A_264, %add3A_266 : vector<16xi32>
      %scan3A_268 = arith.constant 0 : i32
      %scan3A_269 = arith.constant 128 : i32
      %scan3A_270 = arith.addi %scan3A_268, %scan3A_269 : i32
      %scan3A_271 = arith.constant 8 : i32
      %scan3A_272 = scf.for %scan3A_537 = %scan3A_268 to %scan3A_270 step %scan3A_271 iter_args(%scan3A_538 = %and3A_14) -> (vector<16xi32>)  : i32 {
        %mul3A_539 = arith.constant 1 : i32
        %mul3A_540 = arith.muli %scan3A_537, %mul3A_539 : i32
        %add3A_541 = arith.constant 0 : i32
        %add3A_542 = arith.addi %add3A_541, %mul3A_540 : i32
        %add3A_543 = arith.constant 256 : i32
        %add3A_544 = arith.addi %add3A_543, %add3A_542 : i32
        %get3A = arith.constant 0 : i32
        %get3A_545 = arith.index_cast %get3A : i32 to index
        %get3A_546 = arith.index_cast %add3A_544 : i32 to index
        %get3A_547 = arith.constant 0 : index
        %get3A_548 = tpu.vector_load %arg6[%get3A_545, %get3A_546, %get3A_547] {strides = array<i32>} : memref<2x512x32xf32, #tpu.memory_space<vmem>>, vector<16xf32>,
        %get3A_549 = arith.constant 0 : i32
        %get3A_550 = arith.index_cast %get3A_549 : i32 to index
        %get3A_551 = arith.index_cast %add3A_544 : i32 to index
        %get3A_552 = arith.constant 16 : index
        %get3A_553 = tpu.vector_load %arg6[%get3A_550, %get3A_551, %get3A_552] {strides = array<i32>} : memref<2x512x32xf32, #tpu.memory_space<vmem>>, vector<16xf32>,
        %scatter3A = arith.constant 0 : i32
        %scatter3A_554 = arith.constant 0 : i32
        %scatter3A_555 = arith.constant 0 : i32
        %scatter3A_556 = tpu.memref_slice %arg7[%scatter3A, %scatter3A_554, %scatter3A_555] : memref<2x128x129xf32, #tpu.memory_space<vmem>> -> memref<1x128x129xf32, #tpu.memory_space<vmem>>
        %scatter3A_557 = tpu.memref_squeeze %scatter3A_556 : memref<1x128x129xf32, #tpu.memory_space<vmem>> -> memref<128x129xf32, #tpu.memory_space<vmem>>
        tpu.vector_store_idx %scatter3A_557[%add3A_264, %scan3A_538], %get3A_548 : memref<128x129xf32, #tpu.memory_space<vmem>>[vector<16xi32>, vector<16xi32>], vector<16xf32>,
        %scatter3A_558 = arith.constant 0 : i32
        %scatter3A_559 = arith.constant 0 : i32
        %scatter3A_560 = arith.constant 0 : i32
        %scatter3A_561 = tpu.memref_slice %arg7[%scatter3A_558, %scatter3A_559, %scatter3A_560] : memref<2x128x129xf32, #tpu.memory_space<vmem>> -> memref<1x128x129xf32, #tpu.memory_space<vmem>>
        %scatter3A_562 = tpu.memref_squeeze %scatter3A_561 : memref<1x128x129xf32, #tpu.memory_space<vmem>> -> memref<128x129xf32, #tpu.memory_space<vmem>>
        tpu.vector_store_idx %scatter3A_562[%add3A_267, %scan3A_538], %get3A_553 : memref<128x129xf32, #tpu.memory_space<vmem>>[vector<16xi32>, vector<16xi32>], vector<16xf32>,
        %add3A_563 = arith.constant 1 : i32
        %add3A_564 = vector.broadcast %add3A_563 : i32 to vector<16xi32>
        %add3A_565 = arith.addi %scan3A_538, %add3A_564 : vector<16xi32>
        %scan3A_566 = arith.constant 1 : i32
        %scan3A_567 = arith.addi %scan3A_537, %scan3A_566 : i32
        %mul3A_568 = arith.constant 1 : i32
        %mul3A_569 = arith.muli %scan3A_567, %mul3A_568 : i32
        %add3A_570 = arith.constant 0 : i32
        %add3A_571 = arith.addi %add3A_570, %mul3A_569 : i32
        %add3A_572 = arith.constant 256 : i32
        %add3A_573 = arith.addi %add3A_572, %add3A_571 : i32
        %get3A_574 = arith.constant 0 : i32
        %get3A_575 = arith.index_cast %get3A_574 : i32 to index
        %get3A_576 = arith.index_cast %add3A_573 : i32 to index
        %get3A_577 = arith.constant 0 : index
        %get3A_578 = tpu.vector_load %arg6[%get3A_575, %get3A_576, %get3A_577] {strides = array<i32>} : memref<2x512x32xf32, #tpu.memory_space<vmem>>, vector<16xf32>,
        %get3A_579 = arith.constant 0 : i32
        %get3A_580 = arith.index_cast %get3A_579 : i32 to index
        %get3A_581 = arith.index_cast %add3A_573 : i32 to index
        %get3A_582 = arith.constant 16 : index
        %get3A_583 = tpu.vector_load %arg6[%get3A_580, %get3A_581, %get3A_582] {strides = array<i32>} : memref<2x512x32xf32, #tpu.memory_space<vmem>>, vector<16xf32>,
        %scatter3A_584 = arith.constant 0 : i32
        %scatter3A_585 = arith.constant 0 : i32
        %scatter3A_586 = arith.constant 0 : i32
        %scatter3A_587 = tpu.memref_slice %arg7[%scatter3A_584, %scatter3A_585, %scatter3A_586] : memref<2x128x129xf32, #tpu.memory_space<vmem>> -> memref<1x128x129xf32, #tpu.memory_space<vmem>>
        %scatter3A_588 = tpu.memref_squeeze %scatter3A_587 : memref<1x128x129xf32, #tpu.memory_space<vmem>> -> memref<128x129xf32, #tpu.memory_space<vmem>>
        tpu.vector_store_idx %scatter3A_588[%add3A_264, %add3A_565], %get3A_578 : memref<128x129xf32, #tpu.memory_space<vmem>>[vector<16xi32>, vector<16xi32>], vector<16xf32>,
        %scatter3A_589 = arith.constant 0 : i32
        %scatter3A_590 = arith.constant 0 : i32
        %scatter3A_591 = arith.constant 0 : i32
        %scatter3A_592 = tpu.memref_slice %arg7[%scatter3A_589, %scatter3A_590, %scatter3A_591] : memref<2x128x129xf32, #tpu.memory_space<vmem>> -> memref<1x128x129xf32, #tpu.memory_space<vmem>>
        %scatter3A_593 = tpu.memref_squeeze %scatter3A_592 : memref<1x128x129xf32, #tpu.memory_space<vmem>> -> memref<128x129xf32, #tpu.memory_space<vmem>>
        tpu.vector_store_idx %scatter3A_593[%add3A_267, %add3A_565], %get3A_583 : memref<128x129xf32, #tpu.memory_space<vmem>>[vector<16xi32>, vector<16xi32>], vector<16xf32>,
        %add3A_594 = arith.constant 1 : i32
        %add3A_595 = vector.broadcast %add3A_594 : i32 to vector<16xi32>
        %add3A_596 = arith.addi %add3A_565, %add3A_595 : vector<16xi32>
        %scan3A_597 = arith.constant 2 : i32
        %scan3A_598 = arith.addi %scan3A_537, %scan3A_597 : i32
        %mul3A_599 = arith.constant 1 : i32
        %mul3A_600 = arith.muli %scan3A_598, %mul3A_599 : i32
        %add3A_601 = arith.constant 0 : i32
        %add3A_602 = arith.addi %add3A_601, %mul3A_600 : i32
        %add3A_603 = arith.constant 256 : i32
        %add3A_604 = arith.addi %add3A_603, %add3A_602 : i32
        %get3A_605 = arith.constant 0 : i32
        %get3A_606 = arith.index_cast %get3A_605 : i32 to index
        %get3A_607 = arith.index_cast %add3A_604 : i32 to index
        %get3A_608 = arith.constant 0 : index
        %get3A_609 = tpu.vector_load %arg6[%get3A_606, %get3A_607, %get3A_608] {strides = array<i32>} : memref<2x512x32xf32, #tpu.memory_space<vmem>>, vector<16xf32>,
        %get3A_610 = arith.constant 0 : i32
        %get3A_611 = arith.index_cast %get3A_610 : i32 to index
        %get3A_612 = arith.index_cast %add3A_604 : i32 to index
        %get3A_613 = arith.constant 16 : index
        %get3A_614 = tpu.vector_load %arg6[%get3A_611, %get3A_612, %get3A_613] {strides = array<i32>} : memref<2x512x32xf32, #tpu.memory_space<vmem>>, vector<16xf32>,
        %scatter3A_615 = arith.constant 0 : i32
        %scatter3A_616 = arith.constant 0 : i32
        %scatter3A_617 = arith.constant 0 : i32
        %scatter3A_618 = tpu.memref_slice %arg7[%scatter3A_615, %scatter3A_616, %scatter3A_617] : memref<2x128x129xf32, #tpu.memory_space<vmem>> -> memref<1x128x129xf32, #tpu.memory_space<vmem>>
        %scatter3A_619 = tpu.memref_squeeze %scatter3A_618 : memref<1x128x129xf32, #tpu.memory_space<vmem>> -> memref<128x129xf32, #tpu.memory_space<vmem>>
        tpu.vector_store_idx %scatter3A_619[%add3A_264, %add3A_596], %get3A_609 : memref<128x129xf32, #tpu.memory_space<vmem>>[vector<16xi32>, vector<16xi32>], vector<16xf32>,
        %scatter3A_620 = arith.constant 0 : i32
        %scatter3A_621 = arith.constant 0 : i32
        %scatter3A_622 = arith.constant 0 : i32
        %scatter3A_623 = tpu.memref_slice %arg7[%scatter3A_620, %scatter3A_621, %scatter3A_622] : memref<2x128x129xf32, #tpu.memory_space<vmem>> -> memref<1x128x129xf32, #tpu.memory_space<vmem>>
        %scatter3A_624 = tpu.memref_squeeze %scatter3A_623 : memref<1x128x129xf32, #tpu.memory_space<vmem>> -> memref<128x129xf32, #tpu.memory_space<vmem>>
        tpu.vector_store_idx %scatter3A_624[%add3A_267, %add3A_596], %get3A_614 : memref<128x129xf32, #tpu.memory_space<vmem>>[vector<16xi32>, vector<16xi32>], vector<16xf32>,
        %add3A_625 = arith.constant 1 : i32
        %add3A_626 = vector.broadcast %add3A_625 : i32 to vector<16xi32>
        %add3A_627 = arith.addi %add3A_596, %add3A_626 : vector<16xi32>
        %scan3A_628 = arith.constant 3 : i32
        %scan3A_629 = arith.addi %scan3A_537, %scan3A_628 : i32
        %mul3A_630 = arith.constant 1 : i32
        %mul3A_631 = arith.muli %scan3A_629, %mul3A_630 : i32
        %add3A_632 = arith.constant 0 : i32
        %add3A_633 = arith.addi %add3A_632, %mul3A_631 : i32
        %add3A_634 = arith.constant 256 : i32
        %add3A_635 = arith.addi %add3A_634, %add3A_633 : i32
        %get3A_636 = arith.constant 0 : i32
        %get3A_637 = arith.index_cast %get3A_636 : i32 to index
        %get3A_638 = arith.index_cast %add3A_635 : i32 to index
        %get3A_639 = arith.constant 0 : index
        %get3A_640 = tpu.vector_load %arg6[%get3A_637, %get3A_638, %get3A_639] {strides = array<i32>} : memref<2x512x32xf32, #tpu.memory_space<vmem>>, vector<16xf32>,
        %get3A_641 = arith.constant 0 : i32
        %get3A_642 = arith.index_cast %get3A_641 : i32 to index
        %get3A_643 = arith.index_cast %add3A_635 : i32 to index
        %get3A_644 = arith.constant 16 : index
        %get3A_645 = tpu.vector_load %arg6[%get3A_642, %get3A_643, %get3A_644] {strides = array<i32>} : memref<2x512x32xf32, #tpu.memory_space<vmem>>, vector<16xf32>,
        %scatter3A_646 = arith.constant 0 : i32
        %scatter3A_647 = arith.constant 0 : i32
        %scatter3A_648 = arith.constant 0 : i32
        %scatter3A_649 = tpu.memref_slice %arg7[%scatter3A_646, %scatter3A_647, %scatter3A_648] : memref<2x128x129xf32, #tpu.memory_space<vmem>> -> memref<1x128x129xf32, #tpu.memory_space<vmem>>
        %scatter3A_650 = tpu.memref_squeeze %scatter3A_649 : memref<1x128x129xf32, #tpu.memory_space<vmem>> -> memref<128x129xf32, #tpu.memory_space<vmem>>
        tpu.vector_store_idx %scatter3A_650[%add3A_264, %add3A_627], %get3A_640 : memref<128x129xf32, #tpu.memory_space<vmem>>[vector<16xi32>, vector<16xi32>], vector<16xf32>,
        %scatter3A_651 = arith.constant 0 : i32
        %scatter3A_652 = arith.constant 0 : i32
        %scatter3A_653 = arith.constant 0 : i32
        %scatter3A_654 = tpu.memref_slice %arg7[%scatter3A_651, %scatter3A_652, %scatter3A_653] : memref<2x128x129xf32, #tpu.memory_space<vmem>> -> memref<1x128x129xf32, #tpu.memory_space<vmem>>
        %scatter3A_655 = tpu.memref_squeeze %scatter3A_654 : memref<1x128x129xf32, #tpu.memory_space<vmem>> -> memref<128x129xf32, #tpu.memory_space<vmem>>
        tpu.vector_store_idx %scatter3A_655[%add3A_267, %add3A_627], %get3A_645 : memref<128x129xf32, #tpu.memory_space<vmem>>[vector<16xi32>, vector<16xi32>], vector<16xf32>,
        %add3A_656 = arith.constant 1 : i32
        %add3A_657 = vector.broadcast %add3A_656 : i32 to vector<16xi32>
        %add3A_658 = arith.addi %add3A_627, %add3A_657 : vector<16xi32>
        %scan3A_659 = arith.constant 4 : i32
        %scan3A_660 = arith.addi %scan3A_537, %scan3A_659 : i32
        %mul3A_661 = arith.constant 1 : i32
        %mul3A_662 = arith.muli %scan3A_660, %mul3A_661 : i32
        %add3A_663 = arith.constant 0 : i32
        %add3A_664 = arith.addi %add3A_663, %mul3A_662 : i32
        %add3A_665 = arith.constant 256 : i32
        %add3A_666 = arith.addi %add3A_665, %add3A_664 : i32
        %get3A_667 = arith.constant 0 : i32
        %get3A_668 = arith.index_cast %get3A_667 : i32 to index
        %get3A_669 = arith.index_cast %add3A_666 : i32 to index
        %get3A_670 = arith.constant 0 : index
        %get3A_671 = tpu.vector_load %arg6[%get3A_668, %get3A_669, %get3A_670] {strides = array<i32>} : memref<2x512x32xf32, #tpu.memory_space<vmem>>, vector<16xf32>,
        %get3A_672 = arith.constant 0 : i32
        %get3A_673 = arith.index_cast %get3A_672 : i32 to index
        %get3A_674 = arith.index_cast %add3A_666 : i32 to index
        %get3A_675 = arith.constant 16 : index
        %get3A_676 = tpu.vector_load %arg6[%get3A_673, %get3A_674, %get3A_675] {strides = array<i32>} : memref<2x512x32xf32, #tpu.memory_space<vmem>>, vector<16xf32>,
        %scatter3A_677 = arith.constant 0 : i32
        %scatter3A_678 = arith.constant 0 : i32
        %scatter3A_679 = arith.constant 0 : i32
        %scatter3A_680 = tpu.memref_slice %arg7[%scatter3A_677, %scatter3A_678, %scatter3A_679] : memref<2x128x129xf32, #tpu.memory_space<vmem>> -> memref<1x128x129xf32, #tpu.memory_space<vmem>>
        %scatter3A_681 = tpu.memref_squeeze %scatter3A_680 : memref<1x128x129xf32, #tpu.memory_space<vmem>> -> memref<128x129xf32, #tpu.memory_space<vmem>>
        tpu.vector_store_idx %scatter3A_681[%add3A_264, %add3A_658], %get3A_671 : memref<128x129xf32, #tpu.memory_space<vmem>>[vector<16xi32>, vector<16xi32>], vector<16xf32>,
        %scatter3A_682 = arith.constant 0 : i32
        %scatter3A_683 = arith.constant 0 : i32
        %scatter3A_684 = arith.constant 0 : i32
        %scatter3A_685 = tpu.memref_slice %arg7[%scatter3A_682, %scatter3A_683, %scatter3A_684] : memref<2x128x129xf32, #tpu.memory_space<vmem>> -> memref<1x128x129xf32, #tpu.memory_space<vmem>>
        %scatter3A_686 = tpu.memref_squeeze %scatter3A_685 : memref<1x128x129xf32, #tpu.memory_space<vmem>> -> memref<128x129xf32, #tpu.memory_space<vmem>>
        tpu.vector_store_idx %scatter3A_686[%add3A_267, %add3A_658], %get3A_676 : memref<128x129xf32, #tpu.memory_space<vmem>>[vector<16xi32>, vector<16xi32>], vector<16xf32>,
        %add3A_687 = arith.constant 1 : i32
        %add3A_688 = vector.broadcast %add3A_687 : i32 to vector<16xi32>
        %add3A_689 = arith.addi %add3A_658, %add3A_688 : vector<16xi32>
        %scan3A_690 = arith.constant 5 : i32
        %scan3A_691 = arith.addi %scan3A_537, %scan3A_690 : i32
        %mul3A_692 = arith.constant 1 : i32
        %mul3A_693 = arith.muli %scan3A_691, %mul3A_692 : i32
        %add3A_694 = arith.constant 0 : i32
        %add3A_695 = arith.addi %add3A_694, %mul3A_693 : i32
        %add3A_696 = arith.constant 256 : i32
        %add3A_697 = arith.addi %add3A_696, %add3A_695 : i32
        %get3A_698 = arith.constant 0 : i32
        %get3A_699 = arith.index_cast %get3A_698 : i32 to index
        %get3A_700 = arith.index_cast %add3A_697 : i32 to index
        %get3A_701 = arith.constant 0 : index
        %get3A_702 = tpu.vector_load %arg6[%get3A_699, %get3A_700, %get3A_701] {strides = array<i32>} : memref<2x512x32xf32, #tpu.memory_space<vmem>>, vector<16xf32>,
        %get3A_703 = arith.constant 0 : i32
        %get3A_704 = arith.index_cast %get3A_703 : i32 to index
        %get3A_705 = arith.index_cast %add3A_697 : i32 to index
        %get3A_706 = arith.constant 16 : index
        %get3A_707 = tpu.vector_load %arg6[%get3A_704, %get3A_705, %get3A_706] {strides = array<i32>} : memref<2x512x32xf32, #tpu.memory_space<vmem>>, vector<16xf32>,
        %scatter3A_708 = arith.constant 0 : i32
        %scatter3A_709 = arith.constant 0 : i32
        %scatter3A_710 = arith.constant 0 : i32
        %scatter3A_711 = tpu.memref_slice %arg7[%scatter3A_708, %scatter3A_709, %scatter3A_710] : memref<2x128x129xf32, #tpu.memory_space<vmem>> -> memref<1x128x129xf32, #tpu.memory_space<vmem>>
        %scatter3A_712 = tpu.memref_squeeze %scatter3A_711 : memref<1x128x129xf32, #tpu.memory_space<vmem>> -> memref<128x129xf32, #tpu.memory_space<vmem>>
        tpu.vector_store_idx %scatter3A_712[%add3A_264, %add3A_689], %get3A_702 : memref<128x129xf32, #tpu.memory_space<vmem>>[vector<16xi32>, vector<16xi32>], vector<16xf32>,
        %scatter3A_713 = arith.constant 0 : i32
        %scatter3A_714 = arith.constant 0 : i32
        %scatter3A_715 = arith.constant 0 : i32
        %scatter3A_716 = tpu.memref_slice %arg7[%scatter3A_713, %scatter3A_714, %scatter3A_715] : memref<2x128x129xf32, #tpu.memory_space<vmem>> -> memref<1x128x129xf32, #tpu.memory_space<vmem>>
        %scatter3A_717 = tpu.memref_squeeze %scatter3A_716 : memref<1x128x129xf32, #tpu.memory_space<vmem>> -> memref<128x129xf32, #tpu.memory_space<vmem>>
        tpu.vector_store_idx %scatter3A_717[%add3A_267, %add3A_689], %get3A_707 : memref<128x129xf32, #tpu.memory_space<vmem>>[vector<16xi32>, vector<16xi32>], vector<16xf32>,
        %add3A_718 = arith.constant 1 : i32
        %add3A_719 = vector.broadcast %add3A_718 : i32 to vector<16xi32>
        %add3A_720 = arith.addi %add3A_689, %add3A_719 : vector<16xi32>
        %scan3A_721 = arith.constant 6 : i32
        %scan3A_722 = arith.addi %scan3A_537, %scan3A_721 : i32
        %mul3A_723 = arith.constant 1 : i32
        %mul3A_724 = arith.muli %scan3A_722, %mul3A_723 : i32
        %add3A_725 = arith.constant 0 : i32
        %add3A_726 = arith.addi %add3A_725, %mul3A_724 : i32
        %add3A_727 = arith.constant 256 : i32
        %add3A_728 = arith.addi %add3A_727, %add3A_726 : i32
        %get3A_729 = arith.constant 0 : i32
        %get3A_730 = arith.index_cast %get3A_729 : i32 to index
        %get3A_731 = arith.index_cast %add3A_728 : i32 to index
        %get3A_732 = arith.constant 0 : index
        %get3A_733 = tpu.vector_load %arg6[%get3A_730, %get3A_731, %get3A_732] {strides = array<i32>} : memref<2x512x32xf32, #tpu.memory_space<vmem>>, vector<16xf32>,
        %get3A_734 = arith.constant 0 : i32
        %get3A_735 = arith.index_cast %get3A_734 : i32 to index
        %get3A_736 = arith.index_cast %add3A_728 : i32 to index
        %get3A_737 = arith.constant 16 : index
        %get3A_738 = tpu.vector_load %arg6[%get3A_735, %get3A_736, %get3A_737] {strides = array<i32>} : memref<2x512x32xf32, #tpu.memory_space<vmem>>, vector<16xf32>,
        %scatter3A_739 = arith.constant 0 : i32
        %scatter3A_740 = arith.constant 0 : i32
        %scatter3A_741 = arith.constant 0 : i32
        %scatter3A_742 = tpu.memref_slice %arg7[%scatter3A_739, %scatter3A_740, %scatter3A_741] : memref<2x128x129xf32, #tpu.memory_space<vmem>> -> memref<1x128x129xf32, #tpu.memory_space<vmem>>
        %scatter3A_743 = tpu.memref_squeeze %scatter3A_742 : memref<1x128x129xf32, #tpu.memory_space<vmem>> -> memref<128x129xf32, #tpu.memory_space<vmem>>
        tpu.vector_store_idx %scatter3A_743[%add3A_264, %add3A_720], %get3A_733 : memref<128x129xf32, #tpu.memory_space<vmem>>[vector<16xi32>, vector<16xi32>], vector<16xf32>,
        %scatter3A_744 = arith.constant 0 : i32
        %scatter3A_745 = arith.constant 0 : i32
        %scatter3A_746 = arith.constant 0 : i32
        %scatter3A_747 = tpu.memref_slice %arg7[%scatter3A_744, %scatter3A_745, %scatter3A_746] : memref<2x128x129xf32, #tpu.memory_space<vmem>> -> memref<1x128x129xf32, #tpu.memory_space<vmem>>
        %scatter3A_748 = tpu.memref_squeeze %scatter3A_747 : memref<1x128x129xf32, #tpu.memory_space<vmem>> -> memref<128x129xf32, #tpu.memory_space<vmem>>
        tpu.vector_store_idx %scatter3A_748[%add3A_267, %add3A_720], %get3A_738 : memref<128x129xf32, #tpu.memory_space<vmem>>[vector<16xi32>, vector<16xi32>], vector<16xf32>,
        %add3A_749 = arith.constant 1 : i32
        %add3A_750 = vector.broadcast %add3A_749 : i32 to vector<16xi32>
        %add3A_751 = arith.addi %add3A_720, %add3A_750 : vector<16xi32>
        %scan3A_752 = arith.constant 7 : i32
        %scan3A_753 = arith.addi %scan3A_537, %scan3A_752 : i32
        %mul3A_754 = arith.constant 1 : i32
        %mul3A_755 = arith.muli %scan3A_753, %mul3A_754 : i32
        %add3A_756 = arith.constant 0 : i32
        %add3A_757 = arith.addi %add3A_756, %mul3A_755 : i32
        %add3A_758 = arith.constant 256 : i32
        %add3A_759 = arith.addi %add3A_758, %add3A_757 : i32
        %get3A_760 = arith.constant 0 : i32
        %get3A_761 = arith.index_cast %get3A_760 : i32 to index
        %get3A_762 = arith.index_cast %add3A_759 : i32 to index
        %get3A_763 = arith.constant 0 : index
        %get3A_764 = tpu.vector_load %arg6[%get3A_761, %get3A_762, %get3A_763] {strides = array<i32>} : memref<2x512x32xf32, #tpu.memory_space<vmem>>, vector<16xf32>,
        %get3A_765 = arith.constant 0 : i32
        %get3A_766 = arith.index_cast %get3A_765 : i32 to index
        %get3A_767 = arith.index_cast %add3A_759 : i32 to index
        %get3A_768 = arith.constant 16 : index
        %get3A_769 = tpu.vector_load %arg6[%get3A_766, %get3A_767, %get3A_768] {strides = array<i32>} : memref<2x512x32xf32, #tpu.memory_space<vmem>>, vector<16xf32>,
        %scatter3A_770 = arith.constant 0 : i32
        %scatter3A_771 = arith.constant 0 : i32
        %scatter3A_772 = arith.constant 0 : i32
        %scatter3A_773 = tpu.memref_slice %arg7[%scatter3A_770, %scatter3A_771, %scatter3A_772] : memref<2x128x129xf32, #tpu.memory_space<vmem>> -> memref<1x128x129xf32, #tpu.memory_space<vmem>>
        %scatter3A_774 = tpu.memref_squeeze %scatter3A_773 : memref<1x128x129xf32, #tpu.memory_space<vmem>> -> memref<128x129xf32, #tpu.memory_space<vmem>>
        tpu.vector_store_idx %scatter3A_774[%add3A_264, %add3A_751], %get3A_764 : memref<128x129xf32, #tpu.memory_space<vmem>>[vector<16xi32>, vector<16xi32>], vector<16xf32>,
        %scatter3A_775 = arith.constant 0 : i32
        %scatter3A_776 = arith.constant 0 : i32
        %scatter3A_777 = arith.constant 0 : i32
        %scatter3A_778 = tpu.memref_slice %arg7[%scatter3A_775, %scatter3A_776, %scatter3A_777] : memref<2x128x129xf32, #tpu.memory_space<vmem>> -> memref<1x128x129xf32, #tpu.memory_space<vmem>>
        %scatter3A_779 = tpu.memref_squeeze %scatter3A_778 : memref<1x128x129xf32, #tpu.memory_space<vmem>> -> memref<128x129xf32, #tpu.memory_space<vmem>>
        tpu.vector_store_idx %scatter3A_779[%add3A_267, %add3A_751], %get3A_769 : memref<128x129xf32, #tpu.memory_space<vmem>>[vector<16xi32>, vector<16xi32>], vector<16xf32>,
        %add3A_780 = arith.constant 1 : i32
        %add3A_781 = vector.broadcast %add3A_780 : i32 to vector<16xi32>
        %add3A_782 = arith.addi %add3A_751, %add3A_781 : vector<16xi32>
        scf.yield %add3A_782 : vector<16xi32>
      }
      %scan3A_273 = arith.constant 128 : i32
      %add3A_274 = arith.constant 24 : i32
      %add3A_275 = vector.broadcast %add3A_274 : i32 to vector<16xi32>
      %add3A_276 = arith.addi %add3A_11, %add3A_275 : vector<16xi32>
      %add3A_277 = arith.constant 64 : i32
      %add3A_278 = vector.broadcast %add3A_277 : i32 to vector<16xi32>
      %add3A_279 = arith.addi %add3A_276, %add3A_278 : vector<16xi32>
      %scan3A_280 = arith.constant 0 : i32
      %scan3A_281 = arith.constant 128 : i32
      %scan3A_282 = arith.addi %scan3A_280, %scan3A_281 : i32
      %scan3A_283 = arith.constant 8 : i32
      %scan3A_284 = scf.for %scan3A_537 = %scan3A_280 to %scan3A_282 step %scan3A_283 iter_args(%scan3A_538 = %and3A_14) -> (vector<16xi32>)  : i32 {
        %mul3A_539 = arith.constant 1 : i32
        %mul3A_540 = arith.muli %scan3A_537, %mul3A_539 : i32
        %add3A_541 = arith.constant 0 : i32
        %add3A_542 = arith.addi %add3A_541, %mul3A_540 : i32
        %add3A_543 = arith.constant 384 : i32
        %add3A_544 = arith.addi %add3A_543, %add3A_542 : i32
        %get3A = arith.constant 0 : i32
        %get3A_545 = arith.index_cast %get3A : i32 to index
        %get3A_546 = arith.index_cast %add3A_544 : i32 to index
        %get3A_547 = arith.constant 0 : index
        %get3A_548 = tpu.vector_load %arg6[%get3A_545, %get3A_546, %get3A_547] {strides = array<i32>} : memref<2x512x32xf32, #tpu.memory_space<vmem>>, vector<16xf32>,
        %get3A_549 = arith.constant 0 : i32
        %get3A_550 = arith.index_cast %get3A_549 : i32 to index
        %get3A_551 = arith.index_cast %add3A_544 : i32 to index
        %get3A_552 = arith.constant 16 : index
        %get3A_553 = tpu.vector_load %arg6[%get3A_550, %get3A_551, %get3A_552] {strides = array<i32>} : memref<2x512x32xf32, #tpu.memory_space<vmem>>, vector<16xf32>,
        %scatter3A = arith.constant 0 : i32
        %scatter3A_554 = arith.constant 0 : i32
        %scatter3A_555 = arith.constant 0 : i32
        %scatter3A_556 = tpu.memref_slice %arg7[%scatter3A, %scatter3A_554, %scatter3A_555] : memref<2x128x129xf32, #tpu.memory_space<vmem>> -> memref<1x128x129xf32, #tpu.memory_space<vmem>>
        %scatter3A_557 = tpu.memref_squeeze %scatter3A_556 : memref<1x128x129xf32, #tpu.memory_space<vmem>> -> memref<128x129xf32, #tpu.memory_space<vmem>>
        tpu.vector_store_idx %scatter3A_557[%add3A_276, %scan3A_538], %get3A_548 : memref<128x129xf32, #tpu.memory_space<vmem>>[vector<16xi32>, vector<16xi32>], vector<16xf32>,
        %scatter3A_558 = arith.constant 0 : i32
        %scatter3A_559 = arith.constant 0 : i32
        %scatter3A_560 = arith.constant 0 : i32
        %scatter3A_561 = tpu.memref_slice %arg7[%scatter3A_558, %scatter3A_559, %scatter3A_560] : memref<2x128x129xf32, #tpu.memory_space<vmem>> -> memref<1x128x129xf32, #tpu.memory_space<vmem>>
        %scatter3A_562 = tpu.memref_squeeze %scatter3A_561 : memref<1x128x129xf32, #tpu.memory_space<vmem>> -> memref<128x129xf32, #tpu.memory_space<vmem>>
        tpu.vector_store_idx %scatter3A_562[%add3A_279, %scan3A_538], %get3A_553 : memref<128x129xf32, #tpu.memory_space<vmem>>[vector<16xi32>, vector<16xi32>], vector<16xf32>,
        %add3A_563 = arith.constant 1 : i32
        %add3A_564 = vector.broadcast %add3A_563 : i32 to vector<16xi32>
        %add3A_565 = arith.addi %scan3A_538, %add3A_564 : vector<16xi32>
        %scan3A_566 = arith.constant 1 : i32
        %scan3A_567 = arith.addi %scan3A_537, %scan3A_566 : i32
        %mul3A_568 = arith.constant 1 : i32
        %mul3A_569 = arith.muli %scan3A_567, %mul3A_568 : i32
        %add3A_570 = arith.constant 0 : i32
        %add3A_571 = arith.addi %add3A_570, %mul3A_569 : i32
        %add3A_572 = arith.constant 384 : i32
        %add3A_573 = arith.addi %add3A_572, %add3A_571 : i32
        %get3A_574 = arith.constant 0 : i32
        %get3A_575 = arith.index_cast %get3A_574 : i32 to index
        %get3A_576 = arith.index_cast %add3A_573 : i32 to index
        %get3A_577 = arith.constant 0 : index
        %get3A_578 = tpu.vector_load %arg6[%get3A_575, %get3A_576, %get3A_577] {strides = array<i32>} : memref<2x512x32xf32, #tpu.memory_space<vmem>>, vector<16xf32>,
        %get3A_579 = arith.constant 0 : i32
        %get3A_580 = arith.index_cast %get3A_579 : i32 to index
        %get3A_581 = arith.index_cast %add3A_573 : i32 to index
        %get3A_582 = arith.constant 16 : index
        %get3A_583 = tpu.vector_load %arg6[%get3A_580, %get3A_581, %get3A_582] {strides = array<i32>} : memref<2x512x32xf32, #tpu.memory_space<vmem>>, vector<16xf32>,
        %scatter3A_584 = arith.constant 0 : i32
        %scatter3A_585 = arith.constant 0 : i32
        %scatter3A_586 = arith.constant 0 : i32
        %scatter3A_587 = tpu.memref_slice %arg7[%scatter3A_584, %scatter3A_585, %scatter3A_586] : memref<2x128x129xf32, #tpu.memory_space<vmem>> -> memref<1x128x129xf32, #tpu.memory_space<vmem>>
        %scatter3A_588 = tpu.memref_squeeze %scatter3A_587 : memref<1x128x129xf32, #tpu.memory_space<vmem>> -> memref<128x129xf32, #tpu.memory_space<vmem>>
        tpu.vector_store_idx %scatter3A_588[%add3A_276, %add3A_565], %get3A_578 : memref<128x129xf32, #tpu.memory_space<vmem>>[vector<16xi32>, vector<16xi32>], vector<16xf32>,
        %scatter3A_589 = arith.constant 0 : i32
        %scatter3A_590 = arith.constant 0 : i32
        %scatter3A_591 = arith.constant 0 : i32
        %scatter3A_592 = tpu.memref_slice %arg7[%scatter3A_589, %scatter3A_590, %scatter3A_591] : memref<2x128x129xf32, #tpu.memory_space<vmem>> -> memref<1x128x129xf32, #tpu.memory_space<vmem>>
        %scatter3A_593 = tpu.memref_squeeze %scatter3A_592 : memref<1x128x129xf32, #tpu.memory_space<vmem>> -> memref<128x129xf32, #tpu.memory_space<vmem>>
        tpu.vector_store_idx %scatter3A_593[%add3A_279, %add3A_565], %get3A_583 : memref<128x129xf32, #tpu.memory_space<vmem>>[vector<16xi32>, vector<16xi32>], vector<16xf32>,
        %add3A_594 = arith.constant 1 : i32
        %add3A_595 = vector.broadcast %add3A_594 : i32 to vector<16xi32>
        %add3A_596 = arith.addi %add3A_565, %add3A_595 : vector<16xi32>
        %scan3A_597 = arith.constant 2 : i32
        %scan3A_598 = arith.addi %scan3A_537, %scan3A_597 : i32
        %mul3A_599 = arith.constant 1 : i32
        %mul3A_600 = arith.muli %scan3A_598, %mul3A_599 : i32
        %add3A_601 = arith.constant 0 : i32
        %add3A_602 = arith.addi %add3A_601, %mul3A_600 : i32
        %add3A_603 = arith.constant 384 : i32
        %add3A_604 = arith.addi %add3A_603, %add3A_602 : i32
        %get3A_605 = arith.constant 0 : i32
        %get3A_606 = arith.index_cast %get3A_605 : i32 to index
        %get3A_607 = arith.index_cast %add3A_604 : i32 to index
        %get3A_608 = arith.constant 0 : index
        %get3A_609 = tpu.vector_load %arg6[%get3A_606, %get3A_607, %get3A_608] {strides = array<i32>} : memref<2x512x32xf32, #tpu.memory_space<vmem>>, vector<16xf32>,
        %get3A_610 = arith.constant 0 : i32
        %get3A_611 = arith.index_cast %get3A_610 : i32 to index
        %get3A_612 = arith.index_cast %add3A_604 : i32 to index
        %get3A_613 = arith.constant 16 : index
        %get3A_614 = tpu.vector_load %arg6[%get3A_611, %get3A_612, %get3A_613] {strides = array<i32>} : memref<2x512x32xf32, #tpu.memory_space<vmem>>, vector<16xf32>,
        %scatter3A_615 = arith.constant 0 : i32
        %scatter3A_616 = arith.constant 0 : i32
        %scatter3A_617 = arith.constant 0 : i32
        %scatter3A_618 = tpu.memref_slice %arg7[%scatter3A_615, %scatter3A_616, %scatter3A_617] : memref<2x128x129xf32, #tpu.memory_space<vmem>> -> memref<1x128x129xf32, #tpu.memory_space<vmem>>
        %scatter3A_619 = tpu.memref_squeeze %scatter3A_618 : memref<1x128x129xf32, #tpu.memory_space<vmem>> -> memref<128x129xf32, #tpu.memory_space<vmem>>
        tpu.vector_store_idx %scatter3A_619[%add3A_276, %add3A_596], %get3A_609 : memref<128x129xf32, #tpu.memory_space<vmem>>[vector<16xi32>, vector<16xi32>], vector<16xf32>,
        %scatter3A_620 = arith.constant 0 : i32
        %scatter3A_621 = arith.constant 0 : i32
        %scatter3A_622 = arith.constant 0 : i32
        %scatter3A_623 = tpu.memref_slice %arg7[%scatter3A_620, %scatter3A_621, %scatter3A_622] : memref<2x128x129xf32, #tpu.memory_space<vmem>> -> memref<1x128x129xf32, #tpu.memory_space<vmem>>
        %scatter3A_624 = tpu.memref_squeeze %scatter3A_623 : memref<1x128x129xf32, #tpu.memory_space<vmem>> -> memref<128x129xf32, #tpu.memory_space<vmem>>
        tpu.vector_store_idx %scatter3A_624[%add3A_279, %add3A_596], %get3A_614 : memref<128x129xf32, #tpu.memory_space<vmem>>[vector<16xi32>, vector<16xi32>], vector<16xf32>,
        %add3A_625 = arith.constant 1 : i32
        %add3A_626 = vector.broadcast %add3A_625 : i32 to vector<16xi32>
        %add3A_627 = arith.addi %add3A_596, %add3A_626 : vector<16xi32>
        %scan3A_628 = arith.constant 3 : i32
        %scan3A_629 = arith.addi %scan3A_537, %scan3A_628 : i32
        %mul3A_630 = arith.constant 1 : i32
        %mul3A_631 = arith.muli %scan3A_629, %mul3A_630 : i32
        %add3A_632 = arith.constant 0 : i32
        %add3A_633 = arith.addi %add3A_632, %mul3A_631 : i32
        %add3A_634 = arith.constant 384 : i32
        %add3A_635 = arith.addi %add3A_634, %add3A_633 : i32
        %get3A_636 = arith.constant 0 : i32
        %get3A_637 = arith.index_cast %get3A_636 : i32 to index
        %get3A_638 = arith.index_cast %add3A_635 : i32 to index
        %get3A_639 = arith.constant 0 : index
        %get3A_640 = tpu.vector_load %arg6[%get3A_637, %get3A_638, %get3A_639] {strides = array<i32>} : memref<2x512x32xf32, #tpu.memory_space<vmem>>, vector<16xf32>,
        %get3A_641 = arith.constant 0 : i32
        %get3A_642 = arith.index_cast %get3A_641 : i32 to index
        %get3A_643 = arith.index_cast %add3A_635 : i32 to index
        %get3A_644 = arith.constant 16 : index
        %get3A_645 = tpu.vector_load %arg6[%get3A_642, %get3A_643, %get3A_644] {strides = array<i32>} : memref<2x512x32xf32, #tpu.memory_space<vmem>>, vector<16xf32>,
        %scatter3A_646 = arith.constant 0 : i32
        %scatter3A_647 = arith.constant 0 : i32
        %scatter3A_648 = arith.constant 0 : i32
        %scatter3A_649 = tpu.memref_slice %arg7[%scatter3A_646, %scatter3A_647, %scatter3A_648] : memref<2x128x129xf32, #tpu.memory_space<vmem>> -> memref<1x128x129xf32, #tpu.memory_space<vmem>>
        %scatter3A_650 = tpu.memref_squeeze %scatter3A_649 : memref<1x128x129xf32, #tpu.memory_space<vmem>> -> memref<128x129xf32, #tpu.memory_space<vmem>>
        tpu.vector_store_idx %scatter3A_650[%add3A_276, %add3A_627], %get3A_640 : memref<128x129xf32, #tpu.memory_space<vmem>>[vector<16xi32>, vector<16xi32>], vector<16xf32>,
        %scatter3A_651 = arith.constant 0 : i32
        %scatter3A_652 = arith.constant 0 : i32
        %scatter3A_653 = arith.constant 0 : i32
        %scatter3A_654 = tpu.memref_slice %arg7[%scatter3A_651, %scatter3A_652, %scatter3A_653] : memref<2x128x129xf32, #tpu.memory_space<vmem>> -> memref<1x128x129xf32, #tpu.memory_space<vmem>>
        %scatter3A_655 = tpu.memref_squeeze %scatter3A_654 : memref<1x128x129xf32, #tpu.memory_space<vmem>> -> memref<128x129xf32, #tpu.memory_space<vmem>>
        tpu.vector_store_idx %scatter3A_655[%add3A_279, %add3A_627], %get3A_645 : memref<128x129xf32, #tpu.memory_space<vmem>>[vector<16xi32>, vector<16xi32>], vector<16xf32>,
        %add3A_656 = arith.constant 1 : i32
        %add3A_657 = vector.broadcast %add3A_656 : i32 to vector<16xi32>
        %add3A_658 = arith.addi %add3A_627, %add3A_657 : vector<16xi32>
        %scan3A_659 = arith.constant 4 : i32
        %scan3A_660 = arith.addi %scan3A_537, %scan3A_659 : i32
        %mul3A_661 = arith.constant 1 : i32
        %mul3A_662 = arith.muli %scan3A_660, %mul3A_661 : i32
        %add3A_663 = arith.constant 0 : i32
        %add3A_664 = arith.addi %add3A_663, %mul3A_662 : i32
        %add3A_665 = arith.constant 384 : i32
        %add3A_666 = arith.addi %add3A_665, %add3A_664 : i32
        %get3A_667 = arith.constant 0 : i32
        %get3A_668 = arith.index_cast %get3A_667 : i32 to index
        %get3A_669 = arith.index_cast %add3A_666 : i32 to index
        %get3A_670 = arith.constant 0 : index
        %get3A_671 = tpu.vector_load %arg6[%get3A_668, %get3A_669, %get3A_670] {strides = array<i32>} : memref<2x512x32xf32, #tpu.memory_space<vmem>>, vector<16xf32>,
        %get3A_672 = arith.constant 0 : i32
        %get3A_673 = arith.index_cast %get3A_672 : i32 to index
        %get3A_674 = arith.index_cast %add3A_666 : i32 to index
        %get3A_675 = arith.constant 16 : index
        %get3A_676 = tpu.vector_load %arg6[%get3A_673, %get3A_674, %get3A_675] {strides = array<i32>} : memref<2x512x32xf32, #tpu.memory_space<vmem>>, vector<16xf32>,
        %scatter3A_677 = arith.constant 0 : i32
        %scatter3A_678 = arith.constant 0 : i32
        %scatter3A_679 = arith.constant 0 : i32
        %scatter3A_680 = tpu.memref_slice %arg7[%scatter3A_677, %scatter3A_678, %scatter3A_679] : memref<2x128x129xf32, #tpu.memory_space<vmem>> -> memref<1x128x129xf32, #tpu.memory_space<vmem>>
        %scatter3A_681 = tpu.memref_squeeze %scatter3A_680 : memref<1x128x129xf32, #tpu.memory_space<vmem>> -> memref<128x129xf32, #tpu.memory_space<vmem>>
        tpu.vector_store_idx %scatter3A_681[%add3A_276, %add3A_658], %get3A_671 : memref<128x129xf32, #tpu.memory_space<vmem>>[vector<16xi32>, vector<16xi32>], vector<16xf32>,
        %scatter3A_682 = arith.constant 0 : i32
        %scatter3A_683 = arith.constant 0 : i32
        %scatter3A_684 = arith.constant 0 : i32
        %scatter3A_685 = tpu.memref_slice %arg7[%scatter3A_682, %scatter3A_683, %scatter3A_684] : memref<2x128x129xf32, #tpu.memory_space<vmem>> -> memref<1x128x129xf32, #tpu.memory_space<vmem>>
        %scatter3A_686 = tpu.memref_squeeze %scatter3A_685 : memref<1x128x129xf32, #tpu.memory_space<vmem>> -> memref<128x129xf32, #tpu.memory_space<vmem>>
        tpu.vector_store_idx %scatter3A_686[%add3A_279, %add3A_658], %get3A_676 : memref<128x129xf32, #tpu.memory_space<vmem>>[vector<16xi32>, vector<16xi32>], vector<16xf32>,
        %add3A_687 = arith.constant 1 : i32
        %add3A_688 = vector.broadcast %add3A_687 : i32 to vector<16xi32>
        %add3A_689 = arith.addi %add3A_658, %add3A_688 : vector<16xi32>
        %scan3A_690 = arith.constant 5 : i32
        %scan3A_691 = arith.addi %scan3A_537, %scan3A_690 : i32
        %mul3A_692 = arith.constant 1 : i32
        %mul3A_693 = arith.muli %scan3A_691, %mul3A_692 : i32
        %add3A_694 = arith.constant 0 : i32
        %add3A_695 = arith.addi %add3A_694, %mul3A_693 : i32
        %add3A_696 = arith.constant 384 : i32
        %add3A_697 = arith.addi %add3A_696, %add3A_695 : i32
        %get3A_698 = arith.constant 0 : i32
        %get3A_699 = arith.index_cast %get3A_698 : i32 to index
        %get3A_700 = arith.index_cast %add3A_697 : i32 to index
        %get3A_701 = arith.constant 0 : index
        %get3A_702 = tpu.vector_load %arg6[%get3A_699, %get3A_700, %get3A_701] {strides = array<i32>} : memref<2x512x32xf32, #tpu.memory_space<vmem>>, vector<16xf32>,
        %get3A_703 = arith.constant 0 : i32
        %get3A_704 = arith.index_cast %get3A_703 : i32 to index
        %get3A_705 = arith.index_cast %add3A_697 : i32 to index
        %get3A_706 = arith.constant 16 : index
        %get3A_707 = tpu.vector_load %arg6[%get3A_704, %get3A_705, %get3A_706] {strides = array<i32>} : memref<2x512x32xf32, #tpu.memory_space<vmem>>, vector<16xf32>,
        %scatter3A_708 = arith.constant 0 : i32
        %scatter3A_709 = arith.constant 0 : i32
        %scatter3A_710 = arith.constant 0 : i32
        %scatter3A_711 = tpu.memref_slice %arg7[%scatter3A_708, %scatter3A_709, %scatter3A_710] : memref<2x128x129xf32, #tpu.memory_space<vmem>> -> memref<1x128x129xf32, #tpu.memory_space<vmem>>
        %scatter3A_712 = tpu.memref_squeeze %scatter3A_711 : memref<1x128x129xf32, #tpu.memory_space<vmem>> -> memref<128x129xf32, #tpu.memory_space<vmem>>
        tpu.vector_store_idx %scatter3A_712[%add3A_276, %add3A_689], %get3A_702 : memref<128x129xf32, #tpu.memory_space<vmem>>[vector<16xi32>, vector<16xi32>], vector<16xf32>,
        %scatter3A_713 = arith.constant 0 : i32
        %scatter3A_714 = arith.constant 0 : i32
        %scatter3A_715 = arith.constant 0 : i32
        %scatter3A_716 = tpu.memref_slice %arg7[%scatter3A_713, %scatter3A_714, %scatter3A_715] : memref<2x128x129xf32, #tpu.memory_space<vmem>> -> memref<1x128x129xf32, #tpu.memory_space<vmem>>
        %scatter3A_717 = tpu.memref_squeeze %scatter3A_716 : memref<1x128x129xf32, #tpu.memory_space<vmem>> -> memref<128x129xf32, #tpu.memory_space<vmem>>
        tpu.vector_store_idx %scatter3A_717[%add3A_279, %add3A_689], %get3A_707 : memref<128x129xf32, #tpu.memory_space<vmem>>[vector<16xi32>, vector<16xi32>], vector<16xf32>,
        %add3A_718 = arith.constant 1 : i32
        %add3A_719 = vector.broadcast %add3A_718 : i32 to vector<16xi32>
        %add3A_720 = arith.addi %add3A_689, %add3A_719 : vector<16xi32>
        %scan3A_721 = arith.constant 6 : i32
        %scan3A_722 = arith.addi %scan3A_537, %scan3A_721 : i32
        %mul3A_723 = arith.constant 1 : i32
        %mul3A_724 = arith.muli %scan3A_722, %mul3A_723 : i32
        %add3A_725 = arith.constant 0 : i32
        %add3A_726 = arith.addi %add3A_725, %mul3A_724 : i32
        %add3A_727 = arith.constant 384 : i32
        %add3A_728 = arith.addi %add3A_727, %add3A_726 : i32
        %get3A_729 = arith.constant 0 : i32
        %get3A_730 = arith.index_cast %get3A_729 : i32 to index
        %get3A_731 = arith.index_cast %add3A_728 : i32 to index
        %get3A_732 = arith.constant 0 : index
        %get3A_733 = tpu.vector_load %arg6[%get3A_730, %get3A_731, %get3A_732] {strides = array<i32>} : memref<2x512x32xf32, #tpu.memory_space<vmem>>, vector<16xf32>,
        %get3A_734 = arith.constant 0 : i32
        %get3A_735 = arith.index_cast %get3A_734 : i32 to index
        %get3A_736 = arith.index_cast %add3A_728 : i32 to index
        %get3A_737 = arith.constant 16 : index
        %get3A_738 = tpu.vector_load %arg6[%get3A_735, %get3A_736, %get3A_737] {strides = array<i32>} : memref<2x512x32xf32, #tpu.memory_space<vmem>>, vector<16xf32>,
        %scatter3A_739 = arith.constant 0 : i32
        %scatter3A_740 = arith.constant 0 : i32
        %scatter3A_741 = arith.constant 0 : i32
        %scatter3A_742 = tpu.memref_slice %arg7[%scatter3A_739, %scatter3A_740, %scatter3A_741] : memref<2x128x129xf32, #tpu.memory_space<vmem>> -> memref<1x128x129xf32, #tpu.memory_space<vmem>>
        %scatter3A_743 = tpu.memref_squeeze %scatter3A_742 : memref<1x128x129xf32, #tpu.memory_space<vmem>> -> memref<128x129xf32, #tpu.memory_space<vmem>>
        tpu.vector_store_idx %scatter3A_743[%add3A_276, %add3A_720], %get3A_733 : memref<128x129xf32, #tpu.memory_space<vmem>>[vector<16xi32>, vector<16xi32>], vector<16xf32>,
        %scatter3A_744 = arith.constant 0 : i32
        %scatter3A_745 = arith.constant 0 : i32
        %scatter3A_746 = arith.constant 0 : i32
        %scatter3A_747 = tpu.memref_slice %arg7[%scatter3A_744, %scatter3A_745, %scatter3A_746] : memref<2x128x129xf32, #tpu.memory_space<vmem>> -> memref<1x128x129xf32, #tpu.memory_space<vmem>>
        %scatter3A_748 = tpu.memref_squeeze %scatter3A_747 : memref<1x128x129xf32, #tpu.memory_space<vmem>> -> memref<128x129xf32, #tpu.memory_space<vmem>>
        tpu.vector_store_idx %scatter3A_748[%add3A_279, %add3A_720], %get3A_738 : memref<128x129xf32, #tpu.memory_space<vmem>>[vector<16xi32>, vector<16xi32>], vector<16xf32>,
        %add3A_749 = arith.constant 1 : i32
        %add3A_750 = vector.broadcast %add3A_749 : i32 to vector<16xi32>
        %add3A_751 = arith.addi %add3A_720, %add3A_750 : vector<16xi32>
        %scan3A_752 = arith.constant 7 : i32
        %scan3A_753 = arith.addi %scan3A_537, %scan3A_752 : i32
        %mul3A_754 = arith.constant 1 : i32
        %mul3A_755 = arith.muli %scan3A_753, %mul3A_754 : i32
        %add3A_756 = arith.constant 0 : i32
        %add3A_757 = arith.addi %add3A_756, %mul3A_755 : i32
        %add3A_758 = arith.constant 384 : i32
        %add3A_759 = arith.addi %add3A_758, %add3A_757 : i32
        %get3A_760 = arith.constant 0 : i32
        %get3A_761 = arith.index_cast %get3A_760 : i32 to index
        %get3A_762 = arith.index_cast %add3A_759 : i32 to index
        %get3A_763 = arith.constant 0 : index
        %get3A_764 = tpu.vector_load %arg6[%get3A_761, %get3A_762, %get3A_763] {strides = array<i32>} : memref<2x512x32xf32, #tpu.memory_space<vmem>>, vector<16xf32>,
        %get3A_765 = arith.constant 0 : i32
        %get3A_766 = arith.index_cast %get3A_765 : i32 to index
        %get3A_767 = arith.index_cast %add3A_759 : i32 to index
        %get3A_768 = arith.constant 16 : index
        %get3A_769 = tpu.vector_load %arg6[%get3A_766, %get3A_767, %get3A_768] {strides = array<i32>} : memref<2x512x32xf32, #tpu.memory_space<vmem>>, vector<16xf32>,
        %scatter3A_770 = arith.constant 0 : i32
        %scatter3A_771 = arith.constant 0 : i32
        %scatter3A_772 = arith.constant 0 : i32
        %scatter3A_773 = tpu.memref_slice %arg7[%scatter3A_770, %scatter3A_771, %scatter3A_772] : memref<2x128x129xf32, #tpu.memory_space<vmem>> -> memref<1x128x129xf32, #tpu.memory_space<vmem>>
        %scatter3A_774 = tpu.memref_squeeze %scatter3A_773 : memref<1x128x129xf32, #tpu.memory_space<vmem>> -> memref<128x129xf32, #tpu.memory_space<vmem>>
        tpu.vector_store_idx %scatter3A_774[%add3A_276, %add3A_751], %get3A_764 : memref<128x129xf32, #tpu.memory_space<vmem>>[vector<16xi32>, vector<16xi32>], vector<16xf32>,
        %scatter3A_775 = arith.constant 0 : i32
        %scatter3A_776 = arith.constant 0 : i32
        %scatter3A_777 = arith.constant 0 : i32
        %scatter3A_778 = tpu.memref_slice %arg7[%scatter3A_775, %scatter3A_776, %scatter3A_777] : memref<2x128x129xf32, #tpu.memory_space<vmem>> -> memref<1x128x129xf32, #tpu.memory_space<vmem>>
        %scatter3A_779 = tpu.memref_squeeze %scatter3A_778 : memref<1x128x129xf32, #tpu.memory_space<vmem>> -> memref<128x129xf32, #tpu.memory_space<vmem>>
        tpu.vector_store_idx %scatter3A_779[%add3A_279, %add3A_751], %get3A_769 : memref<128x129xf32, #tpu.memory_space<vmem>>[vector<16xi32>, vector<16xi32>], vector<16xf32>,
        %add3A_780 = arith.constant 1 : i32
        %add3A_781 = vector.broadcast %add3A_780 : i32 to vector<16xi32>
        %add3A_782 = arith.addi %add3A_751, %add3A_781 : vector<16xi32>
        scf.yield %add3A_782 : vector<16xi32>
      }
      %scan3A_285 = arith.constant 128 : i32
      %dma_start3A_286 = arith.constant 0 : i32
      %dma_start3A_287 = arith.constant 0 : i32
      %dma_start3A_288 = arith.constant 0 : i32
      %dma_start3A_289 = arith.constant 0 : i32
      %dma_start3A_290 = tpu.memref_slice %arg7[%dma_start3A_286, %dma_start3A_288, %dma_start3A_289] : memref<2x128x129xf32, #tpu.memory_space<vmem>> -> memref<1x32x128xf32, #tpu.memory_space<vmem>>
      %dma_start3A_291 = tpu.memref_squeeze %dma_start3A_290 : memref<1x32x128xf32, #tpu.memory_space<vmem>> -> memref<32x128xf32, #tpu.memory_space<vmem>>
      %dma_start3A_292 = arith.constant 0 : i32
      %dma_start3A_293 = arith.constant 0 : i32
      %dma_start3A_294 = tpu.memref_slice %arg4[%select_n3A, %dma_start3A_287, %sub3A_224, %dma_start3A_292, %dma_start3A_293] : memref<50x4x32x32x128xf32, #tpu.memory_space<hbm>> -> memref<1x1x1x32x128xf32, #tpu.memory_space<hbm>>
      %dma_start3A_295 = tpu.memref_squeeze %dma_start3A_294 : memref<1x1x1x32x128xf32, #tpu.memory_space<hbm>> -> memref<32x128xf32, #tpu.memory_space<hbm>>
      %dma_start3A_296 = arith.constant 0 : i32
      %dma_start3A_297 = arith.constant 0 : i32
      %dma_start3A_298 = tpu.memref_slice %arg4[%select_n3A, %dma_start3A_287, %sub3A_224, %dma_start3A_296, %dma_start3A_297] : memref<50x4x32x32x128xf32, #tpu.memory_space<hbm>> -> memref<1x1x1x32x128xf32, #tpu.memory_space<hbm>>
      %dma_start3A_299 = tpu.memref_squeeze %dma_start3A_298 : memref<1x1x1x32x128xf32, #tpu.memory_space<hbm>> -> memref<32x128xf32, #tpu.memory_space<hbm>>
      %dma_start3A_300 = arith.constant 0 : i32
      %dma_start3A_301 = arith.constant 0 : i32
      %dma_start3A_302 = tpu.memref_slice %arg7[%dma_start3A_286, %dma_start3A_300, %dma_start3A_301] : memref<2x128x129xf32, #tpu.memory_space<vmem>> -> memref<1x32x128xf32, #tpu.memory_space<vmem>>
      %dma_start3A_303 = tpu.memref_squeeze %dma_start3A_302 : memref<1x32x128xf32, #tpu.memory_space<vmem>> -> memref<32x128xf32, #tpu.memory_space<vmem>>
      tpu.enqueue_dma source(%dma_start3A_303 : memref<32x128xf32, #tpu.memory_space<vmem>>) target(%dma_start3A_299 : memref<32x128xf32, #tpu.memory_space<hbm>>) target_semaphore(%arg10 : memref<!tpu.dma_semaphore, #tpu.memory_space<semaphore_mem>>)
      %dma_start3A_304 = arith.constant 0 : i32
      %dma_start3A_305 = arith.constant 1 : i32
      %dma_start3A_306 = arith.constant 32 : i32
      %dma_start3A_307 = arith.constant 0 : i32
      %dma_start3A_308 = tpu.memref_slice %arg7[%dma_start3A_304, %dma_start3A_306, %dma_start3A_307] : memref<2x128x129xf32, #tpu.memory_space<vmem>> -> memref<1x32x128xf32, #tpu.memory_space<vmem>>
      %dma_start3A_309 = tpu.memref_squeeze %dma_start3A_308 : memref<1x32x128xf32, #tpu.memory_space<vmem>> -> memref<32x128xf32, #tpu.memory_space<vmem>>
      %dma_start3A_310 = arith.constant 0 : i32
      %dma_start3A_311 = arith.constant 0 : i32
      %dma_start3A_312 = tpu.memref_slice %arg4[%select_n3A, %dma_start3A_305, %sub3A_224, %dma_start3A_310, %dma_start3A_311] : memref<50x4x32x32x128xf32, #tpu.memory_space<hbm>> -> memref<1x1x1x32x128xf32, #tpu.memory_space<hbm>>
      %dma_start3A_313 = tpu.memref_squeeze %dma_start3A_312 : memref<1x1x1x32x128xf32, #tpu.memory_space<hbm>> -> memref<32x128xf32, #tpu.memory_space<hbm>>
      %dma_start3A_314 = arith.constant 0 : i32
      %dma_start3A_315 = arith.constant 0 : i32
      %dma_start3A_316 = tpu.memref_slice %arg4[%select_n3A, %dma_start3A_305, %sub3A_224, %dma_start3A_314, %dma_start3A_315] : memref<50x4x32x32x128xf32, #tpu.memory_space<hbm>> -> memref<1x1x1x32x128xf32, #tpu.memory_space<hbm>>
      %dma_start3A_317 = tpu.memref_squeeze %dma_start3A_316 : memref<1x1x1x32x128xf32, #tpu.memory_space<hbm>> -> memref<32x128xf32, #tpu.memory_space<hbm>>
      %dma_start3A_318 = arith.constant 32 : i32
      %dma_start3A_319 = arith.constant 0 : i32
      %dma_start3A_320 = tpu.memref_slice %arg7[%dma_start3A_304, %dma_start3A_318, %dma_start3A_319] : memref<2x128x129xf32, #tpu.memory_space<vmem>> -> memref<1x32x128xf32, #tpu.memory_space<vmem>>
      %dma_start3A_321 = tpu.memref_squeeze %dma_start3A_320 : memref<1x32x128xf32, #tpu.memory_space<vmem>> -> memref<32x128xf32, #tpu.memory_space<vmem>>
      tpu.enqueue_dma source(%dma_start3A_321 : memref<32x128xf32, #tpu.memory_space<vmem>>) target(%dma_start3A_317 : memref<32x128xf32, #tpu.memory_space<hbm>>) target_semaphore(%arg10 : memref<!tpu.dma_semaphore, #tpu.memory_space<semaphore_mem>>)
      %dma_start3A_322 = arith.constant 0 : i32
      %dma_start3A_323 = arith.constant 2 : i32
      %dma_start3A_324 = arith.constant 64 : i32
      %dma_start3A_325 = arith.constant 0 : i32
      %dma_start3A_326 = tpu.memref_slice %arg7[%dma_start3A_322, %dma_start3A_324, %dma_start3A_325] : memref<2x128x129xf32, #tpu.memory_space<vmem>> -> memref<1x32x128xf32, #tpu.memory_space<vmem>>
      %dma_start3A_327 = tpu.memref_squeeze %dma_start3A_326 : memref<1x32x128xf32, #tpu.memory_space<vmem>> -> memref<32x128xf32, #tpu.memory_space<vmem>>
      %dma_start3A_328 = arith.constant 0 : i32
      %dma_start3A_329 = arith.constant 0 : i32
      %dma_start3A_330 = tpu.memref_slice %arg4[%select_n3A, %dma_start3A_323, %sub3A_224, %dma_start3A_328, %dma_start3A_329] : memref<50x4x32x32x128xf32, #tpu.memory_space<hbm>> -> memref<1x1x1x32x128xf32, #tpu.memory_space<hbm>>
      %dma_start3A_331 = tpu.memref_squeeze %dma_start3A_330 : memref<1x1x1x32x128xf32, #tpu.memory_space<hbm>> -> memref<32x128xf32, #tpu.memory_space<hbm>>
      %dma_start3A_332 = arith.constant 0 : i32
      %dma_start3A_333 = arith.constant 0 : i32
      %dma_start3A_334 = tpu.memref_slice %arg4[%select_n3A, %dma_start3A_323, %sub3A_224, %dma_start3A_332, %dma_start3A_333] : memref<50x4x32x32x128xf32, #tpu.memory_space<hbm>> -> memref<1x1x1x32x128xf32, #tpu.memory_space<hbm>>
      %dma_start3A_335 = tpu.memref_squeeze %dma_start3A_334 : memref<1x1x1x32x128xf32, #tpu.memory_space<hbm>> -> memref<32x128xf32, #tpu.memory_space<hbm>>
      %dma_start3A_336 = arith.constant 64 : i32
      %dma_start3A_337 = arith.constant 0 : i32
      %dma_start3A_338 = tpu.memref_slice %arg7[%dma_start3A_322, %dma_start3A_336, %dma_start3A_337] : memref<2x128x129xf32, #tpu.memory_space<vmem>> -> memref<1x32x128xf32, #tpu.memory_space<vmem>>
      %dma_start3A_339 = tpu.memref_squeeze %dma_start3A_338 : memref<1x32x128xf32, #tpu.memory_space<vmem>> -> memref<32x128xf32, #tpu.memory_space<vmem>>
      tpu.enqueue_dma source(%dma_start3A_339 : memref<32x128xf32, #tpu.memory_space<vmem>>) target(%dma_start3A_335 : memref<32x128xf32, #tpu.memory_space<hbm>>) target_semaphore(%arg10 : memref<!tpu.dma_semaphore, #tpu.memory_space<semaphore_mem>>)
      %dma_start3A_340 = arith.constant 0 : i32
      %dma_start3A_341 = arith.constant 3 : i32
      %dma_start3A_342 = arith.constant 96 : i32
      %dma_start3A_343 = arith.constant 0 : i32
      %dma_start3A_344 = tpu.memref_slice %arg7[%dma_start3A_340, %dma_start3A_342, %dma_start3A_343] : memref<2x128x129xf32, #tpu.memory_space<vmem>> -> memref<1x32x128xf32, #tpu.memory_space<vmem>>
      %dma_start3A_345 = tpu.memref_squeeze %dma_start3A_344 : memref<1x32x128xf32, #tpu.memory_space<vmem>> -> memref<32x128xf32, #tpu.memory_space<vmem>>
      %dma_start3A_346 = arith.constant 0 : i32
      %dma_start3A_347 = arith.constant 0 : i32
      %dma_start3A_348 = tpu.memref_slice %arg4[%select_n3A, %dma_start3A_341, %sub3A_224, %dma_start3A_346, %dma_start3A_347] : memref<50x4x32x32x128xf32, #tpu.memory_space<hbm>> -> memref<1x1x1x32x128xf32, #tpu.memory_space<hbm>>
      %dma_start3A_349 = tpu.memref_squeeze %dma_start3A_348 : memref<1x1x1x32x128xf32, #tpu.memory_space<hbm>> -> memref<32x128xf32, #tpu.memory_space<hbm>>
      %dma_start3A_350 = arith.constant 0 : i32
      %dma_start3A_351 = arith.constant 0 : i32
      %dma_start3A_352 = tpu.memref_slice %arg4[%select_n3A, %dma_start3A_341, %sub3A_224, %dma_start3A_350, %dma_start3A_351] : memref<50x4x32x32x128xf32, #tpu.memory_space<hbm>> -> memref<1x1x1x32x128xf32, #tpu.memory_space<hbm>>
      %dma_start3A_353 = tpu.memref_squeeze %dma_start3A_352 : memref<1x1x1x32x128xf32, #tpu.memory_space<hbm>> -> memref<32x128xf32, #tpu.memory_space<hbm>>
      %dma_start3A_354 = arith.constant 96 : i32
      %dma_start3A_355 = arith.constant 0 : i32
      %dma_start3A_356 = tpu.memref_slice %arg7[%dma_start3A_340, %dma_start3A_354, %dma_start3A_355] : memref<2x128x129xf32, #tpu.memory_space<vmem>> -> memref<1x32x128xf32, #tpu.memory_space<vmem>>
      %dma_start3A_357 = tpu.memref_squeeze %dma_start3A_356 : memref<1x32x128xf32, #tpu.memory_space<vmem>> -> memref<32x128xf32, #tpu.memory_space<vmem>>
      tpu.enqueue_dma source(%dma_start3A_357 : memref<32x128xf32, #tpu.memory_space<vmem>>) target(%dma_start3A_353 : memref<32x128xf32, #tpu.memory_space<hbm>>) target_semaphore(%arg10 : memref<!tpu.dma_semaphore, #tpu.memory_space<semaphore_mem>>)
      %add3A_358 = arith.constant 2 : i32
      %add3A_359 = arith.addi %add3A_203, %add3A_358 : i32
      %lt3A = arith.constant 50 : i32
      %lt3A_360 = arith.cmpi slt, %add3A_359, %lt3A : i32
      %convert_element_type3A_361 = arith.extui %lt3A_360 : i1 to i32
      %cond3A_362 = arith.constant 0 : i32
      %cond3A_363 = arith.cmpi ne, %convert_element_type3A_361, %cond3A_362 : i32
      scf.if %cond3A_363 {
        %add3A_537 = arith.constant 2 : i32
        %add3A_538 = arith.addi %add3A_203, %add3A_537 : i32
        %mul3A_539 = arith.constant 512 : i32
        %mul3A_540 = arith.muli %add3A_538, %mul3A_539 : i32
        %dma_start3A_541 = arith.constant 0 : i32
        %dma_start3A_542 = arith.constant 0 : i32
        %dma_start3A_543 = arith.constant 0 : i32
        %dma_start3A_544 = tpu.memref_slice %arg6[%dma_start3A_541, %dma_start3A_542, %dma_start3A_543] : memref<2x512x32xf32, #tpu.memory_space<vmem>> -> memref<1x512x32xf32, #tpu.memory_space<vmem>>
        %dma_start3A_545 = tpu.memref_squeeze %dma_start3A_544 : memref<1x512x32xf32, #tpu.memory_space<vmem>> -> memref<512x32xf32, #tpu.memory_space<vmem>>
        %dma_start3A_546 = tpu.memref_slice %arg5[%mul3A_540] : memref<25600xi32, #tpu.memory_space<vmem>> -> memref<512xi32, #tpu.memory_space<vmem>>
        %dma_start3A_547 = arith.constant 0 : i32
        %dma_start3A_548 = arith.constant 0 : i32
        %dma_start3A_549 = tpu.memref_slice %arg3[%dma_start3A_547, %dma_start3A_548] : memref<1000000x32xf32, #tpu.memory_space<hbm>> -> memref<1000000x32xf32, #tpu.memory_space<hbm>>
        tpu.enqueue_indirect_dma source(%dma_start3A_549 : memref<1000000x32xf32, #tpu.memory_space<hbm>>) target(%dma_start3A_545 : memref<512x32xf32, #tpu.memory_space<vmem>>) offsets(%dma_start3A_546 : memref<512xi32, #tpu.memory_space<vmem>>) semaphore(%arg8 : memref<!tpu.dma_semaphore, #tpu.memory_space<semaphore_mem>>)
      } else {
      }
      %add3A_364 = arith.constant 1 : i32
      %add3A_365 = arith.addi %add3A_201, %add3A_364 : i32
      %add3A_366 = arith.addi %mul3A_2, %add3A_365 : i32
      %jit3A_367 = arith.constant 32 : i32
      %div3A_368 = arith.divsi %add3A_366, %jit3A_367 : i32
      %sign3A_369 = arith.constant 0 : i32
      %sign3A_370 = arith.cmpi sgt, %add3A_366, %sign3A_369 : i32
      %sign3A_371 = arith.extui %sign3A_370 : i1 to i32
      %sign3A_372 = arith.constant 0 : i32
      %sign3A_373 = arith.cmpi slt, %add3A_366, %sign3A_372 : i32
      %sign3A_374 = arith.extui %sign3A_373 : i1 to i32
      %sign3A_375 = arith.subi %sign3A_371, %sign3A_374 : i32
      %sign3A_376 = arith.constant 0 : i32
      %sign3A_377 = arith.cmpi sgt, %jit3A_367, %sign3A_376 : i32
      %sign3A_378 = arith.extui %sign3A_377 : i1 to i32
      %sign3A_379 = arith.constant 0 : i32
      %sign3A_380 = arith.cmpi slt, %jit3A_367, %sign3A_379 : i32
      %sign3A_381 = arith.extui %sign3A_380 : i1 to i32
      %sign3A_382 = arith.subi %sign3A_378, %sign3A_381 : i32
      %ne3A_383 = arith.cmpi ne, %sign3A_375, %sign3A_382 : i32
      %rem3A_384 = arith.remsi %add3A_366, %jit3A_367 : i32
      %ne3A_385 = arith.constant 0 : i32
      %ne3A_386 = arith.cmpi ne, %rem3A_384, %ne3A_385 : i32
      %and3A_387 = arith.andi %ne3A_383, %ne3A_386 : i1
      %sub3A_388 = arith.constant 1 : i32
      %sub3A_389 = arith.subi %div3A_368, %sub3A_388 : i32
      %select_n3A_390 = arith.select %and3A_387, %sub3A_389, %div3A_368 : i32
      %mul3A_391 = arith.constant 32 : i32
      %mul3A_392 = arith.muli %select_n3A_390, %mul3A_391 : i32
      %sub3A_393 = arith.subi %add3A_366, %mul3A_392 : i32
      %mul3A_394 = arith.constant 512 : i32
      %mul3A_395 = arith.muli %add3A_365, %mul3A_394 : i32
      %dma_wait3A_396 = arith.constant 1 : i32
      %dma_wait3A_397 = arith.constant 0 : i32
      %dma_wait3A_398 = arith.constant 0 : i32
      %dma_wait3A_399 = tpu.memref_slice %arg6[%dma_wait3A_396, %dma_wait3A_397, %dma_wait3A_398] : memref<2x512x32xf32, #tpu.memory_space<vmem>> -> memref<1x512x32xf32, #tpu.memory_space<vmem>>
      %dma_wait3A_400 = tpu.memref_squeeze %dma_wait3A_399 : memref<1x512x32xf32, #tpu.memory_space<vmem>> -> memref<512x32xf32, #tpu.memory_space<vmem>>
      %dma_wait3A_401 = tpu.memref_slice %arg5[%mul3A_395] : memref<25600xi32, #tpu.memory_space<vmem>> -> memref<512xi32, #tpu.memory_space<vmem>>
      %dma_wait3A_402 = arith.constant 0 : i32
      %dma_wait3A_403 = arith.constant 0 : i32
      %dma_wait3A_404 = tpu.memref_slice %arg3[%dma_wait3A_402, %dma_wait3A_403] : memref<1000000x32xf32, #tpu.memory_space<hbm>> -> memref<1000000x32xf32, #tpu.memory_space<hbm>>
      tpu.wait_indirect_dma semaphore(%arg9 : memref<!tpu.dma_semaphore, #tpu.memory_space<semaphore_mem>>) src(%dma_wait3A_404 : memref<1000000x32xf32, #tpu.memory_space<hbm>>) dst(%dma_wait3A_400 : memref<512x32xf32, #tpu.memory_space<vmem>>)
      %gt3A_405 = arith.constant 0 : i32
      %gt3A_406 = arith.cmpi sgt, %add3A_201, %gt3A_405 : i32
      %convert_element_type3A_407 = arith.extui %gt3A_406 : i1 to i32
      %cond3A_408 = arith.constant 0 : i32
      %cond3A_409 = arith.cmpi ne, %convert_element_type3A_407, %cond3A_408 : i32
      scf.if %cond3A_409 {
        %dma_wait3A_537 = arith.constant 1 : i32
        %dma_wait3A_538 = arith.constant 0 : i32
        %dma_wait3A_539 = arith.constant 0 : i32
        %dma_wait3A_540 = arith.constant 0 : i32
        %dma_wait3A_541 = arith.constant 0 : i32
        %dma_wait3A_542 = arith.constant 0 : i32
        %dma_wait3A_543 = tpu.memref_slice %arg7[%dma_wait3A_537, %dma_wait3A_541, %dma_wait3A_542] : memref<2x128x129xf32, #tpu.memory_space<vmem>> -> memref<1x32x128xf32, #tpu.memory_space<vmem>>
        %dma_wait3A_544 = tpu.memref_squeeze %dma_wait3A_543 : memref<1x32x128xf32, #tpu.memory_space<vmem>> -> memref<32x128xf32, #tpu.memory_space<vmem>>
        %dma_wait3A_545 = arith.constant 0 : i32
        %dma_wait3A_546 = arith.constant 0 : i32
        %dma_wait3A_547 = tpu.memref_slice %arg4[%dma_wait3A_538, %dma_wait3A_539, %dma_wait3A_540, %dma_wait3A_545, %dma_wait3A_546] : memref<50x4x32x32x128xf32, #tpu.memory_space<hbm>> -> memref<1x1x1x32x128xf32, #tpu.memory_space<hbm>>
        %dma_wait3A_548 = tpu.memref_squeeze %dma_wait3A_547 : memref<1x1x1x32x128xf32, #tpu.memory_space<hbm>> -> memref<32x128xf32, #tpu.memory_space<hbm>>
        %dma_wait3A_549 = arith.constant 0 : i32
        %dma_wait3A_550 = arith.constant 0 : i32
        %dma_wait3A_551 = tpu.memref_slice %arg4[%dma_wait3A_538, %dma_wait3A_539, %dma_wait3A_540, %dma_wait3A_549, %dma_wait3A_550] : memref<50x4x32x32x128xf32, #tpu.memory_space<hbm>> -> memref<1x1x1x32x128xf32, #tpu.memory_space<hbm>>
        %dma_wait3A_552 = tpu.memref_squeeze %dma_wait3A_551 : memref<1x1x1x32x128xf32, #tpu.memory_space<hbm>> -> memref<32x128xf32, #tpu.memory_space<hbm>>
        %dma_wait3A_553 = arith.constant 0 : i32
        %dma_wait3A_554 = arith.constant 0 : i32
        %dma_wait3A_555 = tpu.memref_slice %arg7[%dma_wait3A_537, %dma_wait3A_553, %dma_wait3A_554] : memref<2x128x129xf32, #tpu.memory_space<vmem>> -> memref<1x32x128xf32, #tpu.memory_space<vmem>>
        %dma_wait3A_556 = tpu.memref_squeeze %dma_wait3A_555 : memref<1x32x128xf32, #tpu.memory_space<vmem>> -> memref<32x128xf32, #tpu.memory_space<vmem>>
        tpu.wait_dma2 semaphore(%arg11 : memref<!tpu.dma_semaphore, #tpu.memory_space<semaphore_mem>>) src(%dma_wait3A_556 : memref<32x128xf32, #tpu.memory_space<vmem>>) dst(%dma_wait3A_552 : memref<32x128xf32, #tpu.memory_space<hbm>>)
        %dma_wait3A_557 = arith.constant 1 : i32
        %dma_wait3A_558 = arith.constant 0 : i32
        %dma_wait3A_559 = arith.constant 1 : i32
        %dma_wait3A_560 = arith.constant 0 : i32
        %dma_wait3A_561 = arith.constant 32 : i32
        %dma_wait3A_562 = arith.constant 0 : i32
        %dma_wait3A_563 = tpu.memref_slice %arg7[%dma_wait3A_557, %dma_wait3A_561, %dma_wait3A_562] : memref<2x128x129xf32, #tpu.memory_space<vmem>> -> memref<1x32x128xf32, #tpu.memory_space<vmem>>
        %dma_wait3A_564 = tpu.memref_squeeze %dma_wait3A_563 : memref<1x32x128xf32, #tpu.memory_space<vmem>> -> memref<32x128xf32, #tpu.memory_space<vmem>>
        %dma_wait3A_565 = arith.constant 0 : i32
        %dma_wait3A_566 = arith.constant 0 : i32
        %dma_wait3A_567 = tpu.memref_slice %arg4[%dma_wait3A_558, %dma_wait3A_559, %dma_wait3A_560, %dma_wait3A_565, %dma_wait3A_566] : memref<50x4x32x32x128xf32, #tpu.memory_space<hbm>> -> memref<1x1x1x32x128xf32, #tpu.memory_space<hbm>>
        %dma_wait3A_568 = tpu.memref_squeeze %dma_wait3A_567 : memref<1x1x1x32x128xf32, #tpu.memory_space<hbm>> -> memref<32x128xf32, #tpu.memory_space<hbm>>
        %dma_wait3A_569 = arith.constant 0 : i32
        %dma_wait3A_570 = arith.constant 0 : i32
        %dma_wait3A_571 = tpu.memref_slice %arg4[%dma_wait3A_558, %dma_wait3A_559, %dma_wait3A_560, %dma_wait3A_569, %dma_wait3A_570] : memref<50x4x32x32x128xf32, #tpu.memory_space<hbm>> -> memref<1x1x1x32x128xf32, #tpu.memory_space<hbm>>
        %dma_wait3A_572 = tpu.memref_squeeze %dma_wait3A_571 : memref<1x1x1x32x128xf32, #tpu.memory_space<hbm>> -> memref<32x128xf32, #tpu.memory_space<hbm>>
        %dma_wait3A_573 = arith.constant 32 : i32
        %dma_wait3A_574 = arith.constant 0 : i32
        %dma_wait3A_575 = tpu.memref_slice %arg7[%dma_wait3A_557, %dma_wait3A_573, %dma_wait3A_574] : memref<2x128x129xf32, #tpu.memory_space<vmem>> -> memref<1x32x128xf32, #tpu.memory_space<vmem>>
        %dma_wait3A_576 = tpu.memref_squeeze %dma_wait3A_575 : memref<1x32x128xf32, #tpu.memory_space<vmem>> -> memref<32x128xf32, #tpu.memory_space<vmem>>
        tpu.wait_dma2 semaphore(%arg11 : memref<!tpu.dma_semaphore, #tpu.memory_space<semaphore_mem>>) src(%dma_wait3A_576 : memref<32x128xf32, #tpu.memory_space<vmem>>) dst(%dma_wait3A_572 : memref<32x128xf32, #tpu.memory_space<hbm>>)
        %dma_wait3A_577 = arith.constant 1 : i32
        %dma_wait3A_578 = arith.constant 0 : i32
        %dma_wait3A_579 = arith.constant 2 : i32
        %dma_wait3A_580 = arith.constant 0 : i32
        %dma_wait3A_581 = arith.constant 64 : i32
        %dma_wait3A_582 = arith.constant 0 : i32
        %dma_wait3A_583 = tpu.memref_slice %arg7[%dma_wait3A_577, %dma_wait3A_581, %dma_wait3A_582] : memref<2x128x129xf32, #tpu.memory_space<vmem>> -> memref<1x32x128xf32, #tpu.memory_space<vmem>>
        %dma_wait3A_584 = tpu.memref_squeeze %dma_wait3A_583 : memref<1x32x128xf32, #tpu.memory_space<vmem>> -> memref<32x128xf32, #tpu.memory_space<vmem>>
        %dma_wait3A_585 = arith.constant 0 : i32
        %dma_wait3A_586 = arith.constant 0 : i32
        %dma_wait3A_587 = tpu.memref_slice %arg4[%dma_wait3A_578, %dma_wait3A_579, %dma_wait3A_580, %dma_wait3A_585, %dma_wait3A_586] : memref<50x4x32x32x128xf32, #tpu.memory_space<hbm>> -> memref<1x1x1x32x128xf32, #tpu.memory_space<hbm>>
        %dma_wait3A_588 = tpu.memref_squeeze %dma_wait3A_587 : memref<1x1x1x32x128xf32, #tpu.memory_space<hbm>> -> memref<32x128xf32, #tpu.memory_space<hbm>>
        %dma_wait3A_589 = arith.constant 0 : i32
        %dma_wait3A_590 = arith.constant 0 : i32
        %dma_wait3A_591 = tpu.memref_slice %arg4[%dma_wait3A_578, %dma_wait3A_579, %dma_wait3A_580, %dma_wait3A_589, %dma_wait3A_590] : memref<50x4x32x32x128xf32, #tpu.memory_space<hbm>> -> memref<1x1x1x32x128xf32, #tpu.memory_space<hbm>>
        %dma_wait3A_592 = tpu.memref_squeeze %dma_wait3A_591 : memref<1x1x1x32x128xf32, #tpu.memory_space<hbm>> -> memref<32x128xf32, #tpu.memory_space<hbm>>
        %dma_wait3A_593 = arith.constant 64 : i32
        %dma_wait3A_594 = arith.constant 0 : i32
        %dma_wait3A_595 = tpu.memref_slice %arg7[%dma_wait3A_577, %dma_wait3A_593, %dma_wait3A_594] : memref<2x128x129xf32, #tpu.memory_space<vmem>> -> memref<1x32x128xf32, #tpu.memory_space<vmem>>
        %dma_wait3A_596 = tpu.memref_squeeze %dma_wait3A_595 : memref<1x32x128xf32, #tpu.memory_space<vmem>> -> memref<32x128xf32, #tpu.memory_space<vmem>>
        tpu.wait_dma2 semaphore(%arg11 : memref<!tpu.dma_semaphore, #tpu.memory_space<semaphore_mem>>) src(%dma_wait3A_596 : memref<32x128xf32, #tpu.memory_space<vmem>>) dst(%dma_wait3A_592 : memref<32x128xf32, #tpu.memory_space<hbm>>)
        %dma_wait3A_597 = arith.constant 1 : i32
        %dma_wait3A_598 = arith.constant 0 : i32
        %dma_wait3A_599 = arith.constant 3 : i32
        %dma_wait3A_600 = arith.constant 0 : i32
        %dma_wait3A_601 = arith.constant 96 : i32
        %dma_wait3A_602 = arith.constant 0 : i32
        %dma_wait3A_603 = tpu.memref_slice %arg7[%dma_wait3A_597, %dma_wait3A_601, %dma_wait3A_602] : memref<2x128x129xf32, #tpu.memory_space<vmem>> -> memref<1x32x128xf32, #tpu.memory_space<vmem>>
        %dma_wait3A_604 = tpu.memref_squeeze %dma_wait3A_603 : memref<1x32x128xf32, #tpu.memory_space<vmem>> -> memref<32x128xf32, #tpu.memory_space<vmem>>
        %dma_wait3A_605 = arith.constant 0 : i32
        %dma_wait3A_606 = arith.constant 0 : i32
        %dma_wait3A_607 = tpu.memref_slice %arg4[%dma_wait3A_598, %dma_wait3A_599, %dma_wait3A_600, %dma_wait3A_605, %dma_wait3A_606] : memref<50x4x32x32x128xf32, #tpu.memory_space<hbm>> -> memref<1x1x1x32x128xf32, #tpu.memory_space<hbm>>
        %dma_wait3A_608 = tpu.memref_squeeze %dma_wait3A_607 : memref<1x1x1x32x128xf32, #tpu.memory_space<hbm>> -> memref<32x128xf32, #tpu.memory_space<hbm>>
        %dma_wait3A_609 = arith.constant 0 : i32
        %dma_wait3A_610 = arith.constant 0 : i32
        %dma_wait3A_611 = tpu.memref_slice %arg4[%dma_wait3A_598, %dma_wait3A_599, %dma_wait3A_600, %dma_wait3A_609, %dma_wait3A_610] : memref<50x4x32x32x128xf32, #tpu.memory_space<hbm>> -> memref<1x1x1x32x128xf32, #tpu.memory_space<hbm>>
        %dma_wait3A_612 = tpu.memref_squeeze %dma_wait3A_611 : memref<1x1x1x32x128xf32, #tpu.memory_space<hbm>> -> memref<32x128xf32, #tpu.memory_space<hbm>>
        %dma_wait3A_613 = arith.constant 96 : i32
        %dma_wait3A_614 = arith.constant 0 : i32
        %dma_wait3A_615 = tpu.memref_slice %arg7[%dma_wait3A_597, %dma_wait3A_613, %dma_wait3A_614] : memref<2x128x129xf32, #tpu.memory_space<vmem>> -> memref<1x32x128xf32, #tpu.memory_space<vmem>>
        %dma_wait3A_616 = tpu.memref_squeeze %dma_wait3A_615 : memref<1x32x128xf32, #tpu.memory_space<vmem>> -> memref<32x128xf32, #tpu.memory_space<vmem>>
        tpu.wait_dma2 semaphore(%arg11 : memref<!tpu.dma_semaphore, #tpu.memory_space<semaphore_mem>>) src(%dma_wait3A_616 : memref<32x128xf32, #tpu.memory_space<vmem>>) dst(%dma_wait3A_612 : memref<32x128xf32, #tpu.memory_space<hbm>>)
      } else {
      }
      %add3A_410 = arith.constant 0 : i32
      %add3A_411 = vector.broadcast %add3A_410 : i32 to vector<16xi32>
      %add3A_412 = arith.addi %add3A_11, %add3A_411 : vector<16xi32>
      %add3A_413 = arith.constant 64 : i32
      %add3A_414 = vector.broadcast %add3A_413 : i32 to vector<16xi32>
      %add3A_415 = arith.addi %add3A_412, %add3A_414 : vector<16xi32>
      %scan3A_416 = arith.constant 0 : i32
      %scan3A_417 = arith.constant 128 : i32
      %scan3A_418 = arith.addi %scan3A_416, %scan3A_417 : i32
      %scan3A_419 = arith.constant 8 : i32
      %scan3A_420 = scf.for %scan3A_537 = %scan3A_416 to %scan3A_418 step %scan3A_419 iter_args(%scan3A_538 = %and3A_14) -> (vector<16xi32>)  : i32 {
        %mul3A_539 = arith.constant 1 : i32
        %mul3A_540 = arith.muli %scan3A_537, %mul3A_539 : i32
        %add3A_541 = arith.constant 0 : i32
        %add3A_542 = arith.addi %add3A_541, %mul3A_540 : i32
        %add3A_543 = arith.constant 0 : i32
        %add3A_544 = arith.addi %add3A_543, %add3A_542 : i32
        %get3A = arith.constant 1 : i32
        %get3A_545 = arith.index_cast %get3A : i32 to index
        %get3A_546 = arith.index_cast %add3A_544 : i32 to index
        %get3A_547 = arith.constant 0 : index
        %get3A_548 = tpu.vector_load %arg6[%get3A_545, %get3A_546, %get3A_547] {strides = array<i32>} : memref<2x512x32xf32, #tpu.memory_space<vmem>>, vector<16xf32>,
        %get3A_549 = arith.constant 1 : i32
        %get3A_550 = arith.index_cast %get3A_549 : i32 to index
        %get3A_551 = arith.index_cast %add3A_544 : i32 to index
        %get3A_552 = arith.constant 16 : index
        %get3A_553 = tpu.vector_load %arg6[%get3A_550, %get3A_551, %get3A_552] {strides = array<i32>} : memref<2x512x32xf32, #tpu.memory_space<vmem>>, vector<16xf32>,
        %scatter3A = arith.constant 1 : i32
        %scatter3A_554 = arith.constant 0 : i32
        %scatter3A_555 = arith.constant 0 : i32
        %scatter3A_556 = tpu.memref_slice %arg7[%scatter3A, %scatter3A_554, %scatter3A_555] : memref<2x128x129xf32, #tpu.memory_space<vmem>> -> memref<1x128x129xf32, #tpu.memory_space<vmem>>
        %scatter3A_557 = tpu.memref_squeeze %scatter3A_556 : memref<1x128x129xf32, #tpu.memory_space<vmem>> -> memref<128x129xf32, #tpu.memory_space<vmem>>
        tpu.vector_store_idx %scatter3A_557[%add3A_412, %scan3A_538], %get3A_548 : memref<128x129xf32, #tpu.memory_space<vmem>>[vector<16xi32>, vector<16xi32>], vector<16xf32>,
        %scatter3A_558 = arith.constant 1 : i32
        %scatter3A_559 = arith.constant 0 : i32
        %scatter3A_560 = arith.constant 0 : i32
        %scatter3A_561 = tpu.memref_slice %arg7[%scatter3A_558, %scatter3A_559, %scatter3A_560] : memref<2x128x129xf32, #tpu.memory_space<vmem>> -> memref<1x128x129xf32, #tpu.memory_space<vmem>>
        %scatter3A_562 = tpu.memref_squeeze %scatter3A_561 : memref<1x128x129xf32, #tpu.memory_space<vmem>> -> memref<128x129xf32, #tpu.memory_space<vmem>>
        tpu.vector_store_idx %scatter3A_562[%add3A_415, %scan3A_538], %get3A_553 : memref<128x129xf32, #tpu.memory_space<vmem>>[vector<16xi32>, vector<16xi32>], vector<16xf32>,
        %add3A_563 = arith.constant 1 : i32
        %add3A_564 = vector.broadcast %add3A_563 : i32 to vector<16xi32>
        %add3A_565 = arith.addi %scan3A_538, %add3A_564 : vector<16xi32>
        %scan3A_566 = arith.constant 1 : i32
        %scan3A_567 = arith.addi %scan3A_537, %scan3A_566 : i32
        %mul3A_568 = arith.constant 1 : i32
        %mul3A_569 = arith.muli %scan3A_567, %mul3A_568 : i32
        %add3A_570 = arith.constant 0 : i32
        %add3A_571 = arith.addi %add3A_570, %mul3A_569 : i32
        %add3A_572 = arith.constant 0 : i32
        %add3A_573 = arith.addi %add3A_572, %add3A_571 : i32
        %get3A_574 = arith.constant 1 : i32
        %get3A_575 = arith.index_cast %get3A_574 : i32 to index
        %get3A_576 = arith.index_cast %add3A_573 : i32 to index
        %get3A_577 = arith.constant 0 : index
        %get3A_578 = tpu.vector_load %arg6[%get3A_575, %get3A_576, %get3A_577] {strides = array<i32>} : memref<2x512x32xf32, #tpu.memory_space<vmem>>, vector<16xf32>,
        %get3A_579 = arith.constant 1 : i32
        %get3A_580 = arith.index_cast %get3A_579 : i32 to index
        %get3A_581 = arith.index_cast %add3A_573 : i32 to index
        %get3A_582 = arith.constant 16 : index
        %get3A_583 = tpu.vector_load %arg6[%get3A_580, %get3A_581, %get3A_582] {strides = array<i32>} : memref<2x512x32xf32, #tpu.memory_space<vmem>>, vector<16xf32>,
        %scatter3A_584 = arith.constant 1 : i32
        %scatter3A_585 = arith.constant 0 : i32
        %scatter3A_586 = arith.constant 0 : i32
        %scatter3A_587 = tpu.memref_slice %arg7[%scatter3A_584, %scatter3A_585, %scatter3A_586] : memref<2x128x129xf32, #tpu.memory_space<vmem>> -> memref<1x128x129xf32, #tpu.memory_space<vmem>>
        %scatter3A_588 = tpu.memref_squeeze %scatter3A_587 : memref<1x128x129xf32, #tpu.memory_space<vmem>> -> memref<128x129xf32, #tpu.memory_space<vmem>>
        tpu.vector_store_idx %scatter3A_588[%add3A_412, %add3A_565], %get3A_578 : memref<128x129xf32, #tpu.memory_space<vmem>>[vector<16xi32>, vector<16xi32>], vector<16xf32>,
        %scatter3A_589 = arith.constant 1 : i32
        %scatter3A_590 = arith.constant 0 : i32
        %scatter3A_591 = arith.constant 0 : i32
        %scatter3A_592 = tpu.memref_slice %arg7[%scatter3A_589, %scatter3A_590, %scatter3A_591] : memref<2x128x129xf32, #tpu.memory_space<vmem>> -> memref<1x128x129xf32, #tpu.memory_space<vmem>>
        %scatter3A_593 = tpu.memref_squeeze %scatter3A_592 : memref<1x128x129xf32, #tpu.memory_space<vmem>> -> memref<128x129xf32, #tpu.memory_space<vmem>>
        tpu.vector_store_idx %scatter3A_593[%add3A_415, %add3A_565], %get3A_583 : memref<128x129xf32, #tpu.memory_space<vmem>>[vector<16xi32>, vector<16xi32>], vector<16xf32>,
        %add3A_594 = arith.constant 1 : i32
        %add3A_595 = vector.broadcast %add3A_594 : i32 to vector<16xi32>
        %add3A_596 = arith.addi %add3A_565, %add3A_595 : vector<16xi32>
        %scan3A_597 = arith.constant 2 : i32
        %scan3A_598 = arith.addi %scan3A_537, %scan3A_597 : i32
        %mul3A_599 = arith.constant 1 : i32
        %mul3A_600 = arith.muli %scan3A_598, %mul3A_599 : i32
        %add3A_601 = arith.constant 0 : i32
        %add3A_602 = arith.addi %add3A_601, %mul3A_600 : i32
        %add3A_603 = arith.constant 0 : i32
        %add3A_604 = arith.addi %add3A_603, %add3A_602 : i32
        %get3A_605 = arith.constant 1 : i32
        %get3A_606 = arith.index_cast %get3A_605 : i32 to index
        %get3A_607 = arith.index_cast %add3A_604 : i32 to index
        %get3A_608 = arith.constant 0 : index
        %get3A_609 = tpu.vector_load %arg6[%get3A_606, %get3A_607, %get3A_608] {strides = array<i32>} : memref<2x512x32xf32, #tpu.memory_space<vmem>>, vector<16xf32>,
        %get3A_610 = arith.constant 1 : i32
        %get3A_611 = arith.index_cast %get3A_610 : i32 to index
        %get3A_612 = arith.index_cast %add3A_604 : i32 to index
        %get3A_613 = arith.constant 16 : index
        %get3A_614 = tpu.vector_load %arg6[%get3A_611, %get3A_612, %get3A_613] {strides = array<i32>} : memref<2x512x32xf32, #tpu.memory_space<vmem>>, vector<16xf32>,
        %scatter3A_615 = arith.constant 1 : i32
        %scatter3A_616 = arith.constant 0 : i32
        %scatter3A_617 = arith.constant 0 : i32
        %scatter3A_618 = tpu.memref_slice %arg7[%scatter3A_615, %scatter3A_616, %scatter3A_617] : memref<2x128x129xf32, #tpu.memory_space<vmem>> -> memref<1x128x129xf32, #tpu.memory_space<vmem>>
        %scatter3A_619 = tpu.memref_squeeze %scatter3A_618 : memref<1x128x129xf32, #tpu.memory_space<vmem>> -> memref<128x129xf32, #tpu.memory_space<vmem>>
        tpu.vector_store_idx %scatter3A_619[%add3A_412, %add3A_596], %get3A_609 : memref<128x129xf32, #tpu.memory_space<vmem>>[vector<16xi32>, vector<16xi32>], vector<16xf32>,
        %scatter3A_620 = arith.constant 1 : i32
        %scatter3A_621 = arith.constant 0 : i32
        %scatter3A_622 = arith.constant 0 : i32
        %scatter3A_623 = tpu.memref_slice %arg7[%scatter3A_620, %scatter3A_621, %scatter3A_622] : memref<2x128x129xf32, #tpu.memory_space<vmem>> -> memref<1x128x129xf32, #tpu.memory_space<vmem>>
        %scatter3A_624 = tpu.memref_squeeze %scatter3A_623 : memref<1x128x129xf32, #tpu.memory_space<vmem>> -> memref<128x129xf32, #tpu.memory_space<vmem>>
        tpu.vector_store_idx %scatter3A_624[%add3A_415, %add3A_596], %get3A_614 : memref<128x129xf32, #tpu.memory_space<vmem>>[vector<16xi32>, vector<16xi32>], vector<16xf32>,
        %add3A_625 = arith.constant 1 : i32
        %add3A_626 = vector.broadcast %add3A_625 : i32 to vector<16xi32>
        %add3A_627 = arith.addi %add3A_596, %add3A_626 : vector<16xi32>
        %scan3A_628 = arith.constant 3 : i32
        %scan3A_629 = arith.addi %scan3A_537, %scan3A_628 : i32
        %mul3A_630 = arith.constant 1 : i32
        %mul3A_631 = arith.muli %scan3A_629, %mul3A_630 : i32
        %add3A_632 = arith.constant 0 : i32
        %add3A_633 = arith.addi %add3A_632, %mul3A_631 : i32
        %add3A_634 = arith.constant 0 : i32
        %add3A_635 = arith.addi %add3A_634, %add3A_633 : i32
        %get3A_636 = arith.constant 1 : i32
        %get3A_637 = arith.index_cast %get3A_636 : i32 to index
        %get3A_638 = arith.index_cast %add3A_635 : i32 to index
        %get3A_639 = arith.constant 0 : index
        %get3A_640 = tpu.vector_load %arg6[%get3A_637, %get3A_638, %get3A_639] {strides = array<i32>} : memref<2x512x32xf32, #tpu.memory_space<vmem>>, vector<16xf32>,
        %get3A_641 = arith.constant 1 : i32
        %get3A_642 = arith.index_cast %get3A_641 : i32 to index
        %get3A_643 = arith.index_cast %add3A_635 : i32 to index
        %get3A_644 = arith.constant 16 : index
        %get3A_645 = tpu.vector_load %arg6[%get3A_642, %get3A_643, %get3A_644] {strides = array<i32>} : memref<2x512x32xf32, #tpu.memory_space<vmem>>, vector<16xf32>,
        %scatter3A_646 = arith.constant 1 : i32
        %scatter3A_647 = arith.constant 0 : i32
        %scatter3A_648 = arith.constant 0 : i32
        %scatter3A_649 = tpu.memref_slice %arg7[%scatter3A_646, %scatter3A_647, %scatter3A_648] : memref<2x128x129xf32, #tpu.memory_space<vmem>> -> memref<1x128x129xf32, #tpu.memory_space<vmem>>
        %scatter3A_650 = tpu.memref_squeeze %scatter3A_649 : memref<1x128x129xf32, #tpu.memory_space<vmem>> -> memref<128x129xf32, #tpu.memory_space<vmem>>
        tpu.vector_store_idx %scatter3A_650[%add3A_412, %add3A_627], %get3A_640 : memref<128x129xf32, #tpu.memory_space<vmem>>[vector<16xi32>, vector<16xi32>], vector<16xf32>,
        %scatter3A_651 = arith.constant 1 : i32
        %scatter3A_652 = arith.constant 0 : i32
        %scatter3A_653 = arith.constant 0 : i32
        %scatter3A_654 = tpu.memref_slice %arg7[%scatter3A_651, %scatter3A_652, %scatter3A_653] : memref<2x128x129xf32, #tpu.memory_space<vmem>> -> memref<1x128x129xf32, #tpu.memory_space<vmem>>
        %scatter3A_655 = tpu.memref_squeeze %scatter3A_654 : memref<1x128x129xf32, #tpu.memory_space<vmem>> -> memref<128x129xf32, #tpu.memory_space<vmem>>
        tpu.vector_store_idx %scatter3A_655[%add3A_415, %add3A_627], %get3A_645 : memref<128x129xf32, #tpu.memory_space<vmem>>[vector<16xi32>, vector<16xi32>], vector<16xf32>,
        %add3A_656 = arith.constant 1 : i32
        %add3A_657 = vector.broadcast %add3A_656 : i32 to vector<16xi32>
        %add3A_658 = arith.addi %add3A_627, %add3A_657 : vector<16xi32>
        %scan3A_659 = arith.constant 4 : i32
        %scan3A_660 = arith.addi %scan3A_537, %scan3A_659 : i32
        %mul3A_661 = arith.constant 1 : i32
        %mul3A_662 = arith.muli %scan3A_660, %mul3A_661 : i32
        %add3A_663 = arith.constant 0 : i32
        %add3A_664 = arith.addi %add3A_663, %mul3A_662 : i32
        %add3A_665 = arith.constant 0 : i32
        %add3A_666 = arith.addi %add3A_665, %add3A_664 : i32
        %get3A_667 = arith.constant 1 : i32
        %get3A_668 = arith.index_cast %get3A_667 : i32 to index
        %get3A_669 = arith.index_cast %add3A_666 : i32 to index
        %get3A_670 = arith.constant 0 : index
        %get3A_671 = tpu.vector_load %arg6[%get3A_668, %get3A_669, %get3A_670] {strides = array<i32>} : memref<2x512x32xf32, #tpu.memory_space<vmem>>, vector<16xf32>,
        %get3A_672 = arith.constant 1 : i32
        %get3A_673 = arith.index_cast %get3A_672 : i32 to index
        %get3A_674 = arith.index_cast %add3A_666 : i32 to index
        %get3A_675 = arith.constant 16 : index
        %get3A_676 = tpu.vector_load %arg6[%get3A_673, %get3A_674, %get3A_675] {strides = array<i32>} : memref<2x512x32xf32, #tpu.memory_space<vmem>>, vector<16xf32>,
        %scatter3A_677 = arith.constant 1 : i32
        %scatter3A_678 = arith.constant 0 : i32
        %scatter3A_679 = arith.constant 0 : i32
        %scatter3A_680 = tpu.memref_slice %arg7[%scatter3A_677, %scatter3A_678, %scatter3A_679] : memref<2x128x129xf32, #tpu.memory_space<vmem>> -> memref<1x128x129xf32, #tpu.memory_space<vmem>>
        %scatter3A_681 = tpu.memref_squeeze %scatter3A_680 : memref<1x128x129xf32, #tpu.memory_space<vmem>> -> memref<128x129xf32, #tpu.memory_space<vmem>>
        tpu.vector_store_idx %scatter3A_681[%add3A_412, %add3A_658], %get3A_671 : memref<128x129xf32, #tpu.memory_space<vmem>>[vector<16xi32>, vector<16xi32>], vector<16xf32>,
        %scatter3A_682 = arith.constant 1 : i32
        %scatter3A_683 = arith.constant 0 : i32
        %scatter3A_684 = arith.constant 0 : i32
        %scatter3A_685 = tpu.memref_slice %arg7[%scatter3A_682, %scatter3A_683, %scatter3A_684] : memref<2x128x129xf32, #tpu.memory_space<vmem>> -> memref<1x128x129xf32, #tpu.memory_space<vmem>>
        %scatter3A_686 = tpu.memref_squeeze %scatter3A_685 : memref<1x128x129xf32, #tpu.memory_space<vmem>> -> memref<128x129xf32, #tpu.memory_space<vmem>>
        tpu.vector_store_idx %scatter3A_686[%add3A_415, %add3A_658], %get3A_676 : memref<128x129xf32, #tpu.memory_space<vmem>>[vector<16xi32>, vector<16xi32>], vector<16xf32>,
        %add3A_687 = arith.constant 1 : i32
        %add3A_688 = vector.broadcast %add3A_687 : i32 to vector<16xi32>
        %add3A_689 = arith.addi %add3A_658, %add3A_688 : vector<16xi32>
        %scan3A_690 = arith.constant 5 : i32
        %scan3A_691 = arith.addi %scan3A_537, %scan3A_690 : i32
        %mul3A_692 = arith.constant 1 : i32
        %mul3A_693 = arith.muli %scan3A_691, %mul3A_692 : i32
        %add3A_694 = arith.constant 0 : i32
        %add3A_695 = arith.addi %add3A_694, %mul3A_693 : i32
        %add3A_696 = arith.constant 0 : i32
        %add3A_697 = arith.addi %add3A_696, %add3A_695 : i32
        %get3A_698 = arith.constant 1 : i32
        %get3A_699 = arith.index_cast %get3A_698 : i32 to index
        %get3A_700 = arith.index_cast %add3A_697 : i32 to index
        %get3A_701 = arith.constant 0 : index
        %get3A_702 = tpu.vector_load %arg6[%get3A_699, %get3A_700, %get3A_701] {strides = array<i32>} : memref<2x512x32xf32, #tpu.memory_space<vmem>>, vector<16xf32>,
        %get3A_703 = arith.constant 1 : i32
        %get3A_704 = arith.index_cast %get3A_703 : i32 to index
        %get3A_705 = arith.index_cast %add3A_697 : i32 to index
        %get3A_706 = arith.constant 16 : index
        %get3A_707 = tpu.vector_load %arg6[%get3A_704, %get3A_705, %get3A_706] {strides = array<i32>} : memref<2x512x32xf32, #tpu.memory_space<vmem>>, vector<16xf32>,
        %scatter3A_708 = arith.constant 1 : i32
        %scatter3A_709 = arith.constant 0 : i32
        %scatter3A_710 = arith.constant 0 : i32
        %scatter3A_711 = tpu.memref_slice %arg7[%scatter3A_708, %scatter3A_709, %scatter3A_710] : memref<2x128x129xf32, #tpu.memory_space<vmem>> -> memref<1x128x129xf32, #tpu.memory_space<vmem>>
        %scatter3A_712 = tpu.memref_squeeze %scatter3A_711 : memref<1x128x129xf32, #tpu.memory_space<vmem>> -> memref<128x129xf32, #tpu.memory_space<vmem>>
        tpu.vector_store_idx %scatter3A_712[%add3A_412, %add3A_689], %get3A_702 : memref<128x129xf32, #tpu.memory_space<vmem>>[vector<16xi32>, vector<16xi32>], vector<16xf32>,
        %scatter3A_713 = arith.constant 1 : i32
        %scatter3A_714 = arith.constant 0 : i32
        %scatter3A_715 = arith.constant 0 : i32
        %scatter3A_716 = tpu.memref_slice %arg7[%scatter3A_713, %scatter3A_714, %scatter3A_715] : memref<2x128x129xf32, #tpu.memory_space<vmem>> -> memref<1x128x129xf32, #tpu.memory_space<vmem>>
        %scatter3A_717 = tpu.memref_squeeze %scatter3A_716 : memref<1x128x129xf32, #tpu.memory_space<vmem>> -> memref<128x129xf32, #tpu.memory_space<vmem>>
        tpu.vector_store_idx %scatter3A_717[%add3A_415, %add3A_689], %get3A_707 : memref<128x129xf32, #tpu.memory_space<vmem>>[vector<16xi32>, vector<16xi32>], vector<16xf32>,
        %add3A_718 = arith.constant 1 : i32
        %add3A_719 = vector.broadcast %add3A_718 : i32 to vector<16xi32>
        %add3A_720 = arith.addi %add3A_689, %add3A_719 : vector<16xi32>
        %scan3A_721 = arith.constant 6 : i32
        %scan3A_722 = arith.addi %scan3A_537, %scan3A_721 : i32
        %mul3A_723 = arith.constant 1 : i32
        %mul3A_724 = arith.muli %scan3A_722, %mul3A_723 : i32
        %add3A_725 = arith.constant 0 : i32
        %add3A_726 = arith.addi %add3A_725, %mul3A_724 : i32
        %add3A_727 = arith.constant 0 : i32
        %add3A_728 = arith.addi %add3A_727, %add3A_726 : i32
        %get3A_729 = arith.constant 1 : i32
        %get3A_730 = arith.index_cast %get3A_729 : i32 to index
        %get3A_731 = arith.index_cast %add3A_728 : i32 to index
        %get3A_732 = arith.constant 0 : index
        %get3A_733 = tpu.vector_load %arg6[%get3A_730, %get3A_731, %get3A_732] {strides = array<i32>} : memref<2x512x32xf32, #tpu.memory_space<vmem>>, vector<16xf32>,
        %get3A_734 = arith.constant 1 : i32
        %get3A_735 = arith.index_cast %get3A_734 : i32 to index
        %get3A_736 = arith.index_cast %add3A_728 : i32 to index
        %get3A_737 = arith.constant 16 : index
        %get3A_738 = tpu.vector_load %arg6[%get3A_735, %get3A_736, %get3A_737] {strides = array<i32>} : memref<2x512x32xf32, #tpu.memory_space<vmem>>, vector<16xf32>,
        %scatter3A_739 = arith.constant 1 : i32
        %scatter3A_740 = arith.constant 0 : i32
        %scatter3A_741 = arith.constant 0 : i32
        %scatter3A_742 = tpu.memref_slice %arg7[%scatter3A_739, %scatter3A_740, %scatter3A_741] : memref<2x128x129xf32, #tpu.memory_space<vmem>> -> memref<1x128x129xf32, #tpu.memory_space<vmem>>
        %scatter3A_743 = tpu.memref_squeeze %scatter3A_742 : memref<1x128x129xf32, #tpu.memory_space<vmem>> -> memref<128x129xf32, #tpu.memory_space<vmem>>
        tpu.vector_store_idx %scatter3A_743[%add3A_412, %add3A_720], %get3A_733 : memref<128x129xf32, #tpu.memory_space<vmem>>[vector<16xi32>, vector<16xi32>], vector<16xf32>,
        %scatter3A_744 = arith.constant 1 : i32
        %scatter3A_745 = arith.constant 0 : i32
        %scatter3A_746 = arith.constant 0 : i32
        %scatter3A_747 = tpu.memref_slice %arg7[%scatter3A_744, %scatter3A_745, %scatter3A_746] : memref<2x128x129xf32, #tpu.memory_space<vmem>> -> memref<1x128x129xf32, #tpu.memory_space<vmem>>
        %scatter3A_748 = tpu.memref_squeeze %scatter3A_747 : memref<1x128x129xf32, #tpu.memory_space<vmem>> -> memref<128x129xf32, #tpu.memory_space<vmem>>
        tpu.vector_store_idx %scatter3A_748[%add3A_415, %add3A_720], %get3A_738 : memref<128x129xf32, #tpu.memory_space<vmem>>[vector<16xi32>, vector<16xi32>], vector<16xf32>,
        %add3A_749 = arith.constant 1 : i32
        %add3A_750 = vector.broadcast %add3A_749 : i32 to vector<16xi32>
        %add3A_751 = arith.addi %add3A_720, %add3A_750 : vector<16xi32>
        %scan3A_752 = arith.constant 7 : i32
        %scan3A_753 = arith.addi %scan3A_537, %scan3A_752 : i32
        %mul3A_754 = arith.constant 1 : i32
        %mul3A_755 = arith.muli %scan3A_753, %mul3A_754 : i32
        %add3A_756 = arith.constant 0 : i32
        %add3A_757 = arith.addi %add3A_756, %mul3A_755 : i32
        %add3A_758 = arith.constant 0 : i32
        %add3A_759 = arith.addi %add3A_758, %add3A_757 : i32
        %get3A_760 = arith.constant 1 : i32
        %get3A_761 = arith.index_cast %get3A_760 : i32 to index
        %get3A_762 = arith.index_cast %add3A_759 : i32 to index
        %get3A_763 = arith.constant 0 : index
        %get3A_764 = tpu.vector_load %arg6[%get3A_761, %get3A_762, %get3A_763] {strides = array<i32>} : memref<2x512x32xf32, #tpu.memory_space<vmem>>, vector<16xf32>,
        %get3A_765 = arith.constant 1 : i32
        %get3A_766 = arith.index_cast %get3A_765 : i32 to index
        %get3A_767 = arith.index_cast %add3A_759 : i32 to index
        %get3A_768 = arith.constant 16 : index
        %get3A_769 = tpu.vector_load %arg6[%get3A_766, %get3A_767, %get3A_768] {strides = array<i32>} : memref<2x512x32xf32, #tpu.memory_space<vmem>>, vector<16xf32>,
        %scatter3A_770 = arith.constant 1 : i32
        %scatter3A_771 = arith.constant 0 : i32
        %scatter3A_772 = arith.constant 0 : i32
        %scatter3A_773 = tpu.memref_slice %arg7[%scatter3A_770, %scatter3A_771, %scatter3A_772] : memref<2x128x129xf32, #tpu.memory_space<vmem>> -> memref<1x128x129xf32, #tpu.memory_space<vmem>>
        %scatter3A_774 = tpu.memref_squeeze %scatter3A_773 : memref<1x128x129xf32, #tpu.memory_space<vmem>> -> memref<128x129xf32, #tpu.memory_space<vmem>>
        tpu.vector_store_idx %scatter3A_774[%add3A_412, %add3A_751], %get3A_764 : memref<128x129xf32, #tpu.memory_space<vmem>>[vector<16xi32>, vector<16xi32>], vector<16xf32>,
        %scatter3A_775 = arith.constant 1 : i32
        %scatter3A_776 = arith.constant 0 : i32
        %scatter3A_777 = arith.constant 0 : i32
        %scatter3A_778 = tpu.memref_slice %arg7[%scatter3A_775, %scatter3A_776, %scatter3A_777] : memref<2x128x129xf32, #tpu.memory_space<vmem>> -> memref<1x128x129xf32, #tpu.memory_space<vmem>>
        %scatter3A_779 = tpu.memref_squeeze %scatter3A_778 : memref<1x128x129xf32, #tpu.memory_space<vmem>> -> memref<128x129xf32, #tpu.memory_space<vmem>>
        tpu.vector_store_idx %scatter3A_779[%add3A_415, %add3A_751], %get3A_769 : memref<128x129xf32, #tpu.memory_space<vmem>>[vector<16xi32>, vector<16xi32>], vector<16xf32>,
        %add3A_780 = arith.constant 1 : i32
        %add3A_781 = vector.broadcast %add3A_780 : i32 to vector<16xi32>
        %add3A_782 = arith.addi %add3A_751, %add3A_781 : vector<16xi32>
        scf.yield %add3A_782 : vector<16xi32>
      }
      %scan3A_421 = arith.constant 128 : i32
      %add3A_422 = arith.constant 8 : i32
      %add3A_423 = vector.broadcast %add3A_422 : i32 to vector<16xi32>
      %add3A_424 = arith.addi %add3A_11, %add3A_423 : vector<16xi32>
      %add3A_425 = arith.constant 64 : i32
      %add3A_426 = vector.broadcast %add3A_425 : i32 to vector<16xi32>
      %add3A_427 = arith.addi %add3A_424, %add3A_426 : vector<16xi32>
      %scan3A_428 = arith.constant 0 : i32
      %scan3A_429 = arith.constant 128 : i32
      %scan3A_430 = arith.addi %scan3A_428, %scan3A_429 : i32
      %scan3A_431 = arith.constant 8 : i32
      %scan3A_432 = scf.for %scan3A_537 = %scan3A_428 to %scan3A_430 step %scan3A_431 iter_args(%scan3A_538 = %and3A_14) -> (vector<16xi32>)  : i32 {
        %mul3A_539 = arith.constant 1 : i32
        %mul3A_540 = arith.muli %scan3A_537, %mul3A_539 : i32
        %add3A_541 = arith.constant 0 : i32
        %add3A_542 = arith.addi %add3A_541, %mul3A_540 : i32
        %add3A_543 = arith.constant 128 : i32
        %add3A_544 = arith.addi %add3A_543, %add3A_542 : i32
        %get3A = arith.constant 1 : i32
        %get3A_545 = arith.index_cast %get3A : i32 to index
        %get3A_546 = arith.index_cast %add3A_544 : i32 to index
        %get3A_547 = arith.constant 0 : index
        %get3A_548 = tpu.vector_load %arg6[%get3A_545, %get3A_546, %get3A_547] {strides = array<i32>} : memref<2x512x32xf32, #tpu.memory_space<vmem>>, vector<16xf32>,
        %get3A_549 = arith.constant 1 : i32
        %get3A_550 = arith.index_cast %get3A_549 : i32 to index
        %get3A_551 = arith.index_cast %add3A_544 : i32 to index
        %get3A_552 = arith.constant 16 : index
        %get3A_553 = tpu.vector_load %arg6[%get3A_550, %get3A_551, %get3A_552] {strides = array<i32>} : memref<2x512x32xf32, #tpu.memory_space<vmem>>, vector<16xf32>,
        %scatter3A = arith.constant 1 : i32
        %scatter3A_554 = arith.constant 0 : i32
        %scatter3A_555 = arith.constant 0 : i32
        %scatter3A_556 = tpu.memref_slice %arg7[%scatter3A, %scatter3A_554, %scatter3A_555] : memref<2x128x129xf32, #tpu.memory_space<vmem>> -> memref<1x128x129xf32, #tpu.memory_space<vmem>>
        %scatter3A_557 = tpu.memref_squeeze %scatter3A_556 : memref<1x128x129xf32, #tpu.memory_space<vmem>> -> memref<128x129xf32, #tpu.memory_space<vmem>>
        tpu.vector_store_idx %scatter3A_557[%add3A_424, %scan3A_538], %get3A_548 : memref<128x129xf32, #tpu.memory_space<vmem>>[vector<16xi32>, vector<16xi32>], vector<16xf32>,
        %scatter3A_558 = arith.constant 1 : i32
        %scatter3A_559 = arith.constant 0 : i32
        %scatter3A_560 = arith.constant 0 : i32
        %scatter3A_561 = tpu.memref_slice %arg7[%scatter3A_558, %scatter3A_559, %scatter3A_560] : memref<2x128x129xf32, #tpu.memory_space<vmem>> -> memref<1x128x129xf32, #tpu.memory_space<vmem>>
        %scatter3A_562 = tpu.memref_squeeze %scatter3A_561 : memref<1x128x129xf32, #tpu.memory_space<vmem>> -> memref<128x129xf32, #tpu.memory_space<vmem>>
        tpu.vector_store_idx %scatter3A_562[%add3A_427, %scan3A_538], %get3A_553 : memref<128x129xf32, #tpu.memory_space<vmem>>[vector<16xi32>, vector<16xi32>], vector<16xf32>,
        %add3A_563 = arith.constant 1 : i32
        %add3A_564 = vector.broadcast %add3A_563 : i32 to vector<16xi32>
        %add3A_565 = arith.addi %scan3A_538, %add3A_564 : vector<16xi32>
        %scan3A_566 = arith.constant 1 : i32
        %scan3A_567 = arith.addi %scan3A_537, %scan3A_566 : i32
        %mul3A_568 = arith.constant 1 : i32
        %mul3A_569 = arith.muli %scan3A_567, %mul3A_568 : i32
        %add3A_570 = arith.constant 0 : i32
        %add3A_571 = arith.addi %add3A_570, %mul3A_569 : i32
        %add3A_572 = arith.constant 128 : i32
        %add3A_573 = arith.addi %add3A_572, %add3A_571 : i32
        %get3A_574 = arith.constant 1 : i32
        %get3A_575 = arith.index_cast %get3A_574 : i32 to index
        %get3A_576 = arith.index_cast %add3A_573 : i32 to index
        %get3A_577 = arith.constant 0 : index
        %get3A_578 = tpu.vector_load %arg6[%get3A_575, %get3A_576, %get3A_577] {strides = array<i32>} : memref<2x512x32xf32, #tpu.memory_space<vmem>>, vector<16xf32>,
        %get3A_579 = arith.constant 1 : i32
        %get3A_580 = arith.index_cast %get3A_579 : i32 to index
        %get3A_581 = arith.index_cast %add3A_573 : i32 to index
        %get3A_582 = arith.constant 16 : index
        %get3A_583 = tpu.vector_load %arg6[%get3A_580, %get3A_581, %get3A_582] {strides = array<i32>} : memref<2x512x32xf32, #tpu.memory_space<vmem>>, vector<16xf32>,
        %scatter3A_584 = arith.constant 1 : i32
        %scatter3A_585 = arith.constant 0 : i32
        %scatter3A_586 = arith.constant 0 : i32
        %scatter3A_587 = tpu.memref_slice %arg7[%scatter3A_584, %scatter3A_585, %scatter3A_586] : memref<2x128x129xf32, #tpu.memory_space<vmem>> -> memref<1x128x129xf32, #tpu.memory_space<vmem>>
        %scatter3A_588 = tpu.memref_squeeze %scatter3A_587 : memref<1x128x129xf32, #tpu.memory_space<vmem>> -> memref<128x129xf32, #tpu.memory_space<vmem>>
        tpu.vector_store_idx %scatter3A_588[%add3A_424, %add3A_565], %get3A_578 : memref<128x129xf32, #tpu.memory_space<vmem>>[vector<16xi32>, vector<16xi32>], vector<16xf32>,
        %scatter3A_589 = arith.constant 1 : i32
        %scatter3A_590 = arith.constant 0 : i32
        %scatter3A_591 = arith.constant 0 : i32
        %scatter3A_592 = tpu.memref_slice %arg7[%scatter3A_589, %scatter3A_590, %scatter3A_591] : memref<2x128x129xf32, #tpu.memory_space<vmem>> -> memref<1x128x129xf32, #tpu.memory_space<vmem>>
        %scatter3A_593 = tpu.memref_squeeze %scatter3A_592 : memref<1x128x129xf32, #tpu.memory_space<vmem>> -> memref<128x129xf32, #tpu.memory_space<vmem>>
        tpu.vector_store_idx %scatter3A_593[%add3A_427, %add3A_565], %get3A_583 : memref<128x129xf32, #tpu.memory_space<vmem>>[vector<16xi32>, vector<16xi32>], vector<16xf32>,
        %add3A_594 = arith.constant 1 : i32
        %add3A_595 = vector.broadcast %add3A_594 : i32 to vector<16xi32>
        %add3A_596 = arith.addi %add3A_565, %add3A_595 : vector<16xi32>
        %scan3A_597 = arith.constant 2 : i32
        %scan3A_598 = arith.addi %scan3A_537, %scan3A_597 : i32
        %mul3A_599 = arith.constant 1 : i32
        %mul3A_600 = arith.muli %scan3A_598, %mul3A_599 : i32
        %add3A_601 = arith.constant 0 : i32
        %add3A_602 = arith.addi %add3A_601, %mul3A_600 : i32
        %add3A_603 = arith.constant 128 : i32
        %add3A_604 = arith.addi %add3A_603, %add3A_602 : i32
        %get3A_605 = arith.constant 1 : i32
        %get3A_606 = arith.index_cast %get3A_605 : i32 to index
        %get3A_607 = arith.index_cast %add3A_604 : i32 to index
        %get3A_608 = arith.constant 0 : index
        %get3A_609 = tpu.vector_load %arg6[%get3A_606, %get3A_607, %get3A_608] {strides = array<i32>} : memref<2x512x32xf32, #tpu.memory_space<vmem>>, vector<16xf32>,
        %get3A_610 = arith.constant 1 : i32
        %get3A_611 = arith.index_cast %get3A_610 : i32 to index
        %get3A_612 = arith.index_cast %add3A_604 : i32 to index
        %get3A_613 = arith.constant 16 : index
        %get3A_614 = tpu.vector_load %arg6[%get3A_611, %get3A_612, %get3A_613] {strides = array<i32>} : memref<2x512x32xf32, #tpu.memory_space<vmem>>, vector<16xf32>,
        %scatter3A_615 = arith.constant 1 : i32
        %scatter3A_616 = arith.constant 0 : i32
        %scatter3A_617 = arith.constant 0 : i32
        %scatter3A_618 = tpu.memref_slice %arg7[%scatter3A_615, %scatter3A_616, %scatter3A_617] : memref<2x128x129xf32, #tpu.memory_space<vmem>> -> memref<1x128x129xf32, #tpu.memory_space<vmem>>
        %scatter3A_619 = tpu.memref_squeeze %scatter3A_618 : memref<1x128x129xf32, #tpu.memory_space<vmem>> -> memref<128x129xf32, #tpu.memory_space<vmem>>
        tpu.vector_store_idx %scatter3A_619[%add3A_424, %add3A_596], %get3A_609 : memref<128x129xf32, #tpu.memory_space<vmem>>[vector<16xi32>, vector<16xi32>], vector<16xf32>,
        %scatter3A_620 = arith.constant 1 : i32
        %scatter3A_621 = arith.constant 0 : i32
        %scatter3A_622 = arith.constant 0 : i32
        %scatter3A_623 = tpu.memref_slice %arg7[%scatter3A_620, %scatter3A_621, %scatter3A_622] : memref<2x128x129xf32, #tpu.memory_space<vmem>> -> memref<1x128x129xf32, #tpu.memory_space<vmem>>
        %scatter3A_624 = tpu.memref_squeeze %scatter3A_623 : memref<1x128x129xf32, #tpu.memory_space<vmem>> -> memref<128x129xf32, #tpu.memory_space<vmem>>
        tpu.vector_store_idx %scatter3A_624[%add3A_427, %add3A_596], %get3A_614 : memref<128x129xf32, #tpu.memory_space<vmem>>[vector<16xi32>, vector<16xi32>], vector<16xf32>,
        %add3A_625 = arith.constant 1 : i32
        %add3A_626 = vector.broadcast %add3A_625 : i32 to vector<16xi32>
        %add3A_627 = arith.addi %add3A_596, %add3A_626 : vector<16xi32>
        %scan3A_628 = arith.constant 3 : i32
        %scan3A_629 = arith.addi %scan3A_537, %scan3A_628 : i32
        %mul3A_630 = arith.constant 1 : i32
        %mul3A_631 = arith.muli %scan3A_629, %mul3A_630 : i32
        %add3A_632 = arith.constant 0 : i32
        %add3A_633 = arith.addi %add3A_632, %mul3A_631 : i32
        %add3A_634 = arith.constant 128 : i32
        %add3A_635 = arith.addi %add3A_634, %add3A_633 : i32
        %get3A_636 = arith.constant 1 : i32
        %get3A_637 = arith.index_cast %get3A_636 : i32 to index
        %get3A_638 = arith.index_cast %add3A_635 : i32 to index
        %get3A_639 = arith.constant 0 : index
        %get3A_640 = tpu.vector_load %arg6[%get3A_637, %get3A_638, %get3A_639] {strides = array<i32>} : memref<2x512x32xf32, #tpu.memory_space<vmem>>, vector<16xf32>,
        %get3A_641 = arith.constant 1 : i32
        %get3A_642 = arith.index_cast %get3A_641 : i32 to index
        %get3A_643 = arith.index_cast %add3A_635 : i32 to index
        %get3A_644 = arith.constant 16 : index
        %get3A_645 = tpu.vector_load %arg6[%get3A_642, %get3A_643, %get3A_644] {strides = array<i32>} : memref<2x512x32xf32, #tpu.memory_space<vmem>>, vector<16xf32>,
        %scatter3A_646 = arith.constant 1 : i32
        %scatter3A_647 = arith.constant 0 : i32
        %scatter3A_648 = arith.constant 0 : i32
        %scatter3A_649 = tpu.memref_slice %arg7[%scatter3A_646, %scatter3A_647, %scatter3A_648] : memref<2x128x129xf32, #tpu.memory_space<vmem>> -> memref<1x128x129xf32, #tpu.memory_space<vmem>>
        %scatter3A_650 = tpu.memref_squeeze %scatter3A_649 : memref<1x128x129xf32, #tpu.memory_space<vmem>> -> memref<128x129xf32, #tpu.memory_space<vmem>>
        tpu.vector_store_idx %scatter3A_650[%add3A_424, %add3A_627], %get3A_640 : memref<128x129xf32, #tpu.memory_space<vmem>>[vector<16xi32>, vector<16xi32>], vector<16xf32>,
        %scatter3A_651 = arith.constant 1 : i32
        %scatter3A_652 = arith.constant 0 : i32
        %scatter3A_653 = arith.constant 0 : i32
        %scatter3A_654 = tpu.memref_slice %arg7[%scatter3A_651, %scatter3A_652, %scatter3A_653] : memref<2x128x129xf32, #tpu.memory_space<vmem>> -> memref<1x128x129xf32, #tpu.memory_space<vmem>>
        %scatter3A_655 = tpu.memref_squeeze %scatter3A_654 : memref<1x128x129xf32, #tpu.memory_space<vmem>> -> memref<128x129xf32, #tpu.memory_space<vmem>>
        tpu.vector_store_idx %scatter3A_655[%add3A_427, %add3A_627], %get3A_645 : memref<128x129xf32, #tpu.memory_space<vmem>>[vector<16xi32>, vector<16xi32>], vector<16xf32>,
        %add3A_656 = arith.constant 1 : i32
        %add3A_657 = vector.broadcast %add3A_656 : i32 to vector<16xi32>
        %add3A_658 = arith.addi %add3A_627, %add3A_657 : vector<16xi32>
        %scan3A_659 = arith.constant 4 : i32
        %scan3A_660 = arith.addi %scan3A_537, %scan3A_659 : i32
        %mul3A_661 = arith.constant 1 : i32
        %mul3A_662 = arith.muli %scan3A_660, %mul3A_661 : i32
        %add3A_663 = arith.constant 0 : i32
        %add3A_664 = arith.addi %add3A_663, %mul3A_662 : i32
        %add3A_665 = arith.constant 128 : i32
        %add3A_666 = arith.addi %add3A_665, %add3A_664 : i32
        %get3A_667 = arith.constant 1 : i32
        %get3A_668 = arith.index_cast %get3A_667 : i32 to index
        %get3A_669 = arith.index_cast %add3A_666 : i32 to index
        %get3A_670 = arith.constant 0 : index
        %get3A_671 = tpu.vector_load %arg6[%get3A_668, %get3A_669, %get3A_670] {strides = array<i32>} : memref<2x512x32xf32, #tpu.memory_space<vmem>>, vector<16xf32>,
        %get3A_672 = arith.constant 1 : i32
        %get3A_673 = arith.index_cast %get3A_672 : i32 to index
        %get3A_674 = arith.index_cast %add3A_666 : i32 to index
        %get3A_675 = arith.constant 16 : index
        %get3A_676 = tpu.vector_load %arg6[%get3A_673, %get3A_674, %get3A_675] {strides = array<i32>} : memref<2x512x32xf32, #tpu.memory_space<vmem>>, vector<16xf32>,
        %scatter3A_677 = arith.constant 1 : i32
        %scatter3A_678 = arith.constant 0 : i32
        %scatter3A_679 = arith.constant 0 : i32
        %scatter3A_680 = tpu.memref_slice %arg7[%scatter3A_677, %scatter3A_678, %scatter3A_679] : memref<2x128x129xf32, #tpu.memory_space<vmem>> -> memref<1x128x129xf32, #tpu.memory_space<vmem>>
        %scatter3A_681 = tpu.memref_squeeze %scatter3A_680 : memref<1x128x129xf32, #tpu.memory_space<vmem>> -> memref<128x129xf32, #tpu.memory_space<vmem>>
        tpu.vector_store_idx %scatter3A_681[%add3A_424, %add3A_658], %get3A_671 : memref<128x129xf32, #tpu.memory_space<vmem>>[vector<16xi32>, vector<16xi32>], vector<16xf32>,
        %scatter3A_682 = arith.constant 1 : i32
        %scatter3A_683 = arith.constant 0 : i32
        %scatter3A_684 = arith.constant 0 : i32
        %scatter3A_685 = tpu.memref_slice %arg7[%scatter3A_682, %scatter3A_683, %scatter3A_684] : memref<2x128x129xf32, #tpu.memory_space<vmem>> -> memref<1x128x129xf32, #tpu.memory_space<vmem>>
        %scatter3A_686 = tpu.memref_squeeze %scatter3A_685 : memref<1x128x129xf32, #tpu.memory_space<vmem>> -> memref<128x129xf32, #tpu.memory_space<vmem>>
        tpu.vector_store_idx %scatter3A_686[%add3A_427, %add3A_658], %get3A_676 : memref<128x129xf32, #tpu.memory_space<vmem>>[vector<16xi32>, vector<16xi32>], vector<16xf32>,
        %add3A_687 = arith.constant 1 : i32
        %add3A_688 = vector.broadcast %add3A_687 : i32 to vector<16xi32>
        %add3A_689 = arith.addi %add3A_658, %add3A_688 : vector<16xi32>
        %scan3A_690 = arith.constant 5 : i32
        %scan3A_691 = arith.addi %scan3A_537, %scan3A_690 : i32
        %mul3A_692 = arith.constant 1 : i32
        %mul3A_693 = arith.muli %scan3A_691, %mul3A_692 : i32
        %add3A_694 = arith.constant 0 : i32
        %add3A_695 = arith.addi %add3A_694, %mul3A_693 : i32
        %add3A_696 = arith.constant 128 : i32
        %add3A_697 = arith.addi %add3A_696, %add3A_695 : i32
        %get3A_698 = arith.constant 1 : i32
        %get3A_699 = arith.index_cast %get3A_698 : i32 to index
        %get3A_700 = arith.index_cast %add3A_697 : i32 to index
        %get3A_701 = arith.constant 0 : index
        %get3A_702 = tpu.vector_load %arg6[%get3A_699, %get3A_700, %get3A_701] {strides = array<i32>} : memref<2x512x32xf32, #tpu.memory_space<vmem>>, vector<16xf32>,
        %get3A_703 = arith.constant 1 : i32
        %get3A_704 = arith.index_cast %get3A_703 : i32 to index
        %get3A_705 = arith.index_cast %add3A_697 : i32 to index
        %get3A_706 = arith.constant 16 : index
        %get3A_707 = tpu.vector_load %arg6[%get3A_704, %get3A_705, %get3A_706] {strides = array<i32>} : memref<2x512x32xf32, #tpu.memory_space<vmem>>, vector<16xf32>,
        %scatter3A_708 = arith.constant 1 : i32
        %scatter3A_709 = arith.constant 0 : i32
        %scatter3A_710 = arith.constant 0 : i32
        %scatter3A_711 = tpu.memref_slice %arg7[%scatter3A_708, %scatter3A_709, %scatter3A_710] : memref<2x128x129xf32, #tpu.memory_space<vmem>> -> memref<1x128x129xf32, #tpu.memory_space<vmem>>
        %scatter3A_712 = tpu.memref_squeeze %scatter3A_711 : memref<1x128x129xf32, #tpu.memory_space<vmem>> -> memref<128x129xf32, #tpu.memory_space<vmem>>
        tpu.vector_store_idx %scatter3A_712[%add3A_424, %add3A_689], %get3A_702 : memref<128x129xf32, #tpu.memory_space<vmem>>[vector<16xi32>, vector<16xi32>], vector<16xf32>,
        %scatter3A_713 = arith.constant 1 : i32
        %scatter3A_714 = arith.constant 0 : i32
        %scatter3A_715 = arith.constant 0 : i32
        %scatter3A_716 = tpu.memref_slice %arg7[%scatter3A_713, %scatter3A_714, %scatter3A_715] : memref<2x128x129xf32, #tpu.memory_space<vmem>> -> memref<1x128x129xf32, #tpu.memory_space<vmem>>
        %scatter3A_717 = tpu.memref_squeeze %scatter3A_716 : memref<1x128x129xf32, #tpu.memory_space<vmem>> -> memref<128x129xf32, #tpu.memory_space<vmem>>
        tpu.vector_store_idx %scatter3A_717[%add3A_427, %add3A_689], %get3A_707 : memref<128x129xf32, #tpu.memory_space<vmem>>[vector<16xi32>, vector<16xi32>], vector<16xf32>,
        %add3A_718 = arith.constant 1 : i32
        %add3A_719 = vector.broadcast %add3A_718 : i32 to vector<16xi32>
        %add3A_720 = arith.addi %add3A_689, %add3A_719 : vector<16xi32>
        %scan3A_721 = arith.constant 6 : i32
        %scan3A_722 = arith.addi %scan3A_537, %scan3A_721 : i32
        %mul3A_723 = arith.constant 1 : i32
        %mul3A_724 = arith.muli %scan3A_722, %mul3A_723 : i32
        %add3A_725 = arith.constant 0 : i32
        %add3A_726 = arith.addi %add3A_725, %mul3A_724 : i32
        %add3A_727 = arith.constant 128 : i32
        %add3A_728 = arith.addi %add3A_727, %add3A_726 : i32
        %get3A_729 = arith.constant 1 : i32
        %get3A_730 = arith.index_cast %get3A_729 : i32 to index
        %get3A_731 = arith.index_cast %add3A_728 : i32 to index
        %get3A_732 = arith.constant 0 : index
        %get3A_733 = tpu.vector_load %arg6[%get3A_730, %get3A_731, %get3A_732] {strides = array<i32>} : memref<2x512x32xf32, #tpu.memory_space<vmem>>, vector<16xf32>,
        %get3A_734 = arith.constant 1 : i32
        %get3A_735 = arith.index_cast %get3A_734 : i32 to index
        %get3A_736 = arith.index_cast %add3A_728 : i32 to index
        %get3A_737 = arith.constant 16 : index
        %get3A_738 = tpu.vector_load %arg6[%get3A_735, %get3A_736, %get3A_737] {strides = array<i32>} : memref<2x512x32xf32, #tpu.memory_space<vmem>>, vector<16xf32>,
        %scatter3A_739 = arith.constant 1 : i32
        %scatter3A_740 = arith.constant 0 : i32
        %scatter3A_741 = arith.constant 0 : i32
        %scatter3A_742 = tpu.memref_slice %arg7[%scatter3A_739, %scatter3A_740, %scatter3A_741] : memref<2x128x129xf32, #tpu.memory_space<vmem>> -> memref<1x128x129xf32, #tpu.memory_space<vmem>>
        %scatter3A_743 = tpu.memref_squeeze %scatter3A_742 : memref<1x128x129xf32, #tpu.memory_space<vmem>> -> memref<128x129xf32, #tpu.memory_space<vmem>>
        tpu.vector_store_idx %scatter3A_743[%add3A_424, %add3A_720], %get3A_733 : memref<128x129xf32, #tpu.memory_space<vmem>>[vector<16xi32>, vector<16xi32>], vector<16xf32>,
        %scatter3A_744 = arith.constant 1 : i32
        %scatter3A_745 = arith.constant 0 : i32
        %scatter3A_746 = arith.constant 0 : i32
        %scatter3A_747 = tpu.memref_slice %arg7[%scatter3A_744, %scatter3A_745, %scatter3A_746] : memref<2x128x129xf32, #tpu.memory_space<vmem>> -> memref<1x128x129xf32, #tpu.memory_space<vmem>>
        %scatter3A_748 = tpu.memref_squeeze %scatter3A_747 : memref<1x128x129xf32, #tpu.memory_space<vmem>> -> memref<128x129xf32, #tpu.memory_space<vmem>>
        tpu.vector_store_idx %scatter3A_748[%add3A_427, %add3A_720], %get3A_738 : memref<128x129xf32, #tpu.memory_space<vmem>>[vector<16xi32>, vector<16xi32>], vector<16xf32>,
        %add3A_749 = arith.constant 1 : i32
        %add3A_750 = vector.broadcast %add3A_749 : i32 to vector<16xi32>
        %add3A_751 = arith.addi %add3A_720, %add3A_750 : vector<16xi32>
        %scan3A_752 = arith.constant 7 : i32
        %scan3A_753 = arith.addi %scan3A_537, %scan3A_752 : i32
        %mul3A_754 = arith.constant 1 : i32
        %mul3A_755 = arith.muli %scan3A_753, %mul3A_754 : i32
        %add3A_756 = arith.constant 0 : i32
        %add3A_757 = arith.addi %add3A_756, %mul3A_755 : i32
        %add3A_758 = arith.constant 128 : i32
        %add3A_759 = arith.addi %add3A_758, %add3A_757 : i32
        %get3A_760 = arith.constant 1 : i32
        %get3A_761 = arith.index_cast %get3A_760 : i32 to index
        %get3A_762 = arith.index_cast %add3A_759 : i32 to index
        %get3A_763 = arith.constant 0 : index
        %get3A_764 = tpu.vector_load %arg6[%get3A_761, %get3A_762, %get3A_763] {strides = array<i32>} : memref<2x512x32xf32, #tpu.memory_space<vmem>>, vector<16xf32>,
        %get3A_765 = arith.constant 1 : i32
        %get3A_766 = arith.index_cast %get3A_765 : i32 to index
        %get3A_767 = arith.index_cast %add3A_759 : i32 to index
        %get3A_768 = arith.constant 16 : index
        %get3A_769 = tpu.vector_load %arg6[%get3A_766, %get3A_767, %get3A_768] {strides = array<i32>} : memref<2x512x32xf32, #tpu.memory_space<vmem>>, vector<16xf32>,
        %scatter3A_770 = arith.constant 1 : i32
        %scatter3A_771 = arith.constant 0 : i32
        %scatter3A_772 = arith.constant 0 : i32
        %scatter3A_773 = tpu.memref_slice %arg7[%scatter3A_770, %scatter3A_771, %scatter3A_772] : memref<2x128x129xf32, #tpu.memory_space<vmem>> -> memref<1x128x129xf32, #tpu.memory_space<vmem>>
        %scatter3A_774 = tpu.memref_squeeze %scatter3A_773 : memref<1x128x129xf32, #tpu.memory_space<vmem>> -> memref<128x129xf32, #tpu.memory_space<vmem>>
        tpu.vector_store_idx %scatter3A_774[%add3A_424, %add3A_751], %get3A_764 : memref<128x129xf32, #tpu.memory_space<vmem>>[vector<16xi32>, vector<16xi32>], vector<16xf32>,
        %scatter3A_775 = arith.constant 1 : i32
        %scatter3A_776 = arith.constant 0 : i32
        %scatter3A_777 = arith.constant 0 : i32
        %scatter3A_778 = tpu.memref_slice %arg7[%scatter3A_775, %scatter3A_776, %scatter3A_777] : memref<2x128x129xf32, #tpu.memory_space<vmem>> -> memref<1x128x129xf32, #tpu.memory_space<vmem>>
        %scatter3A_779 = tpu.memref_squeeze %scatter3A_778 : memref<1x128x129xf32, #tpu.memory_space<vmem>> -> memref<128x129xf32, #tpu.memory_space<vmem>>
        tpu.vector_store_idx %scatter3A_779[%add3A_427, %add3A_751], %get3A_769 : memref<128x129xf32, #tpu.memory_space<vmem>>[vector<16xi32>, vector<16xi32>], vector<16xf32>,
        %add3A_780 = arith.constant 1 : i32
        %add3A_781 = vector.broadcast %add3A_780 : i32 to vector<16xi32>
        %add3A_782 = arith.addi %add3A_751, %add3A_781 : vector<16xi32>
        scf.yield %add3A_782 : vector<16xi32>
      }
      %scan3A_433 = arith.constant 128 : i32
      %add3A_434 = arith.constant 16 : i32
      %add3A_435 = vector.broadcast %add3A_434 : i32 to vector<16xi32>
      %add3A_436 = arith.addi %add3A_11, %add3A_435 : vector<16xi32>
      %add3A_437 = arith.constant 64 : i32
      %add3A_438 = vector.broadcast %add3A_437 : i32 to vector<16xi32>
      %add3A_439 = arith.addi %add3A_436, %add3A_438 : vector<16xi32>
      %scan3A_440 = arith.constant 0 : i32
      %scan3A_441 = arith.constant 128 : i32
      %scan3A_442 = arith.addi %scan3A_440, %scan3A_441 : i32
      %scan3A_443 = arith.constant 8 : i32
      %scan3A_444 = scf.for %scan3A_537 = %scan3A_440 to %scan3A_442 step %scan3A_443 iter_args(%scan3A_538 = %and3A_14) -> (vector<16xi32>)  : i32 {
        %mul3A_539 = arith.constant 1 : i32
        %mul3A_540 = arith.muli %scan3A_537, %mul3A_539 : i32
        %add3A_541 = arith.constant 0 : i32
        %add3A_542 = arith.addi %add3A_541, %mul3A_540 : i32
        %add3A_543 = arith.constant 256 : i32
        %add3A_544 = arith.addi %add3A_543, %add3A_542 : i32
        %get3A = arith.constant 1 : i32
        %get3A_545 = arith.index_cast %get3A : i32 to index
        %get3A_546 = arith.index_cast %add3A_544 : i32 to index
        %get3A_547 = arith.constant 0 : index
        %get3A_548 = tpu.vector_load %arg6[%get3A_545, %get3A_546, %get3A_547] {strides = array<i32>} : memref<2x512x32xf32, #tpu.memory_space<vmem>>, vector<16xf32>,
        %get3A_549 = arith.constant 1 : i32
        %get3A_550 = arith.index_cast %get3A_549 : i32 to index
        %get3A_551 = arith.index_cast %add3A_544 : i32 to index
        %get3A_552 = arith.constant 16 : index
        %get3A_553 = tpu.vector_load %arg6[%get3A_550, %get3A_551, %get3A_552] {strides = array<i32>} : memref<2x512x32xf32, #tpu.memory_space<vmem>>, vector<16xf32>,
        %scatter3A = arith.constant 1 : i32
        %scatter3A_554 = arith.constant 0 : i32
        %scatter3A_555 = arith.constant 0 : i32
        %scatter3A_556 = tpu.memref_slice %arg7[%scatter3A, %scatter3A_554, %scatter3A_555] : memref<2x128x129xf32, #tpu.memory_space<vmem>> -> memref<1x128x129xf32, #tpu.memory_space<vmem>>
        %scatter3A_557 = tpu.memref_squeeze %scatter3A_556 : memref<1x128x129xf32, #tpu.memory_space<vmem>> -> memref<128x129xf32, #tpu.memory_space<vmem>>
        tpu.vector_store_idx %scatter3A_557[%add3A_436, %scan3A_538], %get3A_548 : memref<128x129xf32, #tpu.memory_space<vmem>>[vector<16xi32>, vector<16xi32>], vector<16xf32>,
        %scatter3A_558 = arith.constant 1 : i32
        %scatter3A_559 = arith.constant 0 : i32
        %scatter3A_560 = arith.constant 0 : i32
        %scatter3A_561 = tpu.memref_slice %arg7[%scatter3A_558, %scatter3A_559, %scatter3A_560] : memref<2x128x129xf32, #tpu.memory_space<vmem>> -> memref<1x128x129xf32, #tpu.memory_space<vmem>>
        %scatter3A_562 = tpu.memref_squeeze %scatter3A_561 : memref<1x128x129xf32, #tpu.memory_space<vmem>> -> memref<128x129xf32, #tpu.memory_space<vmem>>
        tpu.vector_store_idx %scatter3A_562[%add3A_439, %scan3A_538], %get3A_553 : memref<128x129xf32, #tpu.memory_space<vmem>>[vector<16xi32>, vector<16xi32>], vector<16xf32>,
        %add3A_563 = arith.constant 1 : i32
        %add3A_564 = vector.broadcast %add3A_563 : i32 to vector<16xi32>
        %add3A_565 = arith.addi %scan3A_538, %add3A_564 : vector<16xi32>
        %scan3A_566 = arith.constant 1 : i32
        %scan3A_567 = arith.addi %scan3A_537, %scan3A_566 : i32
        %mul3A_568 = arith.constant 1 : i32
        %mul3A_569 = arith.muli %scan3A_567, %mul3A_568 : i32
        %add3A_570 = arith.constant 0 : i32
        %add3A_571 = arith.addi %add3A_570, %mul3A_569 : i32
        %add3A_572 = arith.constant 256 : i32
        %add3A_573 = arith.addi %add3A_572, %add3A_571 : i32
        %get3A_574 = arith.constant 1 : i32
        %get3A_575 = arith.index_cast %get3A_574 : i32 to index
        %get3A_576 = arith.index_cast %add3A_573 : i32 to index
        %get3A_577 = arith.constant 0 : index
        %get3A_578 = tpu.vector_load %arg6[%get3A_575, %get3A_576, %get3A_577] {strides = array<i32>} : memref<2x512x32xf32, #tpu.memory_space<vmem>>, vector<16xf32>,
        %get3A_579 = arith.constant 1 : i32
        %get3A_580 = arith.index_cast %get3A_579 : i32 to index
        %get3A_581 = arith.index_cast %add3A_573 : i32 to index
        %get3A_582 = arith.constant 16 : index
        %get3A_583 = tpu.vector_load %arg6[%get3A_580, %get3A_581, %get3A_582] {strides = array<i32>} : memref<2x512x32xf32, #tpu.memory_space<vmem>>, vector<16xf32>,
        %scatter3A_584 = arith.constant 1 : i32
        %scatter3A_585 = arith.constant 0 : i32
        %scatter3A_586 = arith.constant 0 : i32
        %scatter3A_587 = tpu.memref_slice %arg7[%scatter3A_584, %scatter3A_585, %scatter3A_586] : memref<2x128x129xf32, #tpu.memory_space<vmem>> -> memref<1x128x129xf32, #tpu.memory_space<vmem>>
        %scatter3A_588 = tpu.memref_squeeze %scatter3A_587 : memref<1x128x129xf32, #tpu.memory_space<vmem>> -> memref<128x129xf32, #tpu.memory_space<vmem>>
        tpu.vector_store_idx %scatter3A_588[%add3A_436, %add3A_565], %get3A_578 : memref<128x129xf32, #tpu.memory_space<vmem>>[vector<16xi32>, vector<16xi32>], vector<16xf32>,
        %scatter3A_589 = arith.constant 1 : i32
        %scatter3A_590 = arith.constant 0 : i32
        %scatter3A_591 = arith.constant 0 : i32
        %scatter3A_592 = tpu.memref_slice %arg7[%scatter3A_589, %scatter3A_590, %scatter3A_591] : memref<2x128x129xf32, #tpu.memory_space<vmem>> -> memref<1x128x129xf32, #tpu.memory_space<vmem>>
        %scatter3A_593 = tpu.memref_squeeze %scatter3A_592 : memref<1x128x129xf32, #tpu.memory_space<vmem>> -> memref<128x129xf32, #tpu.memory_space<vmem>>
        tpu.vector_store_idx %scatter3A_593[%add3A_439, %add3A_565], %get3A_583 : memref<128x129xf32, #tpu.memory_space<vmem>>[vector<16xi32>, vector<16xi32>], vector<16xf32>,
        %add3A_594 = arith.constant 1 : i32
        %add3A_595 = vector.broadcast %add3A_594 : i32 to vector<16xi32>
        %add3A_596 = arith.addi %add3A_565, %add3A_595 : vector<16xi32>
        %scan3A_597 = arith.constant 2 : i32
        %scan3A_598 = arith.addi %scan3A_537, %scan3A_597 : i32
        %mul3A_599 = arith.constant 1 : i32
        %mul3A_600 = arith.muli %scan3A_598, %mul3A_599 : i32
        %add3A_601 = arith.constant 0 : i32
        %add3A_602 = arith.addi %add3A_601, %mul3A_600 : i32
        %add3A_603 = arith.constant 256 : i32
        %add3A_604 = arith.addi %add3A_603, %add3A_602 : i32
        %get3A_605 = arith.constant 1 : i32
        %get3A_606 = arith.index_cast %get3A_605 : i32 to index
        %get3A_607 = arith.index_cast %add3A_604 : i32 to index
        %get3A_608 = arith.constant 0 : index
        %get3A_609 = tpu.vector_load %arg6[%get3A_606, %get3A_607, %get3A_608] {strides = array<i32>} : memref<2x512x32xf32, #tpu.memory_space<vmem>>, vector<16xf32>,
        %get3A_610 = arith.constant 1 : i32
        %get3A_611 = arith.index_cast %get3A_610 : i32 to index
        %get3A_612 = arith.index_cast %add3A_604 : i32 to index
        %get3A_613 = arith.constant 16 : index
        %get3A_614 = tpu.vector_load %arg6[%get3A_611, %get3A_612, %get3A_613] {strides = array<i32>} : memref<2x512x32xf32, #tpu.memory_space<vmem>>, vector<16xf32>,
        %scatter3A_615 = arith.constant 1 : i32
        %scatter3A_616 = arith.constant 0 : i32
        %scatter3A_617 = arith.constant 0 : i32
        %scatter3A_618 = tpu.memref_slice %arg7[%scatter3A_615, %scatter3A_616, %scatter3A_617] : memref<2x128x129xf32, #tpu.memory_space<vmem>> -> memref<1x128x129xf32, #tpu.memory_space<vmem>>
        %scatter3A_619 = tpu.memref_squeeze %scatter3A_618 : memref<1x128x129xf32, #tpu.memory_space<vmem>> -> memref<128x129xf32, #tpu.memory_space<vmem>>
        tpu.vector_store_idx %scatter3A_619[%add3A_436, %add3A_596], %get3A_609 : memref<128x129xf32, #tpu.memory_space<vmem>>[vector<16xi32>, vector<16xi32>], vector<16xf32>,
        %scatter3A_620 = arith.constant 1 : i32
        %scatter3A_621 = arith.constant 0 : i32
        %scatter3A_622 = arith.constant 0 : i32
        %scatter3A_623 = tpu.memref_slice %arg7[%scatter3A_620, %scatter3A_621, %scatter3A_622] : memref<2x128x129xf32, #tpu.memory_space<vmem>> -> memref<1x128x129xf32, #tpu.memory_space<vmem>>
        %scatter3A_624 = tpu.memref_squeeze %scatter3A_623 : memref<1x128x129xf32, #tpu.memory_space<vmem>> -> memref<128x129xf32, #tpu.memory_space<vmem>>
        tpu.vector_store_idx %scatter3A_624[%add3A_439, %add3A_596], %get3A_614 : memref<128x129xf32, #tpu.memory_space<vmem>>[vector<16xi32>, vector<16xi32>], vector<16xf32>,
        %add3A_625 = arith.constant 1 : i32
        %add3A_626 = vector.broadcast %add3A_625 : i32 to vector<16xi32>
        %add3A_627 = arith.addi %add3A_596, %add3A_626 : vector<16xi32>
        %scan3A_628 = arith.constant 3 : i32
        %scan3A_629 = arith.addi %scan3A_537, %scan3A_628 : i32
        %mul3A_630 = arith.constant 1 : i32
        %mul3A_631 = arith.muli %scan3A_629, %mul3A_630 : i32
        %add3A_632 = arith.constant 0 : i32
        %add3A_633 = arith.addi %add3A_632, %mul3A_631 : i32
        %add3A_634 = arith.constant 256 : i32
        %add3A_635 = arith.addi %add3A_634, %add3A_633 : i32
        %get3A_636 = arith.constant 1 : i32
        %get3A_637 = arith.index_cast %get3A_636 : i32 to index
        %get3A_638 = arith.index_cast %add3A_635 : i32 to index
        %get3A_639 = arith.constant 0 : index
        %get3A_640 = tpu.vector_load %arg6[%get3A_637, %get3A_638, %get3A_639] {strides = array<i32>} : memref<2x512x32xf32, #tpu.memory_space<vmem>>, vector<16xf32>,
        %get3A_641 = arith.constant 1 : i32
        %get3A_642 = arith.index_cast %get3A_641 : i32 to index
        %get3A_643 = arith.index_cast %add3A_635 : i32 to index
        %get3A_644 = arith.constant 16 : index
        %get3A_645 = tpu.vector_load %arg6[%get3A_642, %get3A_643, %get3A_644] {strides = array<i32>} : memref<2x512x32xf32, #tpu.memory_space<vmem>>, vector<16xf32>,
        %scatter3A_646 = arith.constant 1 : i32
        %scatter3A_647 = arith.constant 0 : i32
        %scatter3A_648 = arith.constant 0 : i32
        %scatter3A_649 = tpu.memref_slice %arg7[%scatter3A_646, %scatter3A_647, %scatter3A_648] : memref<2x128x129xf32, #tpu.memory_space<vmem>> -> memref<1x128x129xf32, #tpu.memory_space<vmem>>
        %scatter3A_650 = tpu.memref_squeeze %scatter3A_649 : memref<1x128x129xf32, #tpu.memory_space<vmem>> -> memref<128x129xf32, #tpu.memory_space<vmem>>
        tpu.vector_store_idx %scatter3A_650[%add3A_436, %add3A_627], %get3A_640 : memref<128x129xf32, #tpu.memory_space<vmem>>[vector<16xi32>, vector<16xi32>], vector<16xf32>,
        %scatter3A_651 = arith.constant 1 : i32
        %scatter3A_652 = arith.constant 0 : i32
        %scatter3A_653 = arith.constant 0 : i32
        %scatter3A_654 = tpu.memref_slice %arg7[%scatter3A_651, %scatter3A_652, %scatter3A_653] : memref<2x128x129xf32, #tpu.memory_space<vmem>> -> memref<1x128x129xf32, #tpu.memory_space<vmem>>
        %scatter3A_655 = tpu.memref_squeeze %scatter3A_654 : memref<1x128x129xf32, #tpu.memory_space<vmem>> -> memref<128x129xf32, #tpu.memory_space<vmem>>
        tpu.vector_store_idx %scatter3A_655[%add3A_439, %add3A_627], %get3A_645 : memref<128x129xf32, #tpu.memory_space<vmem>>[vector<16xi32>, vector<16xi32>], vector<16xf32>,
        %add3A_656 = arith.constant 1 : i32
        %add3A_657 = vector.broadcast %add3A_656 : i32 to vector<16xi32>
        %add3A_658 = arith.addi %add3A_627, %add3A_657 : vector<16xi32>
        %scan3A_659 = arith.constant 4 : i32
        %scan3A_660 = arith.addi %scan3A_537, %scan3A_659 : i32
        %mul3A_661 = arith.constant 1 : i32
        %mul3A_662 = arith.muli %scan3A_660, %mul3A_661 : i32
        %add3A_663 = arith.constant 0 : i32
        %add3A_664 = arith.addi %add3A_663, %mul3A_662 : i32
        %add3A_665 = arith.constant 256 : i32
        %add3A_666 = arith.addi %add3A_665, %add3A_664 : i32
        %get3A_667 = arith.constant 1 : i32
        %get3A_668 = arith.index_cast %get3A_667 : i32 to index
        %get3A_669 = arith.index_cast %add3A_666 : i32 to index
        %get3A_670 = arith.constant 0 : index
        %get3A_671 = tpu.vector_load %arg6[%get3A_668, %get3A_669, %get3A_670] {strides = array<i32>} : memref<2x512x32xf32, #tpu.memory_space<vmem>>, vector<16xf32>,
        %get3A_672 = arith.constant 1 : i32
        %get3A_673 = arith.index_cast %get3A_672 : i32 to index
        %get3A_674 = arith.index_cast %add3A_666 : i32 to index
        %get3A_675 = arith.constant 16 : index
        %get3A_676 = tpu.vector_load %arg6[%get3A_673, %get3A_674, %get3A_675] {strides = array<i32>} : memref<2x512x32xf32, #tpu.memory_space<vmem>>, vector<16xf32>,
        %scatter3A_677 = arith.constant 1 : i32
        %scatter3A_678 = arith.constant 0 : i32
        %scatter3A_679 = arith.constant 0 : i32
        %scatter3A_680 = tpu.memref_slice %arg7[%scatter3A_677, %scatter3A_678, %scatter3A_679] : memref<2x128x129xf32, #tpu.memory_space<vmem>> -> memref<1x128x129xf32, #tpu.memory_space<vmem>>
        %scatter3A_681 = tpu.memref_squeeze %scatter3A_680 : memref<1x128x129xf32, #tpu.memory_space<vmem>> -> memref<128x129xf32, #tpu.memory_space<vmem>>
        tpu.vector_store_idx %scatter3A_681[%add3A_436, %add3A_658], %get3A_671 : memref<128x129xf32, #tpu.memory_space<vmem>>[vector<16xi32>, vector<16xi32>], vector<16xf32>,
        %scatter3A_682 = arith.constant 1 : i32
        %scatter3A_683 = arith.constant 0 : i32
        %scatter3A_684 = arith.constant 0 : i32
        %scatter3A_685 = tpu.memref_slice %arg7[%scatter3A_682, %scatter3A_683, %scatter3A_684] : memref<2x128x129xf32, #tpu.memory_space<vmem>> -> memref<1x128x129xf32, #tpu.memory_space<vmem>>
        %scatter3A_686 = tpu.memref_squeeze %scatter3A_685 : memref<1x128x129xf32, #tpu.memory_space<vmem>> -> memref<128x129xf32, #tpu.memory_space<vmem>>
        tpu.vector_store_idx %scatter3A_686[%add3A_439, %add3A_658], %get3A_676 : memref<128x129xf32, #tpu.memory_space<vmem>>[vector<16xi32>, vector<16xi32>], vector<16xf32>,
        %add3A_687 = arith.constant 1 : i32
        %add3A_688 = vector.broadcast %add3A_687 : i32 to vector<16xi32>
        %add3A_689 = arith.addi %add3A_658, %add3A_688 : vector<16xi32>
        %scan3A_690 = arith.constant 5 : i32
        %scan3A_691 = arith.addi %scan3A_537, %scan3A_690 : i32
        %mul3A_692 = arith.constant 1 : i32
        %mul3A_693 = arith.muli %scan3A_691, %mul3A_692 : i32
        %add3A_694 = arith.constant 0 : i32
        %add3A_695 = arith.addi %add3A_694, %mul3A_693 : i32
        %add3A_696 = arith.constant 256 : i32
        %add3A_697 = arith.addi %add3A_696, %add3A_695 : i32
        %get3A_698 = arith.constant 1 : i32
        %get3A_699 = arith.index_cast %get3A_698 : i32 to index
        %get3A_700 = arith.index_cast %add3A_697 : i32 to index
        %get3A_701 = arith.constant 0 : index
        %get3A_702 = tpu.vector_load %arg6[%get3A_699, %get3A_700, %get3A_701] {strides = array<i32>} : memref<2x512x32xf32, #tpu.memory_space<vmem>>, vector<16xf32>,
        %get3A_703 = arith.constant 1 : i32
        %get3A_704 = arith.index_cast %get3A_703 : i32 to index
        %get3A_705 = arith.index_cast %add3A_697 : i32 to index
        %get3A_706 = arith.constant 16 : index
        %get3A_707 = tpu.vector_load %arg6[%get3A_704, %get3A_705, %get3A_706] {strides = array<i32>} : memref<2x512x32xf32, #tpu.memory_space<vmem>>, vector<16xf32>,
        %scatter3A_708 = arith.constant 1 : i32
        %scatter3A_709 = arith.constant 0 : i32
        %scatter3A_710 = arith.constant 0 : i32
        %scatter3A_711 = tpu.memref_slice %arg7[%scatter3A_708, %scatter3A_709, %scatter3A_710] : memref<2x128x129xf32, #tpu.memory_space<vmem>> -> memref<1x128x129xf32, #tpu.memory_space<vmem>>
        %scatter3A_712 = tpu.memref_squeeze %scatter3A_711 : memref<1x128x129xf32, #tpu.memory_space<vmem>> -> memref<128x129xf32, #tpu.memory_space<vmem>>
        tpu.vector_store_idx %scatter3A_712[%add3A_436, %add3A_689], %get3A_702 : memref<128x129xf32, #tpu.memory_space<vmem>>[vector<16xi32>, vector<16xi32>], vector<16xf32>,
        %scatter3A_713 = arith.constant 1 : i32
        %scatter3A_714 = arith.constant 0 : i32
        %scatter3A_715 = arith.constant 0 : i32
        %scatter3A_716 = tpu.memref_slice %arg7[%scatter3A_713, %scatter3A_714, %scatter3A_715] : memref<2x128x129xf32, #tpu.memory_space<vmem>> -> memref<1x128x129xf32, #tpu.memory_space<vmem>>
        %scatter3A_717 = tpu.memref_squeeze %scatter3A_716 : memref<1x128x129xf32, #tpu.memory_space<vmem>> -> memref<128x129xf32, #tpu.memory_space<vmem>>
        tpu.vector_store_idx %scatter3A_717[%add3A_439, %add3A_689], %get3A_707 : memref<128x129xf32, #tpu.memory_space<vmem>>[vector<16xi32>, vector<16xi32>], vector<16xf32>,
        %add3A_718 = arith.constant 1 : i32
        %add3A_719 = vector.broadcast %add3A_718 : i32 to vector<16xi32>
        %add3A_720 = arith.addi %add3A_689, %add3A_719 : vector<16xi32>
        %scan3A_721 = arith.constant 6 : i32
        %scan3A_722 = arith.addi %scan3A_537, %scan3A_721 : i32
        %mul3A_723 = arith.constant 1 : i32
        %mul3A_724 = arith.muli %scan3A_722, %mul3A_723 : i32
        %add3A_725 = arith.constant 0 : i32
        %add3A_726 = arith.addi %add3A_725, %mul3A_724 : i32
        %add3A_727 = arith.constant 256 : i32
        %add3A_728 = arith.addi %add3A_727, %add3A_726 : i32
        %get3A_729 = arith.constant 1 : i32
        %get3A_730 = arith.index_cast %get3A_729 : i32 to index
        %get3A_731 = arith.index_cast %add3A_728 : i32 to index
        %get3A_732 = arith.constant 0 : index
        %get3A_733 = tpu.vector_load %arg6[%get3A_730, %get3A_731, %get3A_732] {strides = array<i32>} : memref<2x512x32xf32, #tpu.memory_space<vmem>>, vector<16xf32>,
        %get3A_734 = arith.constant 1 : i32
        %get3A_735 = arith.index_cast %get3A_734 : i32 to index
        %get3A_736 = arith.index_cast %add3A_728 : i32 to index
        %get3A_737 = arith.constant 16 : index
        %get3A_738 = tpu.vector_load %arg6[%get3A_735, %get3A_736, %get3A_737] {strides = array<i32>} : memref<2x512x32xf32, #tpu.memory_space<vmem>>, vector<16xf32>,
        %scatter3A_739 = arith.constant 1 : i32
        %scatter3A_740 = arith.constant 0 : i32
        %scatter3A_741 = arith.constant 0 : i32
        %scatter3A_742 = tpu.memref_slice %arg7[%scatter3A_739, %scatter3A_740, %scatter3A_741] : memref<2x128x129xf32, #tpu.memory_space<vmem>> -> memref<1x128x129xf32, #tpu.memory_space<vmem>>
        %scatter3A_743 = tpu.memref_squeeze %scatter3A_742 : memref<1x128x129xf32, #tpu.memory_space<vmem>> -> memref<128x129xf32, #tpu.memory_space<vmem>>
        tpu.vector_store_idx %scatter3A_743[%add3A_436, %add3A_720], %get3A_733 : memref<128x129xf32, #tpu.memory_space<vmem>>[vector<16xi32>, vector<16xi32>], vector<16xf32>,
        %scatter3A_744 = arith.constant 1 : i32
        %scatter3A_745 = arith.constant 0 : i32
        %scatter3A_746 = arith.constant 0 : i32
        %scatter3A_747 = tpu.memref_slice %arg7[%scatter3A_744, %scatter3A_745, %scatter3A_746] : memref<2x128x129xf32, #tpu.memory_space<vmem>> -> memref<1x128x129xf32, #tpu.memory_space<vmem>>
        %scatter3A_748 = tpu.memref_squeeze %scatter3A_747 : memref<1x128x129xf32, #tpu.memory_space<vmem>> -> memref<128x129xf32, #tpu.memory_space<vmem>>
        tpu.vector_store_idx %scatter3A_748[%add3A_439, %add3A_720], %get3A_738 : memref<128x129xf32, #tpu.memory_space<vmem>>[vector<16xi32>, vector<16xi32>], vector<16xf32>,
        %add3A_749 = arith.constant 1 : i32
        %add3A_750 = vector.broadcast %add3A_749 : i32 to vector<16xi32>
        %add3A_751 = arith.addi %add3A_720, %add3A_750 : vector<16xi32>
        %scan3A_752 = arith.constant 7 : i32
        %scan3A_753 = arith.addi %scan3A_537, %scan3A_752 : i32
        %mul3A_754 = arith.constant 1 : i32
        %mul3A_755 = arith.muli %scan3A_753, %mul3A_754 : i32
        %add3A_756 = arith.constant 0 : i32
        %add3A_757 = arith.addi %add3A_756, %mul3A_755 : i32
        %add3A_758 = arith.constant 256 : i32
        %add3A_759 = arith.addi %add3A_758, %add3A_757 : i32
        %get3A_760 = arith.constant 1 : i32
        %get3A_761 = arith.index_cast %get3A_760 : i32 to index
        %get3A_762 = arith.index_cast %add3A_759 : i32 to index
        %get3A_763 = arith.constant 0 : index
        %get3A_764 = tpu.vector_load %arg6[%get3A_761, %get3A_762, %get3A_763] {strides = array<i32>} : memref<2x512x32xf32, #tpu.memory_space<vmem>>, vector<16xf32>,
        %get3A_765 = arith.constant 1 : i32
        %get3A_766 = arith.index_cast %get3A_765 : i32 to index
        %get3A_767 = arith.index_cast %add3A_759 : i32 to index
        %get3A_768 = arith.constant 16 : index
        %get3A_769 = tpu.vector_load %arg6[%get3A_766, %get3A_767, %get3A_768] {strides = array<i32>} : memref<2x512x32xf32, #tpu.memory_space<vmem>>, vector<16xf32>,
        %scatter3A_770 = arith.constant 1 : i32
        %scatter3A_771 = arith.constant 0 : i32
        %scatter3A_772 = arith.constant 0 : i32
        %scatter3A_773 = tpu.memref_slice %arg7[%scatter3A_770, %scatter3A_771, %scatter3A_772] : memref<2x128x129xf32, #tpu.memory_space<vmem>> -> memref<1x128x129xf32, #tpu.memory_space<vmem>>
        %scatter3A_774 = tpu.memref_squeeze %scatter3A_773 : memref<1x128x129xf32, #tpu.memory_space<vmem>> -> memref<128x129xf32, #tpu.memory_space<vmem>>
        tpu.vector_store_idx %scatter3A_774[%add3A_436, %add3A_751], %get3A_764 : memref<128x129xf32, #tpu.memory_space<vmem>>[vector<16xi32>, vector<16xi32>], vector<16xf32>,
        %scatter3A_775 = arith.constant 1 : i32
        %scatter3A_776 = arith.constant 0 : i32
        %scatter3A_777 = arith.constant 0 : i32
        %scatter3A_778 = tpu.memref_slice %arg7[%scatter3A_775, %scatter3A_776, %scatter3A_777] : memref<2x128x129xf32, #tpu.memory_space<vmem>> -> memref<1x128x129xf32, #tpu.memory_space<vmem>>
        %scatter3A_779 = tpu.memref_squeeze %scatter3A_778 : memref<1x128x129xf32, #tpu.memory_space<vmem>> -> memref<128x129xf32, #tpu.memory_space<vmem>>
        tpu.vector_store_idx %scatter3A_779[%add3A_439, %add3A_751], %get3A_769 : memref<128x129xf32, #tpu.memory_space<vmem>>[vector<16xi32>, vector<16xi32>], vector<16xf32>,
        %add3A_780 = arith.constant 1 : i32
        %add3A_781 = vector.broadcast %add3A_780 : i32 to vector<16xi32>
        %add3A_782 = arith.addi %add3A_751, %add3A_781 : vector<16xi32>
        scf.yield %add3A_782 : vector<16xi32>
      }
      %scan3A_445 = arith.constant 128 : i32
      %add3A_446 = arith.constant 24 : i32
      %add3A_447 = vector.broadcast %add3A_446 : i32 to vector<16xi32>
      %add3A_448 = arith.addi %add3A_11, %add3A_447 : vector<16xi32>
      %add3A_449 = arith.constant 64 : i32
      %add3A_450 = vector.broadcast %add3A_449 : i32 to vector<16xi32>
      %add3A_451 = arith.addi %add3A_448, %add3A_450 : vector<16xi32>
      %scan3A_452 = arith.constant 0 : i32
      %scan3A_453 = arith.constant 128 : i32
      %scan3A_454 = arith.addi %scan3A_452, %scan3A_453 : i32
      %scan3A_455 = arith.constant 8 : i32
      %scan3A_456 = scf.for %scan3A_537 = %scan3A_452 to %scan3A_454 step %scan3A_455 iter_args(%scan3A_538 = %and3A_14) -> (vector<16xi32>)  : i32 {
        %mul3A_539 = arith.constant 1 : i32
        %mul3A_540 = arith.muli %scan3A_537, %mul3A_539 : i32
        %add3A_541 = arith.constant 0 : i32
        %add3A_542 = arith.addi %add3A_541, %mul3A_540 : i32
        %add3A_543 = arith.constant 384 : i32
        %add3A_544 = arith.addi %add3A_543, %add3A_542 : i32
        %get3A = arith.constant 1 : i32
        %get3A_545 = arith.index_cast %get3A : i32 to index
        %get3A_546 = arith.index_cast %add3A_544 : i32 to index
        %get3A_547 = arith.constant 0 : index
        %get3A_548 = tpu.vector_load %arg6[%get3A_545, %get3A_546, %get3A_547] {strides = array<i32>} : memref<2x512x32xf32, #tpu.memory_space<vmem>>, vector<16xf32>,
        %get3A_549 = arith.constant 1 : i32
        %get3A_550 = arith.index_cast %get3A_549 : i32 to index
        %get3A_551 = arith.index_cast %add3A_544 : i32 to index
        %get3A_552 = arith.constant 16 : index
        %get3A_553 = tpu.vector_load %arg6[%get3A_550, %get3A_551, %get3A_552] {strides = array<i32>} : memref<2x512x32xf32, #tpu.memory_space<vmem>>, vector<16xf32>,
        %scatter3A = arith.constant 1 : i32
        %scatter3A_554 = arith.constant 0 : i32
        %scatter3A_555 = arith.constant 0 : i32
        %scatter3A_556 = tpu.memref_slice %arg7[%scatter3A, %scatter3A_554, %scatter3A_555] : memref<2x128x129xf32, #tpu.memory_space<vmem>> -> memref<1x128x129xf32, #tpu.memory_space<vmem>>
        %scatter3A_557 = tpu.memref_squeeze %scatter3A_556 : memref<1x128x129xf32, #tpu.memory_space<vmem>> -> memref<128x129xf32, #tpu.memory_space<vmem>>
        tpu.vector_store_idx %scatter3A_557[%add3A_448, %scan3A_538], %get3A_548 : memref<128x129xf32, #tpu.memory_space<vmem>>[vector<16xi32>, vector<16xi32>], vector<16xf32>,
        %scatter3A_558 = arith.constant 1 : i32
        %scatter3A_559 = arith.constant 0 : i32
        %scatter3A_560 = arith.constant 0 : i32
        %scatter3A_561 = tpu.memref_slice %arg7[%scatter3A_558, %scatter3A_559, %scatter3A_560] : memref<2x128x129xf32, #tpu.memory_space<vmem>> -> memref<1x128x129xf32, #tpu.memory_space<vmem>>
        %scatter3A_562 = tpu.memref_squeeze %scatter3A_561 : memref<1x128x129xf32, #tpu.memory_space<vmem>> -> memref<128x129xf32, #tpu.memory_space<vmem>>
        tpu.vector_store_idx %scatter3A_562[%add3A_451, %scan3A_538], %get3A_553 : memref<128x129xf32, #tpu.memory_space<vmem>>[vector<16xi32>, vector<16xi32>], vector<16xf32>,
        %add3A_563 = arith.constant 1 : i32
        %add3A_564 = vector.broadcast %add3A_563 : i32 to vector<16xi32>
        %add3A_565 = arith.addi %scan3A_538, %add3A_564 : vector<16xi32>
        %scan3A_566 = arith.constant 1 : i32
        %scan3A_567 = arith.addi %scan3A_537, %scan3A_566 : i32
        %mul3A_568 = arith.constant 1 : i32
        %mul3A_569 = arith.muli %scan3A_567, %mul3A_568 : i32
        %add3A_570 = arith.constant 0 : i32
        %add3A_571 = arith.addi %add3A_570, %mul3A_569 : i32
        %add3A_572 = arith.constant 384 : i32
        %add3A_573 = arith.addi %add3A_572, %add3A_571 : i32
        %get3A_574 = arith.constant 1 : i32
        %get3A_575 = arith.index_cast %get3A_574 : i32 to index
        %get3A_576 = arith.index_cast %add3A_573 : i32 to index
        %get3A_577 = arith.constant 0 : index
        %get3A_578 = tpu.vector_load %arg6[%get3A_575, %get3A_576, %get3A_577] {strides = array<i32>} : memref<2x512x32xf32, #tpu.memory_space<vmem>>, vector<16xf32>,
        %get3A_579 = arith.constant 1 : i32
        %get3A_580 = arith.index_cast %get3A_579 : i32 to index
        %get3A_581 = arith.index_cast %add3A_573 : i32 to index
        %get3A_582 = arith.constant 16 : index
        %get3A_583 = tpu.vector_load %arg6[%get3A_580, %get3A_581, %get3A_582] {strides = array<i32>} : memref<2x512x32xf32, #tpu.memory_space<vmem>>, vector<16xf32>,
        %scatter3A_584 = arith.constant 1 : i32
        %scatter3A_585 = arith.constant 0 : i32
        %scatter3A_586 = arith.constant 0 : i32
        %scatter3A_587 = tpu.memref_slice %arg7[%scatter3A_584, %scatter3A_585, %scatter3A_586] : memref<2x128x129xf32, #tpu.memory_space<vmem>> -> memref<1x128x129xf32, #tpu.memory_space<vmem>>
        %scatter3A_588 = tpu.memref_squeeze %scatter3A_587 : memref<1x128x129xf32, #tpu.memory_space<vmem>> -> memref<128x129xf32, #tpu.memory_space<vmem>>
        tpu.vector_store_idx %scatter3A_588[%add3A_448, %add3A_565], %get3A_578 : memref<128x129xf32, #tpu.memory_space<vmem>>[vector<16xi32>, vector<16xi32>], vector<16xf32>,
        %scatter3A_589 = arith.constant 1 : i32
        %scatter3A_590 = arith.constant 0 : i32
        %scatter3A_591 = arith.constant 0 : i32
        %scatter3A_592 = tpu.memref_slice %arg7[%scatter3A_589, %scatter3A_590, %scatter3A_591] : memref<2x128x129xf32, #tpu.memory_space<vmem>> -> memref<1x128x129xf32, #tpu.memory_space<vmem>>
        %scatter3A_593 = tpu.memref_squeeze %scatter3A_592 : memref<1x128x129xf32, #tpu.memory_space<vmem>> -> memref<128x129xf32, #tpu.memory_space<vmem>>
        tpu.vector_store_idx %scatter3A_593[%add3A_451, %add3A_565], %get3A_583 : memref<128x129xf32, #tpu.memory_space<vmem>>[vector<16xi32>, vector<16xi32>], vector<16xf32>,
        %add3A_594 = arith.constant 1 : i32
        %add3A_595 = vector.broadcast %add3A_594 : i32 to vector<16xi32>
        %add3A_596 = arith.addi %add3A_565, %add3A_595 : vector<16xi32>
        %scan3A_597 = arith.constant 2 : i32
        %scan3A_598 = arith.addi %scan3A_537, %scan3A_597 : i32
        %mul3A_599 = arith.constant 1 : i32
        %mul3A_600 = arith.muli %scan3A_598, %mul3A_599 : i32
        %add3A_601 = arith.constant 0 : i32
        %add3A_602 = arith.addi %add3A_601, %mul3A_600 : i32
        %add3A_603 = arith.constant 384 : i32
        %add3A_604 = arith.addi %add3A_603, %add3A_602 : i32
        %get3A_605 = arith.constant 1 : i32
        %get3A_606 = arith.index_cast %get3A_605 : i32 to index
        %get3A_607 = arith.index_cast %add3A_604 : i32 to index
        %get3A_608 = arith.constant 0 : index
        %get3A_609 = tpu.vector_load %arg6[%get3A_606, %get3A_607, %get3A_608] {strides = array<i32>} : memref<2x512x32xf32, #tpu.memory_space<vmem>>, vector<16xf32>,
        %get3A_610 = arith.constant 1 : i32
        %get3A_611 = arith.index_cast %get3A_610 : i32 to index
        %get3A_612 = arith.index_cast %add3A_604 : i32 to index
        %get3A_613 = arith.constant 16 : index
        %get3A_614 = tpu.vector_load %arg6[%get3A_611, %get3A_612, %get3A_613] {strides = array<i32>} : memref<2x512x32xf32, #tpu.memory_space<vmem>>, vector<16xf32>,
        %scatter3A_615 = arith.constant 1 : i32
        %scatter3A_616 = arith.constant 0 : i32
        %scatter3A_617 = arith.constant 0 : i32
        %scatter3A_618 = tpu.memref_slice %arg7[%scatter3A_615, %scatter3A_616, %scatter3A_617] : memref<2x128x129xf32, #tpu.memory_space<vmem>> -> memref<1x128x129xf32, #tpu.memory_space<vmem>>
        %scatter3A_619 = tpu.memref_squeeze %scatter3A_618 : memref<1x128x129xf32, #tpu.memory_space<vmem>> -> memref<128x129xf32, #tpu.memory_space<vmem>>
        tpu.vector_store_idx %scatter3A_619[%add3A_448, %add3A_596], %get3A_609 : memref<128x129xf32, #tpu.memory_space<vmem>>[vector<16xi32>, vector<16xi32>], vector<16xf32>,
        %scatter3A_620 = arith.constant 1 : i32
        %scatter3A_621 = arith.constant 0 : i32
        %scatter3A_622 = arith.constant 0 : i32
        %scatter3A_623 = tpu.memref_slice %arg7[%scatter3A_620, %scatter3A_621, %scatter3A_622] : memref<2x128x129xf32, #tpu.memory_space<vmem>> -> memref<1x128x129xf32, #tpu.memory_space<vmem>>
        %scatter3A_624 = tpu.memref_squeeze %scatter3A_623 : memref<1x128x129xf32, #tpu.memory_space<vmem>> -> memref<128x129xf32, #tpu.memory_space<vmem>>
        tpu.vector_store_idx %scatter3A_624[%add3A_451, %add3A_596], %get3A_614 : memref<128x129xf32, #tpu.memory_space<vmem>>[vector<16xi32>, vector<16xi32>], vector<16xf32>,
        %add3A_625 = arith.constant 1 : i32
        %add3A_626 = vector.broadcast %add3A_625 : i32 to vector<16xi32>
        %add3A_627 = arith.addi %add3A_596, %add3A_626 : vector<16xi32>
        %scan3A_628 = arith.constant 3 : i32
        %scan3A_629 = arith.addi %scan3A_537, %scan3A_628 : i32
        %mul3A_630 = arith.constant 1 : i32
        %mul3A_631 = arith.muli %scan3A_629, %mul3A_630 : i32
        %add3A_632 = arith.constant 0 : i32
        %add3A_633 = arith.addi %add3A_632, %mul3A_631 : i32
        %add3A_634 = arith.constant 384 : i32
        %add3A_635 = arith.addi %add3A_634, %add3A_633 : i32
        %get3A_636 = arith.constant 1 : i32
        %get3A_637 = arith.index_cast %get3A_636 : i32 to index
        %get3A_638 = arith.index_cast %add3A_635 : i32 to index
        %get3A_639 = arith.constant 0 : index
        %get3A_640 = tpu.vector_load %arg6[%get3A_637, %get3A_638, %get3A_639] {strides = array<i32>} : memref<2x512x32xf32, #tpu.memory_space<vmem>>, vector<16xf32>,
        %get3A_641 = arith.constant 1 : i32
        %get3A_642 = arith.index_cast %get3A_641 : i32 to index
        %get3A_643 = arith.index_cast %add3A_635 : i32 to index
        %get3A_644 = arith.constant 16 : index
        %get3A_645 = tpu.vector_load %arg6[%get3A_642, %get3A_643, %get3A_644] {strides = array<i32>} : memref<2x512x32xf32, #tpu.memory_space<vmem>>, vector<16xf32>,
        %scatter3A_646 = arith.constant 1 : i32
        %scatter3A_647 = arith.constant 0 : i32
        %scatter3A_648 = arith.constant 0 : i32
        %scatter3A_649 = tpu.memref_slice %arg7[%scatter3A_646, %scatter3A_647, %scatter3A_648] : memref<2x128x129xf32, #tpu.memory_space<vmem>> -> memref<1x128x129xf32, #tpu.memory_space<vmem>>
        %scatter3A_650 = tpu.memref_squeeze %scatter3A_649 : memref<1x128x129xf32, #tpu.memory_space<vmem>> -> memref<128x129xf32, #tpu.memory_space<vmem>>
        tpu.vector_store_idx %scatter3A_650[%add3A_448, %add3A_627], %get3A_640 : memref<128x129xf32, #tpu.memory_space<vmem>>[vector<16xi32>, vector<16xi32>], vector<16xf32>,
        %scatter3A_651 = arith.constant 1 : i32
        %scatter3A_652 = arith.constant 0 : i32
        %scatter3A_653 = arith.constant 0 : i32
        %scatter3A_654 = tpu.memref_slice %arg7[%scatter3A_651, %scatter3A_652, %scatter3A_653] : memref<2x128x129xf32, #tpu.memory_space<vmem>> -> memref<1x128x129xf32, #tpu.memory_space<vmem>>
        %scatter3A_655 = tpu.memref_squeeze %scatter3A_654 : memref<1x128x129xf32, #tpu.memory_space<vmem>> -> memref<128x129xf32, #tpu.memory_space<vmem>>
        tpu.vector_store_idx %scatter3A_655[%add3A_451, %add3A_627], %get3A_645 : memref<128x129xf32, #tpu.memory_space<vmem>>[vector<16xi32>, vector<16xi32>], vector<16xf32>,
        %add3A_656 = arith.constant 1 : i32
        %add3A_657 = vector.broadcast %add3A_656 : i32 to vector<16xi32>
        %add3A_658 = arith.addi %add3A_627, %add3A_657 : vector<16xi32>
        %scan3A_659 = arith.constant 4 : i32
        %scan3A_660 = arith.addi %scan3A_537, %scan3A_659 : i32
        %mul3A_661 = arith.constant 1 : i32
        %mul3A_662 = arith.muli %scan3A_660, %mul3A_661 : i32
        %add3A_663 = arith.constant 0 : i32
        %add3A_664 = arith.addi %add3A_663, %mul3A_662 : i32
        %add3A_665 = arith.constant 384 : i32
        %add3A_666 = arith.addi %add3A_665, %add3A_664 : i32
        %get3A_667 = arith.constant 1 : i32
        %get3A_668 = arith.index_cast %get3A_667 : i32 to index
        %get3A_669 = arith.index_cast %add3A_666 : i32 to index
        %get3A_670 = arith.constant 0 : index
        %get3A_671 = tpu.vector_load %arg6[%get3A_668, %get3A_669, %get3A_670] {strides = array<i32>} : memref<2x512x32xf32, #tpu.memory_space<vmem>>, vector<16xf32>,
        %get3A_672 = arith.constant 1 : i32
        %get3A_673 = arith.index_cast %get3A_672 : i32 to index
        %get3A_674 = arith.index_cast %add3A_666 : i32 to index
        %get3A_675 = arith.constant 16 : index
        %get3A_676 = tpu.vector_load %arg6[%get3A_673, %get3A_674, %get3A_675] {strides = array<i32>} : memref<2x512x32xf32, #tpu.memory_space<vmem>>, vector<16xf32>,
        %scatter3A_677 = arith.constant 1 : i32
        %scatter3A_678 = arith.constant 0 : i32
        %scatter3A_679 = arith.constant 0 : i32
        %scatter3A_680 = tpu.memref_slice %arg7[%scatter3A_677, %scatter3A_678, %scatter3A_679] : memref<2x128x129xf32, #tpu.memory_space<vmem>> -> memref<1x128x129xf32, #tpu.memory_space<vmem>>
        %scatter3A_681 = tpu.memref_squeeze %scatter3A_680 : memref<1x128x129xf32, #tpu.memory_space<vmem>> -> memref<128x129xf32, #tpu.memory_space<vmem>>
        tpu.vector_store_idx %scatter3A_681[%add3A_448, %add3A_658], %get3A_671 : memref<128x129xf32, #tpu.memory_space<vmem>>[vector<16xi32>, vector<16xi32>], vector<16xf32>,
        %scatter3A_682 = arith.constant 1 : i32
        %scatter3A_683 = arith.constant 0 : i32
        %scatter3A_684 = arith.constant 0 : i32
        %scatter3A_685 = tpu.memref_slice %arg7[%scatter3A_682, %scatter3A_683, %scatter3A_684] : memref<2x128x129xf32, #tpu.memory_space<vmem>> -> memref<1x128x129xf32, #tpu.memory_space<vmem>>
        %scatter3A_686 = tpu.memref_squeeze %scatter3A_685 : memref<1x128x129xf32, #tpu.memory_space<vmem>> -> memref<128x129xf32, #tpu.memory_space<vmem>>
        tpu.vector_store_idx %scatter3A_686[%add3A_451, %add3A_658], %get3A_676 : memref<128x129xf32, #tpu.memory_space<vmem>>[vector<16xi32>, vector<16xi32>], vector<16xf32>,
        %add3A_687 = arith.constant 1 : i32
        %add3A_688 = vector.broadcast %add3A_687 : i32 to vector<16xi32>
        %add3A_689 = arith.addi %add3A_658, %add3A_688 : vector<16xi32>
        %scan3A_690 = arith.constant 5 : i32
        %scan3A_691 = arith.addi %scan3A_537, %scan3A_690 : i32
        %mul3A_692 = arith.constant 1 : i32
        %mul3A_693 = arith.muli %scan3A_691, %mul3A_692 : i32
        %add3A_694 = arith.constant 0 : i32
        %add3A_695 = arith.addi %add3A_694, %mul3A_693 : i32
        %add3A_696 = arith.constant 384 : i32
        %add3A_697 = arith.addi %add3A_696, %add3A_695 : i32
        %get3A_698 = arith.constant 1 : i32
        %get3A_699 = arith.index_cast %get3A_698 : i32 to index
        %get3A_700 = arith.index_cast %add3A_697 : i32 to index
        %get3A_701 = arith.constant 0 : index
        %get3A_702 = tpu.vector_load %arg6[%get3A_699, %get3A_700, %get3A_701] {strides = array<i32>} : memref<2x512x32xf32, #tpu.memory_space<vmem>>, vector<16xf32>,
        %get3A_703 = arith.constant 1 : i32
        %get3A_704 = arith.index_cast %get3A_703 : i32 to index
        %get3A_705 = arith.index_cast %add3A_697 : i32 to index
        %get3A_706 = arith.constant 16 : index
        %get3A_707 = tpu.vector_load %arg6[%get3A_704, %get3A_705, %get3A_706] {strides = array<i32>} : memref<2x512x32xf32, #tpu.memory_space<vmem>>, vector<16xf32>,
        %scatter3A_708 = arith.constant 1 : i32
        %scatter3A_709 = arith.constant 0 : i32
        %scatter3A_710 = arith.constant 0 : i32
        %scatter3A_711 = tpu.memref_slice %arg7[%scatter3A_708, %scatter3A_709, %scatter3A_710] : memref<2x128x129xf32, #tpu.memory_space<vmem>> -> memref<1x128x129xf32, #tpu.memory_space<vmem>>
        %scatter3A_712 = tpu.memref_squeeze %scatter3A_711 : memref<1x128x129xf32, #tpu.memory_space<vmem>> -> memref<128x129xf32, #tpu.memory_space<vmem>>
        tpu.vector_store_idx %scatter3A_712[%add3A_448, %add3A_689], %get3A_702 : memref<128x129xf32, #tpu.memory_space<vmem>>[vector<16xi32>, vector<16xi32>], vector<16xf32>,
        %scatter3A_713 = arith.constant 1 : i32
        %scatter3A_714 = arith.constant 0 : i32
        %scatter3A_715 = arith.constant 0 : i32
        %scatter3A_716 = tpu.memref_slice %arg7[%scatter3A_713, %scatter3A_714, %scatter3A_715] : memref<2x128x129xf32, #tpu.memory_space<vmem>> -> memref<1x128x129xf32, #tpu.memory_space<vmem>>
        %scatter3A_717 = tpu.memref_squeeze %scatter3A_716 : memref<1x128x129xf32, #tpu.memory_space<vmem>> -> memref<128x129xf32, #tpu.memory_space<vmem>>
        tpu.vector_store_idx %scatter3A_717[%add3A_451, %add3A_689], %get3A_707 : memref<128x129xf32, #tpu.memory_space<vmem>>[vector<16xi32>, vector<16xi32>], vector<16xf32>,
        %add3A_718 = arith.constant 1 : i32
        %add3A_719 = vector.broadcast %add3A_718 : i32 to vector<16xi32>
        %add3A_720 = arith.addi %add3A_689, %add3A_719 : vector<16xi32>
        %scan3A_721 = arith.constant 6 : i32
        %scan3A_722 = arith.addi %scan3A_537, %scan3A_721 : i32
        %mul3A_723 = arith.constant 1 : i32
        %mul3A_724 = arith.muli %scan3A_722, %mul3A_723 : i32
        %add3A_725 = arith.constant 0 : i32
        %add3A_726 = arith.addi %add3A_725, %mul3A_724 : i32
        %add3A_727 = arith.constant 384 : i32
        %add3A_728 = arith.addi %add3A_727, %add3A_726 : i32
        %get3A_729 = arith.constant 1 : i32
        %get3A_730 = arith.index_cast %get3A_729 : i32 to index
        %get3A_731 = arith.index_cast %add3A_728 : i32 to index
        %get3A_732 = arith.constant 0 : index
        %get3A_733 = tpu.vector_load %arg6[%get3A_730, %get3A_731, %get3A_732] {strides = array<i32>} : memref<2x512x32xf32, #tpu.memory_space<vmem>>, vector<16xf32>,
        %get3A_734 = arith.constant 1 : i32
        %get3A_735 = arith.index_cast %get3A_734 : i32 to index
        %get3A_736 = arith.index_cast %add3A_728 : i32 to index
        %get3A_737 = arith.constant 16 : index
        %get3A_738 = tpu.vector_load %arg6[%get3A_735, %get3A_736, %get3A_737] {strides = array<i32>} : memref<2x512x32xf32, #tpu.memory_space<vmem>>, vector<16xf32>,
        %scatter3A_739 = arith.constant 1 : i32
        %scatter3A_740 = arith.constant 0 : i32
        %scatter3A_741 = arith.constant 0 : i32
        %scatter3A_742 = tpu.memref_slice %arg7[%scatter3A_739, %scatter3A_740, %scatter3A_741] : memref<2x128x129xf32, #tpu.memory_space<vmem>> -> memref<1x128x129xf32, #tpu.memory_space<vmem>>
        %scatter3A_743 = tpu.memref_squeeze %scatter3A_742 : memref<1x128x129xf32, #tpu.memory_space<vmem>> -> memref<128x129xf32, #tpu.memory_space<vmem>>
        tpu.vector_store_idx %scatter3A_743[%add3A_448, %add3A_720], %get3A_733 : memref<128x129xf32, #tpu.memory_space<vmem>>[vector<16xi32>, vector<16xi32>], vector<16xf32>,
        %scatter3A_744 = arith.constant 1 : i32
        %scatter3A_745 = arith.constant 0 : i32
        %scatter3A_746 = arith.constant 0 : i32
        %scatter3A_747 = tpu.memref_slice %arg7[%scatter3A_744, %scatter3A_745, %scatter3A_746] : memref<2x128x129xf32, #tpu.memory_space<vmem>> -> memref<1x128x129xf32, #tpu.memory_space<vmem>>
        %scatter3A_748 = tpu.memref_squeeze %scatter3A_747 : memref<1x128x129xf32, #tpu.memory_space<vmem>> -> memref<128x129xf32, #tpu.memory_space<vmem>>
        tpu.vector_store_idx %scatter3A_748[%add3A_451, %add3A_720], %get3A_738 : memref<128x129xf32, #tpu.memory_space<vmem>>[vector<16xi32>, vector<16xi32>], vector<16xf32>,
        %add3A_749 = arith.constant 1 : i32
        %add3A_750 = vector.broadcast %add3A_749 : i32 to vector<16xi32>
        %add3A_751 = arith.addi %add3A_720, %add3A_750 : vector<16xi32>
        %scan3A_752 = arith.constant 7 : i32
        %scan3A_753 = arith.addi %scan3A_537, %scan3A_752 : i32
        %mul3A_754 = arith.constant 1 : i32
        %mul3A_755 = arith.muli %scan3A_753, %mul3A_754 : i32
        %add3A_756 = arith.constant 0 : i32
        %add3A_757 = arith.addi %add3A_756, %mul3A_755 : i32
        %add3A_758 = arith.constant 384 : i32
        %add3A_759 = arith.addi %add3A_758, %add3A_757 : i32
        %get3A_760 = arith.constant 1 : i32
        %get3A_761 = arith.index_cast %get3A_760 : i32 to index
        %get3A_762 = arith.index_cast %add3A_759 : i32 to index
        %get3A_763 = arith.constant 0 : index
        %get3A_764 = tpu.vector_load %arg6[%get3A_761, %get3A_762, %get3A_763] {strides = array<i32>} : memref<2x512x32xf32, #tpu.memory_space<vmem>>, vector<16xf32>,
        %get3A_765 = arith.constant 1 : i32
        %get3A_766 = arith.index_cast %get3A_765 : i32 to index
        %get3A_767 = arith.index_cast %add3A_759 : i32 to index
        %get3A_768 = arith.constant 16 : index
        %get3A_769 = tpu.vector_load %arg6[%get3A_766, %get3A_767, %get3A_768] {strides = array<i32>} : memref<2x512x32xf32, #tpu.memory_space<vmem>>, vector<16xf32>,
        %scatter3A_770 = arith.constant 1 : i32
        %scatter3A_771 = arith.constant 0 : i32
        %scatter3A_772 = arith.constant 0 : i32
        %scatter3A_773 = tpu.memref_slice %arg7[%scatter3A_770, %scatter3A_771, %scatter3A_772] : memref<2x128x129xf32, #tpu.memory_space<vmem>> -> memref<1x128x129xf32, #tpu.memory_space<vmem>>
        %scatter3A_774 = tpu.memref_squeeze %scatter3A_773 : memref<1x128x129xf32, #tpu.memory_space<vmem>> -> memref<128x129xf32, #tpu.memory_space<vmem>>
        tpu.vector_store_idx %scatter3A_774[%add3A_448, %add3A_751], %get3A_764 : memref<128x129xf32, #tpu.memory_space<vmem>>[vector<16xi32>, vector<16xi32>], vector<16xf32>,
        %scatter3A_775 = arith.constant 1 : i32
        %scatter3A_776 = arith.constant 0 : i32
        %scatter3A_777 = arith.constant 0 : i32
        %scatter3A_778 = tpu.memref_slice %arg7[%scatter3A_775, %scatter3A_776, %scatter3A_777] : memref<2x128x129xf32, #tpu.memory_space<vmem>> -> memref<1x128x129xf32, #tpu.memory_space<vmem>>
        %scatter3A_779 = tpu.memref_squeeze %scatter3A_778 : memref<1x128x129xf32, #tpu.memory_space<vmem>> -> memref<128x129xf32, #tpu.memory_space<vmem>>
        tpu.vector_store_idx %scatter3A_779[%add3A_451, %add3A_751], %get3A_769 : memref<128x129xf32, #tpu.memory_space<vmem>>[vector<16xi32>, vector<16xi32>], vector<16xf32>,
        %add3A_780 = arith.constant 1 : i32
        %add3A_781 = vector.broadcast %add3A_780 : i32 to vector<16xi32>
        %add3A_782 = arith.addi %add3A_751, %add3A_781 : vector<16xi32>
        scf.yield %add3A_782 : vector<16xi32>
      }
      %scan3A_457 = arith.constant 128 : i32
      %dma_start3A_458 = arith.constant 1 : i32
      %dma_start3A_459 = arith.constant 0 : i32
      %dma_start3A_460 = arith.constant 0 : i32
      %dma_start3A_461 = arith.constant 0 : i32
      %dma_start3A_462 = tpu.memref_slice %arg7[%dma_start3A_458, %dma_start3A_460, %dma_start3A_461] : memref<2x128x129xf32, #tpu.memory_space<vmem>> -> memref<1x32x128xf32, #tpu.memory_space<vmem>>
      %dma_start3A_463 = tpu.memref_squeeze %dma_start3A_462 : memref<1x32x128xf32, #tpu.memory_space<vmem>> -> memref<32x128xf32, #tpu.memory_space<vmem>>
      %dma_start3A_464 = arith.constant 0 : i32
      %dma_start3A_465 = arith.constant 0 : i32
      %dma_start3A_466 = tpu.memref_slice %arg4[%select_n3A_390, %dma_start3A_459, %sub3A_393, %dma_start3A_464, %dma_start3A_465] : memref<50x4x32x32x128xf32, #tpu.memory_space<hbm>> -> memref<1x1x1x32x128xf32, #tpu.memory_space<hbm>>
      %dma_start3A_467 = tpu.memref_squeeze %dma_start3A_466 : memref<1x1x1x32x128xf32, #tpu.memory_space<hbm>> -> memref<32x128xf32, #tpu.memory_space<hbm>>
      %dma_start3A_468 = arith.constant 0 : i32
      %dma_start3A_469 = arith.constant 0 : i32
      %dma_start3A_470 = tpu.memref_slice %arg4[%select_n3A_390, %dma_start3A_459, %sub3A_393, %dma_start3A_468, %dma_start3A_469] : memref<50x4x32x32x128xf32, #tpu.memory_space<hbm>> -> memref<1x1x1x32x128xf32, #tpu.memory_space<hbm>>
      %dma_start3A_471 = tpu.memref_squeeze %dma_start3A_470 : memref<1x1x1x32x128xf32, #tpu.memory_space<hbm>> -> memref<32x128xf32, #tpu.memory_space<hbm>>
      %dma_start3A_472 = arith.constant 0 : i32
      %dma_start3A_473 = arith.constant 0 : i32
      %dma_start3A_474 = tpu.memref_slice %arg7[%dma_start3A_458, %dma_start3A_472, %dma_start3A_473] : memref<2x128x129xf32, #tpu.memory_space<vmem>> -> memref<1x32x128xf32, #tpu.memory_space<vmem>>
      %dma_start3A_475 = tpu.memref_squeeze %dma_start3A_474 : memref<1x32x128xf32, #tpu.memory_space<vmem>> -> memref<32x128xf32, #tpu.memory_space<vmem>>
      tpu.enqueue_dma source(%dma_start3A_475 : memref<32x128xf32, #tpu.memory_space<vmem>>) target(%dma_start3A_471 : memref<32x128xf32, #tpu.memory_space<hbm>>) target_semaphore(%arg11 : memref<!tpu.dma_semaphore, #tpu.memory_space<semaphore_mem>>)
      %dma_start3A_476 = arith.constant 1 : i32
      %dma_start3A_477 = arith.constant 1 : i32
      %dma_start3A_478 = arith.constant 32 : i32
      %dma_start3A_479 = arith.constant 0 : i32
      %dma_start3A_480 = tpu.memref_slice %arg7[%dma_start3A_476, %dma_start3A_478, %dma_start3A_479] : memref<2x128x129xf32, #tpu.memory_space<vmem>> -> memref<1x32x128xf32, #tpu.memory_space<vmem>>
      %dma_start3A_481 = tpu.memref_squeeze %dma_start3A_480 : memref<1x32x128xf32, #tpu.memory_space<vmem>> -> memref<32x128xf32, #tpu.memory_space<vmem>>
      %dma_start3A_482 = arith.constant 0 : i32
      %dma_start3A_483 = arith.constant 0 : i32
      %dma_start3A_484 = tpu.memref_slice %arg4[%select_n3A_390, %dma_start3A_477, %sub3A_393, %dma_start3A_482, %dma_start3A_483] : memref<50x4x32x32x128xf32, #tpu.memory_space<hbm>> -> memref<1x1x1x32x128xf32, #tpu.memory_space<hbm>>
      %dma_start3A_485 = tpu.memref_squeeze %dma_start3A_484 : memref<1x1x1x32x128xf32, #tpu.memory_space<hbm>> -> memref<32x128xf32, #tpu.memory_space<hbm>>
      %dma_start3A_486 = arith.constant 0 : i32
      %dma_start3A_487 = arith.constant 0 : i32
      %dma_start3A_488 = tpu.memref_slice %arg4[%select_n3A_390, %dma_start3A_477, %sub3A_393, %dma_start3A_486, %dma_start3A_487] : memref<50x4x32x32x128xf32, #tpu.memory_space<hbm>> -> memref<1x1x1x32x128xf32, #tpu.memory_space<hbm>>
      %dma_start3A_489 = tpu.memref_squeeze %dma_start3A_488 : memref<1x1x1x32x128xf32, #tpu.memory_space<hbm>> -> memref<32x128xf32, #tpu.memory_space<hbm>>
      %dma_start3A_490 = arith.constant 32 : i32
      %dma_start3A_491 = arith.constant 0 : i32
      %dma_start3A_492 = tpu.memref_slice %arg7[%dma_start3A_476, %dma_start3A_490, %dma_start3A_491] : memref<2x128x129xf32, #tpu.memory_space<vmem>> -> memref<1x32x128xf32, #tpu.memory_space<vmem>>
      %dma_start3A_493 = tpu.memref_squeeze %dma_start3A_492 : memref<1x32x128xf32, #tpu.memory_space<vmem>> -> memref<32x128xf32, #tpu.memory_space<vmem>>
      tpu.enqueue_dma source(%dma_start3A_493 : memref<32x128xf32, #tpu.memory_space<vmem>>) target(%dma_start3A_489 : memref<32x128xf32, #tpu.memory_space<hbm>>) target_semaphore(%arg11 : memref<!tpu.dma_semaphore, #tpu.memory_space<semaphore_mem>>)
      %dma_start3A_494 = arith.constant 1 : i32
      %dma_start3A_495 = arith.constant 2 : i32
      %dma_start3A_496 = arith.constant 64 : i32
      %dma_start3A_497 = arith.constant 0 : i32
      %dma_start3A_498 = tpu.memref_slice %arg7[%dma_start3A_494, %dma_start3A_496, %dma_start3A_497] : memref<2x128x129xf32, #tpu.memory_space<vmem>> -> memref<1x32x128xf32, #tpu.memory_space<vmem>>
      %dma_start3A_499 = tpu.memref_squeeze %dma_start3A_498 : memref<1x32x128xf32, #tpu.memory_space<vmem>> -> memref<32x128xf32, #tpu.memory_space<vmem>>
      %dma_start3A_500 = arith.constant 0 : i32
      %dma_start3A_501 = arith.constant 0 : i32
      %dma_start3A_502 = tpu.memref_slice %arg4[%select_n3A_390, %dma_start3A_495, %sub3A_393, %dma_start3A_500, %dma_start3A_501] : memref<50x4x32x32x128xf32, #tpu.memory_space<hbm>> -> memref<1x1x1x32x128xf32, #tpu.memory_space<hbm>>
      %dma_start3A_503 = tpu.memref_squeeze %dma_start3A_502 : memref<1x1x1x32x128xf32, #tpu.memory_space<hbm>> -> memref<32x128xf32, #tpu.memory_space<hbm>>
      %dma_start3A_504 = arith.constant 0 : i32
      %dma_start3A_505 = arith.constant 0 : i32
      %dma_start3A_506 = tpu.memref_slice %arg4[%select_n3A_390, %dma_start3A_495, %sub3A_393, %dma_start3A_504, %dma_start3A_505] : memref<50x4x32x32x128xf32, #tpu.memory_space<hbm>> -> memref<1x1x1x32x128xf32, #tpu.memory_space<hbm>>
      %dma_start3A_507 = tpu.memref_squeeze %dma_start3A_506 : memref<1x1x1x32x128xf32, #tpu.memory_space<hbm>> -> memref<32x128xf32, #tpu.memory_space<hbm>>
      %dma_start3A_508 = arith.constant 64 : i32
      %dma_start3A_509 = arith.constant 0 : i32
      %dma_start3A_510 = tpu.memref_slice %arg7[%dma_start3A_494, %dma_start3A_508, %dma_start3A_509] : memref<2x128x129xf32, #tpu.memory_space<vmem>> -> memref<1x32x128xf32, #tpu.memory_space<vmem>>
      %dma_start3A_511 = tpu.memref_squeeze %dma_start3A_510 : memref<1x32x128xf32, #tpu.memory_space<vmem>> -> memref<32x128xf32, #tpu.memory_space<vmem>>
      tpu.enqueue_dma source(%dma_start3A_511 : memref<32x128xf32, #tpu.memory_space<vmem>>) target(%dma_start3A_507 : memref<32x128xf32, #tpu.memory_space<hbm>>) target_semaphore(%arg11 : memref<!tpu.dma_semaphore, #tpu.memory_space<semaphore_mem>>)
      %dma_start3A_512 = arith.constant 1 : i32
      %dma_start3A_513 = arith.constant 3 : i32
      %dma_start3A_514 = arith.constant 96 : i32
      %dma_start3A_515 = arith.constant 0 : i32
      %dma_start3A_516 = tpu.memref_slice %arg7[%dma_start3A_512, %dma_start3A_514, %dma_start3A_515] : memref<2x128x129xf32, #tpu.memory_space<vmem>> -> memref<1x32x128xf32, #tpu.memory_space<vmem>>
      %dma_start3A_517 = tpu.memref_squeeze %dma_start3A_516 : memref<1x32x128xf32, #tpu.memory_space<vmem>> -> memref<32x128xf32, #tpu.memory_space<vmem>>
      %dma_start3A_518 = arith.constant 0 : i32
      %dma_start3A_519 = arith.constant 0 : i32
      %dma_start3A_520 = tpu.memref_slice %arg4[%select_n3A_390, %dma_start3A_513, %sub3A_393, %dma_start3A_518, %dma_start3A_519] : memref<50x4x32x32x128xf32, #tpu.memory_space<hbm>> -> memref<1x1x1x32x128xf32, #tpu.memory_space<hbm>>
      %dma_start3A_521 = tpu.memref_squeeze %dma_start3A_520 : memref<1x1x1x32x128xf32, #tpu.memory_space<hbm>> -> memref<32x128xf32, #tpu.memory_space<hbm>>
      %dma_start3A_522 = arith.constant 0 : i32
      %dma_start3A_523 = arith.constant 0 : i32
      %dma_start3A_524 = tpu.memref_slice %arg4[%select_n3A_390, %dma_start3A_513, %sub3A_393, %dma_start3A_522, %dma_start3A_523] : memref<50x4x32x32x128xf32, #tpu.memory_space<hbm>> -> memref<1x1x1x32x128xf32, #tpu.memory_space<hbm>>
      %dma_start3A_525 = tpu.memref_squeeze %dma_start3A_524 : memref<1x1x1x32x128xf32, #tpu.memory_space<hbm>> -> memref<32x128xf32, #tpu.memory_space<hbm>>
      %dma_start3A_526 = arith.constant 96 : i32
      %dma_start3A_527 = arith.constant 0 : i32
      %dma_start3A_528 = tpu.memref_slice %arg7[%dma_start3A_512, %dma_start3A_526, %dma_start3A_527] : memref<2x128x129xf32, #tpu.memory_space<vmem>> -> memref<1x32x128xf32, #tpu.memory_space<vmem>>
      %dma_start3A_529 = tpu.memref_squeeze %dma_start3A_528 : memref<1x32x128xf32, #tpu.memory_space<vmem>> -> memref<32x128xf32, #tpu.memory_space<vmem>>
      tpu.enqueue_dma source(%dma_start3A_529 : memref<32x128xf32, #tpu.memory_space<vmem>>) target(%dma_start3A_525 : memref<32x128xf32, #tpu.memory_space<hbm>>) target_semaphore(%arg11 : memref<!tpu.dma_semaphore, #tpu.memory_space<semaphore_mem>>)
      %add3A_530 = arith.constant 2 : i32
      %add3A_531 = arith.addi %add3A_365, %add3A_530 : i32
      %lt3A_532 = arith.constant 50 : i32
      %lt3A_533 = arith.cmpi slt, %add3A_531, %lt3A_532 : i32
      %convert_element_type3A_534 = arith.extui %lt3A_533 : i1 to i32
      %cond3A_535 = arith.constant 0 : i32
      %cond3A_536 = arith.cmpi ne, %convert_element_type3A_534, %cond3A_535 : i32
      scf.if %cond3A_536 {
        %add3A_537 = arith.constant 2 : i32
        %add3A_538 = arith.addi %add3A_365, %add3A_537 : i32
        %mul3A_539 = arith.constant 512 : i32
        %mul3A_540 = arith.muli %add3A_538, %mul3A_539 : i32
        %dma_start3A_541 = arith.constant 1 : i32
        %dma_start3A_542 = arith.constant 0 : i32
        %dma_start3A_543 = arith.constant 0 : i32
        %dma_start3A_544 = tpu.memref_slice %arg6[%dma_start3A_541, %dma_start3A_542, %dma_start3A_543] : memref<2x512x32xf32, #tpu.memory_space<vmem>> -> memref<1x512x32xf32, #tpu.memory_space<vmem>>
        %dma_start3A_545 = tpu.memref_squeeze %dma_start3A_544 : memref<1x512x32xf32, #tpu.memory_space<vmem>> -> memref<512x32xf32, #tpu.memory_space<vmem>>
        %dma_start3A_546 = tpu.memref_slice %arg5[%mul3A_540] : memref<25600xi32, #tpu.memory_space<vmem>> -> memref<512xi32, #tpu.memory_space<vmem>>
        %dma_start3A_547 = arith.constant 0 : i32
        %dma_start3A_548 = arith.constant 0 : i32
        %dma_start3A_549 = tpu.memref_slice %arg3[%dma_start3A_547, %dma_start3A_548] : memref<1000000x32xf32, #tpu.memory_space<hbm>> -> memref<1000000x32xf32, #tpu.memory_space<hbm>>
        tpu.enqueue_indirect_dma source(%dma_start3A_549 : memref<1000000x32xf32, #tpu.memory_space<hbm>>) target(%dma_start3A_545 : memref<512x32xf32, #tpu.memory_space<vmem>>) offsets(%dma_start3A_546 : memref<512xi32, #tpu.memory_space<vmem>>) semaphore(%arg9 : memref<!tpu.dma_semaphore, #tpu.memory_space<semaphore_mem>>)
      } else {
      }
    }
    %scan3A_37 = arith.constant 25 : i32
    %dma_wait3A = arith.constant 0 : i32
    %dma_wait3A_38 = arith.constant 0 : i32
    %dma_wait3A_39 = arith.constant 0 : i32
    %dma_wait3A_40 = arith.constant 0 : i32
    %dma_wait3A_41 = arith.constant 0 : i32
    %dma_wait3A_42 = arith.constant 0 : i32
    %dma_wait3A_43 = tpu.memref_slice %arg7[%dma_wait3A, %dma_wait3A_41, %dma_wait3A_42] : memref<2x128x129xf32, #tpu.memory_space<vmem>> -> memref<1x32x128xf32, #tpu.memory_space<vmem>>
    %dma_wait3A_44 = tpu.memref_squeeze %dma_wait3A_43 : memref<1x32x128xf32, #tpu.memory_space<vmem>> -> memref<32x128xf32, #tpu.memory_space<vmem>>
    %dma_wait3A_45 = arith.constant 0 : i32
    %dma_wait3A_46 = arith.constant 0 : i32
    %dma_wait3A_47 = tpu.memref_slice %arg4[%dma_wait3A_38, %dma_wait3A_39, %dma_wait3A_40, %dma_wait3A_45, %dma_wait3A_46] : memref<50x4x32x32x128xf32, #tpu.memory_space<hbm>> -> memref<1x1x1x32x128xf32, #tpu.memory_space<hbm>>
    %dma_wait3A_48 = tpu.memref_squeeze %dma_wait3A_47 : memref<1x1x1x32x128xf32, #tpu.memory_space<hbm>> -> memref<32x128xf32, #tpu.memory_space<hbm>>
    %dma_wait3A_49 = arith.constant 0 : i32
    %dma_wait3A_50 = arith.constant 0 : i32
    %dma_wait3A_51 = tpu.memref_slice %arg4[%dma_wait3A_38, %dma_wait3A_39, %dma_wait3A_40, %dma_wait3A_49, %dma_wait3A_50] : memref<50x4x32x32x128xf32, #tpu.memory_space<hbm>> -> memref<1x1x1x32x128xf32, #tpu.memory_space<hbm>>
    %dma_wait3A_52 = tpu.memref_squeeze %dma_wait3A_51 : memref<1x1x1x32x128xf32, #tpu.memory_space<hbm>> -> memref<32x128xf32, #tpu.memory_space<hbm>>
    %dma_wait3A_53 = arith.constant 0 : i32
    %dma_wait3A_54 = arith.constant 0 : i32
    %dma_wait3A_55 = tpu.memref_slice %arg7[%dma_wait3A, %dma_wait3A_53, %dma_wait3A_54] : memref<2x128x129xf32, #tpu.memory_space<vmem>> -> memref<1x32x128xf32, #tpu.memory_space<vmem>>
    %dma_wait3A_56 = tpu.memref_squeeze %dma_wait3A_55 : memref<1x32x128xf32, #tpu.memory_space<vmem>> -> memref<32x128xf32, #tpu.memory_space<vmem>>
    tpu.wait_dma2 semaphore(%arg10 : memref<!tpu.dma_semaphore, #tpu.memory_space<semaphore_mem>>) src(%dma_wait3A_56 : memref<32x128xf32, #tpu.memory_space<vmem>>) dst(%dma_wait3A_52 : memref<32x128xf32, #tpu.memory_space<hbm>>)
    %dma_wait3A_57 = arith.constant 0 : i32
    %dma_wait3A_58 = arith.constant 0 : i32
    %dma_wait3A_59 = arith.constant 1 : i32
    %dma_wait3A_60 = arith.constant 0 : i32
    %dma_wait3A_61 = arith.constant 32 : i32
    %dma_wait3A_62 = arith.constant 0 : i32
    %dma_wait3A_63 = tpu.memref_slice %arg7[%dma_wait3A_57, %dma_wait3A_61, %dma_wait3A_62] : memref<2x128x129xf32, #tpu.memory_space<vmem>> -> memref<1x32x128xf32, #tpu.memory_space<vmem>>
    %dma_wait3A_64 = tpu.memref_squeeze %dma_wait3A_63 : memref<1x32x128xf32, #tpu.memory_space<vmem>> -> memref<32x128xf32, #tpu.memory_space<vmem>>
    %dma_wait3A_65 = arith.constant 0 : i32
    %dma_wait3A_66 = arith.constant 0 : i32
    %dma_wait3A_67 = tpu.memref_slice %arg4[%dma_wait3A_58, %dma_wait3A_59, %dma_wait3A_60, %dma_wait3A_65, %dma_wait3A_66] : memref<50x4x32x32x128xf32, #tpu.memory_space<hbm>> -> memref<1x1x1x32x128xf32, #tpu.memory_space<hbm>>
    %dma_wait3A_68 = tpu.memref_squeeze %dma_wait3A_67 : memref<1x1x1x32x128xf32, #tpu.memory_space<hbm>> -> memref<32x128xf32, #tpu.memory_space<hbm>>
    %dma_wait3A_69 = arith.constant 0 : i32
    %dma_wait3A_70 = arith.constant 0 : i32
    %dma_wait3A_71 = tpu.memref_slice %arg4[%dma_wait3A_58, %dma_wait3A_59, %dma_wait3A_60, %dma_wait3A_69, %dma_wait3A_70] : memref<50x4x32x32x128xf32, #tpu.memory_space<hbm>> -> memref<1x1x1x32x128xf32, #tpu.memory_space<hbm>>
    %dma_wait3A_72 = tpu.memref_squeeze %dma_wait3A_71 : memref<1x1x1x32x128xf32, #tpu.memory_space<hbm>> -> memref<32x128xf32, #tpu.memory_space<hbm>>
    %dma_wait3A_73 = arith.constant 32 : i32
    %dma_wait3A_74 = arith.constant 0 : i32
    %dma_wait3A_75 = tpu.memref_slice %arg7[%dma_wait3A_57, %dma_wait3A_73, %dma_wait3A_74] : memref<2x128x129xf32, #tpu.memory_space<vmem>> -> memref<1x32x128xf32, #tpu.memory_space<vmem>>
    %dma_wait3A_76 = tpu.memref_squeeze %dma_wait3A_75 : memref<1x32x128xf32, #tpu.memory_space<vmem>> -> memref<32x128xf32, #tpu.memory_space<vmem>>
    tpu.wait_dma2 semaphore(%arg10 : memref<!tpu.dma_semaphore, #tpu.memory_space<semaphore_mem>>) src(%dma_wait3A_76 : memref<32x128xf32, #tpu.memory_space<vmem>>) dst(%dma_wait3A_72 : memref<32x128xf32, #tpu.memory_space<hbm>>)
    %dma_wait3A_77 = arith.constant 0 : i32
    %dma_wait3A_78 = arith.constant 0 : i32
    %dma_wait3A_79 = arith.constant 2 : i32
    %dma_wait3A_80 = arith.constant 0 : i32
    %dma_wait3A_81 = arith.constant 64 : i32
    %dma_wait3A_82 = arith.constant 0 : i32
    %dma_wait3A_83 = tpu.memref_slice %arg7[%dma_wait3A_77, %dma_wait3A_81, %dma_wait3A_82] : memref<2x128x129xf32, #tpu.memory_space<vmem>> -> memref<1x32x128xf32, #tpu.memory_space<vmem>>
    %dma_wait3A_84 = tpu.memref_squeeze %dma_wait3A_83 : memref<1x32x128xf32, #tpu.memory_space<vmem>> -> memref<32x128xf32, #tpu.memory_space<vmem>>
    %dma_wait3A_85 = arith.constant 0 : i32
    %dma_wait3A_86 = arith.constant 0 : i32
    %dma_wait3A_87 = tpu.memref_slice %arg4[%dma_wait3A_78, %dma_wait3A_79, %dma_wait3A_80, %dma_wait3A_85, %dma_wait3A_86] : memref<50x4x32x32x128xf32, #tpu.memory_space<hbm>> -> memref<1x1x1x32x128xf32, #tpu.memory_space<hbm>>
    %dma_wait3A_88 = tpu.memref_squeeze %dma_wait3A_87 : memref<1x1x1x32x128xf32, #tpu.memory_space<hbm>> -> memref<32x128xf32, #tpu.memory_space<hbm>>
    %dma_wait3A_89 = arith.constant 0 : i32
    %dma_wait3A_90 = arith.constant 0 : i32
    %dma_wait3A_91 = tpu.memref_slice %arg4[%dma_wait3A_78, %dma_wait3A_79, %dma_wait3A_80, %dma_wait3A_89, %dma_wait3A_90] : memref<50x4x32x32x128xf32, #tpu.memory_space<hbm>> -> memref<1x1x1x32x128xf32, #tpu.memory_space<hbm>>
    %dma_wait3A_92 = tpu.memref_squeeze %dma_wait3A_91 : memref<1x1x1x32x128xf32, #tpu.memory_space<hbm>> -> memref<32x128xf32, #tpu.memory_space<hbm>>
    %dma_wait3A_93 = arith.constant 64 : i32
    %dma_wait3A_94 = arith.constant 0 : i32
    %dma_wait3A_95 = tpu.memref_slice %arg7[%dma_wait3A_77, %dma_wait3A_93, %dma_wait3A_94] : memref<2x128x129xf32, #tpu.memory_space<vmem>> -> memref<1x32x128xf32, #tpu.memory_space<vmem>>
    %dma_wait3A_96 = tpu.memref_squeeze %dma_wait3A_95 : memref<1x32x128xf32, #tpu.memory_space<vmem>> -> memref<32x128xf32, #tpu.memory_space<vmem>>
    tpu.wait_dma2 semaphore(%arg10 : memref<!tpu.dma_semaphore, #tpu.memory_space<semaphore_mem>>) src(%dma_wait3A_96 : memref<32x128xf32, #tpu.memory_space<vmem>>) dst(%dma_wait3A_92 : memref<32x128xf32, #tpu.memory_space<hbm>>)
    %dma_wait3A_97 = arith.constant 0 : i32
    %dma_wait3A_98 = arith.constant 0 : i32
    %dma_wait3A_99 = arith.constant 3 : i32
    %dma_wait3A_100 = arith.constant 0 : i32
    %dma_wait3A_101 = arith.constant 96 : i32
    %dma_wait3A_102 = arith.constant 0 : i32
    %dma_wait3A_103 = tpu.memref_slice %arg7[%dma_wait3A_97, %dma_wait3A_101, %dma_wait3A_102] : memref<2x128x129xf32, #tpu.memory_space<vmem>> -> memref<1x32x128xf32, #tpu.memory_space<vmem>>
    %dma_wait3A_104 = tpu.memref_squeeze %dma_wait3A_103 : memref<1x32x128xf32, #tpu.memory_space<vmem>> -> memref<32x128xf32, #tpu.memory_space<vmem>>
    %dma_wait3A_105 = arith.constant 0 : i32
    %dma_wait3A_106 = arith.constant 0 : i32
    %dma_wait3A_107 = tpu.memref_slice %arg4[%dma_wait3A_98, %dma_wait3A_99, %dma_wait3A_100, %dma_wait3A_105, %dma_wait3A_106] : memref<50x4x32x32x128xf32, #tpu.memory_space<hbm>> -> memref<1x1x1x32x128xf32, #tpu.memory_space<hbm>>
    %dma_wait3A_108 = tpu.memref_squeeze %dma_wait3A_107 : memref<1x1x1x32x128xf32, #tpu.memory_space<hbm>> -> memref<32x128xf32, #tpu.memory_space<hbm>>
    %dma_wait3A_109 = arith.constant 0 : i32
    %dma_wait3A_110 = arith.constant 0 : i32
    %dma_wait3A_111 = tpu.memref_slice %arg4[%dma_wait3A_98, %dma_wait3A_99, %dma_wait3A_100, %dma_wait3A_109, %dma_wait3A_110] : memref<50x4x32x32x128xf32, #tpu.memory_space<hbm>> -> memref<1x1x1x32x128xf32, #tpu.memory_space<hbm>>
    %dma_wait3A_112 = tpu.memref_squeeze %dma_wait3A_111 : memref<1x1x1x32x128xf32, #tpu.memory_space<hbm>> -> memref<32x128xf32, #tpu.memory_space<hbm>>
    %dma_wait3A_113 = arith.constant 96 : i32
    %dma_wait3A_114 = arith.constant 0 : i32
    %dma_wait3A_115 = tpu.memref_slice %arg7[%dma_wait3A_97, %dma_wait3A_113, %dma_wait3A_114] : memref<2x128x129xf32, #tpu.memory_space<vmem>> -> memref<1x32x128xf32, #tpu.memory_space<vmem>>
    %dma_wait3A_116 = tpu.memref_squeeze %dma_wait3A_115 : memref<1x32x128xf32, #tpu.memory_space<vmem>> -> memref<32x128xf32, #tpu.memory_space<vmem>>
    tpu.wait_dma2 semaphore(%arg10 : memref<!tpu.dma_semaphore, #tpu.memory_space<semaphore_mem>>) src(%dma_wait3A_116 : memref<32x128xf32, #tpu.memory_space<vmem>>) dst(%dma_wait3A_112 : memref<32x128xf32, #tpu.memory_space<hbm>>)
    %dma_wait3A_117 = arith.constant 1 : i32
    %dma_wait3A_118 = arith.constant 0 : i32
    %dma_wait3A_119 = arith.constant 0 : i32
    %dma_wait3A_120 = arith.constant 0 : i32
    %dma_wait3A_121 = arith.constant 0 : i32
    %dma_wait3A_122 = arith.constant 0 : i32
    %dma_wait3A_123 = tpu.memref_slice %arg7[%dma_wait3A_117, %dma_wait3A_121, %dma_wait3A_122] : memref<2x128x129xf32, #tpu.memory_space<vmem>> -> memref<1x32x128xf32, #tpu.memory_space<vmem>>
    %dma_wait3A_124 = tpu.memref_squeeze %dma_wait3A_123 : memref<1x32x128xf32, #tpu.memory_space<vmem>> -> memref<32x128xf32, #tpu.memory_space<vmem>>
    %dma_wait3A_125 = arith.constant 0 : i32
    %dma_wait3A_126 = arith.constant 0 : i32
    %dma_wait3A_127 = tpu.memref_slice %arg4[%dma_wait3A_118, %dma_wait3A_119, %dma_wait3A_120, %dma_wait3A_125, %dma_wait3A_126] : memref<50x4x32x32x128xf32, #tpu.memory_space<hbm>> -> memref<1x1x1x32x128xf32, #tpu.memory_space<hbm>>
    %dma_wait3A_128 = tpu.memref_squeeze %dma_wait3A_127 : memref<1x1x1x32x128xf32, #tpu.memory_space<hbm>> -> memref<32x128xf32, #tpu.memory_space<hbm>>
    %dma_wait3A_129 = arith.constant 0 : i32
    %dma_wait3A_130 = arith.constant 0 : i32
    %dma_wait3A_131 = tpu.memref_slice %arg4[%dma_wait3A_118, %dma_wait3A_119, %dma_wait3A_120, %dma_wait3A_129, %dma_wait3A_130] : memref<50x4x32x32x128xf32, #tpu.memory_space<hbm>> -> memref<1x1x1x32x128xf32, #tpu.memory_space<hbm>>
    %dma_wait3A_132 = tpu.memref_squeeze %dma_wait3A_131 : memref<1x1x1x32x128xf32, #tpu.memory_space<hbm>> -> memref<32x128xf32, #tpu.memory_space<hbm>>
    %dma_wait3A_133 = arith.constant 0 : i32
    %dma_wait3A_134 = arith.constant 0 : i32
    %dma_wait3A_135 = tpu.memref_slice %arg7[%dma_wait3A_117, %dma_wait3A_133, %dma_wait3A_134] : memref<2x128x129xf32, #tpu.memory_space<vmem>> -> memref<1x32x128xf32, #tpu.memory_space<vmem>>
    %dma_wait3A_136 = tpu.memref_squeeze %dma_wait3A_135 : memref<1x32x128xf32, #tpu.memory_space<vmem>> -> memref<32x128xf32, #tpu.memory_space<vmem>>
    tpu.wait_dma2 semaphore(%arg11 : memref<!tpu.dma_semaphore, #tpu.memory_space<semaphore_mem>>) src(%dma_wait3A_136 : memref<32x128xf32, #tpu.memory_space<vmem>>) dst(%dma_wait3A_132 : memref<32x128xf32, #tpu.memory_space<hbm>>)
    %dma_wait3A_137 = arith.constant 1 : i32
    %dma_wait3A_138 = arith.constant 0 : i32
    %dma_wait3A_139 = arith.constant 1 : i32
    %dma_wait3A_140 = arith.constant 0 : i32
    %dma_wait3A_141 = arith.constant 32 : i32
    %dma_wait3A_142 = arith.constant 0 : i32
    %dma_wait3A_143 = tpu.memref_slice %arg7[%dma_wait3A_137, %dma_wait3A_141, %dma_wait3A_142] : memref<2x128x129xf32, #tpu.memory_space<vmem>> -> memref<1x32x128xf32, #tpu.memory_space<vmem>>
    %dma_wait3A_144 = tpu.memref_squeeze %dma_wait3A_143 : memref<1x32x128xf32, #tpu.memory_space<vmem>> -> memref<32x128xf32, #tpu.memory_space<vmem>>
    %dma_wait3A_145 = arith.constant 0 : i32
    %dma_wait3A_146 = arith.constant 0 : i32
    %dma_wait3A_147 = tpu.memref_slice %arg4[%dma_wait3A_138, %dma_wait3A_139, %dma_wait3A_140, %dma_wait3A_145, %dma_wait3A_146] : memref<50x4x32x32x128xf32, #tpu.memory_space<hbm>> -> memref<1x1x1x32x128xf32, #tpu.memory_space<hbm>>
    %dma_wait3A_148 = tpu.memref_squeeze %dma_wait3A_147 : memref<1x1x1x32x128xf32, #tpu.memory_space<hbm>> -> memref<32x128xf32, #tpu.memory_space<hbm>>
    %dma_wait3A_149 = arith.constant 0 : i32
    %dma_wait3A_150 = arith.constant 0 : i32
    %dma_wait3A_151 = tpu.memref_slice %arg4[%dma_wait3A_138, %dma_wait3A_139, %dma_wait3A_140, %dma_wait3A_149, %dma_wait3A_150] : memref<50x4x32x32x128xf32, #tpu.memory_space<hbm>> -> memref<1x1x1x32x128xf32, #tpu.memory_space<hbm>>
    %dma_wait3A_152 = tpu.memref_squeeze %dma_wait3A_151 : memref<1x1x1x32x128xf32, #tpu.memory_space<hbm>> -> memref<32x128xf32, #tpu.memory_space<hbm>>
    %dma_wait3A_153 = arith.constant 32 : i32
    %dma_wait3A_154 = arith.constant 0 : i32
    %dma_wait3A_155 = tpu.memref_slice %arg7[%dma_wait3A_137, %dma_wait3A_153, %dma_wait3A_154] : memref<2x128x129xf32, #tpu.memory_space<vmem>> -> memref<1x32x128xf32, #tpu.memory_space<vmem>>
    %dma_wait3A_156 = tpu.memref_squeeze %dma_wait3A_155 : memref<1x32x128xf32, #tpu.memory_space<vmem>> -> memref<32x128xf32, #tpu.memory_space<vmem>>
    tpu.wait_dma2 semaphore(%arg11 : memref<!tpu.dma_semaphore, #tpu.memory_space<semaphore_mem>>) src(%dma_wait3A_156 : memref<32x128xf32, #tpu.memory_space<vmem>>) dst(%dma_wait3A_152 : memref<32x128xf32, #tpu.memory_space<hbm>>)
    %dma_wait3A_157 = arith.constant 1 : i32
    %dma_wait3A_158 = arith.constant 0 : i32
    %dma_wait3A_159 = arith.constant 2 : i32
    %dma_wait3A_160 = arith.constant 0 : i32
    %dma_wait3A_161 = arith.constant 64 : i32
    %dma_wait3A_162 = arith.constant 0 : i32
    %dma_wait3A_163 = tpu.memref_slice %arg7[%dma_wait3A_157, %dma_wait3A_161, %dma_wait3A_162] : memref<2x128x129xf32, #tpu.memory_space<vmem>> -> memref<1x32x128xf32, #tpu.memory_space<vmem>>
    %dma_wait3A_164 = tpu.memref_squeeze %dma_wait3A_163 : memref<1x32x128xf32, #tpu.memory_space<vmem>> -> memref<32x128xf32, #tpu.memory_space<vmem>>
    %dma_wait3A_165 = arith.constant 0 : i32
    %dma_wait3A_166 = arith.constant 0 : i32
    %dma_wait3A_167 = tpu.memref_slice %arg4[%dma_wait3A_158, %dma_wait3A_159, %dma_wait3A_160, %dma_wait3A_165, %dma_wait3A_166] : memref<50x4x32x32x128xf32, #tpu.memory_space<hbm>> -> memref<1x1x1x32x128xf32, #tpu.memory_space<hbm>>
    %dma_wait3A_168 = tpu.memref_squeeze %dma_wait3A_167 : memref<1x1x1x32x128xf32, #tpu.memory_space<hbm>> -> memref<32x128xf32, #tpu.memory_space<hbm>>
    %dma_wait3A_169 = arith.constant 0 : i32
    %dma_wait3A_170 = arith.constant 0 : i32
    %dma_wait3A_171 = tpu.memref_slice %arg4[%dma_wait3A_158, %dma_wait3A_159, %dma_wait3A_160, %dma_wait3A_169, %dma_wait3A_170] : memref<50x4x32x32x128xf32, #tpu.memory_space<hbm>> -> memref<1x1x1x32x128xf32, #tpu.memory_space<hbm>>
    %dma_wait3A_172 = tpu.memref_squeeze %dma_wait3A_171 : memref<1x1x1x32x128xf32, #tpu.memory_space<hbm>> -> memref<32x128xf32, #tpu.memory_space<hbm>>
    %dma_wait3A_173 = arith.constant 64 : i32
    %dma_wait3A_174 = arith.constant 0 : i32
    %dma_wait3A_175 = tpu.memref_slice %arg7[%dma_wait3A_157, %dma_wait3A_173, %dma_wait3A_174] : memref<2x128x129xf32, #tpu.memory_space<vmem>> -> memref<1x32x128xf32, #tpu.memory_space<vmem>>
    %dma_wait3A_176 = tpu.memref_squeeze %dma_wait3A_175 : memref<1x32x128xf32, #tpu.memory_space<vmem>> -> memref<32x128xf32, #tpu.memory_space<vmem>>
    tpu.wait_dma2 semaphore(%arg11 : memref<!tpu.dma_semaphore, #tpu.memory_space<semaphore_mem>>) src(%dma_wait3A_176 : memref<32x128xf32, #tpu.memory_space<vmem>>) dst(%dma_wait3A_172 : memref<32x128xf32, #tpu.memory_space<hbm>>)
    %dma_wait3A_177 = arith.constant 1 : i32
    %dma_wait3A_178 = arith.constant 0 : i32
    %dma_wait3A_179 = arith.constant 3 : i32
    %dma_wait3A_180 = arith.constant 0 : i32
    %dma_wait3A_181 = arith.constant 96 : i32
    %dma_wait3A_182 = arith.constant 0 : i32
    %dma_wait3A_183 = tpu.memref_slice %arg7[%dma_wait3A_177, %dma_wait3A_181, %dma_wait3A_182] : memref<2x128x129xf32, #tpu.memory_space<vmem>> -> memref<1x32x128xf32, #tpu.memory_space<vmem>>
    %dma_wait3A_184 = tpu.memref_squeeze %dma_wait3A_183 : memref<1x32x128xf32, #tpu.memory_space<vmem>> -> memref<32x128xf32, #tpu.memory_space<vmem>>
    %dma_wait3A_185 = arith.constant 0 : i32
    %dma_wait3A_186 = arith.constant 0 : i32
    %dma_wait3A_187 = tpu.memref_slice %arg4[%dma_wait3A_178, %dma_wait3A_179, %dma_wait3A_180, %dma_wait3A_185, %dma_wait3A_186] : memref<50x4x32x32x128xf32, #tpu.memory_space<hbm>> -> memref<1x1x1x32x128xf32, #tpu.memory_space<hbm>>
    %dma_wait3A_188 = tpu.memref_squeeze %dma_wait3A_187 : memref<1x1x1x32x128xf32, #tpu.memory_space<hbm>> -> memref<32x128xf32, #tpu.memory_space<hbm>>
    %dma_wait3A_189 = arith.constant 0 : i32
    %dma_wait3A_190 = arith.constant 0 : i32
    %dma_wait3A_191 = tpu.memref_slice %arg4[%dma_wait3A_178, %dma_wait3A_179, %dma_wait3A_180, %dma_wait3A_189, %dma_wait3A_190] : memref<50x4x32x32x128xf32, #tpu.memory_space<hbm>> -> memref<1x1x1x32x128xf32, #tpu.memory_space<hbm>>
    %dma_wait3A_192 = tpu.memref_squeeze %dma_wait3A_191 : memref<1x1x1x32x128xf32, #tpu.memory_space<hbm>> -> memref<32x128xf32, #tpu.memory_space<hbm>>
    %dma_wait3A_193 = arith.constant 96 : i32
    %dma_wait3A_194 = arith.constant 0 : i32
    %dma_wait3A_195 = tpu.memref_slice %arg7[%dma_wait3A_177, %dma_wait3A_193, %dma_wait3A_194] : memref<2x128x129xf32, #tpu.memory_space<vmem>> -> memref<1x32x128xf32, #tpu.memory_space<vmem>>
    %dma_wait3A_196 = tpu.memref_squeeze %dma_wait3A_195 : memref<1x32x128xf32, #tpu.memory_space<vmem>> -> memref<32x128xf32, #tpu.memory_space<vmem>>
    tpu.wait_dma2 semaphore(%arg11 : memref<!tpu.dma_semaphore, #tpu.memory_space<semaphore_mem>>) src(%dma_wait3A_196 : memref<32x128xf32, #tpu.memory_space<vmem>>) dst(%dma_wait3A_192 : memref<32x128xf32, #tpu.memory_space<hbm>>)
    return
  }
}

</mosaic_0001>

<sc_bundles>
// kernel: _lookup.3.cloned.1.call-start
scs
__scs_entry_jumppad:
0x0: {  	(pc) =	sbr.rel $0x88, $3  }
0x1: {  	(tag) =	ssettag $0x0;
	lr =	simm.s32 $0x1  }
0x2: {  	[smem:$0x3F9F] =	sst lr;
	_ =	strace $0xD0000000  }
0x3: {  	_ = 	snop  }
0x4: {  	_ = 	snop  }
0x5: {  	_ = 	snop  }
0x6: {  	_ = 	snop  }
0x7: {  	_ = 	snop  }
__scs_overlays_trampoline_lowered:
0x8: {  	[smem:$0x3FAE] =	sst s0  }
0x9: {  	[smem:$0x3FAF] =	sst s1  }
0xa: {  	[smem:$0x3FB0] =	sst s2  }
0xb: {  	[smem:$0x3FB1] =	sst s3  }
0xc: {  	[smem:$0x3FB2] =	sst s4  }
0xd: {  	[smem:$0x3FB3] =	sst s5  }
0xe: {  	[smem:$0x3FB4] =	sst s6  }
0xf: {  	[smem:$0x3FB5] =	sst s7  }
0x10: {  	[smem:$0x3FB6] =	sst s8  }
0x11: {  	[smem:$0x3FB7] =	sst s9;
	s0 =	simm.s32 @!p0 $0x0  }
0x12: {  	s1 =	sld [smem:$0x3F9D];
	s0 =	simm.s32 @p0 $0x1  }
0x13: {  	[smem:$0x3FB8] =	sst s0;
	s0 =	simm.s32 @!p1 $0x0  }
0x14: {  	s2 =	sld [smem:$0x3F9C];
	s0 =	simm.s32 @p1 $0x1  }
0x15: {  	[smem:$0x3FB9] =	sst s0;
	s0 =	simm.s32 @!p2 $0x0  }
0x16: {  	s3 =	sld [smem:$0x3FDB];
	s0 =	simm.s32 @p2 $0x1  }
0x17: {  	s4 =	simm.s32 $0x1BF5;
	[smem:$0x3FBB] =	sst s0  }
0x18: {  	s0 =	sld [smem:$0x3F9E];
	_ =	swait.ge [sflag:s4], $0x0  }
0x19: {  	s7 =	sld [smem:$0x3F9F]  }
0x1a: {  	s8 =	sadd.s32 $0xFFFFE003, lr  }
0x1b: {  	s9 =	sadd.s32 $0xFFFFFEF7, lr;
	s5 =	simm.s32 $0xFFFFFFFF;
	p2 =	slt.u32 s8, $0xFFFFF086  }
0x1c: {  	p1 =	slt.u32 s9, $0xF7A;
	s5 =	simm.s32 @!p2 $0x0  }
0x1d: {  	s5 =	simm.s32 @p1 $0x1;
	p0 =	seq.s32 s7, s2  }
0x1e: {  	s7 =	smul.u32 @!p0 $0xF7A, s2;
	p2 =	seq.s32 @!p0 s5, $0x0  }
0x1f: {  	s9 =	smul.u32 $0xF7A, s1;
	s8 =	simm.s32 @!p0 $0x1BF5;
	p2 =	por !p2, p0  }
0x20: {  	[sflag:s8] =	ssyncset.s32 @!p0 $0xFFFFF086;
	s6 =	sadd.s32 @!p0 s3, s7;
	s7 =	simm.s32 @!p0 $0x108  }
0x21: {  	s3 =	sadd.s32 s3, s9;
	s6 =	sadd.s32 @!p0 $0x88, s6;
	s7 =	simm.s32 @p2 $0x1082  }
0x22: {  	[simem:s7], [sflag:s8] =	dma.local @!p0 [hbm:s6], $0xF7A  }
0x23: {  	s9 =	sor.u32 $0xD0000000, s2;
	s6 =	simm.s32 $0x108;
	_ =	swait.ge @!p0 [sflag:s8], $0x0  }
0x24: {  	s3 =	sadd.s32 $0x88, s3;
	s6 =	simm.s32 @!p1 $0x1082;
	[sflag:s4] =	ssyncset.s32 $0xFFFFF086  }
0x25: {  	[simem:s6], [sflag:s4] =	dma.local [hbm:s3], $0xF7A  }
0x26: {  	[smem:$0x3F9F] =	sst s1;
	(tag) =	ssettag s2;
	_ =	strace s9  }
0x27: {  	s1 =	sld [smem:$0x3FAF]  }
0x28: {  	s2 =	sld [smem:$0x3FB0]  }
0x29: {  	s4 =	sld [smem:$0x3FB2]  }
0x2a: {  	p0 =	seq.s32 s5, $0x0;
	s5 =	sld [smem:$0x3FB3]  }
0x2b: {  	s6 =	sld [smem:$0x3FB4]  }
0x2c: {  	s7 =	sld [smem:$0x3FB5]  }
0x2d: {  	s3 =	simm.s32 $0x108;
	s8 =	sld [smem:$0x3FB6]  }
0x2e: {  	s3 =	simm.s32 @!p0 $0x1082;
	s9 =	sld [smem:$0x3FB7]  }
0x2f: {  	lr =	sadd.s32 s0, s3;
	s0 =	sld [smem:$0x3FAE]  }
0x30: {  	s3 =	sld [smem:$0x3FB1]  }
0x31: {  	[smem:$0x3FBA] =	sst s10  }
0x32: {  	s10 =	sld [smem:$0x3FB8];
	_ =	sdelay $0x3  }
0x33: {  	p0 =	seq.s32 s10, $0x1;
	s10 =	sld [smem:$0x3FBA];
	_ =	sdelay $0x3  }
0x34: {  	[smem:$0x3FBA] =	sst s10  }
0x35: {  	s10 =	sld [smem:$0x3FB9];
	_ =	sdelay $0x3  }
0x36: {  	p1 =	seq.s32 s10, $0x1;
	s10 =	sld [smem:$0x3FBA];
	_ =	sdelay $0x3  }
0x37: {  	[smem:$0x3FBA] =	sst s10  }
0x38: {  	s10 =	sld [smem:$0x3FBB]  }
0x39: {  	_ = 	snop;
	(pc) =	sbr.ind lr, $3  }
0x3a: {  	_ = 	snop  }
0x3b: {  	_ = 	snop  }
0x3c: {  	p2 =	seq.s32 s10, $0x1;
	s10 =	sld [smem:$0x3FBA]  }
0x3d: {  	_ =	shalt  }
0x3e: {  	_ =	shalt  }
0x3f: {  	_ =	shalt  }
0x40: {  	_ =	shalt  }
0x41: {  	_ =	shalt  }
0x42: {  	_ =	shalt  }
0x43: {  	_ =	shalt  }
0x44: {  	_ =	shalt  }
0x45: {  	_ =	shalt  }
0x46: {  	_ =	shalt  }
0x47: {  	_ =	shalt  }
0x48: {  	_ =	shalt  }
0x49: {  	_ =	shalt  }
0x4a: {  	_ =	shalt  }
0x4b: {  	_ =	shalt  }
0x4c: {  	_ =	shalt  }
0x4d: {  	_ =	shalt  }
0x4e: {  	_ =	shalt  }
0x4f: {  	_ =	shalt  }
0x50: {  	_ =	shalt  }
0x51: {  	_ =	shalt  }
0x52: {  	_ =	shalt  }
0x53: {  	_ =	shalt  }
0x54: {  	_ =	shalt  }
0x55: {  	_ =	shalt  }
0x56: {  	_ =	shalt  }
0x57: {  	_ =	shalt  }
0x58: {  	_ =	shalt  }
0x59: {  	_ =	shalt  }
0x5a: {  	_ =	shalt  }
0x5b: {  	_ =	shalt  }
0x5c: {  	_ =	shalt  }
0x5d: {  	_ =	shalt  }
0x5e: {  	_ =	shalt  }
0x5f: {  	_ =	shalt  }
0x60: {  	_ =	shalt  }
0x61: {  	_ =	shalt  }
0x62: {  	_ =	shalt  }
0x63: {  	_ =	shalt  }
0x64: {  	_ =	shalt  }
0x65: {  	_ =	shalt  }
0x66: {  	_ =	shalt  }
0x67: {  	_ =	shalt  }
0x68: {  	_ =	shalt  }
0x69: {  	_ =	shalt  }
0x6a: {  	_ =	shalt  }
0x6b: {  	_ =	shalt  }
0x6c: {  	_ =	shalt  }
0x6d: {  	_ =	shalt  }
0x6e: {  	_ =	shalt  }
0x6f: {  	_ =	shalt  }
0x70: {  	_ =	shalt  }
0x71: {  	_ =	shalt  }
0x72: {  	_ =	shalt  }
0x73: {  	_ =	shalt  }
0x74: {  	_ =	shalt  }
0x75: {  	_ =	shalt  }
0x76: {  	_ =	shalt  }
0x77: {  	_ =	shalt  }
0x78: {  	_ =	shalt  }
0x79: {  	_ =	shalt  }
0x7a: {  	_ =	shalt  }
0x7b: {  	_ =	shalt  }
0x7c: {  	_ =	shalt  }
0x7d: {  	_ =	shalt  }
0x7e: {  	_ =	shalt  }
0x7f: {  	_ =	shalt  }
0x80: {  	_ =	shalt  }
0x81: {  	_ =	shalt  }
0x82: {  	_ =	shalt  }
0x83: {  	_ =	shalt  }
0x84: {  	_ =	shalt  }
0x85: {  	_ =	shalt  }
0x86: {  	_ =	shalt  }
0x87: {  	_ =	shalt  }
.Lfunc_end0:
.L_simem_size_0:
called_computation_lowered:
.L_overlay_start_0:
0x88: {  	s2 =	sld [smem:$0x3FD9]  }
0x89: {  	s3 =	sld [smem:$0x3FFE];
	_ =	sdelay $0x1  }
0x8a: {  	s1 =	srdreg.scid  }
0x8b: {  	s0 =	sand.u32 $0x1, s1  }
0x8c: {  	s17 =	sshll.u32 s0, $0xA;
	s2 =	sadd.s32 s3, s2  }
0x8d: {  	s2 =	sadd.s32 s2, s17  }
0x8e: {  	[smem:$0x3FC6] =	sst s2  }
0x8f: {  	_ = 	snop  }
0x90: {  	s2 =	sld [smem:$0x3FC9]  }
0x91: {  	s18 =	sld [smem:$0x3FD0];
	(tm) =	ssettm $0x1  }
0x92: {  	s4 =	sld [smem:$0x3FFB];
	_ =	sdelay $0x3  }
0x93: {  	_ =	strace s4  }
0x94: {  	s4 =	sld [smem:$0x3FFC];
	_ =	sdelay $0x3  }
0x95: {  	_ =	strace s4  }
0x96: {  	s4 =	sld [smem:$0x3FFD];
	_ =	sdelay $0x3  }
0x97: {  	_ =	strace s4  }
0x98: {  	_ =	strace $0x8FFFFFFF  }
0x99: {  	s19 =	sld [smem:$0x3FDB];
	_ =	sdelay $0x1  }
0x9a: {  	s5 =	simm.s32 $_scs_section_size  }
0x9b: {  	s6 =	simm.s32 $_size__tile_overlayer_lowered;
	s7 =	simm.s32 $_tile_overlayer_lowered  }
0x9c: {  	s22 =	simm.s32 $0x1BFF;
	s21 =	sshll.u32 s7, $0x1;
	s4 =	sadd.s32 s5, s19  }
0x9d: {  	s8 =	simm.s32 $0x0;
	s20 =	sshll.u32 s6, $0x1;
	s6 =	sadd.s32 s21, s4  }
0x9e: {  	[timem:s8], [sflag:s22] =	dma.local [hbm:s6], s20  }
0x9f: {  	_ =	swait.ge [sflag:s22], s20  }
0xa0: {  	s5 =	ssub.s32 $0x0, s20;
	[sflag:s22] =	ssyncset.done $0x0  }
0xa1: {  	[sflag:s22] =	ssyncadd.s32 s5;
	_ =	sdelay $0x1  }
0xa2: {  	s23 =	simm.s32 $0x1B8B  }
0xa3: {  	_ =	swait.ge [sflag:s23], $0x1  }
0xa4: {  	[sflag:s23] =	ssyncset.done $0x0  }
0xa5: {  	s25 =	simm.s32 $0x1B8E;
	s24 =	sld [smem:$0x3FFE];
	[sflag:s23] =	ssyncadd.s32 $0xFFFFFFFF  }
0xa6: {  	s26 =	simm.s32 $execute0_lowered;
	[smem:$0x3FD2] =	sst s25  }
0xa7: {  	s6 =	sshll.u32 s26, $0x1;
	_ =	strace $0x80000046;
	[dreg:$0x1] =	wrdreg $0xFFFFFFFF  }
0xa8: {  	s28 =	simm.s32 $_size_execute0_lowered;
	s4 =	sadd.s32 s4, s6;
	[dreg:$0x0] =	wrdreg $0x0  }
0xa9: {  	s6 =	sshll.u32 s28, $0x1;
	[dreg:$0x2] =	wrdreg s4  }
0xaa: {  	[dreg:$0x3] =	wrdreg s6  }
0xab: {  	[dreg:$0x4] =	wrdreg $0xC0  }
0xac: {  	_ =	task [dreg:s8], $0x5FFFF  }
0xad: {  	[dreg:$0x1] =	wrdreg $0xFFFFFFFF  }
0xae: {  	[dreg:$0x0] =	wrdreg $0x60  }
0xaf: {  	[dreg:$0x2] =	wrdreg s2  }
0xb0: {  	[dreg:$0x3] =	wrdreg s24  }
0xb1: {  	[dreg:$0x4] =	wrdreg s18  }
0xb2: {  	[dreg:$0x5] =	wrdreg $0x9  }
0xb3: {  	_ =	task.clear_ibuf [dreg:s8], $0x6FFFF;
	_ =	strace $0x90000046  }
0xb4: {  	s29 =	simm.s32 $0x9;
	_ =	strace $0x80000048  }
0xb5: {  	_ =	swait.ge [sflag:s29], $0x1  }
0xb6: {  	[sflag:s29] =	ssyncadd.s32 $0xFFFFFFFF  }
0xb7: {  	_ =	strace $0x90000048  }
0xb8: {  	_ =	sfence  }
0xb9: {  	s30 =	sld [smem:$0x0];
	_ =	sdelay $0x2  }
0xba: {  	s31 =	sshll.u32 s1, $0xD;
	s1 =	sshrl.u32 s1, $0x2  }
0xbb: {  	s3 =	sand.u32 $0x4000, s31;
	s1 =	sadd.s32 s1, s30  }
0xbc: {  	s0 =	sor.u32 s3, s0;
	s1 =	sshll.u32 s1, $0x11  }
0xbd: {  	s0 =	sor.u32 s1, s0  }
0xbe: {  	s0 =	sadd.s32 $0x8F2B, s0  }
0xbf: {  	[sflag:s0] =	ssyncadd.remote.s32 $0x1  }
0xc0: {  	_ =	sfence.sel $0xFFFF  }
0xc1: {  	[dreg:$0x0] =	wrdreg $0xFFFFFFFF;
	(pc) =	sbr.abs _section_cstart, $3  }
0xc2: {  	[dreg:$0x1] =	wrdreg $0xFFFFFFFF  }
0xc3: {  	_ =	task.clear_ibuf [dreg:s8], $0x2FFFF;
	_ =	strace $0x9FFFFFFF  }
0xc4: {  	(tm) =	ssettm $0x7FFFFFFF  }
0xc5: {  	_ =	shalt  }
tec
execute0_lowered:
.L_overlay_start_1:
0x0: {  	(tag) =	ssettag $0x1  }
0x1: {  	v0 =	vimm.s32 $0x14B8  }
0x2: {  	vm14 =	vcmask $0x300;
	vm13 =	vcmask $0x704;
	vm12 =	vcmask $0xB08  }
0x3: {  	vm11 =	vcmask $0xF0C;
	vm10 =	vcmask $0x1310;
	v0 =	vsel vm14, $0x0, v0  }
0x4: {  	vm9 =	vcmask $0x1714;
	vm8 =	vcmask $0x1B18;
	v0 =	vsel vm13, $0x88, v0  }
0x5: {  	vm7 =	vcmask $0x1F1C;
	vm6 =	vcmask $0x2320;
	v0 =	vsel vm12, $0x110, v0  }
0x6: {  	vm5 =	vcmask $0x2724;
	vm4 =	vcmask $0x2B28;
	v0 =	vsel vm11, $0x198, v0  }
0x7: {  	vm3 =	vcmask $0x2F2C;
	vm2 =	vcmask $0x3330;
	v0 =	vsel vm10, $0x220, v0  }
0x8: {  	vm1 =	vcmask $0x3734;
	vm0 =	vcmask $0x3B38;
	v0 =	vsel vm9, $0x2A8, v0  }
0x9: {  	v1 =	vimm.s32 $0x14B9;
	v2 =	vimm.s32 $0x36B9;
	v0 =	vsel vm8, $0x330, v0  }
0xa: {  	v1 =	vsel vm14, $0x1, v1;
	v2 =	vsel vm14, $0x2201, v2;
	v0 =	vsel vm7, $0x3B8, v0  }
0xb: {  	v1 =	vsel vm13, $0x89, v1;
	v2 =	vsel vm13, $0x2289, v2;
	v0 =	vsel vm6, $0x1100, v0  }
0xc: {  	v1 =	vsel vm12, $0x111, v1;
	v2 =	vsel vm12, $0x2311, v2;
	v0 =	vsel vm5, $0x1188, v0  }
0xd: {  	v1 =	vsel vm11, $0x199, v1;
	v2 =	vsel vm11, $0x2399, v2;
	v0 =	vsel vm4, $0x1210, v0  }
0xe: {  	v1 =	vsel vm10, $0x221, v1;
	v2 =	vsel vm10, $0x2421, v2;
	v0 =	vsel vm3, $0x1298, v0  }
0xf: {  	v1 =	vsel vm9, $0x2A9, v1;
	v2 =	vsel vm9, $0x24A9, v2;
	v0 =	vsel vm2, $0x1320, v0  }
0x10: {  	v1 =	vsel vm8, $0x331, v1;
	v2 =	vsel vm8, $0x2531, v2;
	v0 =	vsel vm1, $0x13A8, v0  }
0x11: {  	v1 =	vsel vm7, $0x3B9, v1;
	v3 =	vsel vm0, $0x1430, v0;
	v0 =	vimm.s32 $0x36B8  }
0x12: {  	v2 =	vsel vm7, $0x25B9, v2;
	v1 =	vsel vm6, $0x1101, v1;
	v0 =	vsel vm14, $0x2200, v0  }
0x13: {  	v2 =	vsel vm6, $0x3301, v2;
	v1 =	vsel vm5, $0x1189, v1;
	v0 =	vsel vm13, $0x2288, v0  }
0x14: {  	v2 =	vsel vm5, $0x3389, v2;
	v1 =	vsel vm4, $0x1211, v1;
	v0 =	vsel vm12, $0x2310, v0  }
0x15: {  	v2 =	vsel vm4, $0x3411, v2;
	v1 =	vsel vm3, $0x1299, v1;
	v0 =	vsel vm11, $0x2398, v0  }
0x16: {  	v2 =	vsel vm3, $0x3499, v2;
	v1 =	vsel vm2, $0x1321, v1;
	v0 =	vsel vm10, $0x2420, v0  }
0x17: {  	v2 =	vsel vm2, $0x3521, v2;
	v1 =	vsel vm1, $0x13A9, v1;
	v0 =	vsel vm9, $0x24A8, v0  }
0x18: {  	v2 =	vsel vm1, $0x35A9, v2;
	v5 =	vsel vm0, $0x1431, v1;
	v0 =	vsel vm8, $0x2530, v0  }
0x19: {  	v7 =	vsel vm0, $0x3631, v2;
	v1 =	vimm.s32 $0x36BA;
	v0 =	vsel vm7, $0x25B8, v0  }
0x1a: {  	v2 =	vimm.s32 $0x14BB;
	v1 =	vsel vm14, $0x2202, v1;
	v0 =	vsel vm6, $0x3300, v0  }
0x1b: {  	v2 =	vsel vm14, $0x3, v2;
	v1 =	vsel vm13, $0x228A, v1;
	v0 =	vsel vm5, $0x3388, v0  }
0x1c: {  	v2 =	vsel vm13, $0x8B, v2;
	v1 =	vsel vm12, $0x2312, v1;
	v0 =	vsel vm4, $0x3410, v0  }
0x1d: {  	v2 =	vsel vm12, $0x113, v2;
	v1 =	vsel vm11, $0x239A, v1;
	v0 =	vsel vm3, $0x3498, v0  }
0x1e: {  	v2 =	vsel vm11, $0x19B, v2;
	v1 =	vsel vm10, $0x2422, v1;
	v0 =	vsel vm2, $0x3520, v0  }
0x1f: {  	v2 =	vsel vm10, $0x223, v2;
	v1 =	vsel vm9, $0x24AA, v1;
	v0 =	vsel vm1, $0x35A8, v0  }
0x20: {  	v2 =	vsel vm9, $0x2AB, v2;
	v4 =	vsel vm0, $0x3630, v0;
	v0 =	vimm.s32 $0x14BA  }
0x21: {  	v1 =	vsel vm8, $0x2532, v1;
	v2 =	vsel vm8, $0x333, v2;
	v0 =	vsel vm14, $0x2, v0  }
0x22: {  	v1 =	vsel vm7, $0x25BA, v1;
	v2 =	vsel vm7, $0x3BB, v2;
	v0 =	vsel vm13, $0x8A, v0  }
0x23: {  	v1 =	vsel vm6, $0x3302, v1;
	v2 =	vsel vm6, $0x1103, v2;
	v0 =	vsel vm12, $0x112, v0  }
0x24: {  	v1 =	vsel vm5, $0x338A, v1;
	v2 =	vsel vm5, $0x118B, v2;
	v0 =	vsel vm11, $0x19A, v0  }
0x25: {  	v1 =	vsel vm4, $0x3412, v1;
	v2 =	vsel vm4, $0x1213, v2;
	v0 =	vsel vm10, $0x222, v0  }
0x26: {  	v1 =	vsel vm3, $0x349A, v1;
	v2 =	vsel vm3, $0x129B, v2;
	v0 =	vsel vm9, $0x2AA, v0  }
0x27: {  	v1 =	vsel vm2, $0x3522, v1;
	v2 =	vsel vm2, $0x1323, v2;
	v0 =	vsel vm8, $0x332, v0  }
0x28: {  	v1 =	vsel vm1, $0x35AA, v1;
	v2 =	vsel vm1, $0x13AB, v2;
	v0 =	vsel vm7, $0x3BA, v0  }
0x29: {  	v9 =	vsel vm0, $0x3632, v1;
	v10 =	vsel vm0, $0x1433, v2;
	v0 =	vsel vm6, $0x1102, v0  }
0x2a: {  	v1 =	vimm.s32 $0x14BC;
	v2 =	vimm.s32 $0x36BC;
	v0 =	vsel vm5, $0x118A, v0  }
0x2b: {  	v1 =	vsel vm14, $0x4, v1;
	v2 =	vsel vm14, $0x2204, v2;
	v0 =	vsel vm4, $0x1212, v0  }
0x2c: {  	v1 =	vsel vm13, $0x8C, v1;
	v2 =	vsel vm13, $0x228C, v2;
	v0 =	vsel vm3, $0x129A, v0  }
0x2d: {  	v1 =	vsel vm12, $0x114, v1;
	v2 =	vsel vm12, $0x2314, v2;
	v0 =	vsel vm2, $0x1322, v0  }
0x2e: {  	v1 =	vsel vm11, $0x19C, v1;
	v2 =	vsel vm11, $0x239C, v2;
	v0 =	vsel vm1, $0x13AA, v0  }
0x2f: {  	v1 =	vsel vm10, $0x224, v1;
	v8 =	vsel vm0, $0x1432, v0;
	v0 =	vimm.s32 $0x36BB  }
0x30: {  	v2 =	vsel vm10, $0x2424, v2;
	v1 =	vsel vm9, $0x2AC, v1;
	v0 =	vsel vm14, $0x2203, v0  }
0x31: {  	v2 =	vsel vm9, $0x24AC, v2;
	v1 =	vsel vm8, $0x334, v1;
	v0 =	vsel vm13, $0x228B, v0  }
0x32: {  	v2 =	vsel vm8, $0x2534, v2;
	v1 =	vsel vm7, $0x3BC, v1;
	v0 =	vsel vm12, $0x2313, v0  }
0x33: {  	v2 =	vsel vm7, $0x25BC, v2;
	v1 =	vsel vm6, $0x1104, v1;
	v0 =	vsel vm11, $0x239B, v0  }
0x34: {  	v2 =	vsel vm6, $0x3304, v2;
	v1 =	vsel vm5, $0x118C, v1;
	v0 =	vsel vm10, $0x2423, v0  }
0x35: {  	v2 =	vsel vm5, $0x338C, v2;
	v1 =	vsel vm4, $0x1214, v1;
	v0 =	vsel vm9, $0x24AB, v0  }
0x36: {  	v2 =	vsel vm4, $0x3414, v2;
	v1 =	vsel vm3, $0x129C, v1;
	v0 =	vsel vm8, $0x2533, v0  }
0x37: {  	v2 =	vsel vm3, $0x349C, v2;
	v1 =	vsel vm2, $0x1324, v1;
	v0 =	vsel vm7, $0x25BB, v0  }
0x38: {  	v2 =	vsel vm2, $0x3524, v2;
	v1 =	vsel vm1, $0x13AC, v1;
	v0 =	vsel vm6, $0x3303, v0  }
0x39: {  	v2 =	vsel vm1, $0x35AC, v2;
	v12 =	vsel vm0, $0x1434, v1;
	v0 =	vsel vm5, $0x338B, v0  }
0x3a: {  	v13 =	vsel vm0, $0x3634, v2;
	v1 =	vimm.s32 $0x36BD;
	v0 =	vsel vm4, $0x3413, v0  }
0x3b: {  	v2 =	vimm.s32 $0x14BE;
	v1 =	vsel vm14, $0x2205, v1;
	v0 =	vsel vm3, $0x349B, v0  }
0x3c: {  	v2 =	vsel vm14, $0x6, v2;
	v1 =	vsel vm13, $0x228D, v1;
	v0 =	vsel vm2, $0x3523, v0  }
0x3d: {  	v2 =	vsel vm13, $0x8E, v2;
	v1 =	vsel vm12, $0x2315, v1;
	v0 =	vsel vm1, $0x35AB, v0  }
0x3e: {  	v2 =	vsel vm12, $0x116, v2;
	v11 =	vsel vm0, $0x3633, v0;
	v0 =	vimm.s32 $0x14BD  }
0x3f: {  	v1 =	vsel vm11, $0x239D, v1;
	v2 =	vsel vm11, $0x19E, v2;
	v0 =	vsel vm14, $0x5, v0  }
0x40: {  	v1 =	vsel vm10, $0x2425, v1;
	v2 =	vsel vm10, $0x226, v2;
	v0 =	vsel vm13, $0x8D, v0  }
0x41: {  	v1 =	vsel vm9, $0x24AD, v1;
	v2 =	vsel vm9, $0x2AE, v2;
	v0 =	vsel vm12, $0x115, v0  }
0x42: {  	v1 =	vsel vm8, $0x2535, v1;
	v2 =	vsel vm8, $0x336, v2;
	v0 =	vsel vm11, $0x19D, v0  }
0x43: {  	v1 =	vsel vm7, $0x25BD, v1;
	v2 =	vsel vm7, $0x3BE, v2;
	v0 =	vsel vm10, $0x225, v0  }
0x44: {  	v1 =	vsel vm6, $0x3305, v1;
	v2 =	vsel vm6, $0x1106, v2;
	v0 =	vsel vm9, $0x2AD, v0  }
0x45: {  	v1 =	vsel vm5, $0x338D, v1;
	v2 =	vsel vm5, $0x118E, v2;
	v0 =	vsel vm8, $0x335, v0  }
0x46: {  	v1 =	vsel vm4, $0x3415, v1;
	v2 =	vsel vm4, $0x1216, v2;
	v0 =	vsel vm7, $0x3BD, v0  }
0x47: {  	v1 =	vsel vm3, $0x349D, v1;
	v2 =	vsel vm3, $0x129E, v2;
	v0 =	vsel vm6, $0x1105, v0  }
0x48: {  	v1 =	vsel vm2, $0x3525, v1;
	v2 =	vsel vm2, $0x1326, v2;
	v0 =	vsel vm5, $0x118D, v0  }
0x49: {  	v1 =	vsel vm1, $0x35AD, v1;
	v2 =	vsel vm1, $0x13AE, v2;
	v0 =	vsel vm4, $0x1215, v0  }
0x4a: {  	v15 =	vsel vm0, $0x3635, v1;
	v16 =	vsel vm0, $0x1436, v2;
	v0 =	vsel vm3, $0x129D, v0  }
0x4b: {  	v1 =	vimm.s32 $0x14BF;
	v2 =	vimm.s32 $0x36BF;
	v0 =	vsel vm2, $0x1325, v0  }
0x4c: {  	v1 =	vsel vm14, $0x7, v1;
	v2 =	vsel vm14, $0x2207, v2;
	v0 =	vsel vm1, $0x13AD, v0  }
0x4d: {  	v1 =	vsel vm13, $0x8F, v1;
	v14 =	vsel vm0, $0x1435, v0;
	v0 =	vimm.s32 $0x36BE  }
0x4e: {  	v2 =	vsel vm13, $0x228F, v2;
	v1 =	vsel vm12, $0x117, v1;
	v0 =	vsel vm14, $0x2206, v0  }
0x4f: {  	v2 =	vsel vm12, $0x2317, v2;
	v1 =	vsel vm11, $0x19F, v1;
	v0 =	vsel vm13, $0x228E, v0  }
0x50: {  	v2 =	vsel vm11, $0x239F, v2;
	v1 =	vsel vm10, $0x227, v1;
	v0 =	vsel vm12, $0x2316, v0  }
0x51: {  	v2 =	vsel vm10, $0x2427, v2;
	v1 =	vsel vm9, $0x2AF, v1;
	v0 =	vsel vm11, $0x239E, v0  }
0x52: {  	v2 =	vsel vm9, $0x24AF, v2;
	v1 =	vsel vm8, $0x337, v1;
	v0 =	vsel vm10, $0x2426, v0  }
0x53: {  	v2 =	vsel vm8, $0x2537, v2;
	v1 =	vsel vm7, $0x3BF, v1;
	v0 =	vsel vm9, $0x24AE, v0  }
0x54: {  	v2 =	vsel vm7, $0x25BF, v2;
	v1 =	vsel vm6, $0x1107, v1;
	v0 =	vsel vm8, $0x2536, v0  }
0x55: {  	v2 =	vsel vm6, $0x3307, v2;
	v1 =	vsel vm5, $0x118F, v1;
	v0 =	vsel vm7, $0x25BE, v0  }
0x56: {  	v2 =	vsel vm5, $0x338F, v2;
	v1 =	vsel vm4, $0x1217, v1;
	v0 =	vsel vm6, $0x3306, v0  }
0x57: {  	v2 =	vsel vm4, $0x3417, v2;
	v1 =	vsel vm3, $0x129F, v1;
	v0 =	vsel vm5, $0x338E, v0  }
0x58: {  	v2 =	vsel vm3, $0x349F, v2;
	v1 =	vsel vm2, $0x1327, v1;
	v0 =	vsel vm4, $0x3416, v0  }
0x59: {  	v2 =	vsel vm2, $0x3527, v2;
	v1 =	vsel vm1, $0x13AF, v1;
	v0 =	vsel vm3, $0x349E, v0  }
0x5a: {  	v2 =	vsel vm1, $0x35AF, v2;
	v18 =	vsel vm0, $0x1437, v1;
	v0 =	vsel vm2, $0x3526, v0  }
0x5b: {  	v19 =	vsel vm0, $0x3637, v2;
	v1 =	vimm.s32 $0x3AF8;
	v0 =	vsel vm1, $0x35AE, v0  }
0x5c: {  	v2 =	vimm.s32 $0x18F9;
	v17 =	vsel vm0, $0x3636, v0;
	v0 =	vimm.s32 $0x18F8  }
0x5d: {  	v1 =	vsel vm14, $0x2640, v1;
	v2 =	vsel vm14, $0x441, v2;
	v0 =	vsel vm14, $0x440, v0  }
0x5e: {  	v1 =	vsel vm13, $0x26C8, v1;
	v2 =	vsel vm13, $0x4C9, v2;
	v0 =	vsel vm13, $0x4C8, v0  }
0x5f: {  	v1 =	vsel vm12, $0x2750, v1;
	v2 =	vsel vm12, $0x551, v2;
	v0 =	vsel vm12, $0x550, v0  }
0x60: {  	v1 =	vsel vm11, $0x27D8, v1;
	v2 =	vsel vm11, $0x5D9, v2;
	v0 =	vsel vm11, $0x5D8, v0  }
0x61: {  	v1 =	vsel vm10, $0x2860, v1;
	v2 =	vsel vm10, $0x661, v2;
	v0 =	vsel vm10, $0x660, v0  }
0x62: {  	v1 =	vsel vm9, $0x28E8, v1;
	v2 =	vsel vm9, $0x6E9, v2;
	v0 =	vsel vm9, $0x6E8, v0  }
0x63: {  	v1 =	vsel vm8, $0x2970, v1;
	v2 =	vsel vm8, $0x771, v2;
	v0 =	vsel vm8, $0x770, v0  }
0x64: {  	v1 =	vsel vm7, $0x29F8, v1;
	v2 =	vsel vm7, $0x7F9, v2;
	v0 =	vsel vm7, $0x7F8, v0  }
0x65: {  	v1 =	vsel vm6, $0x3740, v1;
	v2 =	vsel vm6, $0x1541, v2;
	v0 =	vsel vm6, $0x1540, v0  }
0x66: {  	v1 =	vsel vm5, $0x37C8, v1;
	v2 =	vsel vm5, $0x15C9, v2;
	v0 =	vsel vm5, $0x15C8, v0  }
0x67: {  	v1 =	vsel vm4, $0x3850, v1;
	v2 =	vsel vm4, $0x1651, v2;
	v0 =	vsel vm4, $0x1650, v0  }
0x68: {  	v1 =	vsel vm3, $0x38D8, v1;
	v2 =	vsel vm3, $0x16D9, v2;
	v0 =	vsel vm3, $0x16D8, v0  }
0x69: {  	v1 =	vsel vm2, $0x3960, v1;
	v2 =	vsel vm2, $0x1761, v2;
	v0 =	vsel vm2, $0x1760, v0  }
0x6a: {  	v1 =	vsel vm1, $0x39E8, v1;
	v2 =	vsel vm1, $0x17E9, v2;
	v0 =	vsel vm1, $0x17E8, v0  }
0x6b: {  	v20 =	vsel vm0, $0x3A70, v1;
	v6 =	vsel vm0, $0x1870, v0;
	v0 =	vimm.s32 $0x3AF9  }
0x6c: {  	v21 =	vsel vm0, $0x1871, v2;
	v1 =	vimm.s32 $0x18FA;
	v0 =	vsel vm14, $0x2641, v0  }
0x6d: {  	v2 =	vimm.s32 $0x3AFA;
	v1 =	vsel vm14, $0x442, v1;
	v0 =	vsel vm13, $0x26C9, v0  }
0x6e: {  	v2 =	vsel vm14, $0x2642, v2;
	v1 =	vsel vm13, $0x4CA, v1;
	v0 =	vsel vm12, $0x2751, v0  }
0x6f: {  	v2 =	vsel vm13, $0x26CA, v2;
	v1 =	vsel vm12, $0x552, v1;
	v0 =	vsel vm11, $0x27D9, v0  }
0x70: {  	v2 =	vsel vm12, $0x2752, v2;
	v1 =	vsel vm11, $0x5DA, v1;
	v0 =	vsel vm10, $0x2861, v0  }
0x71: {  	v2 =	vsel vm11, $0x27DA, v2;
	v1 =	vsel vm10, $0x662, v1;
	v0 =	vsel vm9, $0x28E9, v0  }
0x72: {  	v2 =	vsel vm10, $0x2862, v2;
	v1 =	vsel vm9, $0x6EA, v1;
	v0 =	vsel vm8, $0x2971, v0  }
0x73: {  	v2 =	vsel vm9, $0x28EA, v2;
	v1 =	vsel vm8, $0x772, v1;
	v0 =	vsel vm7, $0x29F9, v0  }
0x74: {  	v2 =	vsel vm8, $0x2972, v2;
	v1 =	vsel vm7, $0x7FA, v1;
	v0 =	vsel vm6, $0x3741, v0  }
0x75: {  	v2 =	vsel vm7, $0x29FA, v2;
	v1 =	vsel vm6, $0x1542, v1;
	v0 =	vsel vm5, $0x37C9, v0  }
0x76: {  	v2 =	vsel vm6, $0x3742, v2;
	v1 =	vsel vm5, $0x15CA, v1;
	v0 =	vsel vm4, $0x3851, v0  }
0x77: {  	v2 =	vsel vm5, $0x37CA, v2;
	v1 =	vsel vm4, $0x1652, v1;
	v0 =	vsel vm3, $0x38D9, v0  }
0x78: {  	v2 =	vsel vm4, $0x3852, v2;
	v1 =	vsel vm3, $0x16DA, v1;
	v0 =	vsel vm2, $0x3961, v0  }
0x79: {  	v2 =	vsel vm3, $0x38DA, v2;
	v1 =	vsel vm2, $0x1762, v1;
	v0 =	vsel vm1, $0x39E9, v0  }
0x7a: {  	v2 =	vsel vm2, $0x3962, v2;
	v1 =	vsel vm1, $0x17EA, v1;
	v0 =	vsel vm0, $0x3A71, v0  }
0x7b: {  	v2 =	vsel vm1, $0x39EA, v2;
	[tilespmem:$0x1FEA0] =	vst v0;
	v0 =	vsel vm0, $0x1872, v1;
	v1 =	vimm.s32 $0x3AFB  }
0x7c: {  	[tilespmem:$0x1FEB0] =	vst v0;
	v0 =	vsel vm0, $0x3A72, v2;
	v2 =	vimm.s32 $0x18FC;
	v1 =	vsel vm14, $0x2643, v1  }
0x7d: {  	[tilespmem:$0x1FEC0] =	vst v0;
	v0 =	vimm.s32 $0x18FB;
	v2 =	vsel vm14, $0x444, v2;
	v1 =	vsel vm13, $0x26CB, v1  }
0x7e: {  	v0 =	vsel vm14, $0x443, v0;
	v2 =	vsel vm13, $0x4CC, v2;
	v1 =	vsel vm12, $0x2753, v1  }
0x7f: {  	v0 =	vsel vm13, $0x4CB, v0;
	v2 =	vsel vm12, $0x554, v2;
	v1 =	vsel vm11, $0x27DB, v1  }
0x80: {  	v0 =	vsel vm12, $0x553, v0;
	v2 =	vsel vm11, $0x5DC, v2;
	v1 =	vsel vm10, $0x2863, v1  }
0x81: {  	v0 =	vsel vm11, $0x5DB, v0;
	v2 =	vsel vm10, $0x664, v2;
	v1 =	vsel vm9, $0x28EB, v1  }
0x82: {  	v0 =	vsel vm10, $0x663, v0;
	v2 =	vsel vm9, $0x6EC, v2;
	v1 =	vsel vm8, $0x2973, v1  }
0x83: {  	v0 =	vsel vm9, $0x6EB, v0;
	v2 =	vsel vm8, $0x774, v2;
	v1 =	vsel vm7, $0x29FB, v1  }
0x84: {  	v0 =	vsel vm8, $0x773, v0;
	v2 =	vsel vm7, $0x7FC, v2;
	v1 =	vsel vm6, $0x3743, v1  }
0x85: {  	v0 =	vsel vm7, $0x7FB, v0;
	v2 =	vsel vm6, $0x1544, v2;
	v1 =	vsel vm5, $0x37CB, v1  }
0x86: {  	v0 =	vsel vm6, $0x1543, v0;
	v2 =	vsel vm5, $0x15CC, v2;
	v1 =	vsel vm4, $0x3853, v1  }
0x87: {  	v0 =	vsel vm5, $0x15CB, v0;
	v2 =	vsel vm4, $0x1654, v2;
	v1 =	vsel vm3, $0x38DB, v1  }
0x88: {  	v0 =	vsel vm4, $0x1653, v0;
	v2 =	vsel vm3, $0x16DC, v2;
	v1 =	vsel vm2, $0x3963, v1  }
0x89: {  	v0 =	vsel vm3, $0x16DB, v0;
	v2 =	vsel vm2, $0x1764, v2;
	v1 =	vsel vm1, $0x39EB, v1  }
0x8a: {  	v0 =	vsel vm2, $0x1763, v0;
	v2 =	vsel vm1, $0x17EC, v2;
	v23 =	vsel vm0, $0x3A73, v1  }
0x8b: {  	v1 =	vimm.s32 $0x18FD;
	v0 =	vsel vm1, $0x17EB, v0;
	v24 =	vsel vm0, $0x1874, v2  }
0x8c: {  	v2 =	vimm.s32 $0x3AFD;
	v1 =	vsel vm14, $0x445, v1;
	v22 =	vsel vm0, $0x1873, v0  }
0x8d: {  	v0 =	vimm.s32 $0x3AFC;
	v2 =	vsel vm14, $0x2645, v2;
	v1 =	vsel vm13, $0x4CD, v1  }
0x8e: {  	v0 =	vsel vm14, $0x2644, v0;
	v2 =	vsel vm13, $0x26CD, v2;
	v1 =	vsel vm12, $0x555, v1  }
0x8f: {  	v0 =	vsel vm13, $0x26CC, v0;
	v2 =	vsel vm12, $0x2755, v2;
	v1 =	vsel vm11, $0x5DD, v1  }
0x90: {  	v0 =	vsel vm12, $0x2754, v0;
	v2 =	vsel vm11, $0x27DD, v2;
	v1 =	vsel vm10, $0x665, v1  }
0x91: {  	v0 =	vsel vm11, $0x27DC, v0;
	v2 =	vsel vm10, $0x2865, v2;
	v1 =	vsel vm9, $0x6ED, v1  }
0x92: {  	v0 =	vsel vm10, $0x2864, v0;
	v2 =	vsel vm9, $0x28ED, v2;
	v1 =	vsel vm8, $0x775, v1  }
0x93: {  	v0 =	vsel vm9, $0x28EC, v0;
	v2 =	vsel vm8, $0x2975, v2;
	v1 =	vsel vm7, $0x7FD, v1  }
0x94: {  	v0 =	vsel vm8, $0x2974, v0;
	v2 =	vsel vm7, $0x29FD, v2;
	v1 =	vsel vm6, $0x1545, v1  }
0x95: {  	v0 =	vsel vm7, $0x29FC, v0;
	v2 =	vsel vm6, $0x3745, v2;
	v1 =	vsel vm5, $0x15CD, v1  }
0x96: {  	v0 =	vsel vm6, $0x3744, v0;
	v2 =	vsel vm5, $0x37CD, v2;
	v1 =	vsel vm4, $0x1655, v1  }
0x97: {  	v0 =	vsel vm5, $0x37CC, v0;
	v2 =	vsel vm4, $0x3855, v2;
	v1 =	vsel vm3, $0x16DD, v1  }
0x98: {  	v0 =	vsel vm4, $0x3854, v0;
	v2 =	vsel vm3, $0x38DD, v2;
	v1 =	vsel vm2, $0x1765, v1  }
0x99: {  	v0 =	vsel vm3, $0x38DC, v0;
	v2 =	vsel vm2, $0x3965, v2;
	v1 =	vsel vm1, $0x17ED, v1  }
0x9a: {  	v0 =	vsel vm2, $0x3964, v0;
	v2 =	vsel vm1, $0x39ED, v2;
	v26 =	vsel vm0, $0x1875, v1  }
0x9b: {  	v1 =	vimm.s32 $0x3AFE;
	v0 =	vsel vm1, $0x39EC, v0;
	v27 =	vsel vm0, $0x3A75, v2  }
0x9c: {  	v2 =	vimm.s32 $0x18FF;
	v1 =	vsel vm14, $0x2646, v1;
	v25 =	vsel vm0, $0x3A74, v0  }
0x9d: {  	v0 =	vimm.s32 $0x18FE;
	v2 =	vsel vm14, $0x447, v2;
	v1 =	vsel vm13, $0x26CE, v1  }
0x9e: {  	v0 =	vsel vm14, $0x446, v0;
	v2 =	vsel vm13, $0x4CF, v2;
	v1 =	vsel vm12, $0x2756, v1  }
0x9f: {  	v0 =	vsel vm13, $0x4CE, v0;
	v2 =	vsel vm12, $0x557, v2;
	v1 =	vsel vm11, $0x27DE, v1  }
0xa0: {  	v0 =	vsel vm12, $0x556, v0;
	v2 =	vsel vm11, $0x5DF, v2;
	v1 =	vsel vm10, $0x2866, v1  }
0xa1: {  	v0 =	vsel vm11, $0x5DE, v0;
	v2 =	vsel vm10, $0x667, v2;
	v1 =	vsel vm9, $0x28EE, v1  }
0xa2: {  	v0 =	vsel vm10, $0x666, v0;
	v2 =	vsel vm9, $0x6EF, v2;
	v1 =	vsel vm8, $0x2976, v1  }
0xa3: {  	v0 =	vsel vm9, $0x6EE, v0;
	v2 =	vsel vm8, $0x777, v2;
	v1 =	vsel vm7, $0x29FE, v1  }
0xa4: {  	v0 =	vsel vm8, $0x776, v0;
	v2 =	vsel vm7, $0x7FF, v2;
	v1 =	vsel vm6, $0x3746, v1  }
0xa5: {  	v0 =	vsel vm7, $0x7FE, v0;
	v2 =	vsel vm6, $0x1547, v2;
	v1 =	vsel vm5, $0x37CE, v1  }
0xa6: {  	v0 =	vsel vm6, $0x1546, v0;
	v2 =	vsel vm5, $0x15CF, v2;
	v1 =	vsel vm4, $0x3856, v1  }
0xa7: {  	v0 =	vsel vm5, $0x15CE, v0;
	v2 =	vsel vm4, $0x1657, v2;
	v1 =	vsel vm3, $0x38DE, v1  }
0xa8: {  	v0 =	vsel vm4, $0x1656, v0;
	v2 =	vsel vm3, $0x16DF, v2;
	v1 =	vsel vm2, $0x3966, v1  }
0xa9: {  	v0 =	vsel vm3, $0x16DE, v0;
	v2 =	vsel vm2, $0x1767, v2;
	v1 =	vsel vm1, $0x39EE, v1  }
0xaa: {  	v0 =	vsel vm2, $0x1766, v0;
	v2 =	vsel vm1, $0x17EF, v2;
	v29 =	vsel vm0, $0x3A76, v1  }
0xab: {  	v1 =	vimm.s32 $0x1D38;
	v0 =	vsel vm1, $0x17EE, v0;
	v30 =	vsel vm0, $0x1877, v2  }
0xac: {  	v2 =	vimm.s32 $0x3F38;
	v1 =	vsel vm14, $0x880, v1;
	v28 =	vsel vm0, $0x1876, v0  }
0xad: {  	v0 =	vimm.s32 $0x3AFF;
	v2 =	vsel vm14, $0x2A80, v2;
	v1 =	vsel vm13, $0x908, v1  }
0xae: {  	v0 =	vsel vm14, $0x2647, v0;
	v2 =	vsel vm13, $0x2B08, v2;
	v1 =	vsel vm12, $0x990, v1  }
0xaf: {  	v0 =	vsel vm13, $0x26CF, v0;
	v2 =	vsel vm12, $0x2B90, v2;
	v1 =	vsel vm11, $0xA18, v1  }
0xb0: {  	v0 =	vsel vm12, $0x2757, v0;
	v2 =	vsel vm11, $0x2C18, v2;
	v1 =	vsel vm10, $0xAA0, v1  }
0xb1: {  	v0 =	vsel vm11, $0x27DF, v0;
	v2 =	vsel vm10, $0x2CA0, v2;
	v1 =	vsel vm9, $0xB28, v1  }
0xb2: {  	v0 =	vsel vm10, $0x2867, v0;
	v2 =	vsel vm9, $0x2D28, v2;
	v1 =	vsel vm8, $0xBB0, v1  }
0xb3: {  	v0 =	vsel vm9, $0x28EF, v0;
	v2 =	vsel vm8, $0x2DB0, v2;
	v1 =	vsel vm7, $0xC38, v1  }
0xb4: {  	v0 =	vsel vm8, $0x2977, v0;
	v2 =	vsel vm7, $0x2E38, v2;
	v1 =	vsel vm6, $0x1980, v1  }
0xb5: {  	v0 =	vsel vm7, $0x29FF, v0;
	v2 =	vsel vm6, $0x3B80, v2;
	v1 =	vsel vm5, $0x1A08, v1  }
0xb6: {  	v0 =	vsel vm6, $0x3747, v0;
	v2 =	vsel vm5, $0x3C08, v2;
	v1 =	vsel vm4, $0x1A90, v1  }
0xb7: {  	v0 =	vsel vm5, $0x37CF, v0;
	v2 =	vsel vm4, $0x3C90, v2;
	v1 =	vsel vm3, $0x1B18, v1  }
0xb8: {  	v0 =	vsel vm4, $0x3857, v0;
	v2 =	vsel vm3, $0x3D18, v2;
	v1 =	vsel vm2, $0x1BA0, v1  }
0xb9: {  	v0 =	vsel vm3, $0x38DF, v0;
	v2 =	vsel vm2, $0x3DA0, v2;
	v1 =	vsel vm1, $0x1C28, v1  }
0xba: {  	v0 =	vsel vm2, $0x3967, v0;
	v2 =	vsel vm1, $0x3E28, v2;
	v32 =	vsel vm0, $0x1CB0, v1  }
0xbb: {  	v1 =	vimm.s32 $0x3F39;
	v0 =	vsel vm1, $0x39EF, v0;
	v33 =	vsel vm0, $0x3EB0, v2  }
0xbc: {  	v2 =	vimm.s32 $0x1D3A;
	v1 =	vsel vm14, $0x2A81, v1;
	v31 =	vsel vm0, $0x3A77, v0  }
0xbd: {  	v0 =	vimm.s32 $0x1D39;
	v2 =	vsel vm14, $0x882, v2;
	v1 =	vsel vm13, $0x2B09, v1  }
0xbe: {  	v0 =	vsel vm14, $0x881, v0;
	v2 =	vsel vm13, $0x90A, v2;
	v1 =	vsel vm12, $0x2B91, v1  }
0xbf: {  	v0 =	vsel vm13, $0x909, v0;
	v2 =	vsel vm12, $0x992, v2;
	v1 =	vsel vm11, $0x2C19, v1  }
0xc0: {  	v0 =	vsel vm12, $0x991, v0;
	v2 =	vsel vm11, $0xA1A, v2;
	v1 =	vsel vm10, $0x2CA1, v1  }
0xc1: {  	v0 =	vsel vm11, $0xA19, v0;
	v2 =	vsel vm10, $0xAA2, v2;
	v1 =	vsel vm9, $0x2D29, v1  }
0xc2: {  	v0 =	vsel vm10, $0xAA1, v0;
	v2 =	vsel vm9, $0xB2A, v2;
	v1 =	vsel vm8, $0x2DB1, v1  }
0xc3: {  	v0 =	vsel vm9, $0xB29, v0;
	v2 =	vsel vm8, $0xBB2, v2;
	v1 =	vsel vm7, $0x2E39, v1  }
0xc4: {  	v0 =	vsel vm8, $0xBB1, v0;
	v2 =	vsel vm7, $0xC3A, v2;
	v1 =	vsel vm6, $0x3B81, v1  }
0xc5: {  	v0 =	vsel vm7, $0xC39, v0;
	v2 =	vsel vm6, $0x1982, v2;
	v1 =	vsel vm5, $0x3C09, v1  }
0xc6: {  	v0 =	vsel vm6, $0x1981, v0;
	v2 =	vsel vm5, $0x1A0A, v2;
	v1 =	vsel vm4, $0x3C91, v1  }
0xc7: {  	v0 =	vsel vm5, $0x1A09, v0;
	v2 =	vsel vm4, $0x1A92, v2;
	v1 =	vsel vm3, $0x3D19, v1  }
0xc8: {  	v0 =	vsel vm4, $0x1A91, v0;
	v2 =	vsel vm3, $0x1B1A, v2;
	v1 =	vsel vm2, $0x3DA1, v1  }
0xc9: {  	v0 =	vsel vm3, $0x1B19, v0;
	v2 =	vsel vm2, $0x1BA2, v2;
	v1 =	vsel vm1, $0x3E29, v1  }
0xca: {  	v0 =	vsel vm2, $0x1BA1, v0;
	v2 =	vsel vm1, $0x1C2A, v2;
	v35 =	vsel vm0, $0x3EB1, v1  }
0xcb: {  	v1 =	vimm.s32 $0x1D3B;
	v0 =	vsel vm1, $0x1C29, v0;
	v36 =	vsel vm0, $0x1CB2, v2  }
0xcc: {  	v2 =	vimm.s32 $0x3F3B;
	v1 =	vsel vm14, $0x883, v1;
	v34 =	vsel vm0, $0x1CB1, v0  }
0xcd: {  	v0 =	vimm.s32 $0x3F3A;
	v2 =	vsel vm14, $0x2A83, v2;
	v1 =	vsel vm13, $0x90B, v1  }
0xce: {  	v0 =	vsel vm14, $0x2A82, v0;
	v2 =	vsel vm13, $0x2B0B, v2;
	v1 =	vsel vm12, $0x993, v1  }
0xcf: {  	v0 =	vsel vm13, $0x2B0A, v0;
	v2 =	vsel vm12, $0x2B93, v2;
	v1 =	vsel vm11, $0xA1B, v1  }
0xd0: {  	v0 =	vsel vm12, $0x2B92, v0;
	v2 =	vsel vm11, $0x2C1B, v2;
	v1 =	vsel vm10, $0xAA3, v1  }
0xd1: {  	v0 =	vsel vm11, $0x2C1A, v0;
	v2 =	vsel vm10, $0x2CA3, v2;
	v1 =	vsel vm9, $0xB2B, v1  }
0xd2: {  	v0 =	vsel vm10, $0x2CA2, v0;
	v2 =	vsel vm9, $0x2D2B, v2;
	v1 =	vsel vm8, $0xBB3, v1  }
0xd3: {  	v0 =	vsel vm9, $0x2D2A, v0;
	v2 =	vsel vm8, $0x2DB3, v2;
	v1 =	vsel vm7, $0xC3B, v1  }
0xd4: {  	v0 =	vsel vm8, $0x2DB2, v0;
	v2 =	vsel vm7, $0x2E3B, v2;
	v1 =	vsel vm6, $0x1983, v1  }
0xd5: {  	v0 =	vsel vm7, $0x2E3A, v0;
	v2 =	vsel vm6, $0x3B83, v2;
	v1 =	vsel vm5, $0x1A0B, v1  }
0xd6: {  	v0 =	vsel vm6, $0x3B82, v0;
	v2 =	vsel vm5, $0x3C0B, v2;
	v1 =	vsel vm4, $0x1A93, v1  }
0xd7: {  	v0 =	vsel vm5, $0x3C0A, v0;
	v2 =	vsel vm4, $0x3C93, v2;
	v1 =	vsel vm3, $0x1B1B, v1  }
0xd8: {  	v0 =	vsel vm4, $0x3C92, v0;
	v2 =	vsel vm3, $0x3D1B, v2;
	v1 =	vsel vm2, $0x1BA3, v1  }
0xd9: {  	v0 =	vsel vm3, $0x3D1A, v0;
	v2 =	vsel vm2, $0x3DA3, v2;
	v1 =	vsel vm1, $0x1C2B, v1  }
0xda: {  	v0 =	vsel vm2, $0x3DA2, v0;
	v2 =	vsel vm1, $0x3E2B, v2;
	v38 =	vsel vm0, $0x1CB3, v1  }
0xdb: {  	v1 =	vimm.s32 $0x3F3C;
	v0 =	vsel vm1, $0x3E2A, v0;
	v39 =	vsel vm0, $0x3EB3, v2  }
0xdc: {  	v2 =	vimm.s32 $0x1D3D;
	v1 =	vsel vm14, $0x2A84, v1;
	v37 =	vsel vm0, $0x3EB2, v0  }
0xdd: {  	v0 =	vimm.s32 $0x1D3C;
	v2 =	vsel vm14, $0x885, v2;
	v1 =	vsel vm13, $0x2B0C, v1  }
0xde: {  	v0 =	vsel vm14, $0x884, v0;
	v2 =	vsel vm13, $0x90D, v2;
	v1 =	vsel vm12, $0x2B94, v1  }
0xdf: {  	v0 =	vsel vm13, $0x90C, v0;
	v2 =	vsel vm12, $0x995, v2;
	v1 =	vsel vm11, $0x2C1C, v1  }
0xe0: {  	v0 =	vsel vm12, $0x994, v0;
	v2 =	vsel vm11, $0xA1D, v2;
	v1 =	vsel vm10, $0x2CA4, v1  }
0xe1: {  	v0 =	vsel vm11, $0xA1C, v0;
	v2 =	vsel vm10, $0xAA5, v2;
	v1 =	vsel vm9, $0x2D2C, v1  }
0xe2: {  	v0 =	vsel vm10, $0xAA4, v0;
	v2 =	vsel vm9, $0xB2D, v2;
	v1 =	vsel vm8, $0x2DB4, v1  }
0xe3: {  	v0 =	vsel vm9, $0xB2C, v0;
	v2 =	vsel vm8, $0xBB5, v2;
	v1 =	vsel vm7, $0x2E3C, v1  }
0xe4: {  	v0 =	vsel vm8, $0xBB4, v0;
	v2 =	vsel vm7, $0xC3D, v2;
	v1 =	vsel vm6, $0x3B84, v1  }
0xe5: {  	v0 =	vsel vm7, $0xC3C, v0;
	v2 =	vsel vm6, $0x1985, v2;
	v1 =	vsel vm5, $0x3C0C, v1  }
0xe6: {  	v0 =	vsel vm6, $0x1984, v0;
	v2 =	vsel vm5, $0x1A0D, v2;
	v1 =	vsel vm4, $0x3C94, v1  }
0xe7: {  	v0 =	vsel vm5, $0x1A0C, v0;
	v2 =	vsel vm4, $0x1A95, v2;
	v1 =	vsel vm3, $0x3D1C, v1  }
0xe8: {  	v0 =	vsel vm4, $0x1A94, v0;
	v2 =	vsel vm3, $0x1B1D, v2;
	v1 =	vsel vm2, $0x3DA4, v1  }
0xe9: {  	v0 =	vsel vm3, $0x1B1C, v0;
	v2 =	vsel vm2, $0x1BA5, v2;
	v1 =	vsel vm1, $0x3E2C, v1  }
0xea: {  	v0 =	vsel vm2, $0x1BA4, v0;
	v2 =	vsel vm1, $0x1C2D, v2;
	v41 =	vsel vm0, $0x3EB4, v1  }
0xeb: {  	v1 =	vimm.s32 $0x1D3E;
	v0 =	vsel vm1, $0x1C2C, v0;
	v42 =	vsel vm0, $0x1CB5, v2  }
0xec: {  	v2 =	vimm.s32 $0x3F3E;
	v1 =	vsel vm14, $0x886, v1;
	v40 =	vsel vm0, $0x1CB4, v0  }
0xed: {  	v0 =	vimm.s32 $0x3F3D;
	v2 =	vsel vm14, $0x2A86, v2;
	v1 =	vsel vm13, $0x90E, v1  }
0xee: {  	v0 =	vsel vm14, $0x2A85, v0;
	v2 =	vsel vm13, $0x2B0E, v2;
	v1 =	vsel vm12, $0x996, v1  }
0xef: {  	v0 =	vsel vm13, $0x2B0D, v0;
	v2 =	vsel vm12, $0x2B96, v2;
	v1 =	vsel vm11, $0xA1E, v1  }
0xf0: {  	v0 =	vsel vm12, $0x2B95, v0;
	v2 =	vsel vm11, $0x2C1E, v2;
	v1 =	vsel vm10, $0xAA6, v1  }
0xf1: {  	v0 =	vsel vm11, $0x2C1D, v0;
	v2 =	vsel vm10, $0x2CA6, v2;
	v1 =	vsel vm9, $0xB2E, v1  }
0xf2: {  	v0 =	vsel vm10, $0x2CA5, v0;
	v2 =	vsel vm9, $0x2D2E, v2;
	v1 =	vsel vm8, $0xBB6, v1  }
0xf3: {  	v0 =	vsel vm9, $0x2D2D, v0;
	v2 =	vsel vm8, $0x2DB6, v2;
	v1 =	vsel vm7, $0xC3E, v1  }
0xf4: {  	v0 =	vsel vm8, $0x2DB5, v0;
	v2 =	vsel vm7, $0x2E3E, v2;
	v1 =	vsel vm6, $0x1986, v1  }
0xf5: {  	v0 =	vsel vm7, $0x2E3D, v0;
	v2 =	vsel vm6, $0x3B86, v2;
	v1 =	vsel vm5, $0x1A0E, v1  }
0xf6: {  	v0 =	vsel vm6, $0x3B85, v0;
	v2 =	vsel vm5, $0x3C0E, v2;
	v1 =	vsel vm4, $0x1A96, v1  }
0xf7: {  	v0 =	vsel vm5, $0x3C0D, v0;
	v2 =	vsel vm4, $0x3C96, v2;
	v1 =	vsel vm3, $0x1B1E, v1  }
0xf8: {  	v0 =	vsel vm4, $0x3C95, v0;
	v2 =	vsel vm3, $0x3D1E, v2;
	v1 =	vsel vm2, $0x1BA6, v1  }
0xf9: {  	v0 =	vsel vm3, $0x3D1D, v0;
	v2 =	vsel vm2, $0x3DA6, v2;
	v1 =	vsel vm1, $0x1C2E, v1  }
0xfa: {  	v0 =	vsel vm2, $0x3DA5, v0;
	v2 =	vsel vm1, $0x3E2E, v2;
	v44 =	vsel vm0, $0x1CB6, v1  }
0xfb: {  	v1 =	vimm.s32 $0x3F3F;
	v0 =	vsel vm1, $0x3E2D, v0;
	v45 =	vsel vm0, $0x3EB6, v2  }
0xfc: {  	v2 =	vimm.s32 $0x2178;
	v1 =	vsel vm14, $0x2A87, v1;
	v43 =	vsel vm0, $0x3EB5, v0  }
0xfd: {  	v0 =	vimm.s32 $0x1D3F;
	v2 =	vsel vm14, $0xCC0, v2;
	v1 =	vsel vm13, $0x2B0F, v1  }
0xfe: {  	v0 =	vsel vm14, $0x887, v0;
	v2 =	vsel vm13, $0xD48, v2;
	v1 =	vsel vm12, $0x2B97, v1  }
0xff: {  	v0 =	vsel vm13, $0x90F, v0;
	v2 =	vsel vm12, $0xDD0, v2;
	v1 =	vsel vm11, $0x2C1F, v1  }
0x100: {  	v0 =	vsel vm12, $0x997, v0;
	v2 =	vsel vm11, $0xE58, v2;
	v1 =	vsel vm10, $0x2CA7, v1  }
0x101: {  	v0 =	vsel vm11, $0xA1F, v0;
	v2 =	vsel vm10, $0xEE0, v2;
	v1 =	vsel vm9, $0x2D2F, v1  }
0x102: {  	v0 =	vsel vm10, $0xAA7, v0;
	v2 =	vsel vm9, $0xF68, v2;
	v1 =	vsel vm8, $0x2DB7, v1  }
0x103: {  	v0 =	vsel vm9, $0xB2F, v0;
	v2 =	vsel vm8, $0xFF0, v2;
	v1 =	vsel vm7, $0x2E3F, v1  }
0x104: {  	v0 =	vsel vm8, $0xBB7, v0;
	v2 =	vsel vm7, $0x1078, v2;
	v1 =	vsel vm6, $0x3B87, v1  }
0x105: {  	v0 =	vsel vm7, $0xC3F, v0;
	v2 =	vsel vm6, $0x1DC0, v2;
	v1 =	vsel vm5, $0x3C0F, v1  }
0x106: {  	v0 =	vsel vm6, $0x1987, v0;
	v2 =	vsel vm5, $0x1E48, v2;
	v1 =	vsel vm4, $0x3C97, v1  }
0x107: {  	v0 =	vsel vm5, $0x1A0F, v0;
	v2 =	vsel vm4, $0x1ED0, v2;
	v1 =	vsel vm3, $0x3D1F, v1  }
0x108: {  	v0 =	vsel vm4, $0x1A97, v0;
	v2 =	vsel vm3, $0x1F58, v2;
	v1 =	vsel vm2, $0x3DA7, v1  }
0x109: {  	v0 =	vsel vm3, $0x1B1F, v0;
	v2 =	vsel vm2, $0x1FE0, v2;
	v1 =	vsel vm1, $0x3E2F, v1  }
0x10a: {  	v0 =	vsel vm2, $0x1BA7, v0;
	v2 =	vsel vm1, $0x2068, v2;
	v47 =	vsel vm0, $0x3EB7, v1  }
0x10b: {  	v1 =	vimm.s32 $0x2179;
	v0 =	vsel vm1, $0x1C2F, v0;
	v48 =	vsel vm0, $0x20F0, v2  }
0x10c: {  	v2 =	vimm.s32 $0x4379;
	v1 =	vsel vm14, $0xCC1, v1;
	v46 =	vsel vm0, $0x1CB7, v0  }
0x10d: {  	v0 =	vimm.s32 $0x4378;
	v2 =	vsel vm14, $0x2EC1, v2;
	v1 =	vsel vm13, $0xD49, v1  }
0x10e: {  	v0 =	vsel vm14, $0x2EC0, v0;
	v2 =	vsel vm13, $0x2F49, v2;
	v1 =	vsel vm12, $0xDD1, v1  }
0x10f: {  	v0 =	vsel vm13, $0x2F48, v0;
	v2 =	vsel vm12, $0x2FD1, v2;
	v1 =	vsel vm11, $0xE59, v1  }
0x110: {  	v0 =	vsel vm12, $0x2FD0, v0;
	v2 =	vsel vm11, $0x3059, v2;
	v1 =	vsel vm10, $0xEE1, v1  }
0x111: {  	v0 =	vsel vm11, $0x3058, v0;
	v2 =	vsel vm10, $0x30E1, v2;
	v1 =	vsel vm9, $0xF69, v1  }
0x112: {  	v0 =	vsel vm10, $0x30E0, v0;
	v2 =	vsel vm9, $0x3169, v2;
	v1 =	vsel vm8, $0xFF1, v1  }
0x113: {  	v0 =	vsel vm9, $0x3168, v0;
	v2 =	vsel vm8, $0x31F1, v2;
	v1 =	vsel vm7, $0x1079, v1  }
0x114: {  	v0 =	vsel vm8, $0x31F0, v0;
	v2 =	vsel vm7, $0x3279, v2;
	v1 =	vsel vm6, $0x1DC1, v1  }
0x115: {  	v0 =	vsel vm7, $0x3278, v0;
	v2 =	vsel vm6, $0x3FC1, v2;
	v1 =	vsel vm5, $0x1E49, v1  }
0x116: {  	v0 =	vsel vm6, $0x3FC0, v0;
	v2 =	vsel vm5, $0x4049, v2;
	v1 =	vsel vm4, $0x1ED1, v1  }
0x117: {  	v0 =	vsel vm5, $0x4048, v0;
	v2 =	vsel vm4, $0x40D1, v2;
	v1 =	vsel vm3, $0x1F59, v1  }
0x118: {  	v0 =	vsel vm4, $0x40D0, v0;
	v2 =	vsel vm3, $0x4159, v2;
	v1 =	vsel vm2, $0x1FE1, v1  }
0x119: {  	v0 =	vsel vm3, $0x4158, v0;
	v2 =	vsel vm2, $0x41E1, v2;
	v1 =	vsel vm1, $0x2069, v1  }
0x11a: {  	v0 =	vsel vm2, $0x41E0, v0;
	v2 =	vsel vm1, $0x4269, v2;
	v50 =	vsel vm0, $0x20F1, v1  }
0x11b: {  	v1 =	vimm.s32 $0x437A;
	v0 =	vsel vm1, $0x4268, v0;
	v51 =	vsel vm0, $0x42F1, v2  }
0x11c: {  	v2 =	vimm.s32 $0x217B;
	v1 =	vsel vm14, $0x2EC2, v1;
	v49 =	vsel vm0, $0x42F0, v0  }
0x11d: {  	v0 =	vimm.s32 $0x217A;
	v2 =	vsel vm14, $0xCC3, v2;
	v1 =	vsel vm13, $0x2F4A, v1  }
0x11e: {  	v0 =	vsel vm14, $0xCC2, v0;
	v2 =	vsel vm13, $0xD4B, v2;
	v1 =	vsel vm12, $0x2FD2, v1  }
0x11f: {  	v0 =	vsel vm13, $0xD4A, v0;
	v2 =	vsel vm12, $0xDD3, v2;
	v1 =	vsel vm11, $0x305A, v1  }
0x120: {  	v0 =	vsel vm12, $0xDD2, v0;
	v2 =	vsel vm11, $0xE5B, v2;
	v1 =	vsel vm10, $0x30E2, v1  }
0x121: {  	v0 =	vsel vm11, $0xE5A, v0;
	v2 =	vsel vm10, $0xEE3, v2;
	v1 =	vsel vm9, $0x316A, v1  }
0x122: {  	v0 =	vsel vm10, $0xEE2, v0;
	v2 =	vsel vm9, $0xF6B, v2;
	v1 =	vsel vm8, $0x31F2, v1  }
0x123: {  	v0 =	vsel vm9, $0xF6A, v0;
	v2 =	vsel vm8, $0xFF3, v2;
	v1 =	vsel vm7, $0x327A, v1  }
0x124: {  	v0 =	vsel vm8, $0xFF2, v0;
	v2 =	vsel vm7, $0x107B, v2;
	v1 =	vsel vm6, $0x3FC2, v1  }
0x125: {  	v0 =	vsel vm7, $0x107A, v0;
	v2 =	vsel vm6, $0x1DC3, v2;
	v1 =	vsel vm5, $0x404A, v1  }
0x126: {  	v0 =	vsel vm6, $0x1DC2, v0;
	v2 =	vsel vm5, $0x1E4B, v2;
	v1 =	vsel vm4, $0x40D2, v1  }
0x127: {  	v0 =	vsel vm5, $0x1E4A, v0;
	v2 =	vsel vm4, $0x1ED3, v2;
	v1 =	vsel vm3, $0x415A, v1  }
0x128: {  	v0 =	vsel vm4, $0x1ED2, v0;
	v2 =	vsel vm3, $0x1F5B, v2;
	v1 =	vsel vm2, $0x41E2, v1  }
0x129: {  	v0 =	vsel vm3, $0x1F5A, v0;
	v2 =	vsel vm2, $0x1FE3, v2;
	v1 =	vsel vm1, $0x426A, v1  }
0x12a: {  	v0 =	vsel vm2, $0x1FE2, v0;
	v2 =	vsel vm1, $0x206B, v2;
	v53 =	vsel vm0, $0x42F2, v1  }
0x12b: {  	v1 =	vimm.s32 $0x217C;
	v0 =	vsel vm1, $0x206A, v0;
	v54 =	vsel vm0, $0x20F3, v2  }
0x12c: {  	v2 =	vimm.s32 $0x437C;
	v1 =	vsel vm14, $0xCC4, v1;
	v52 =	vsel vm0, $0x20F2, v0  }
0x12d: {  	v0 =	vimm.s32 $0x437B;
	v2 =	vsel vm14, $0x2EC4, v2;
	v1 =	vsel vm13, $0xD4C, v1  }
0x12e: {  	v0 =	vsel vm14, $0x2EC3, v0;
	v2 =	vsel vm13, $0x2F4C, v2;
	v1 =	vsel vm12, $0xDD4, v1  }
0x12f: {  	v0 =	vsel vm13, $0x2F4B, v0;
	v2 =	vsel vm12, $0x2FD4, v2;
	v1 =	vsel vm11, $0xE5C, v1  }
0x130: {  	v0 =	vsel vm12, $0x2FD3, v0;
	v2 =	vsel vm11, $0x305C, v2;
	v1 =	vsel vm10, $0xEE4, v1  }
0x131: {  	v0 =	vsel vm11, $0x305B, v0;
	v2 =	vsel vm10, $0x30E4, v2;
	v1 =	vsel vm9, $0xF6C, v1  }
0x132: {  	v0 =	vsel vm10, $0x30E3, v0;
	v2 =	vsel vm9, $0x316C, v2;
	v1 =	vsel vm8, $0xFF4, v1  }
0x133: {  	v0 =	vsel vm9, $0x316B, v0;
	v2 =	vsel vm8, $0x31F4, v2;
	v1 =	vsel vm7, $0x107C, v1  }
0x134: {  	v0 =	vsel vm8, $0x31F3, v0;
	v2 =	vsel vm7, $0x327C, v2;
	v1 =	vsel vm6, $0x1DC4, v1  }
0x135: {  	v0 =	vsel vm7, $0x327B, v0;
	v2 =	vsel vm6, $0x3FC4, v2;
	v1 =	vsel vm5, $0x1E4C, v1  }
0x136: {  	v0 =	vsel vm6, $0x3FC3, v0;
	v2 =	vsel vm5, $0x404C, v2;
	v1 =	vsel vm4, $0x1ED4, v1  }
0x137: {  	v0 =	vsel vm5, $0x404B, v0;
	v2 =	vsel vm4, $0x40D4, v2;
	v1 =	vsel vm3, $0x1F5C, v1  }
0x138: {  	v0 =	vsel vm4, $0x40D3, v0;
	v2 =	vsel vm3, $0x415C, v2;
	v1 =	vsel vm2, $0x1FE4, v1  }
0x139: {  	v0 =	vsel vm3, $0x415B, v0;
	v2 =	vsel vm2, $0x41E4, v2;
	v1 =	vsel vm1, $0x206C, v1  }
0x13a: {  	v0 =	vsel vm2, $0x41E3, v0;
	v2 =	vsel vm1, $0x426C, v2;
	v56 =	vsel vm0, $0x20F4, v1  }
0x13b: {  	v1 =	vimm.s32 $0x437D;
	v0 =	vsel vm1, $0x426B, v0;
	v57 =	vsel vm0, $0x42F4, v2  }
0x13c: {  	v2 =	vimm.s32 $0x217E;
	v1 =	vsel vm14, $0x2EC5, v1;
	v55 =	vsel vm0, $0x42F3, v0  }
0x13d: {  	v0 =	vimm.s32 $0x217D;
	v2 =	vsel vm14, $0xCC6, v2;
	v1 =	vsel vm13, $0x2F4D, v1  }
0x13e: {  	v0 =	vsel vm14, $0xCC5, v0;
	v2 =	vsel vm13, $0xD4E, v2;
	v1 =	vsel vm12, $0x2FD5, v1  }
0x13f: {  	v0 =	vsel vm13, $0xD4D, v0;
	v2 =	vsel vm12, $0xDD6, v2;
	v1 =	vsel vm11, $0x305D, v1  }
0x140: {  	v0 =	vsel vm12, $0xDD5, v0;
	v2 =	vsel vm11, $0xE5E, v2;
	v1 =	vsel vm10, $0x30E5, v1  }
0x141: {  	v0 =	vsel vm11, $0xE5D, v0;
	v2 =	vsel vm10, $0xEE6, v2;
	v1 =	vsel vm9, $0x316D, v1  }
0x142: {  	v0 =	vsel vm10, $0xEE5, v0;
	v2 =	vsel vm9, $0xF6E, v2;
	v1 =	vsel vm8, $0x31F5, v1  }
0x143: {  	v0 =	vsel vm9, $0xF6D, v0;
	v2 =	vsel vm8, $0xFF6, v2;
	v1 =	vsel vm7, $0x327D, v1  }
0x144: {  	v0 =	vsel vm8, $0xFF5, v0;
	v2 =	vsel vm7, $0x107E, v2;
	v1 =	vsel vm6, $0x3FC5, v1  }
0x145: {  	s6 =	rddreg [dreg:$0x0];
	v0 =	vsel vm7, $0x107D, v0;
	v2 =	vsel vm6, $0x1DC6, v2;
	v1 =	vsel vm5, $0x404D, v1  }
0x146: {  	s4 =	rddreg [dreg:$0x1];
	v0 =	vsel vm6, $0x1DC5, v0;
	v2 =	vsel vm5, $0x1E4E, v2;
	v1 =	vsel vm4, $0x40D5, v1  }
0x147: {  	s1 =	rddreg [dreg:$0x2];
	s3 =	simm.s32 $0x0;
	v0 =	vsel vm5, $0x1E4D, v0;
	v2 =	vsel vm4, $0x1ED6, v2;
	v1 =	vsel vm3, $0x415D, v1  }
0x148: {  	[smem:$0x7FF] =	sst s3;
	v0 =	vsel vm4, $0x1ED5, v0;
	v2 =	vsel vm3, $0x1F5E, v2;
	v1 =	vsel vm2, $0x41E5, v1  }
0x149: {  	s0 =	rddreg [dreg:$0x3];
	_ =	strace $0x80000047;
	[tilespmem:$0x1FED0] =	vst v3;
	v0 =	vsel vm3, $0x1F5D, v0;
	v2 =	vsel vm2, $0x1FE6, v2;
	v1 =	vsel vm1, $0x426D, v1  }
0x14a: {  	[tilespmem:$0x1FEE0] =	vst v4;
	v0 =	vsel vm2, $0x1FE5, v0;
	v2 =	vsel vm1, $0x206E, v2;
	v59 =	vsel vm0, $0x42F5, v1  }
0x14b: {  	[tilespmem:$0x1FEF0] =	vst v5;
	v1 =	vimm.s32 $0x217F;
	v0 =	vsel vm1, $0x206D, v0;
	v60 =	vsel vm0, $0x20F6, v2  }
0x14c: {  	[tilespmem:$0x1FF00] =	vst v7;
	v2 =	vimm.s32 $0x437F;
	v58 =	vsel vm0, $0x20F5, v0;
	v0 =	vimm.s32 $0x437E  }
0x14d: {  	[tilespmem:$0x1FF10] =	vst v8;
	v1 =	vsel vm14, $0xCC7, v1;
	v2 =	vsel vm14, $0x2EC7, v2;
	v0 =	vsel vm14, $0x2EC6, v0  }
0x14e: {  	[tilespmem:$0x1FF20] =	vst v9;
	v1 =	vsel vm13, $0xD4F, v1;
	v2 =	vsel vm13, $0x2F4F, v2;
	v0 =	vsel vm13, $0x2F4E, v0  }
0x14f: {  	[tilespmem:$0x1FF30] =	vst v10;
	v1 =	vsel vm12, $0xDD7, v1;
	v2 =	vsel vm12, $0x2FD7, v2;
	v0 =	vsel vm12, $0x2FD6, v0  }
0x150: {  	[tilespmem:$0x1FF40] =	vst v11;
	v1 =	vsel vm11, $0xE5F, v1;
	v2 =	vsel vm11, $0x305F, v2;
	v0 =	vsel vm11, $0x305E, v0  }
0x151: {  	[tilespmem:$0x1FF50] =	vst v12;
	v1 =	vsel vm10, $0xEE7, v1;
	v2 =	vsel vm10, $0x30E7, v2;
	v0 =	vsel vm10, $0x30E6, v0  }
0x152: {  	[tilespmem:$0x1FF60] =	vst v13;
	v1 =	vsel vm9, $0xF6F, v1;
	v2 =	vsel vm9, $0x316F, v2;
	v0 =	vsel vm9, $0x316E, v0  }
0x153: {  	s5 =	srdreg.scid;
	[tilespmem:$0x1FF70] =	vst v14;
	v1 =	vsel vm8, $0xFF7, v1;
	v2 =	vsel vm8, $0x31F7, v2;
	v0 =	vsel vm8, $0x31F6, v0  }
0x154: {  	s2 =	stileid.u32;
	s10 =	simm.s32 $0x6400;
	s11 =	simm.s32 $0xA400;
	[tilespmem:$0x1FF80] =	vst v15;
	v1 =	vsel vm7, $0x107F, v1;
	v2 =	vsel vm7, $0x327F, v2;
	v0 =	vsel vm7, $0x327E, v0  }
0x155: {  	s12 =	simm.s32 $0x1;
	s13 =	simm.s32 $0xE400;
	s14 =	simm.s32 $0x2;
	[tilespmem:$0x1FF90] =	vst v16;
	v1 =	vsel vm6, $0x1DC7, v1;
	v2 =	vsel vm6, $0x3FC7, v2;
	v0 =	vsel vm6, $0x3FC6, v0  }
0x156: {  	s15 =	simm.s32 $0x12800;
	s5 =	sand.u32 $0x1, s5;
	s7 =	sshll.u32 s2, $0x1;
	[tilespmem:$0x1FFA0] =	vst v17;
	v1 =	vsel vm5, $0x1E4F, v1;
	v2 =	vsel vm5, $0x404F, v2;
	v0 =	vsel vm5, $0x404E, v0  }
.Ltmp0:
0x157: {  	s16 =	simm.s32 $0x3;
	s7 =	sor.u32 s5, s7;
	[tilespmem:$0x1FFB0] =	vst v18;
	v1 =	vsel vm4, $0x1ED7, v1;
	v2 =	vsel vm4, $0x40D7, v2;
	v0 =	vsel vm4, $0x40D6, v0;
	(pc) =	sbr.rel .LBB2_1-.Ltmp0, $4  }
0x158: {  	s17 =	simm.s32 $0x4;
	s5 =	ssub.s32 $0x2, s5;
	s8 =	smul.u32 $0xC80, s7;
	[tilespmem:$0x1FFC0] =	vst v19;
	v1 =	vsel vm3, $0x1F5F, v1;
	v2 =	vsel vm3, $0x415F, v2;
	v0 =	vsel vm3, $0x415E, v0  }
0x159: {  	s18 =	simm.s32 $0x0;
	s4 =	sadd.s32 $0xF42800, s4;
	s9 =	sshrl.u32 s5, $0x1;
	[tilespmem:$0x1FFD0] =	vst v6;
	v1 =	vsel vm2, $0x1FE7, v1;
	v2 =	vsel vm2, $0x41E7, v2;
	v0 =	vsel vm2, $0x41E6, v0  }
0x15a: {  	s9 =	ssub.s32 s5, s9;
	s5 =	smul.u32 $0x32, s7;
	s6 =	sadd.s32 s6, s8;
	[tilespmem:$0x1FFE0] =	vst v20;
	v1 =	vsel vm1, $0x206F, v1;
	v2 =	vsel vm1, $0x426F, v2;
	v0 =	vsel vm1, $0x426E, v0  }
0x15b: {  	s7 =	smax.u32 s9, $0x1;
	s8 =	simm.s32 $0x5;
	s9 =	simm.s32 $0x200;
	[tilespmem:$0x1FFF0] =	vst v21;
	v62 =	vsel vm0, $0x20F7, v1;
	v63 =	vsel vm0, $0x42F7, v2;
	v61 =	vsel vm0, $0x42F6, v0  }
.LBB2_36:
0x15c: {  	_ =	swait.ge [sflag:s16], $0x1000  }
0x15d: {  	[sflag:s16] =	ssyncset.done $0x0  }
0x15e: {  	[sflag:s16] =	ssyncadd.s32 $0xFFFFF000  }
0x15f: {  	_ =	swait.ge [sflag:s16], $0x1000  }
0x160: {  	[sflag:s16] =	ssyncset.done $0x0  }
0x161: {  	[sflag:s16] =	ssyncadd.s32 $0xFFFFF000  }
0x162: {  	_ =	swait.ge [sflag:s16], $0x1000  }
0x163: {  	[sflag:s16] =	ssyncset.done $0x0  }
0x164: {  	[sflag:s16] =	ssyncadd.s32 $0xFFFFF000  }
0x165: {  	_ =	swait.ge [sflag:s16], $0x1000  }
0x166: {  	[sflag:s16] =	ssyncset.done $0x0  }
0x167: {  	[sflag:s16] =	ssyncadd.s32 $0xFFFFF000  }
0x168: {  	_ =	swait.ge [sflag:s17], $0x1000  }
0x169: {  	[sflag:s17] =	ssyncset.done $0x0  }
0x16a: {  	[sflag:s17] =	ssyncadd.s32 $0xFFFFF000  }
0x16b: {  	_ =	swait.ge [sflag:s17], $0x1000  }
0x16c: {  	[sflag:s17] =	ssyncset.done $0x0  }
0x16d: {  	s18 =	sadd.s32 $0x1, s18;
	[sflag:s17] =	ssyncadd.s32 $0xFFFFF000  }
0x16e: {  	p0 =	sne.s32 s18, s7;
	_ =	swait.ge [sflag:s17], $0x1000  }
.Ltmp1:
0x16f: {  	[sflag:s17] =	ssyncset.done $0x0;
	(pc) =	sbr.rel @!p0 .LBB2_37-.Ltmp1, $4  }
0x170: {  	[sflag:s17] =	ssyncadd.s32 $0xFFFFF000  }
0x171: {  	_ =	swait.ge [sflag:s17], $0x1000  }
0x172: {  	[sflag:s17] =	ssyncset.done $0x0  }
0x173: {  	[sflag:s17] =	ssyncadd.s32 $0xFFFFF000  }
.LBB2_1:
0x174: {  	[tilespmem:s3], [sflag:$0x5] =	stream.linear.gather [hbm4b:s6+s3], $0x6400, $0x38;
	[tilespmem:$0x16C00] =	vst v63  }
0x175: {  	_ =	swait.ge [sflag:s8], $0x6400  }
0x176: {  	[sflag:s8] =	ssyncset.done $0x0  }
0x177: {  	[sflag:s8] =	ssyncadd.s32 $0xFFFF9C00  }
0x178: {  	[tilespmem:s10], [sflag:$0x1] =	stream.indirect.gather [hbm4b:s4+s9], $0x20, s3, s9, $0xb8;
	[tilespmem:$0x16C00] =	vst v63  }
0x179: {  	s19 =	simm.s32 $0x0  }
0x17a: {  	[tilespmem:s11], [sflag:$0x2] =	stream.indirect.gather [hbm4b:s4+s9], $0x20, s9, s9, $0xb8;
	[tilespmem:$0x16C00] =	vst v63  }
.LBB2_2:
0x17b: {  	_ =	swait.ge [sflag:s12], $0x4000  }
0x17c: {  	p0 =	seq.s32 s19, $0x0;
	[sflag:s12] =	ssyncset.done $0x0  }
0x17d: {  	s20 =	simm.s32 @!p0 $0x3;
	[sflag:s12] =	ssyncadd.s32 $0xFFFFC000  }
0x17e: {  	_ =	swait.ge @!p0 [sflag:s20], $0x1000  }
0x17f: {  	[sflag:s20] =	ssyncset.done @!p0 $0x0  }
0x180: {  	[sflag:s20] =	ssyncadd.s32 @!p0 $0xFFFFF000  }
0x181: {  	_ =	swait.ge @!p0 [sflag:s20], $0x1000  }
0x182: {  	[sflag:s20] =	ssyncset.done @!p0 $0x0  }
0x183: {  	[sflag:s20] =	ssyncadd.s32 @!p0 $0xFFFFF000  }
0x184: {  	_ =	swait.ge @!p0 [sflag:s20], $0x1000  }
0x185: {  	[sflag:s20] =	ssyncset.done @!p0 $0x0  }
0x186: {  	[sflag:s20] =	ssyncadd.s32 @!p0 $0xFFFFF000  }
0x187: {  	_ =	swait.ge @!p0 [sflag:s20], $0x1000  }
0x188: {  	[sflag:s20] =	ssyncset.done @!p0 $0x0  }
0x189: {  	v0 =	vimm.s32 $0x0;
	s23 =	simm.s32 $0x6480;
	[sflag:s20] =	ssyncadd.s32 @!p0 $0xFFFFF000  }
0x18a: {  	v2 =	vadd.s32 v3, v0;
	v20 =	vld [tilespmem:s23+$0xFFFFFF80]  }
0x18b: {  	v6 =	vmov v3;
	v1 =	vadd.s32 v4, v0;
	v3 =	vld [tilespmem:s23+$0xFFFFFF90];
	_ =	sdelay $0x3  }
0x18c: {  	[tilespmem:v2+s13+$0x0] =	vst.idx.msk $0xffff, v20  }
0x18d: {  	[tilespmem:v1+s13+$0x0] =	vst.idx.msk $0xffff, v3  }
0x18e: {  	v2 =	vadd.s32 v5, v0;
	v20 =	vld [tilespmem:s23+$0xFFFFFFA0]  }
0x18f: {  	v1 =	vadd.s32 v7, v0;
	v3 =	vld [tilespmem:s23+$0xFFFFFFB0];
	_ =	sdelay $0x3  }
0x190: {  	[tilespmem:v2+s13+$0x0] =	vst.idx.msk $0xffff, v20  }
0x191: {  	[tilespmem:v1+s13+$0x0] =	vst.idx.msk $0xffff, v3  }
0x192: {  	v2 =	vadd.s32 v8, v0;
	v20 =	vld [tilespmem:s23+$0xFFFFFFC0]  }
0x193: {  	v1 =	vadd.s32 v9, v0;
	v3 =	vld [tilespmem:s23+$0xFFFFFFD0];
	_ =	sdelay $0x3  }
0x194: {  	[tilespmem:v2+s13+$0x0] =	vst.idx.msk $0xffff, v20  }
0x195: {  	[tilespmem:v1+s13+$0x0] =	vst.idx.msk $0xffff, v3  }
0x196: {  	v2 =	vadd.s32 v10, v0;
	v20 =	vld [tilespmem:s23+$0xFFFFFFE0]  }
0x197: {  	v1 =	vadd.s32 v11, v0;
	v3 =	vld [tilespmem:s23+$0xFFFFFFF0];
	_ =	sdelay $0x3  }
0x198: {  	[tilespmem:v2+s13+$0x0] =	vst.idx.msk $0xffff, v20  }
0x199: {  	[tilespmem:v1+s13+$0x0] =	vst.idx.msk $0xffff, v3  }
0x19a: {  	v2 =	vadd.s32 v12, v0;
	v20 =	vld [tilespmem:s23+$0x0]  }
0x19b: {  	v1 =	vadd.s32 v13, v0;
	v3 =	vld [tilespmem:s23+$0x10];
	_ =	sdelay $0x3  }
0x19c: {  	[tilespmem:v2+s13+$0x0] =	vst.idx.msk $0xffff, v20  }
0x19d: {  	[tilespmem:v1+s13+$0x0] =	vst.idx.msk $0xffff, v3  }
0x19e: {  	v2 =	vadd.s32 v14, v0;
	v20 =	vld [tilespmem:s23+$0x20]  }
0x19f: {  	v1 =	vadd.s32 v15, v0;
	v3 =	vld [tilespmem:s23+$0x30];
	_ =	sdelay $0x3  }
0x1a0: {  	[tilespmem:v2+s13+$0x0] =	vst.idx.msk $0xffff, v20  }
0x1a1: {  	[tilespmem:v1+s13+$0x0] =	vst.idx.msk $0xffff, v3  }
0x1a2: {  	v2 =	vadd.s32 v16, v0;
	v20 =	vld [tilespmem:s23+$0x40]  }
0x1a3: {  	v1 =	vadd.s32 v17, v0;
	v3 =	vld [tilespmem:s23+$0x50];
	_ =	sdelay $0x3  }
0x1a4: {  	[tilespmem:v2+s13+$0x0] =	vst.idx.msk $0xffff, v20  }
0x1a5: {  	[tilespmem:v1+s13+$0x0] =	vst.idx.msk $0xffff, v3  }
0x1a6: {  	v1 =	vadd.s32 v18, v0;
	v20 =	vld [tilespmem:s23+$0x60];
	_ =	sdelay $0x1  }
0x1a7: {  	v3 =	vadd.s32 v19, v0;
	v2 =	vld [tilespmem:s23+$0x70]  }
0x1a8: {  	v21 =	vmov v19  }
0x1a9: {  	s20 =	sshll.u32 s19, $0x1;
	v19 =	vmovc v17;
	v17 =	vmovc v15;
	v15 =	vmov v13;
	v13 =	vmov v11;
	v11 =	vmov v9  }
0x1aa: {  	s21 =	sadd.s32 s5, s20;
	v9 =	vmovc v7;
	v7 =	vmovc v4;
	[tilespmem:v1+s13+$0x0] =	vst.idx.msk $0xffff, v20;
	v1 =	vimm.s32 $0x0;
	v20 =	vmov v18;
	v18 =	vmov v16  }
0x1ab: {  	s25 =	simm.s32 $0x0;
	s22 =	sshrl.u32 s21, $0x5;
	v16 =	vmovc v14;
	v14 =	vmovc v12;
	v12 =	vmov v10;
	v10 =	vmov v8;
	v8 =	vmov v5  }
.LBB2_3:
0x1ac: {  	s25 =	sadd.s32 $0x8, s25;
	[tilespmem:v3+s13+$0x0] =	vst.idx.msk $0xffff, v2;
	v1 =	vadd.s32 $0x8, v1;
	s23 =	sadd.s32 $0x100, s23;
	s24 =	simm.s32 $0x74F0  }
0x1ad: {  	v2 =	vld [tilespmem:s23+$0xFFFFFF80];
	v3 =	vadd.s32 v6, v1;
	p1 =	slt.u32 s25, $0x78  }
0x1ae: {  	v5 =	vadd.s32 v7, v1;
	v4 =	vld [tilespmem:s23+$0xFFFFFF90];
	_ =	sdelay $0x3  }
0x1af: {  	[tilespmem:v3+s13+$0x0] =	vst.idx.msk $0xffff, v2  }
0x1b0: {  	[tilespmem:v5+s13+$0x0] =	vst.idx.msk $0xffff, v4  }
0x1b1: {  	v3 =	vadd.s32 v8, v1;
	v2 =	vld [tilespmem:s23+$0xFFFFFFA0]  }
0x1b2: {  	v5 =	vadd.s32 v9, v1;
	v4 =	vld [tilespmem:s23+$0xFFFFFFB0];
	_ =	sdelay $0x3  }
0x1b3: {  	[tilespmem:v3+s13+$0x0] =	vst.idx.msk $0xffff, v2  }
0x1b4: {  	[tilespmem:v5+s13+$0x0] =	vst.idx.msk $0xffff, v4  }
0x1b5: {  	v3 =	vadd.s32 v10, v1;
	v2 =	vld [tilespmem:s23+$0xFFFFFFC0]  }
0x1b6: {  	v5 =	vadd.s32 v11, v1;
	v4 =	vld [tilespmem:s23+$0xFFFFFFD0];
	_ =	sdelay $0x3  }
0x1b7: {  	[tilespmem:v3+s13+$0x0] =	vst.idx.msk $0xffff, v2  }
0x1b8: {  	[tilespmem:v5+s13+$0x0] =	vst.idx.msk $0xffff, v4  }
0x1b9: {  	v3 =	vadd.s32 v12, v1;
	v2 =	vld [tilespmem:s23+$0xFFFFFFE0]  }
0x1ba: {  	v5 =	vadd.s32 v13, v1;
	v4 =	vld [tilespmem:s23+$0xFFFFFFF0];
	_ =	sdelay $0x3  }
0x1bb: {  	[tilespmem:v3+s13+$0x0] =	vst.idx.msk $0xffff, v2  }
0x1bc: {  	[tilespmem:v5+s13+$0x0] =	vst.idx.msk $0xffff, v4  }
0x1bd: {  	v3 =	vadd.s32 v14, v1;
	v2 =	vld [tilespmem:s23+$0x0]  }
0x1be: {  	v5 =	vadd.s32 v15, v1;
	v4 =	vld [tilespmem:s23+$0x10];
	_ =	sdelay $0x3  }
0x1bf: {  	[tilespmem:v3+s13+$0x0] =	vst.idx.msk $0xffff, v2  }
0x1c0: {  	[tilespmem:v5+s13+$0x0] =	vst.idx.msk $0xffff, v4  }
0x1c1: {  	v3 =	vadd.s32 v16, v1;
	v2 =	vld [tilespmem:s23+$0x20]  }
0x1c2: {  	v5 =	vadd.s32 v17, v1;
	v4 =	vld [tilespmem:s23+$0x30];
	_ =	sdelay $0x3  }
0x1c3: {  	[tilespmem:v3+s13+$0x0] =	vst.idx.msk $0xffff, v2  }
0x1c4: {  	[tilespmem:v5+s13+$0x0] =	vst.idx.msk $0xffff, v4  }
0x1c5: {  	v3 =	vadd.s32 v18, v1;
	v2 =	vld [tilespmem:s23+$0x40]  }
0x1c6: {  	v5 =	vadd.s32 v19, v1;
	v4 =	vld [tilespmem:s23+$0x50];
	_ =	sdelay $0x3  }
0x1c7: {  	[tilespmem:v3+s13+$0x0] =	vst.idx.msk $0xffff, v2  }
0x1c8: {  	[tilespmem:v5+s13+$0x0] =	vst.idx.msk $0xffff, v4  }
0x1c9: {  	v5 =	vadd.s32 v20, v1;
	v4 =	vld [tilespmem:s23+$0x60]  }
.Ltmp2:
0x1ca: {  	v3 =	vadd.s32 v21, v1;
	v2 =	vld [tilespmem:s23+$0x70];
	(pc) =	sbr.rel @p1 .LBB2_3-.Ltmp2, $2  }
0x1cb: {  	_ =	sdelay $0x2  }
0x1cc: {  	[tilespmem:v5+s13+$0x0] =	vst.idx.msk $0xffff, v4  }
0x1cd: {  	v5 =	vld [tilespmem:$0x1FFD0]  }
0x1ce: {  	v6 =	vld [tilespmem:$0x1FFE0];
	_ =	sdelay $0x2  }
0x1cf: {  	[tilespmem:v3+s13+$0x0] =	vst.idx.msk $0xffff, v2  }
0x1d0: {  	v1 =	vld [tilespmem:s24+$0xFFFFFF10];
	v2 =	vadd.s32 v5, v0  }
0x1d1: {  	v3 =	vld [tilespmem:s24+$0xFFFFFF20];
	v4 =	vadd.s32 v6, v0  }
0x1d2: {  	v7 =	vld [tilespmem:$0x1FFF0]  }
0x1d3: {  	v8 =	vld [tilespmem:$0x1FEA0];
	_ =	sdelay $0x1  }
0x1d4: {  	[tilespmem:v2+s13+$0x0] =	vst.idx.msk $0xffff, v1  }
0x1d5: {  	[tilespmem:v4+s13+$0x0] =	vst.idx.msk $0xffff, v3  }
0x1d6: {  	v2 =	vadd.s32 v7, v0;
	v1 =	vld [tilespmem:s24+$0xFFFFFF30]  }
0x1d7: {  	v4 =	vadd.s32 v8, v0;
	v3 =	vld [tilespmem:s24+$0xFFFFFF40]  }
0x1d8: {  	v9 =	vld [tilespmem:$0x1FEB0]  }
0x1d9: {  	v10 =	vld [tilespmem:$0x1FEC0];
	_ =	sdelay $0x1  }
0x1da: {  	[tilespmem:v2+s13+$0x0] =	vst.idx.msk $0xffff, v1  }
0x1db: {  	[tilespmem:v4+s13+$0x0] =	vst.idx.msk $0xffff, v3  }
0x1dc: {  	v2 =	vadd.s32 v9, v0;
	v1 =	vld [tilespmem:s24+$0xFFFFFF50]  }
0x1dd: {  	v4 =	vadd.s32 v10, v0;
	v3 =	vld [tilespmem:s24+$0xFFFFFF60];
	_ =	sdelay $0x3  }
0x1de: {  	[tilespmem:v2+s13+$0x0] =	vst.idx.msk $0xffff, v1  }
0x1df: {  	[tilespmem:v4+s13+$0x0] =	vst.idx.msk $0xffff, v3  }
0x1e0: {  	v2 =	vadd.s32 v22, v0;
	v1 =	vld [tilespmem:s24+$0xFFFFFF70]  }
0x1e1: {  	v4 =	vadd.s32 v23, v0;
	v3 =	vld [tilespmem:s24+$0xFFFFFF80];
	_ =	sdelay $0x3  }
0x1e2: {  	[tilespmem:v2+s13+$0x0] =	vst.idx.msk $0xffff, v1  }
0x1e3: {  	[tilespmem:v4+s13+$0x0] =	vst.idx.msk $0xffff, v3  }
0x1e4: {  	v2 =	vadd.s32 v24, v0;
	v1 =	vld [tilespmem:s24+$0xFFFFFF90]  }
0x1e5: {  	v4 =	vadd.s32 v25, v0;
	v3 =	vld [tilespmem:s24+$0xFFFFFFA0];
	_ =	sdelay $0x3  }
0x1e6: {  	[tilespmem:v2+s13+$0x0] =	vst.idx.msk $0xffff, v1  }
0x1e7: {  	[tilespmem:v4+s13+$0x0] =	vst.idx.msk $0xffff, v3  }
0x1e8: {  	v2 =	vadd.s32 v26, v0;
	v1 =	vld [tilespmem:s24+$0xFFFFFFB0]  }
0x1e9: {  	v4 =	vadd.s32 v27, v0;
	v3 =	vld [tilespmem:s24+$0xFFFFFFC0];
	_ =	sdelay $0x3  }
0x1ea: {  	[tilespmem:v2+s13+$0x0] =	vst.idx.msk $0xffff, v1  }
0x1eb: {  	[tilespmem:v4+s13+$0x0] =	vst.idx.msk $0xffff, v3  }
0x1ec: {  	v2 =	vadd.s32 v28, v0;
	v1 =	vld [tilespmem:s24+$0xFFFFFFD0]  }
0x1ed: {  	v4 =	vadd.s32 v29, v0;
	v3 =	vld [tilespmem:s24+$0xFFFFFFE0];
	_ =	sdelay $0x3  }
0x1ee: {  	[tilespmem:v2+s13+$0x0] =	vst.idx.msk $0xffff, v1  }
0x1ef: {  	[tilespmem:v4+s13+$0x0] =	vst.idx.msk $0xffff, v3  }
0x1f0: {  	v4 =	vadd.s32 v30, v0;
	v3 =	vld [tilespmem:s24+$0xFFFFFFF0]  }
0x1f1: {  	v2 =	vadd.s32 v31, v0;
	v1 =	vld [tilespmem:s24+$0x0];
	_ =	sdelay $0x3  }
0x1f2: {  	s25 =	simm.s32 $0x0;
	s23 =	simm.s32 $0x84F0;
	[tilespmem:v4+s13+$0x0] =	vst.idx.msk $0xffff, v3  }
.LBB2_5:
0x1f3: {  	s25 =	sadd.s32 $0x8, s25;
	[tilespmem:v2+s13+$0x0] =	vst.idx.msk $0xffff, v1;
	v0 =	vadd.s32 $0x8, v0;
	s24 =	sadd.s32 $0x100, s24  }
0x1f4: {  	v1 =	vld [tilespmem:s24+$0xFFFFFF10];
	v2 =	vadd.s32 v5, v0;
	p1 =	slt.u32 s25, $0x78  }
0x1f5: {  	v4 =	vadd.s32 v6, v0;
	v3 =	vld [tilespmem:s24+$0xFFFFFF20];
	_ =	sdelay $0x3  }
0x1f6: {  	[tilespmem:v2+s13+$0x0] =	vst.idx.msk $0xffff, v1  }
0x1f7: {  	[tilespmem:v4+s13+$0x0] =	vst.idx.msk $0xffff, v3  }
0x1f8: {  	v2 =	vadd.s32 v7, v0;
	v1 =	vld [tilespmem:s24+$0xFFFFFF30]  }
0x1f9: {  	v4 =	vadd.s32 v8, v0;
	v3 =	vld [tilespmem:s24+$0xFFFFFF40];
	_ =	sdelay $0x3  }
0x1fa: {  	[tilespmem:v2+s13+$0x0] =	vst.idx.msk $0xffff, v1  }
0x1fb: {  	[tilespmem:v4+s13+$0x0] =	vst.idx.msk $0xffff, v3  }
0x1fc: {  	v2 =	vadd.s32 v9, v0;
	v1 =	vld [tilespmem:s24+$0xFFFFFF50]  }
0x1fd: {  	v4 =	vadd.s32 v10, v0;
	v3 =	vld [tilespmem:s24+$0xFFFFFF60];
	_ =	sdelay $0x3  }
0x1fe: {  	[tilespmem:v2+s13+$0x0] =	vst.idx.msk $0xffff, v1  }
0x1ff: {  	[tilespmem:v4+s13+$0x0] =	vst.idx.msk $0xffff, v3  }
0x200: {  	v2 =	vadd.s32 v22, v0;
	v1 =	vld [tilespmem:s24+$0xFFFFFF70]  }
0x201: {  	v4 =	vadd.s32 v23, v0;
	v3 =	vld [tilespmem:s24+$0xFFFFFF80];
	_ =	sdelay $0x3  }
0x202: {  	[tilespmem:v2+s13+$0x0] =	vst.idx.msk $0xffff, v1  }
0x203: {  	[tilespmem:v4+s13+$0x0] =	vst.idx.msk $0xffff, v3  }
0x204: {  	v2 =	vadd.s32 v24, v0;
	v1 =	vld [tilespmem:s24+$0xFFFFFF90]  }
0x205: {  	v4 =	vadd.s32 v25, v0;
	v3 =	vld [tilespmem:s24+$0xFFFFFFA0];
	_ =	sdelay $0x3  }
0x206: {  	[tilespmem:v2+s13+$0x0] =	vst.idx.msk $0xffff, v1  }
0x207: {  	[tilespmem:v4+s13+$0x0] =	vst.idx.msk $0xffff, v3  }
0x208: {  	v2 =	vadd.s32 v26, v0;
	v1 =	vld [tilespmem:s24+$0xFFFFFFB0]  }
0x209: {  	v4 =	vadd.s32 v27, v0;
	v3 =	vld [tilespmem:s24+$0xFFFFFFC0];
	_ =	sdelay $0x3  }
0x20a: {  	[tilespmem:v2+s13+$0x0] =	vst.idx.msk $0xffff, v1  }
0x20b: {  	[tilespmem:v4+s13+$0x0] =	vst.idx.msk $0xffff, v3  }
0x20c: {  	v2 =	vadd.s32 v28, v0;
	v1 =	vld [tilespmem:s24+$0xFFFFFFD0]  }
0x20d: {  	v4 =	vadd.s32 v29, v0;
	v3 =	vld [tilespmem:s24+$0xFFFFFFE0];
	_ =	sdelay $0x3  }
0x20e: {  	[tilespmem:v2+s13+$0x0] =	vst.idx.msk $0xffff, v1  }
0x20f: {  	[tilespmem:v4+s13+$0x0] =	vst.idx.msk $0xffff, v3  }
0x210: {  	v4 =	vadd.s32 v30, v0;
	v3 =	vld [tilespmem:s24+$0xFFFFFFF0]  }
.Ltmp3:
0x211: {  	v2 =	vadd.s32 v31, v0;
	v1 =	vld [tilespmem:s24+$0x0];
	(pc) =	sbr.rel @p1 .LBB2_5-.Ltmp3, $2  }
0x212: {  	_ =	sdelay $0x2  }
0x213: {  	[tilespmem:v4+s13+$0x0] =	vst.idx.msk $0xffff, v3  }
0x214: {  	_ =	sdelay $0x3  }
0x215: {  	[tilespmem:v2+s13+$0x0] =	vst.idx.msk $0xffff, v1;
	v0 =	vimm.s32 $0x0  }
0x216: {  	v1 =	vld [tilespmem:s23+$0xFFFFFF10];
	v2 =	vadd.s32 v32, v0  }
0x217: {  	v3 =	vld [tilespmem:s23+$0xFFFFFF20];
	v4 =	vadd.s32 v33, v0;
	_ =	sdelay $0x3  }
0x218: {  	[tilespmem:v2+s13+$0x0] =	vst.idx.msk $0xffff, v1  }
0x219: {  	[tilespmem:v4+s13+$0x0] =	vst.idx.msk $0xffff, v3  }
0x21a: {  	v2 =	vadd.s32 v34, v0;
	v1 =	vld [tilespmem:s23+$0xFFFFFF30]  }
0x21b: {  	v4 =	vadd.s32 v35, v0;
	v3 =	vld [tilespmem:s23+$0xFFFFFF40];
	_ =	sdelay $0x3  }
0x21c: {  	[tilespmem:v2+s13+$0x0] =	vst.idx.msk $0xffff, v1  }
0x21d: {  	[tilespmem:v4+s13+$0x0] =	vst.idx.msk $0xffff, v3  }
0x21e: {  	v2 =	vadd.s32 v36, v0;
	v1 =	vld [tilespmem:s23+$0xFFFFFF50]  }
0x21f: {  	v4 =	vadd.s32 v37, v0;
	v3 =	vld [tilespmem:s23+$0xFFFFFF60];
	_ =	sdelay $0x3  }
0x220: {  	[tilespmem:v2+s13+$0x0] =	vst.idx.msk $0xffff, v1  }
0x221: {  	[tilespmem:v4+s13+$0x0] =	vst.idx.msk $0xffff, v3  }
0x222: {  	v2 =	vadd.s32 v38, v0;
	v1 =	vld [tilespmem:s23+$0xFFFFFF70]  }
0x223: {  	v4 =	vadd.s32 v39, v0;
	v3 =	vld [tilespmem:s23+$0xFFFFFF80];
	_ =	sdelay $0x3  }
0x224: {  	[tilespmem:v2+s13+$0x0] =	vst.idx.msk $0xffff, v1  }
0x225: {  	[tilespmem:v4+s13+$0x0] =	vst.idx.msk $0xffff, v3  }
0x226: {  	v2 =	vadd.s32 v40, v0;
	v1 =	vld [tilespmem:s23+$0xFFFFFF90]  }
0x227: {  	v4 =	vadd.s32 v41, v0;
	v3 =	vld [tilespmem:s23+$0xFFFFFFA0];
	_ =	sdelay $0x3  }
0x228: {  	[tilespmem:v2+s13+$0x0] =	vst.idx.msk $0xffff, v1  }
0x229: {  	[tilespmem:v4+s13+$0x0] =	vst.idx.msk $0xffff, v3  }
0x22a: {  	v2 =	vadd.s32 v42, v0;
	v1 =	vld [tilespmem:s23+$0xFFFFFFB0]  }
0x22b: {  	v4 =	vadd.s32 v43, v0;
	v3 =	vld [tilespmem:s23+$0xFFFFFFC0];
	_ =	sdelay $0x3  }
0x22c: {  	[tilespmem:v2+s13+$0x0] =	vst.idx.msk $0xffff, v1  }
0x22d: {  	[tilespmem:v4+s13+$0x0] =	vst.idx.msk $0xffff, v3  }
0x22e: {  	v2 =	vadd.s32 v44, v0;
	v1 =	vld [tilespmem:s23+$0xFFFFFFD0]  }
0x22f: {  	v4 =	vadd.s32 v45, v0;
	v3 =	vld [tilespmem:s23+$0xFFFFFFE0];
	_ =	sdelay $0x3  }
0x230: {  	v20 =	vld [tilespmem:$0x1FF10];
	[tilespmem:v2+s13+$0x0] =	vst.idx.msk $0xffff, v1  }
0x231: {  	v10 =	vld [tilespmem:$0x1FF30];
	[tilespmem:v4+s13+$0x0] =	vst.idx.msk $0xffff, v3  }
0x232: {  	v4 =	vadd.s32 v46, v0;
	v1 =	vld [tilespmem:s23+$0xFFFFFFF0]  }
0x233: {  	v3 =	vadd.s32 v47, v0;
	v2 =	vld [tilespmem:s23+$0x0]  }
0x234: {  	v12 =	vld [tilespmem:$0x1FF50]  }
0x235: {  	v14 =	vld [tilespmem:$0x1FF70]  }
0x236: {  	v16 =	vld [tilespmem:$0x1FF90]  }
0x237: {  	s25 =	simm.s32 $0x0;
	v18 =	vld [tilespmem:$0x1FFB0];
	[tilespmem:v4+s13+$0x0] =	vst.idx.msk $0xffff, v1;
	v1 =	vimm.s32 $0x0  }
.LBB2_7:
0x238: {  	s25 =	sadd.s32 $0x8, s25;
	[tilespmem:v3+s13+$0x0] =	vst.idx.msk $0xffff, v2;
	v1 =	vadd.s32 $0x8, v1;
	s23 =	sadd.s32 $0x100, s23;
	s24 =	simm.s32 $0x94F0  }
0x239: {  	v2 =	vld [tilespmem:s23+$0xFFFFFF10];
	v3 =	vadd.s32 v32, v1;
	p1 =	slt.u32 s25, $0x78  }
0x23a: {  	v5 =	vadd.s32 v33, v1;
	v4 =	vld [tilespmem:s23+$0xFFFFFF20];
	_ =	sdelay $0x3  }
0x23b: {  	[tilespmem:v3+s13+$0x0] =	vst.idx.msk $0xffff, v2  }
0x23c: {  	[tilespmem:v5+s13+$0x0] =	vst.idx.msk $0xffff, v4  }
0x23d: {  	v3 =	vadd.s32 v34, v1;
	v2 =	vld [tilespmem:s23+$0xFFFFFF30]  }
0x23e: {  	v5 =	vadd.s32 v35, v1;
	v4 =	vld [tilespmem:s23+$0xFFFFFF40];
	_ =	sdelay $0x3  }
0x23f: {  	[tilespmem:v3+s13+$0x0] =	vst.idx.msk $0xffff, v2  }
0x240: {  	[tilespmem:v5+s13+$0x0] =	vst.idx.msk $0xffff, v4  }
0x241: {  	v3 =	vadd.s32 v36, v1;
	v2 =	vld [tilespmem:s23+$0xFFFFFF50]  }
0x242: {  	v5 =	vadd.s32 v37, v1;
	v4 =	vld [tilespmem:s23+$0xFFFFFF60];
	_ =	sdelay $0x3  }
0x243: {  	[tilespmem:v3+s13+$0x0] =	vst.idx.msk $0xffff, v2  }
0x244: {  	[tilespmem:v5+s13+$0x0] =	vst.idx.msk $0xffff, v4  }
0x245: {  	v3 =	vadd.s32 v38, v1;
	v2 =	vld [tilespmem:s23+$0xFFFFFF70]  }
0x246: {  	v5 =	vadd.s32 v39, v1;
	v4 =	vld [tilespmem:s23+$0xFFFFFF80];
	_ =	sdelay $0x3  }
0x247: {  	[tilespmem:v3+s13+$0x0] =	vst.idx.msk $0xffff, v2  }
0x248: {  	[tilespmem:v5+s13+$0x0] =	vst.idx.msk $0xffff, v4  }
0x249: {  	v3 =	vadd.s32 v40, v1;
	v2 =	vld [tilespmem:s23+$0xFFFFFF90]  }
0x24a: {  	v5 =	vadd.s32 v41, v1;
	v4 =	vld [tilespmem:s23+$0xFFFFFFA0];
	_ =	sdelay $0x3  }
0x24b: {  	[tilespmem:v3+s13+$0x0] =	vst.idx.msk $0xffff, v2  }
0x24c: {  	[tilespmem:v5+s13+$0x0] =	vst.idx.msk $0xffff, v4  }
0x24d: {  	v3 =	vadd.s32 v42, v1;
	v2 =	vld [tilespmem:s23+$0xFFFFFFB0]  }
0x24e: {  	v5 =	vadd.s32 v43, v1;
	v4 =	vld [tilespmem:s23+$0xFFFFFFC0];
	_ =	sdelay $0x3  }
0x24f: {  	[tilespmem:v3+s13+$0x0] =	vst.idx.msk $0xffff, v2  }
0x250: {  	[tilespmem:v5+s13+$0x0] =	vst.idx.msk $0xffff, v4  }
0x251: {  	v3 =	vadd.s32 v44, v1;
	v2 =	vld [tilespmem:s23+$0xFFFFFFD0]  }
0x252: {  	v5 =	vadd.s32 v45, v1;
	v4 =	vld [tilespmem:s23+$0xFFFFFFE0];
	_ =	sdelay $0x3  }
0x253: {  	[tilespmem:v3+s13+$0x0] =	vst.idx.msk $0xffff, v2  }
0x254: {  	[tilespmem:v5+s13+$0x0] =	vst.idx.msk $0xffff, v4  }
0x255: {  	v5 =	vadd.s32 v46, v1;
	v4 =	vld [tilespmem:s23+$0xFFFFFFF0]  }
.Ltmp4:
0x256: {  	v3 =	vadd.s32 v47, v1;
	v2 =	vld [tilespmem:s23+$0x0];
	(pc) =	sbr.rel @p1 .LBB2_7-.Ltmp4, $2  }
0x257: {  	_ =	sdelay $0x2  }
0x258: {  	[tilespmem:v5+s13+$0x0] =	vst.idx.msk $0xffff, v4  }
0x259: {  	_ =	sdelay $0x3  }
0x25a: {  	[tilespmem:v3+s13+$0x0] =	vst.idx.msk $0xffff, v2  }
0x25b: {  	v2 =	vadd.s32 v48, v0;
	v1 =	vld [tilespmem:s24+$0xFFFFFF10]  }
0x25c: {  	v4 =	vadd.s32 v49, v0;
	v3 =	vld [tilespmem:s24+$0xFFFFFF20];
	_ =	sdelay $0x3  }
0x25d: {  	[tilespmem:v2+s13+$0x0] =	vst.idx.msk $0xffff, v1  }
0x25e: {  	[tilespmem:v4+s13+$0x0] =	vst.idx.msk $0xffff, v3  }
0x25f: {  	v2 =	vadd.s32 v50, v0;
	v1 =	vld [tilespmem:s24+$0xFFFFFF30]  }
0x260: {  	v4 =	vadd.s32 v51, v0;
	v3 =	vld [tilespmem:s24+$0xFFFFFF40];
	_ =	sdelay $0x3  }
0x261: {  	[tilespmem:v2+s13+$0x0] =	vst.idx.msk $0xffff, v1  }
0x262: {  	[tilespmem:v4+s13+$0x0] =	vst.idx.msk $0xffff, v3  }
0x263: {  	v2 =	vadd.s32 v52, v0;
	v1 =	vld [tilespmem:s24+$0xFFFFFF50]  }
0x264: {  	v4 =	vadd.s32 v53, v0;
	v3 =	vld [tilespmem:s24+$0xFFFFFF60];
	_ =	sdelay $0x3  }
0x265: {  	[tilespmem:v2+s13+$0x0] =	vst.idx.msk $0xffff, v1  }
0x266: {  	[tilespmem:v4+s13+$0x0] =	vst.idx.msk $0xffff, v3  }
0x267: {  	v2 =	vadd.s32 v54, v0;
	v1 =	vld [tilespmem:s24+$0xFFFFFF70]  }
0x268: {  	v4 =	vadd.s32 v55, v0;
	v3 =	vld [tilespmem:s24+$0xFFFFFF80];
	_ =	sdelay $0x3  }
0x269: {  	[tilespmem:v2+s13+$0x0] =	vst.idx.msk $0xffff, v1  }
0x26a: {  	[tilespmem:v4+s13+$0x0] =	vst.idx.msk $0xffff, v3  }
0x26b: {  	v2 =	vadd.s32 v56, v0;
	v1 =	vld [tilespmem:s24+$0xFFFFFF90]  }
0x26c: {  	v4 =	vadd.s32 v57, v0;
	v3 =	vld [tilespmem:s24+$0xFFFFFFA0];
	_ =	sdelay $0x3  }
0x26d: {  	[tilespmem:v2+s13+$0x0] =	vst.idx.msk $0xffff, v1  }
0x26e: {  	[tilespmem:v4+s13+$0x0] =	vst.idx.msk $0xffff, v3  }
0x26f: {  	v2 =	vadd.s32 v58, v0;
	v1 =	vld [tilespmem:s24+$0xFFFFFFB0]  }
0x270: {  	v4 =	vadd.s32 v59, v0;
	v3 =	vld [tilespmem:s24+$0xFFFFFFC0];
	_ =	sdelay $0x3  }
0x271: {  	[tilespmem:v2+s13+$0x0] =	vst.idx.msk $0xffff, v1  }
0x272: {  	[tilespmem:v4+s13+$0x0] =	vst.idx.msk $0xffff, v3  }
0x273: {  	v2 =	vadd.s32 v60, v0;
	v1 =	vld [tilespmem:s24+$0xFFFFFFD0]  }
0x274: {  	v4 =	vadd.s32 v61, v0;
	v3 =	vld [tilespmem:s24+$0xFFFFFFE0];
	_ =	sdelay $0x3  }
0x275: {  	[tilespmem:v2+s13+$0x0] =	vst.idx.msk $0xffff, v1  }
0x276: {  	[tilespmem:v4+s13+$0x0] =	vst.idx.msk $0xffff, v3  }
0x277: {  	v4 =	vadd.s32 v62, v0;
	v3 =	vld [tilespmem:s24+$0xFFFFFFF0]  }
0x278: {  	v2 =	vadd.s32 v63, v0;
	v1 =	vld [tilespmem:s24+$0x0];
	_ =	sdelay $0x3  }
0x279: {  	s23 =	simm.s32 $0x0;
	[tilespmem:v4+s13+$0x0] =	vst.idx.msk $0xffff, v3  }
.LBB2_9:
0x27a: {  	s23 =	sadd.s32 $0x8, s23;
	[tilespmem:v2+s13+$0x0] =	vst.idx.msk $0xffff, v1;
	v0 =	vadd.s32 $0x8, v0;
	s24 =	sadd.s32 $0x100, s24  }
0x27b: {  	v1 =	vld [tilespmem:s24+$0xFFFFFF10];
	v2 =	vadd.s32 v48, v0;
	p1 =	slt.u32 s23, $0x78  }
0x27c: {  	v4 =	vadd.s32 v49, v0;
	v3 =	vld [tilespmem:s24+$0xFFFFFF20];
	_ =	sdelay $0x3  }
0x27d: {  	[tilespmem:v2+s13+$0x0] =	vst.idx.msk $0xffff, v1  }
0x27e: {  	[tilespmem:v4+s13+$0x0] =	vst.idx.msk $0xffff, v3  }
0x27f: {  	v2 =	vadd.s32 v50, v0;
	v1 =	vld [tilespmem:s24+$0xFFFFFF30]  }
0x280: {  	v4 =	vadd.s32 v51, v0;
	v3 =	vld [tilespmem:s24+$0xFFFFFF40];
	_ =	sdelay $0x3  }
0x281: {  	[tilespmem:v2+s13+$0x0] =	vst.idx.msk $0xffff, v1  }
0x282: {  	[tilespmem:v4+s13+$0x0] =	vst.idx.msk $0xffff, v3  }
0x283: {  	v2 =	vadd.s32 v52, v0;
	v1 =	vld [tilespmem:s24+$0xFFFFFF50]  }
0x284: {  	v4 =	vadd.s32 v53, v0;
	v3 =	vld [tilespmem:s24+$0xFFFFFF60];
	_ =	sdelay $0x3  }
0x285: {  	[tilespmem:v2+s13+$0x0] =	vst.idx.msk $0xffff, v1  }
0x286: {  	[tilespmem:v4+s13+$0x0] =	vst.idx.msk $0xffff, v3  }
0x287: {  	v2 =	vadd.s32 v54, v0;
	v1 =	vld [tilespmem:s24+$0xFFFFFF70]  }
0x288: {  	v4 =	vadd.s32 v55, v0;
	v3 =	vld [tilespmem:s24+$0xFFFFFF80];
	_ =	sdelay $0x3  }
0x289: {  	[tilespmem:v2+s13+$0x0] =	vst.idx.msk $0xffff, v1  }
0x28a: {  	[tilespmem:v4+s13+$0x0] =	vst.idx.msk $0xffff, v3  }
0x28b: {  	v2 =	vadd.s32 v56, v0;
	v1 =	vld [tilespmem:s24+$0xFFFFFF90]  }
0x28c: {  	v4 =	vadd.s32 v57, v0;
	v3 =	vld [tilespmem:s24+$0xFFFFFFA0];
	_ =	sdelay $0x3  }
0x28d: {  	[tilespmem:v2+s13+$0x0] =	vst.idx.msk $0xffff, v1  }
0x28e: {  	[tilespmem:v4+s13+$0x0] =	vst.idx.msk $0xffff, v3  }
0x28f: {  	v2 =	vadd.s32 v58, v0;
	v1 =	vld [tilespmem:s24+$0xFFFFFFB0]  }
0x290: {  	v4 =	vadd.s32 v59, v0;
	v3 =	vld [tilespmem:s24+$0xFFFFFFC0];
	_ =	sdelay $0x3  }
0x291: {  	[tilespmem:v2+s13+$0x0] =	vst.idx.msk $0xffff, v1  }
0x292: {  	[tilespmem:v4+s13+$0x0] =	vst.idx.msk $0xffff, v3  }
0x293: {  	v2 =	vadd.s32 v60, v0;
	v1 =	vld [tilespmem:s24+$0xFFFFFFD0]  }
0x294: {  	v4 =	vadd.s32 v61, v0;
	v3 =	vld [tilespmem:s24+$0xFFFFFFE0];
	_ =	sdelay $0x3  }
0x295: {  	[tilespmem:v2+s13+$0x0] =	vst.idx.msk $0xffff, v1  }
0x296: {  	[tilespmem:v4+s13+$0x0] =	vst.idx.msk $0xffff, v3  }
0x297: {  	v4 =	vadd.s32 v62, v0;
	v3 =	vld [tilespmem:s24+$0xFFFFFFF0]  }
.Ltmp5:
0x298: {  	v2 =	vadd.s32 v63, v0;
	v1 =	vld [tilespmem:s24+$0x0];
	(pc) =	sbr.rel @p1 .LBB2_9-.Ltmp5, $2  }
0x299: {  	_ =	sdelay $0x2  }
0x29a: {  	[tilespmem:v4+s13+$0x0] =	vst.idx.msk $0xffff, v3  }
0x29b: {  	s23 =	sshll.u32 s22, $0x11;
	s21 =	sshll.u32 s21, $0xC  }
0x29c: {  	s31 =	sshll.u32 s22, $0x13;
	s21 =	ssub.s32 s21, s23  }
0x29d: {  	s21 =	sadd.s32 s31, s21  }
0x29e: {  	s22 =	sshrl.u32 s21, $0x3  }
0x29f: {  	s24 =	simm.s32 $0x10;
	s22 =	sadd.s32 s1, s22  }
0x2a0: {  	[tilespmem:v2+s13+$0x0] =	vst.idx.msk $0xffff, v1;
	s25 =	simm.s32 $0xE488;
	v5 =	vld [tilespmem:$0x1FEF0];
	s23 =	simm.s32 $0xE400;
	s26 =	sadd.s32 $0x0, s22  }
.LBB2_11:
0x2a1: {  	[hbm4b:s26+s3] =	stream.linear.scatter [tilespmem:s23], [sflag:$0x3], $0x80, $0x38;
	[tilespmem:$0x16C00] =	vst v63  }
0x2a2: {  	s26 =	smov.u32 s24;
	s23 =	smov.u32 s25;
	p1 =	sne.s32 s24, $0x1F0  }
.Ltmp6:
0x2a3: {  	s24 =	sadd.s32 $0x10, s24;
	(pc) =	sbr.rel @p1 .LBB2_11-.Ltmp6, $2  }
0x2a4: {  	_ =	sdelay $0x2  }
0x2a5: {  	s25 =	sadd.s32 $0x88, s25;
	s26 =	sadd.s32 s26, s22  }
0x2a6: {  	[hbm4b:s26+s3] =	stream.linear.scatter [tilespmem:s23], [sflag:$0x3], $0x80, $0x38;
	[tilespmem:$0x16C00] =	vst v63  }
0x2a7: {  	s22 =	sadd.s32 $0x20000, s21;
	v6 =	vld [tilespmem:$0x1FED0]  }
0x2a8: {  	v7 =	vld [tilespmem:$0x1FEE0];
	s22 =	sshrl.u32 s22, $0x3  }
0x2a9: {  	s23 =	simm.s32 $0xF500;
	s22 =	sadd.s32 s1, s22  }
0x2aa: {  	s24 =	simm.s32 $0x10;
	s25 =	simm.s32 $0xF588;
	s26 =	sadd.s32 $0x0, s22  }
.LBB2_13:
0x2ab: {  	[hbm4b:s26+s3] =	stream.linear.scatter [tilespmem:s23], [sflag:$0x3], $0x80, $0x38;
	[tilespmem:$0x16C00] =	vst v63  }
0x2ac: {  	s26 =	smov.u32 s24;
	s23 =	smov.u32 s25;
	p1 =	sne.s32 s24, $0x1F0  }
.Ltmp7:
0x2ad: {  	s24 =	sadd.s32 $0x10, s24;
	(pc) =	sbr.rel @p1 .LBB2_13-.Ltmp7, $2  }
0x2ae: {  	_ =	sdelay $0x2  }
0x2af: {  	s25 =	sadd.s32 $0x88, s25;
	s26 =	sadd.s32 s26, s22  }
0x2b0: {  	[hbm4b:s26+s3] =	stream.linear.scatter [tilespmem:s23], [sflag:$0x3], $0x80, $0x38;
	[tilespmem:$0x16C00] =	vst v63  }
0x2b1: {  	s22 =	sadd.s32 $0x40000, s21  }
0x2b2: {  	s22 =	sshrl.u32 s22, $0x3  }
0x2b3: {  	s23 =	simm.s32 $0x10600;
	s22 =	sadd.s32 s1, s22  }
0x2b4: {  	s24 =	simm.s32 $0x10;
	s25 =	simm.s32 $0x10688;
	s26 =	sadd.s32 $0x0, s22  }
.LBB2_15:
0x2b5: {  	[hbm4b:s26+s3] =	stream.linear.scatter [tilespmem:s23], [sflag:$0x3], $0x80, $0x38;
	[tilespmem:$0x16C00] =	vst v63  }
0x2b6: {  	s26 =	smov.u32 s24;
	s23 =	smov.u32 s25;
	p1 =	sne.s32 s24, $0x1F0  }
.Ltmp8:
0x2b7: {  	s24 =	sadd.s32 $0x10, s24;
	(pc) =	sbr.rel @p1 .LBB2_15-.Ltmp8, $2  }
0x2b8: {  	_ =	sdelay $0x2  }
0x2b9: {  	s25 =	sadd.s32 $0x88, s25;
	s26 =	sadd.s32 s26, s22  }
0x2ba: {  	[hbm4b:s26+s3] =	stream.linear.scatter [tilespmem:s23], [sflag:$0x3], $0x80, $0x38;
	[tilespmem:$0x16C00] =	vst v63  }
0x2bb: {  	s21 =	sadd.s32 $0x60000, s21  }
0x2bc: {  	s21 =	sshrl.u32 s21, $0x3  }
0x2bd: {  	s22 =	simm.s32 $0x11700;
	s21 =	sadd.s32 s1, s21  }
0x2be: {  	s23 =	simm.s32 $0x10;
	s24 =	simm.s32 $0x11788;
	s25 =	sadd.s32 $0x0, s21  }
.LBB2_17:
0x2bf: {  	[hbm4b:s25+s3] =	stream.linear.scatter [tilespmem:s22], [sflag:$0x3], $0x80, $0x38;
	[tilespmem:$0x16C00] =	vst v63  }
0x2c0: {  	s25 =	smov.u32 s23;
	s22 =	smov.u32 s24;
	p1 =	sne.s32 s23, $0x1F0  }
.Ltmp9:
0x2c1: {  	s23 =	sadd.s32 $0x10, s23;
	(pc) =	sbr.rel @p1 .LBB2_17-.Ltmp9, $2  }
0x2c2: {  	_ =	sdelay $0x2  }
0x2c3: {  	s24 =	sadd.s32 $0x88, s24;
	s25 =	sadd.s32 s25, s21  }
0x2c4: {  	[hbm4b:s25+s3] =	stream.linear.scatter [tilespmem:s22], [sflag:$0x3], $0x80, $0x38;
	[tilespmem:$0x16C00] =	vst v63  }
0x2c5: {  	p1 =	seq.s32 s19, $0x18  }
0x2c6: {  	s21 =	sshll.u32 @!p1 s19, $0xA  }
0x2c7: {  	s21 =	sand.u32 @!p1 $0x3FFFFC00, s21  }
0x2c8: {  	s22 =	simm.s32 @!p1 $0x200;
	s23 =	simm.s32 @!p1 $0x6400;
	s21 =	sadd.s32 @!p1 $0x400, s21  }
0x2c9: {  	[tilespmem:s23], [sflag:$0x1] =	stream.indirect.gather @!p1 [hbm4b:s4+s22], $0x20, s21, s22, $0xb8;
	[tilespmem:$0x16C00] =	vst v63  }
0x2ca: {  	_ =	swait.ge [sflag:s14], $0x4000  }
0x2cb: {  	[sflag:s14] =	ssyncset.done $0x0  }
0x2cc: {  	s21 =	simm.s32 @!p0 $0x4;
	[sflag:s14] =	ssyncadd.s32 $0xFFFFC000  }
0x2cd: {  	_ =	swait.ge @!p0 [sflag:s21], $0x1000  }
0x2ce: {  	[sflag:s21] =	ssyncset.done @!p0 $0x0  }
0x2cf: {  	[sflag:s21] =	ssyncadd.s32 @!p0 $0xFFFFF000  }
0x2d0: {  	_ =	swait.ge @!p0 [sflag:s21], $0x1000  }
0x2d1: {  	[sflag:s21] =	ssyncset.done @!p0 $0x0  }
0x2d2: {  	[sflag:s21] =	ssyncadd.s32 @!p0 $0xFFFFF000  }
0x2d3: {  	_ =	swait.ge @!p0 [sflag:s21], $0x1000  }
0x2d4: {  	[sflag:s21] =	ssyncset.done @!p0 $0x0  }
0x2d5: {  	[sflag:s21] =	ssyncadd.s32 @!p0 $0xFFFFF000  }
0x2d6: {  	_ =	swait.ge @!p0 [sflag:s21], $0x1000  }
0x2d7: {  	[sflag:s21] =	ssyncset.done @!p0 $0x0  }
0x2d8: {  	v0 =	vimm.s32 $0x0;
	s22 =	simm.s32 $0xA400;
	[sflag:s21] =	ssyncadd.s32 @!p0 $0xFFFFF000  }
0x2d9: {  	v2 =	vadd.s32 v6, v0;
	v1 =	vld [tilespmem:s22+$0x0]  }
0x2da: {  	v4 =	vadd.s32 v7, v0;
	v3 =	vld [tilespmem:s22+$0x10];
	_ =	sdelay $0x1  }
0x2db: {  	v9 =	vld [tilespmem:$0x1FF00];
	_ =	sdelay $0x1  }
0x2dc: {  	[tilespmem:v2+s15+$0x0] =	vst.idx.msk $0xffff, v1  }
0x2dd: {  	[tilespmem:v4+s15+$0x0] =	vst.idx.msk $0xffff, v3  }
0x2de: {  	v2 =	vadd.s32 v5, v0;
	v1 =	vld [tilespmem:s22+$0x20]  }
0x2df: {  	v4 =	vadd.s32 v9, v0;
	v3 =	vld [tilespmem:s22+$0x30];
	_ =	sdelay $0x1  }
0x2e0: {  	v11 =	vld [tilespmem:$0x1FF20];
	_ =	sdelay $0x1  }
0x2e1: {  	[tilespmem:v2+s15+$0x0] =	vst.idx.msk $0xffff, v1  }
0x2e2: {  	[tilespmem:v4+s15+$0x0] =	vst.idx.msk $0xffff, v3  }
0x2e3: {  	v2 =	vadd.s32 v20, v0;
	v1 =	vld [tilespmem:s22+$0x40]  }
0x2e4: {  	v4 =	vadd.s32 v11, v0;
	v3 =	vld [tilespmem:s22+$0x50];
	_ =	sdelay $0x1  }
0x2e5: {  	v13 =	vld [tilespmem:$0x1FF40];
	_ =	sdelay $0x1  }
0x2e6: {  	[tilespmem:v2+s15+$0x0] =	vst.idx.msk $0xffff, v1  }
0x2e7: {  	[tilespmem:v4+s15+$0x0] =	vst.idx.msk $0xffff, v3  }
0x2e8: {  	v2 =	vadd.s32 v10, v0;
	v1 =	vld [tilespmem:s22+$0x60]  }
0x2e9: {  	v4 =	vadd.s32 v13, v0;
	v3 =	vld [tilespmem:s22+$0x70];
	_ =	sdelay $0x1  }
0x2ea: {  	v15 =	vld [tilespmem:$0x1FF60];
	_ =	sdelay $0x1  }
0x2eb: {  	[tilespmem:v2+s15+$0x0] =	vst.idx.msk $0xffff, v1  }
0x2ec: {  	[tilespmem:v4+s15+$0x0] =	vst.idx.msk $0xffff, v3  }
0x2ed: {  	v2 =	vadd.s32 v12, v0;
	v1 =	vld [tilespmem:s22+$0x80]  }
0x2ee: {  	v4 =	vadd.s32 v15, v0;
	v3 =	vld [tilespmem:s22+$0x90];
	_ =	sdelay $0x1  }
0x2ef: {  	v17 =	vld [tilespmem:$0x1FF80];
	_ =	sdelay $0x1  }
0x2f0: {  	[tilespmem:v2+s15+$0x0] =	vst.idx.msk $0xffff, v1  }
0x2f1: {  	[tilespmem:v4+s15+$0x0] =	vst.idx.msk $0xffff, v3  }
0x2f2: {  	v2 =	vadd.s32 v14, v0;
	v1 =	vld [tilespmem:s22+$0xA0]  }
0x2f3: {  	v4 =	vadd.s32 v17, v0;
	v3 =	vld [tilespmem:s22+$0xB0];
	_ =	sdelay $0x1  }
0x2f4: {  	v19 =	vld [tilespmem:$0x1FFA0];
	_ =	sdelay $0x1  }
0x2f5: {  	[tilespmem:v2+s15+$0x0] =	vst.idx.msk $0xffff, v1  }
0x2f6: {  	[tilespmem:v4+s15+$0x0] =	vst.idx.msk $0xffff, v3  }
0x2f7: {  	v2 =	vadd.s32 v16, v0;
	v1 =	vld [tilespmem:s22+$0xC0]  }
0x2f8: {  	v4 =	vadd.s32 v19, v0;
	v3 =	vld [tilespmem:s22+$0xD0];
	_ =	sdelay $0x1  }
0x2f9: {  	v21 =	vld [tilespmem:$0x1FFC0];
	_ =	sdelay $0x1  }
0x2fa: {  	[tilespmem:v2+s15+$0x0] =	vst.idx.msk $0xffff, v1  }
0x2fb: {  	[tilespmem:v4+s15+$0x0] =	vst.idx.msk $0xffff, v3  }
0x2fc: {  	v4 =	vadd.s32 v18, v0;
	v1 =	vld [tilespmem:s22+$0xE0]  }
0x2fd: {  	v3 =	vadd.s32 v21, v0;
	v2 =	vld [tilespmem:s22+$0xF0];
	_ =	sdelay $0x1  }
0x2fe: {  	s20 =	sadd.s32 s20, s5  }
0x2ff: {  	s20 =	sadd.s32 $0x1, s20  }
0x300: {  	s24 =	simm.s32 $0x0;
	v8 =	vmov v5;
	s21 =	sshrl.u32 s20, $0x5;
	[tilespmem:v4+s15+$0x0] =	vst.idx.msk $0xffff, v1;
	v1 =	vimm.s32 $0x0  }
.LBB2_19:
0x301: {  	s24 =	sadd.s32 $0x8, s24;
	[tilespmem:v3+s15+$0x0] =	vst.idx.msk $0xffff, v2;
	v1 =	vadd.s32 $0x8, v1;
	s22 =	sadd.s32 $0x100, s22;
	s23 =	simm.s32 $0xB400  }
0x302: {  	v2 =	vld [tilespmem:s22+$0x0];
	v3 =	vadd.s32 v6, v1;
	p0 =	slt.u32 s24, $0x78  }
0x303: {  	v5 =	vadd.s32 v7, v1;
	v4 =	vld [tilespmem:s22+$0x10];
	_ =	sdelay $0x3  }
0x304: {  	[tilespmem:v3+s15+$0x0] =	vst.idx.msk $0xffff, v2  }
0x305: {  	[tilespmem:v5+s15+$0x0] =	vst.idx.msk $0xffff, v4  }
0x306: {  	v3 =	vadd.s32 v8, v1;
	v2 =	vld [tilespmem:s22+$0x20]  }
0x307: {  	v5 =	vadd.s32 v9, v1;
	v4 =	vld [tilespmem:s22+$0x30];
	_ =	sdelay $0x3  }
0x308: {  	[tilespmem:v3+s15+$0x0] =	vst.idx.msk $0xffff, v2  }
0x309: {  	[tilespmem:v5+s15+$0x0] =	vst.idx.msk $0xffff, v4  }
0x30a: {  	v3 =	vadd.s32 v20, v1;
	v2 =	vld [tilespmem:s22+$0x40]  }
0x30b: {  	v5 =	vadd.s32 v11, v1;
	v4 =	vld [tilespmem:s22+$0x50];
	_ =	sdelay $0x3  }
0x30c: {  	[tilespmem:v3+s15+$0x0] =	vst.idx.msk $0xffff, v2  }
0x30d: {  	[tilespmem:v5+s15+$0x0] =	vst.idx.msk $0xffff, v4  }
0x30e: {  	v3 =	vadd.s32 v10, v1;
	v2 =	vld [tilespmem:s22+$0x60]  }
0x30f: {  	v5 =	vadd.s32 v13, v1;
	v4 =	vld [tilespmem:s22+$0x70];
	_ =	sdelay $0x3  }
0x310: {  	[tilespmem:v3+s15+$0x0] =	vst.idx.msk $0xffff, v2  }
0x311: {  	[tilespmem:v5+s15+$0x0] =	vst.idx.msk $0xffff, v4  }
0x312: {  	v3 =	vadd.s32 v12, v1;
	v2 =	vld [tilespmem:s22+$0x80]  }
0x313: {  	v5 =	vadd.s32 v15, v1;
	v4 =	vld [tilespmem:s22+$0x90];
	_ =	sdelay $0x3  }
0x314: {  	[tilespmem:v3+s15+$0x0] =	vst.idx.msk $0xffff, v2  }
0x315: {  	[tilespmem:v5+s15+$0x0] =	vst.idx.msk $0xffff, v4  }
0x316: {  	v3 =	vadd.s32 v14, v1;
	v2 =	vld [tilespmem:s22+$0xA0]  }
0x317: {  	v5 =	vadd.s32 v17, v1;
	v4 =	vld [tilespmem:s22+$0xB0];
	_ =	sdelay $0x3  }
0x318: {  	[tilespmem:v3+s15+$0x0] =	vst.idx.msk $0xffff, v2  }
0x319: {  	[tilespmem:v5+s15+$0x0] =	vst.idx.msk $0xffff, v4  }
0x31a: {  	v3 =	vadd.s32 v16, v1;
	v2 =	vld [tilespmem:s22+$0xC0]  }
0x31b: {  	v5 =	vadd.s32 v19, v1;
	v4 =	vld [tilespmem:s22+$0xD0];
	_ =	sdelay $0x3  }
0x31c: {  	[tilespmem:v3+s15+$0x0] =	vst.idx.msk $0xffff, v2  }
0x31d: {  	[tilespmem:v5+s15+$0x0] =	vst.idx.msk $0xffff, v4  }
0x31e: {  	v5 =	vadd.s32 v18, v1;
	v4 =	vld [tilespmem:s22+$0xE0]  }
.Ltmp10:
0x31f: {  	v3 =	vadd.s32 v21, v1;
	v2 =	vld [tilespmem:s22+$0xF0];
	(pc) =	sbr.rel @p0 .LBB2_19-.Ltmp10, $2  }
0x320: {  	_ =	sdelay $0x2  }
0x321: {  	[tilespmem:v5+s15+$0x0] =	vst.idx.msk $0xffff, v4  }
0x322: {  	v6 =	vld [tilespmem:$0x1FFD0]  }
0x323: {  	v20 =	vld [tilespmem:$0x1FFE0];
	_ =	sdelay $0x2  }
0x324: {  	[tilespmem:v3+s15+$0x0] =	vst.idx.msk $0xffff, v2  }
0x325: {  	v1 =	vld [tilespmem:s23+$0x0];
	v2 =	vadd.s32 v6, v0  }
0x326: {  	v3 =	vld [tilespmem:s23+$0x10];
	v4 =	vadd.s32 v20, v0  }
0x327: {  	v21 =	vld [tilespmem:$0x1FFF0]  }
0x328: {  	v5 =	vld [tilespmem:$0x1FEA0];
	_ =	sdelay $0x1  }
0x329: {  	[tilespmem:v2+s15+$0x0] =	vst.idx.msk $0xffff, v1  }
0x32a: {  	[tilespmem:v4+s15+$0x0] =	vst.idx.msk $0xffff, v3  }
0x32b: {  	v2 =	vadd.s32 v21, v0;
	v1 =	vld [tilespmem:s23+$0x20]  }
0x32c: {  	v4 =	vadd.s32 v5, v0;
	v3 =	vld [tilespmem:s23+$0x30]  }
0x32d: {  	v7 =	vld [tilespmem:$0x1FEB0]  }
0x32e: {  	v8 =	vld [tilespmem:$0x1FEC0];
	_ =	sdelay $0x1  }
0x32f: {  	[tilespmem:v2+s15+$0x0] =	vst.idx.msk $0xffff, v1  }
0x330: {  	[tilespmem:v4+s15+$0x0] =	vst.idx.msk $0xffff, v3  }
0x331: {  	v2 =	vadd.s32 v7, v0;
	v1 =	vld [tilespmem:s23+$0x40]  }
0x332: {  	v4 =	vadd.s32 v8, v0;
	v3 =	vld [tilespmem:s23+$0x50];
	_ =	sdelay $0x3  }
0x333: {  	[tilespmem:v2+s15+$0x0] =	vst.idx.msk $0xffff, v1  }
0x334: {  	[tilespmem:v4+s15+$0x0] =	vst.idx.msk $0xffff, v3  }
0x335: {  	v2 =	vadd.s32 v22, v0;
	v1 =	vld [tilespmem:s23+$0x60]  }
0x336: {  	v4 =	vadd.s32 v23, v0;
	v3 =	vld [tilespmem:s23+$0x70];
	_ =	sdelay $0x3  }
0x337: {  	[tilespmem:v2+s15+$0x0] =	vst.idx.msk $0xffff, v1  }
0x338: {  	[tilespmem:v4+s15+$0x0] =	vst.idx.msk $0xffff, v3  }
0x339: {  	v2 =	vadd.s32 v24, v0;
	v1 =	vld [tilespmem:s23+$0x80]  }
0x33a: {  	v4 =	vadd.s32 v25, v0;
	v3 =	vld [tilespmem:s23+$0x90];
	_ =	sdelay $0x3  }
0x33b: {  	[tilespmem:v2+s15+$0x0] =	vst.idx.msk $0xffff, v1  }
0x33c: {  	[tilespmem:v4+s15+$0x0] =	vst.idx.msk $0xffff, v3  }
0x33d: {  	v2 =	vadd.s32 v26, v0;
	v1 =	vld [tilespmem:s23+$0xA0]  }
0x33e: {  	v4 =	vadd.s32 v27, v0;
	v3 =	vld [tilespmem:s23+$0xB0];
	_ =	sdelay $0x3  }
0x33f: {  	[tilespmem:v2+s15+$0x0] =	vst.idx.msk $0xffff, v1  }
0x340: {  	[tilespmem:v4+s15+$0x0] =	vst.idx.msk $0xffff, v3  }
0x341: {  	v2 =	vadd.s32 v28, v0;
	v1 =	vld [tilespmem:s23+$0xC0]  }
0x342: {  	v4 =	vadd.s32 v29, v0;
	v3 =	vld [tilespmem:s23+$0xD0];
	_ =	sdelay $0x3  }
0x343: {  	[tilespmem:v2+s15+$0x0] =	vst.idx.msk $0xffff, v1  }
0x344: {  	[tilespmem:v4+s15+$0x0] =	vst.idx.msk $0xffff, v3  }
0x345: {  	v4 =	vadd.s32 v30, v0;
	v3 =	vld [tilespmem:s23+$0xE0]  }
0x346: {  	v2 =	vadd.s32 v31, v0;
	v1 =	vld [tilespmem:s23+$0xF0];
	_ =	sdelay $0x3  }
0x347: {  	s24 =	simm.s32 $0x0;
	s22 =	simm.s32 $0xC400;
	[tilespmem:v4+s15+$0x0] =	vst.idx.msk $0xffff, v3  }
.LBB2_21:
0x348: {  	s24 =	sadd.s32 $0x8, s24;
	[tilespmem:v2+s15+$0x0] =	vst.idx.msk $0xffff, v1;
	v0 =	vadd.s32 $0x8, v0;
	s23 =	sadd.s32 $0x100, s23  }
0x349: {  	v1 =	vld [tilespmem:s23+$0x0];
	v2 =	vadd.s32 v6, v0;
	p0 =	slt.u32 s24, $0x78  }
0x34a: {  	v4 =	vadd.s32 v20, v0;
	v3 =	vld [tilespmem:s23+$0x10];
	_ =	sdelay $0x3  }
0x34b: {  	[tilespmem:v2+s15+$0x0] =	vst.idx.msk $0xffff, v1  }
0x34c: {  	[tilespmem:v4+s15+$0x0] =	vst.idx.msk $0xffff, v3  }
0x34d: {  	v2 =	vadd.s32 v21, v0;
	v1 =	vld [tilespmem:s23+$0x20]  }
0x34e: {  	v4 =	vadd.s32 v5, v0;
	v3 =	vld [tilespmem:s23+$0x30];
	_ =	sdelay $0x3  }
0x34f: {  	[tilespmem:v2+s15+$0x0] =	vst.idx.msk $0xffff, v1  }
0x350: {  	[tilespmem:v4+s15+$0x0] =	vst.idx.msk $0xffff, v3  }
0x351: {  	v2 =	vadd.s32 v7, v0;
	v1 =	vld [tilespmem:s23+$0x40]  }
0x352: {  	v4 =	vadd.s32 v8, v0;
	v3 =	vld [tilespmem:s23+$0x50];
	_ =	sdelay $0x3  }
0x353: {  	[tilespmem:v2+s15+$0x0] =	vst.idx.msk $0xffff, v1  }
0x354: {  	[tilespmem:v4+s15+$0x0] =	vst.idx.msk $0xffff, v3  }
0x355: {  	v2 =	vadd.s32 v22, v0;
	v1 =	vld [tilespmem:s23+$0x60]  }
0x356: {  	v4 =	vadd.s32 v23, v0;
	v3 =	vld [tilespmem:s23+$0x70];
	_ =	sdelay $0x3  }
0x357: {  	[tilespmem:v2+s15+$0x0] =	vst.idx.msk $0xffff, v1  }
0x358: {  	[tilespmem:v4+s15+$0x0] =	vst.idx.msk $0xffff, v3  }
0x359: {  	v2 =	vadd.s32 v24, v0;
	v1 =	vld [tilespmem:s23+$0x80]  }
0x35a: {  	v4 =	vadd.s32 v25, v0;
	v3 =	vld [tilespmem:s23+$0x90];
	_ =	sdelay $0x3  }
0x35b: {  	[tilespmem:v2+s15+$0x0] =	vst.idx.msk $0xffff, v1  }
0x35c: {  	[tilespmem:v4+s15+$0x0] =	vst.idx.msk $0xffff, v3  }
0x35d: {  	v2 =	vadd.s32 v26, v0;
	v1 =	vld [tilespmem:s23+$0xA0]  }
0x35e: {  	v4 =	vadd.s32 v27, v0;
	v3 =	vld [tilespmem:s23+$0xB0];
	_ =	sdelay $0x3  }
0x35f: {  	[tilespmem:v2+s15+$0x0] =	vst.idx.msk $0xffff, v1  }
0x360: {  	[tilespmem:v4+s15+$0x0] =	vst.idx.msk $0xffff, v3  }
0x361: {  	v2 =	vadd.s32 v28, v0;
	v1 =	vld [tilespmem:s23+$0xC0]  }
0x362: {  	v4 =	vadd.s32 v29, v0;
	v3 =	vld [tilespmem:s23+$0xD0];
	_ =	sdelay $0x3  }
0x363: {  	[tilespmem:v2+s15+$0x0] =	vst.idx.msk $0xffff, v1  }
0x364: {  	[tilespmem:v4+s15+$0x0] =	vst.idx.msk $0xffff, v3  }
0x365: {  	v4 =	vadd.s32 v30, v0;
	v3 =	vld [tilespmem:s23+$0xE0]  }
.Ltmp11:
0x366: {  	v2 =	vadd.s32 v31, v0;
	v1 =	vld [tilespmem:s23+$0xF0];
	(pc) =	sbr.rel @p0 .LBB2_21-.Ltmp11, $2  }
0x367: {  	_ =	sdelay $0x2  }
0x368: {  	[tilespmem:v4+s15+$0x0] =	vst.idx.msk $0xffff, v3  }
0x369: {  	_ =	sdelay $0x3  }
0x36a: {  	[tilespmem:v2+s15+$0x0] =	vst.idx.msk $0xffff, v1;
	v0 =	vimm.s32 $0x0  }
0x36b: {  	v1 =	vld [tilespmem:s22+$0x0];
	v2 =	vadd.s32 v32, v0  }
0x36c: {  	v3 =	vld [tilespmem:s22+$0x10];
	v4 =	vadd.s32 v33, v0;
	_ =	sdelay $0x3  }
0x36d: {  	[tilespmem:v2+s15+$0x0] =	vst.idx.msk $0xffff, v1  }
0x36e: {  	[tilespmem:v4+s15+$0x0] =	vst.idx.msk $0xffff, v3  }
0x36f: {  	v2 =	vadd.s32 v34, v0;
	v1 =	vld [tilespmem:s22+$0x20]  }
0x370: {  	v4 =	vadd.s32 v35, v0;
	v3 =	vld [tilespmem:s22+$0x30];
	_ =	sdelay $0x3  }
0x371: {  	[tilespmem:v2+s15+$0x0] =	vst.idx.msk $0xffff, v1  }
0x372: {  	[tilespmem:v4+s15+$0x0] =	vst.idx.msk $0xffff, v3  }
0x373: {  	v2 =	vadd.s32 v36, v0;
	v1 =	vld [tilespmem:s22+$0x40]  }
0x374: {  	v4 =	vadd.s32 v37, v0;
	v3 =	vld [tilespmem:s22+$0x50];
	_ =	sdelay $0x3  }
0x375: {  	[tilespmem:v2+s15+$0x0] =	vst.idx.msk $0xffff, v1  }
0x376: {  	[tilespmem:v4+s15+$0x0] =	vst.idx.msk $0xffff, v3  }
0x377: {  	v2 =	vadd.s32 v38, v0;
	v1 =	vld [tilespmem:s22+$0x60]  }
0x378: {  	v4 =	vadd.s32 v39, v0;
	v3 =	vld [tilespmem:s22+$0x70];
	_ =	sdelay $0x3  }
0x379: {  	[tilespmem:v2+s15+$0x0] =	vst.idx.msk $0xffff, v1  }
0x37a: {  	[tilespmem:v4+s15+$0x0] =	vst.idx.msk $0xffff, v3  }
0x37b: {  	v2 =	vadd.s32 v40, v0;
	v1 =	vld [tilespmem:s22+$0x80]  }
0x37c: {  	v4 =	vadd.s32 v41, v0;
	v3 =	vld [tilespmem:s22+$0x90];
	_ =	sdelay $0x3  }
0x37d: {  	[tilespmem:v2+s15+$0x0] =	vst.idx.msk $0xffff, v1  }
0x37e: {  	[tilespmem:v4+s15+$0x0] =	vst.idx.msk $0xffff, v3  }
0x37f: {  	v2 =	vadd.s32 v42, v0;
	v1 =	vld [tilespmem:s22+$0xA0]  }
0x380: {  	v4 =	vadd.s32 v43, v0;
	v3 =	vld [tilespmem:s22+$0xB0];
	_ =	sdelay $0x1  }
0x381: {  	v7 =	vld [tilespmem:$0x1FF00]  }
0x382: {  	v8 =	vld [tilespmem:$0x1FF10]  }
0x383: {  	v9 =	vld [tilespmem:$0x1FF20];
	[tilespmem:v2+s15+$0x0] =	vst.idx.msk $0xffff, v1  }
0x384: {  	v10 =	vld [tilespmem:$0x1FF30];
	[tilespmem:v4+s15+$0x0] =	vst.idx.msk $0xffff, v3  }
0x385: {  	v2 =	vadd.s32 v44, v0;
	v1 =	vld [tilespmem:s22+$0xC0]  }
0x386: {  	v4 =	vadd.s32 v45, v0;
	v3 =	vld [tilespmem:s22+$0xD0]  }
0x387: {  	v11 =	vld [tilespmem:$0x1FF40]  }
0x388: {  	v12 =	vld [tilespmem:$0x1FF50]  }
0x389: {  	v13 =	vld [tilespmem:$0x1FF60]  }
0x38a: {  	v14 =	vld [tilespmem:$0x1FF70];
	[tilespmem:v2+s15+$0x0] =	vst.idx.msk $0xffff, v1  }
0x38b: {  	v15 =	vld [tilespmem:$0x1FF80];
	[tilespmem:v4+s15+$0x0] =	vst.idx.msk $0xffff, v3  }
0x38c: {  	v4 =	vadd.s32 v46, v0;
	v1 =	vld [tilespmem:s22+$0xE0]  }
0x38d: {  	v3 =	vadd.s32 v47, v0;
	v2 =	vld [tilespmem:s22+$0xF0]  }
0x38e: {  	v16 =	vld [tilespmem:$0x1FF90]  }
0x38f: {  	v17 =	vld [tilespmem:$0x1FFA0]  }
0x390: {  	v18 =	vld [tilespmem:$0x1FFB0]  }
0x391: {  	s24 =	simm.s32 $0x0;
	v19 =	vld [tilespmem:$0x1FFC0];
	[tilespmem:v4+s15+$0x0] =	vst.idx.msk $0xffff, v1;
	v1 =	vimm.s32 $0x0  }
.LBB2_23:
0x392: {  	s24 =	sadd.s32 $0x8, s24;
	[tilespmem:v3+s15+$0x0] =	vst.idx.msk $0xffff, v2;
	v1 =	vadd.s32 $0x8, v1;
	s22 =	sadd.s32 $0x100, s22;
	s23 =	simm.s32 $0xD400  }
0x393: {  	v2 =	vld [tilespmem:s22+$0x0];
	v3 =	vadd.s32 v32, v1;
	p0 =	slt.u32 s24, $0x78  }
0x394: {  	v5 =	vadd.s32 v33, v1;
	v4 =	vld [tilespmem:s22+$0x10];
	_ =	sdelay $0x3  }
0x395: {  	[tilespmem:v3+s15+$0x0] =	vst.idx.msk $0xffff, v2  }
0x396: {  	[tilespmem:v5+s15+$0x0] =	vst.idx.msk $0xffff, v4  }
0x397: {  	v3 =	vadd.s32 v34, v1;
	v2 =	vld [tilespmem:s22+$0x20]  }
0x398: {  	v5 =	vadd.s32 v35, v1;
	v4 =	vld [tilespmem:s22+$0x30];
	_ =	sdelay $0x3  }
0x399: {  	[tilespmem:v3+s15+$0x0] =	vst.idx.msk $0xffff, v2  }
0x39a: {  	[tilespmem:v5+s15+$0x0] =	vst.idx.msk $0xffff, v4  }
0x39b: {  	v3 =	vadd.s32 v36, v1;
	v2 =	vld [tilespmem:s22+$0x40]  }
0x39c: {  	v5 =	vadd.s32 v37, v1;
	v4 =	vld [tilespmem:s22+$0x50];
	_ =	sdelay $0x3  }
0x39d: {  	[tilespmem:v3+s15+$0x0] =	vst.idx.msk $0xffff, v2  }
0x39e: {  	[tilespmem:v5+s15+$0x0] =	vst.idx.msk $0xffff, v4  }
0x39f: {  	v3 =	vadd.s32 v38, v1;
	v2 =	vld [tilespmem:s22+$0x60]  }
0x3a0: {  	v5 =	vadd.s32 v39, v1;
	v4 =	vld [tilespmem:s22+$0x70];
	_ =	sdelay $0x3  }
0x3a1: {  	[tilespmem:v3+s15+$0x0] =	vst.idx.msk $0xffff, v2  }
0x3a2: {  	[tilespmem:v5+s15+$0x0] =	vst.idx.msk $0xffff, v4  }
0x3a3: {  	v3 =	vadd.s32 v40, v1;
	v2 =	vld [tilespmem:s22+$0x80]  }
0x3a4: {  	v5 =	vadd.s32 v41, v1;
	v4 =	vld [tilespmem:s22+$0x90];
	_ =	sdelay $0x3  }
0x3a5: {  	[tilespmem:v3+s15+$0x0] =	vst.idx.msk $0xffff, v2  }
0x3a6: {  	[tilespmem:v5+s15+$0x0] =	vst.idx.msk $0xffff, v4  }
0x3a7: {  	v3 =	vadd.s32 v42, v1;
	v2 =	vld [tilespmem:s22+$0xA0]  }
0x3a8: {  	v5 =	vadd.s32 v43, v1;
	v4 =	vld [tilespmem:s22+$0xB0];
	_ =	sdelay $0x3  }
0x3a9: {  	[tilespmem:v3+s15+$0x0] =	vst.idx.msk $0xffff, v2  }
0x3aa: {  	[tilespmem:v5+s15+$0x0] =	vst.idx.msk $0xffff, v4  }
0x3ab: {  	v3 =	vadd.s32 v44, v1;
	v2 =	vld [tilespmem:s22+$0xC0]  }
0x3ac: {  	v5 =	vadd.s32 v45, v1;
	v4 =	vld [tilespmem:s22+$0xD0];
	_ =	sdelay $0x3  }
0x3ad: {  	[tilespmem:v3+s15+$0x0] =	vst.idx.msk $0xffff, v2  }
0x3ae: {  	[tilespmem:v5+s15+$0x0] =	vst.idx.msk $0xffff, v4  }
0x3af: {  	v5 =	vadd.s32 v46, v1;
	v4 =	vld [tilespmem:s22+$0xE0]  }
.Ltmp12:
0x3b0: {  	v3 =	vadd.s32 v47, v1;
	v2 =	vld [tilespmem:s22+$0xF0];
	(pc) =	sbr.rel @p0 .LBB2_23-.Ltmp12, $2  }
0x3b1: {  	_ =	sdelay $0x2  }
0x3b2: {  	[tilespmem:v5+s15+$0x0] =	vst.idx.msk $0xffff, v4  }
0x3b3: {  	_ =	sdelay $0x3  }
0x3b4: {  	[tilespmem:v3+s15+$0x0] =	vst.idx.msk $0xffff, v2  }
0x3b5: {  	v2 =	vadd.s32 v48, v0;
	v1 =	vld [tilespmem:s23+$0x0]  }
0x3b6: {  	v4 =	vadd.s32 v49, v0;
	v3 =	vld [tilespmem:s23+$0x10];
	_ =	sdelay $0x3  }
0x3b7: {  	[tilespmem:v2+s15+$0x0] =	vst.idx.msk $0xffff, v1  }
0x3b8: {  	[tilespmem:v4+s15+$0x0] =	vst.idx.msk $0xffff, v3  }
0x3b9: {  	v2 =	vadd.s32 v50, v0;
	v1 =	vld [tilespmem:s23+$0x20]  }
0x3ba: {  	v4 =	vadd.s32 v51, v0;
	v3 =	vld [tilespmem:s23+$0x30];
	_ =	sdelay $0x3  }
0x3bb: {  	[tilespmem:v2+s15+$0x0] =	vst.idx.msk $0xffff, v1  }
0x3bc: {  	[tilespmem:v4+s15+$0x0] =	vst.idx.msk $0xffff, v3  }
0x3bd: {  	v2 =	vadd.s32 v52, v0;
	v1 =	vld [tilespmem:s23+$0x40]  }
0x3be: {  	v4 =	vadd.s32 v53, v0;
	v3 =	vld [tilespmem:s23+$0x50];
	_ =	sdelay $0x3  }
0x3bf: {  	[tilespmem:v2+s15+$0x0] =	vst.idx.msk $0xffff, v1  }
0x3c0: {  	[tilespmem:v4+s15+$0x0] =	vst.idx.msk $0xffff, v3  }
0x3c1: {  	v2 =	vadd.s32 v54, v0;
	v1 =	vld [tilespmem:s23+$0x60]  }
0x3c2: {  	v4 =	vadd.s32 v55, v0;
	v3 =	vld [tilespmem:s23+$0x70];
	_ =	sdelay $0x3  }
0x3c3: {  	[tilespmem:v2+s15+$0x0] =	vst.idx.msk $0xffff, v1  }
0x3c4: {  	[tilespmem:v4+s15+$0x0] =	vst.idx.msk $0xffff, v3  }
0x3c5: {  	v2 =	vadd.s32 v56, v0;
	v1 =	vld [tilespmem:s23+$0x80]  }
0x3c6: {  	v4 =	vadd.s32 v57, v0;
	v3 =	vld [tilespmem:s23+$0x90];
	_ =	sdelay $0x3  }
0x3c7: {  	[tilespmem:v2+s15+$0x0] =	vst.idx.msk $0xffff, v1  }
0x3c8: {  	[tilespmem:v4+s15+$0x0] =	vst.idx.msk $0xffff, v3  }
0x3c9: {  	v2 =	vadd.s32 v58, v0;
	v1 =	vld [tilespmem:s23+$0xA0]  }
0x3ca: {  	v4 =	vadd.s32 v59, v0;
	v3 =	vld [tilespmem:s23+$0xB0];
	_ =	sdelay $0x3  }
0x3cb: {  	[tilespmem:v2+s15+$0x0] =	vst.idx.msk $0xffff, v1  }
0x3cc: {  	[tilespmem:v4+s15+$0x0] =	vst.idx.msk $0xffff, v3  }
0x3cd: {  	v2 =	vadd.s32 v60, v0;
	v1 =	vld [tilespmem:s23+$0xC0]  }
0x3ce: {  	v4 =	vadd.s32 v61, v0;
	v3 =	vld [tilespmem:s23+$0xD0];
	_ =	sdelay $0x3  }
0x3cf: {  	[tilespmem:v2+s15+$0x0] =	vst.idx.msk $0xffff, v1  }
0x3d0: {  	[tilespmem:v4+s15+$0x0] =	vst.idx.msk $0xffff, v3  }
0x3d1: {  	v4 =	vadd.s32 v62, v0;
	v3 =	vld [tilespmem:s23+$0xE0]  }
0x3d2: {  	v2 =	vadd.s32 v63, v0;
	v1 =	vld [tilespmem:s23+$0xF0];
	_ =	sdelay $0x3  }
0x3d3: {  	s22 =	simm.s32 $0x0;
	[tilespmem:v4+s15+$0x0] =	vst.idx.msk $0xffff, v3  }
.LBB2_25:
0x3d4: {  	s22 =	sadd.s32 $0x8, s22;
	[tilespmem:v2+s15+$0x0] =	vst.idx.msk $0xffff, v1;
	v0 =	vadd.s32 $0x8, v0;
	s23 =	sadd.s32 $0x100, s23  }
0x3d5: {  	v1 =	vld [tilespmem:s23+$0x0];
	v2 =	vadd.s32 v48, v0;
	p0 =	slt.u32 s22, $0x78  }
0x3d6: {  	v4 =	vadd.s32 v49, v0;
	v3 =	vld [tilespmem:s23+$0x10];
	_ =	sdelay $0x3  }
0x3d7: {  	[tilespmem:v2+s15+$0x0] =	vst.idx.msk $0xffff, v1  }
0x3d8: {  	[tilespmem:v4+s15+$0x0] =	vst.idx.msk $0xffff, v3  }
0x3d9: {  	v2 =	vadd.s32 v50, v0;
	v1 =	vld [tilespmem:s23+$0x20]  }
0x3da: {  	v4 =	vadd.s32 v51, v0;
	v3 =	vld [tilespmem:s23+$0x30];
	_ =	sdelay $0x3  }
0x3db: {  	[tilespmem:v2+s15+$0x0] =	vst.idx.msk $0xffff, v1  }
0x3dc: {  	[tilespmem:v4+s15+$0x0] =	vst.idx.msk $0xffff, v3  }
0x3dd: {  	v2 =	vadd.s32 v52, v0;
	v1 =	vld [tilespmem:s23+$0x40]  }
0x3de: {  	v4 =	vadd.s32 v53, v0;
	v3 =	vld [tilespmem:s23+$0x50];
	_ =	sdelay $0x3  }
0x3df: {  	[tilespmem:v2+s15+$0x0] =	vst.idx.msk $0xffff, v1  }
0x3e0: {  	[tilespmem:v4+s15+$0x0] =	vst.idx.msk $0xffff, v3  }
0x3e1: {  	v2 =	vadd.s32 v54, v0;
	v1 =	vld [tilespmem:s23+$0x60]  }
0x3e2: {  	v4 =	vadd.s32 v55, v0;
	v3 =	vld [tilespmem:s23+$0x70];
	_ =	sdelay $0x3  }
0x3e3: {  	[tilespmem:v2+s15+$0x0] =	vst.idx.msk $0xffff, v1  }
0x3e4: {  	[tilespmem:v4+s15+$0x0] =	vst.idx.msk $0xffff, v3  }
0x3e5: {  	v2 =	vadd.s32 v56, v0;
	v1 =	vld [tilespmem:s23+$0x80]  }
0x3e6: {  	v4 =	vadd.s32 v57, v0;
	v3 =	vld [tilespmem:s23+$0x90];
	_ =	sdelay $0x3  }
0x3e7: {  	[tilespmem:v2+s15+$0x0] =	vst.idx.msk $0xffff, v1  }
0x3e8: {  	[tilespmem:v4+s15+$0x0] =	vst.idx.msk $0xffff, v3  }
0x3e9: {  	v2 =	vadd.s32 v58, v0;
	v1 =	vld [tilespmem:s23+$0xA0]  }
0x3ea: {  	v4 =	vadd.s32 v59, v0;
	v3 =	vld [tilespmem:s23+$0xB0];
	_ =	sdelay $0x3  }
0x3eb: {  	[tilespmem:v2+s15+$0x0] =	vst.idx.msk $0xffff, v1  }
0x3ec: {  	[tilespmem:v4+s15+$0x0] =	vst.idx.msk $0xffff, v3  }
0x3ed: {  	v2 =	vadd.s32 v60, v0;
	v1 =	vld [tilespmem:s23+$0xC0]  }
0x3ee: {  	v4 =	vadd.s32 v61, v0;
	v3 =	vld [tilespmem:s23+$0xD0];
	_ =	sdelay $0x3  }
0x3ef: {  	[tilespmem:v2+s15+$0x0] =	vst.idx.msk $0xffff, v1  }
0x3f0: {  	[tilespmem:v4+s15+$0x0] =	vst.idx.msk $0xffff, v3  }
0x3f1: {  	v4 =	vadd.s32 v62, v0;
	v3 =	vld [tilespmem:s23+$0xE0]  }
.Ltmp13:
0x3f2: {  	v2 =	vadd.s32 v63, v0;
	v1 =	vld [tilespmem:s23+$0xF0];
	(pc) =	sbr.rel @p0 .LBB2_25-.Ltmp13, $2  }
0x3f3: {  	_ =	sdelay $0x2  }
0x3f4: {  	[tilespmem:v4+s15+$0x0] =	vst.idx.msk $0xffff, v3  }
0x3f5: {  	s22 =	sshll.u32 s21, $0x11;
	s20 =	sshll.u32 s20, $0xC  }
0x3f6: {  	s31 =	sshll.u32 s21, $0x13;
	s20 =	ssub.s32 s20, s22  }
0x3f7: {  	s20 =	sadd.s32 s31, s20  }
0x3f8: {  	s21 =	sshrl.u32 s20, $0x3  }
0x3f9: {  	s23 =	simm.s32 $0x10;
	s21 =	sadd.s32 s1, s21  }
0x3fa: {  	[tilespmem:v2+s15+$0x0] =	vst.idx.msk $0xffff, v1;
	s24 =	simm.s32 $0x12888;
	v5 =	vld [tilespmem:$0x1FEF0];
	s22 =	simm.s32 $0x12800;
	s25 =	sadd.s32 $0x0, s21  }
.LBB2_27:
0x3fb: {  	[hbm4b:s25+s3] =	stream.linear.scatter [tilespmem:s22], [sflag:$0x4], $0x80, $0x38;
	[tilespmem:$0x16C00] =	vst v63  }
0x3fc: {  	s25 =	smov.u32 s23;
	s22 =	smov.u32 s24;
	p0 =	sne.s32 s23, $0x1F0  }
.Ltmp14:
0x3fd: {  	s23 =	sadd.s32 $0x10, s23;
	(pc) =	sbr.rel @p0 .LBB2_27-.Ltmp14, $2  }
0x3fe: {  	_ =	sdelay $0x2  }
0x3ff: {  	s24 =	sadd.s32 $0x88, s24;
	s25 =	sadd.s32 s25, s21  }
0x400: {  	[hbm4b:s25+s3] =	stream.linear.scatter [tilespmem:s22], [sflag:$0x4], $0x80, $0x38;
	[tilespmem:$0x16C00] =	vst v63  }
0x401: {  	s21 =	sadd.s32 $0x20000, s20  }
0x402: {  	s21 =	sshrl.u32 s21, $0x3  }
0x403: {  	s22 =	simm.s32 $0x13900;
	v3 =	vld [tilespmem:$0x1FED0];
	s21 =	sadd.s32 s1, s21  }
0x404: {  	s23 =	simm.s32 $0x10;
	s24 =	simm.s32 $0x13988;
	v4 =	vld [tilespmem:$0x1FEE0];
	s25 =	sadd.s32 $0x0, s21  }
.LBB2_29:
0x405: {  	[hbm4b:s25+s3] =	stream.linear.scatter [tilespmem:s22], [sflag:$0x4], $0x80, $0x38;
	[tilespmem:$0x16C00] =	vst v63  }
0x406: {  	s25 =	smov.u32 s23;
	s22 =	smov.u32 s24;
	p0 =	sne.s32 s23, $0x1F0  }
.Ltmp15:
0x407: {  	s23 =	sadd.s32 $0x10, s23;
	(pc) =	sbr.rel @p0 .LBB2_29-.Ltmp15, $2  }
0x408: {  	_ =	sdelay $0x2  }
0x409: {  	s24 =	sadd.s32 $0x88, s24;
	s25 =	sadd.s32 s25, s21  }
0x40a: {  	[hbm4b:s25+s3] =	stream.linear.scatter [tilespmem:s22], [sflag:$0x4], $0x80, $0x38;
	[tilespmem:$0x16C00] =	vst v63  }
0x40b: {  	s21 =	sadd.s32 $0x40000, s20  }
0x40c: {  	s21 =	sshrl.u32 s21, $0x3  }
0x40d: {  	s22 =	simm.s32 $0x14A00;
	s21 =	sadd.s32 s1, s21  }
0x40e: {  	s23 =	simm.s32 $0x10;
	s24 =	simm.s32 $0x14A88;
	s25 =	sadd.s32 $0x0, s21  }
.LBB2_31:
0x40f: {  	[hbm4b:s25+s3] =	stream.linear.scatter [tilespmem:s22], [sflag:$0x4], $0x80, $0x38;
	[tilespmem:$0x16C00] =	vst v63  }
0x410: {  	s25 =	smov.u32 s23;
	s22 =	smov.u32 s24;
	p0 =	sne.s32 s23, $0x1F0  }
.Ltmp16:
0x411: {  	s23 =	sadd.s32 $0x10, s23;
	(pc) =	sbr.rel @p0 .LBB2_31-.Ltmp16, $2  }
0x412: {  	_ =	sdelay $0x2  }
0x413: {  	s24 =	sadd.s32 $0x88, s24;
	s25 =	sadd.s32 s25, s21  }
0x414: {  	[hbm4b:s25+s3] =	stream.linear.scatter [tilespmem:s22], [sflag:$0x4], $0x80, $0x38;
	[tilespmem:$0x16C00] =	vst v63  }
0x415: {  	s20 =	sadd.s32 $0x60000, s20  }
0x416: {  	s20 =	sshrl.u32 s20, $0x3  }
0x417: {  	s21 =	simm.s32 $0x15B00;
	s20 =	sadd.s32 s1, s20  }
0x418: {  	s22 =	simm.s32 $0x10;
	s23 =	simm.s32 $0x15B88;
	s24 =	sadd.s32 $0x0, s20  }
.LBB2_33:
0x419: {  	[hbm4b:s24+s3] =	stream.linear.scatter [tilespmem:s21], [sflag:$0x4], $0x80, $0x38;
	[tilespmem:$0x16C00] =	vst v63  }
0x41a: {  	s24 =	smov.u32 s22;
	s21 =	smov.u32 s23;
	p0 =	sne.s32 s22, $0x1F0  }
.Ltmp17:
0x41b: {  	s22 =	sadd.s32 $0x10, s22;
	(pc) =	sbr.rel @p0 .LBB2_33-.Ltmp17, $2  }
0x41c: {  	_ =	sdelay $0x2  }
0x41d: {  	s23 =	sadd.s32 $0x88, s23;
	s24 =	sadd.s32 s24, s20  }
.Ltmp18:
0x41e: {  	(pc) =	sbr.rel @p1 .LBB2_36-.Ltmp18, $2  }
0x41f: {  	_ =	sdelay $0x2  }
0x420: {  	[hbm4b:s24+s3] =	stream.linear.scatter [tilespmem:s21], [sflag:$0x4], $0x80, $0x38;
	[tilespmem:$0x16C00] =	vst v63  }
.Ltmp19:
0x421: {  	(pc) =	sbr.rel .LBB2_2-.Ltmp19, $4  }
0x422: {  	s20 =	sshll.u32 s19, $0xA  }
0x423: {  	s20 =	sand.u32 $0x3FFFFC00, s20  }
0x424: {  	s19 =	sadd.s32 $0x1, s19;
	s20 =	sadd.s32 $0x600, s20  }
0x425: {  	[tilespmem:s11], [sflag:$0x2] =	stream.indirect.gather [hbm4b:s4+s9], $0x20, s20, s9, $0xb8;
	[tilespmem:$0x16C00] =	vst v63  }
.LBB2_37:
0x426: {  	_ =	sfence.sel $0x180000  }
0x427: {  	[bflag:$0x0] =	sbarrier.arrive $0xFFFF  }
0x428: {  	p0 =	sne.s32 s2, $0x0;
	_ =	strace $0x90000047  }
0x429: {  	s0 =	sadd.s32 @!p0 $0x100000, s0;
	[bflag:$0x2] =	sbarrier.arrive $0xFFFF  }
0x42a: {  	[sflag:s0] =	ssyncadd.tile.s32 @!p0 $0x1;
	_ =	shalt  }
.Lfunc_end2:
_tile_overlayer_lowered:
.L_overlay_start_2:
0x42b: {  	(tag) =	ssettag $0x2  }
0x42c: {  	s0 =	rddreg [dreg:$0x0];
	s2 =	stileid.u32  }
0x42d: {  	s1 =	rddreg [dreg:$0x1];
	p0 =	sne.s32 s2, $0x0  }
0x42e: {  	s3 =	rddreg [dreg:$0x2];
	[bflag:$0x3] =	sbarrier.arrive $0xFFFF;
	s2 =	simm.s32 @!p0 $0x1C05  }
0x42f: {  	[timem:s3], [sflag:s2] =	dma.local @!p0 [hbm:s0], s1  }
0x430: {  	s0 =	simm.s32 @!p0 $0x5  }
0x431: {  	_ =	swait.ge @!p0 [sflag:s0], s1  }
0x432: {  	s1 =	ssub.s32 @!p0 $0x0, s1;
	[sflag:s0] =	ssyncset.done @!p0 $0x0  }
0x433: {  	[sflag:s0] =	ssyncadd.s32 @!p0 s1  }
0x434: {  	[bflag:$0x3] =	sbarrier.arrive $0xFFFF  }
0x435: {  	_ =	shalt  }

</sc_bundles>
